<compile_context>
chip_gen: v7x
topology: tpu7x:2x2x1
jax: 0.10.2.dev20260603
libtpu: 0.0.44.dev20260713+nightly
codegen_flags: <defaults>
</compile_context>

<pallas_src>
import jax
import jax.numpy as jnp
from jax import lax
from jax.experimental import pallas as pl
from jax.experimental.pallas import tpu as pltpu
from jax.experimental.pallas import tpu_sc as plsc

NN = 10000
NE = 10000
KK = 160000
FF = 128
HID = 32
DD = 4

NC = 2
NS = 16
NWORK = NC * NS
NPAD = 10112
HNP = NPAD // 2
ACCR = 5120
RPTA = ACCR // NS
KW = KK // NWORK
CH = 125
CHA = CH * 16
CW = 128
NCHUNK = KW // CH
NCHALL = NWORK * NCHUNK
NCHSC = NCHALL // NS

_f32 = jnp.float32



def _dense_pre_body(x_ref, he_ref, wlin_ref, blin_ref, w1b_ref, bw1b_ref,
                    wa_ref, wb_ref, bs_ref, hw1_ref, a128_ref, b128_ref):
    h = jnp.dot(x_ref[...], wlin_ref[...], preferred_element_type=_f32)
    h = h + blin_ref[...]
    hw1_ref[...] = jnp.dot(h, w1b_ref[...], preferred_element_type=_f32) + bw1b_ref[...]
    a128_ref[...] = jnp.dot(h, wa_ref[...], preferred_element_type=_f32) + bs_ref[...]
    heh = jnp.dot(he_ref[...], wlin_ref[...], preferred_element_type=_f32)
    heh = heh + blin_ref[...]
    b128_ref[...] = jnp.dot(heh, wb_ref[...], preferred_element_type=_f32)


def _inv_body(dp_ref, bp_ref, dinv_ref, binv_ref):
    for c in (0, 1):
        sl = slice(c * HNP, (c + 1) * HNP)
        ds = dp_ref[c, 0:HNP]
        dinv_ref[sl, :] = jnp.where(ds > 0.0, 1.0 / ds, 0.0)
        bs = bp_ref[c, 0:HNP]
        binv_ref[sl, :] = jnp.where(bs > 0.0, 1.0 / bs, 0.0)


def _combine_binv_body(mp_ref, binv_ref, m_ref):
    for c in (0, 1):
        sl = slice(c * HNP, (c + 1) * HNP)
        m_ref[sl, :] = mp_ref[c, 0:HNP] * binv_ref[sl, :]


def _mid_body(op_ref, dinv_ref, b1_ref, w2b_ref, bw2b_ref, hw2_ref):
    o = jnp.concatenate([op_ref[0, 0:HNP], op_ref[1, 0:HNP]], axis=0)
    z = o * dinv_ref[...] + b1_ref[...]
    h2 = jnp.where(z > 0.0, z, jnp.exp(z) - 1.0)
    hw2_ref[...] = jnp.dot(h2, w2b_ref[...], preferred_element_type=_f32) + bw2b_ref[...]


def _final_body(op_ref, dinv_ref, b2_ref, out_ref):
    o = jnp.concatenate([op_ref[0, 0:HNP], op_ref[1, 0:HNP]], axis=0)
    z = o * dinv_ref[...] + b2_ref[...]
    out_ref[...] = jnp.where(z > 0.0, z, jnp.exp(z) - 1.0)



def _expand_alpha(al_v, i):
    s = al_v[pl.ds(i * 16, 16)]
    out = []
    for d in range(DD):
        scale = s.at[jnp.full((16,), d, jnp.int32)].get(mode="promise_in_bounds")
        out.append(scale)
    return out


def _scale_mul_chunk(buf_b, al_b):
    def body(i, c):
        sc = _expand_alpha(al_b, i)
        for d in range(DD):
            lo = d * HID
            buf_b[i, lo:lo + 16] = buf_b[i, lo:lo + 16] * sc[d]
            buf_b[i, lo + 16:lo + 32] = buf_b[i, lo + 16:lo + 32] * sc[d]
        return c
    lax.fori_loop(0, CH, body, 0)


def _scale_set_chunk(buf_b, al_b):
    def body(i, c):
        sc = _expand_alpha(al_b, i)
        for d in range(DD):
            lo = d * HID
            buf_b[i, lo:lo + 16] = buf_b[i, lo:lo + 16] * 0.0 + sc[d]
            buf_b[i, lo + 16:lo + 32] = buf_b[i, lo + 16:lo + 32] * 0.0 + sc[d]
        return c
    lax.fori_loop(0, CH, body, 0)



def _alpha_body(a128_hbm, b128_hbm, row_hbm, col_hbm,
                alpha_hbm,
                ridx0_v, ridx1_v, cidx0_v, cidx1_v, arow0_v, arow1_v,
                brow0_v, brow1_v, al_v, sema0, sema1, semb0, semb1):
    cid = lax.axis_index("c")
    sid = lax.axis_index("s")
    w = sid * NC + cid
    ridx = (ridx0_v, ridx1_v)
    cidx = (cidx0_v, cidx1_v)
    arow = (arow0_v, arow1_v)
    brow = (brow0_v, brow1_v)
    semas = (sema0, sema1)
    sembs = (semb0, semb1)

    def fetch(j, b):
        r = w * NCHUNK + j
        pltpu.sync_copy(row_hbm.at[r], ridx[b])
        pltpu.sync_copy(col_hbm.at[r], cidx[b])
        pltpu.async_copy(a128_hbm.at[ridx[b]], arow[b], semas[b])
        pltpu.async_copy(b128_hbm.at[cidx[b]], brow[b], sembs[b])

    fetch(0, 0)

    def pair(t, carry):
        for b in (0, 1):
            j = t * 2 + b

            @pl.when(j + 1 < NCHUNK)
            def _(j=j, b=b):
                fetch(j + 1, 1 - b)

            pltpu.make_async_copy(a128_hbm.at[ridx[b]], arow[b], semas[b]).wait()
            pltpu.make_async_copy(b128_hbm.at[cidx[b]], brow[b], sembs[b]).wait()
            ar = arow[b]
            br = brow[b]

            def edge(i, c2, ar=ar, br=br):
                v = ar[i, 0:16] + br[i, 0:16]
                al_v[pl.ds(i * 16, 16)] = 1.0 / (1.0 + jnp.exp(-v))
                return c2

            lax.fori_loop(0, CH, edge, 0)
            r = w * NCHUNK + j
            pltpu.sync_copy(al_v, alpha_hbm.at[pl.ds(r * CHA, CHA)])
        return carry

    lax.fori_loop(0, NCHUNK // 2, pair, 0)


def _deg_body(alpha_hbm, sidx_hbm, z128_hbm, out_hbm,
              idx_v, al_v, buf_v, acc_s, sem):
    del sem
    cid = lax.axis_index("c")
    sid = lax.axis_index("s")
    pltpu.sync_copy(z128_hbm.at[pl.ds(sid * RPTA, RPTA)],
                    acc_s.at[pl.ds(sid * RPTA, RPTA)])
    pltpu.sync_copy(z128_hbm.at[pl.ds(0, CW)], buf_v)
    plsc.subcore_barrier()

    def chunk(j, carry):
        r = sid * NCHSC + j
        pltpu.sync_copy(sidx_hbm.at[cid, r], idx_v)
        pltpu.sync_copy(alpha_hbm.at[pl.ds(r * CHA, CHA)], al_v)
        _scale_set_chunk(buf_v, al_v)
        pltpu.sync_copy(buf_v, acc_s.at[idx_v], add=True)
        return carry

    lax.fori_loop(0, NCHSC, chunk, 0)
    plsc.subcore_barrier()
    pltpu.sync_copy(acc_s.at[pl.ds(sid * RPTA, RPTA)],
                    out_hbm.at[cid, pl.ds(sid * RPTA, RPTA)])


def _stage_body(table_hbm, alpha_hbm, gidx_hbm, sidx_hbm, z128_hbm,
                out_hbm,
                gidx0_v, gidx1_v, sidx0_v, sidx1_v, al0_v, al1_v,
                buf0_v, buf1_v, acc_s, sem0, sem1, sems0, sems1):
    cid = lax.axis_index("c")
    sid = lax.axis_index("s")
    pltpu.sync_copy(z128_hbm.at[pl.ds(sid * RPTA, RPTA)],
                    acc_s.at[pl.ds(sid * RPTA, RPTA)])
    plsc.subcore_barrier()
    gidx = (gidx0_v, gidx1_v)
    sidx = (sidx0_v, sidx1_v)
    al = (al0_v, al1_v)
    buf = (buf0_v, buf1_v)
    sems = (sem0, sem1)
    semss = (sems0, sems1)

    def fetch(j, b):
        r = sid * NCHSC + j
        pltpu.sync_copy(gidx_hbm.at[r], gidx[b])
        pltpu.sync_copy(sidx_hbm.at[cid, r], sidx[b])
        pltpu.sync_copy(alpha_hbm.at[pl.ds(r * CHA, CHA)], al[b])
        pltpu.async_copy(table_hbm.at[gidx[b]], buf[b], sems[b])

    fetch(0, 0)

    def pair(t, carry):
        for b in (0, 1):
            j = t * 2 + b
            nb = 1 - b

            pltpu.make_async_copy(table_hbm.at[gidx[b]], buf[b], sems[b]).wait()
            _scale_mul_chunk(buf[b], al[b])

            @pl.when(j > 0)
            def _(nb=nb):
                pltpu.make_async_copy(buf[nb], acc_s.at[sidx[nb]],
                                      semss[nb]).wait()

            @pl.when(j + 1 < NCHSC)
            def _(j=j, nb=nb):
                fetch(j + 1, nb)

            pltpu.async_copy(buf[b], acc_s.at[sidx[b]], semss[b], add=True)
        return carry

    lax.fori_loop(0, NCHSC // 2, pair, 0)
    pltpu.make_async_copy(buf[1], acc_s.at[sidx[1]], semss[1]).wait()
    plsc.subcore_barrier()
    pltpu.sync_copy(acc_s.at[pl.ds(sid * RPTA, RPTA)],
                    out_hbm.at[cid, pl.ds(sid * RPTA, RPTA)])



def _tc_call(body, out_shapes):
    return pl.pallas_call(body, out_shape=out_shapes)


def kernel(x, edge_index, node_types, hyperedge_types, hyperedge_attr,
           W_lin, b_lin, W_sheaf, b_sheaf, W1, bW1, bias1, W2, bW2, bias2):
    del node_types, hyperedge_types

    x_pad = jnp.pad(x, ((0, NPAD - NN), (0, 0)))
    he_pad = jnp.pad(hyperedge_attr, ((0, NPAD - NE), (0, 0)))
    pad_idx = NN + (jnp.arange(NCHALL * (CW - CH), dtype=jnp.int32)
                    .reshape(NCHALL, CW - CH) % (NPAD - NN))
    row = jnp.concatenate(
        [edge_index[0].astype(jnp.int32).reshape(NCHALL, CH), pad_idx], axis=1)
    col = jnp.concatenate(
        [edge_index[1].astype(jnp.int32).reshape(NCHALL, CH), pad_idx], axis=1)

    trash = HNP + (jnp.arange(CW, dtype=jnp.int32)[None, :] % (ACCR - HNP))

    def _split(g):
        l0 = jnp.where(g < HNP, g, trash)
        l1 = jnp.where(g >= HNP, g - HNP, trash)
        return jnp.stack([l0, l1])

    row_l = _split(row)
    col_l = _split(col)

    eyeh = jnp.eye(HID, dtype=_f32)
    m_mean = jnp.tile(eyeh, (DD, 1)) / DD
    wa = jnp.pad(m_mean @ W_sheaf[:HID], ((0, 0), (0, FF - DD)))
    wb = jnp.pad(m_mean @ W_sheaf[HID:], ((0, 0), (0, FF - DD)))
    bs128 = jnp.pad(b_sheaf, (0, FF - DD)).reshape(1, FF)
    w1b = jnp.kron(jnp.eye(DD, dtype=_f32), W1)
    w2b = jnp.kron(jnp.eye(DD, dtype=_f32), W2)
    bw1b = jnp.tile(bW1, DD).reshape(1, FF)
    bw2b = jnp.tile(bW2, DD).reshape(1, FF)
    b1t = jnp.tile(bias1, DD).reshape(1, FF)
    b2t = jnp.tile(bias2, DD).reshape(1, FF)
    z128 = jnp.zeros((NPAD, FF), _f32)

    hw1, a128, b128 = _tc_call(_dense_pre_body, (
        jax.ShapeDtypeStruct((NPAD, FF), _f32),
        jax.ShapeDtypeStruct((NPAD, FF), _f32),
        jax.ShapeDtypeStruct((NPAD, FF), _f32),
    ))(x_pad, he_pad, W_lin, b_lin.reshape(1, FF), w1b, bw1b, wa, wb, bs128)

    mesh = plsc.VectorSubcoreMesh(core_axis_name="c", subcore_axis_name="s")

    alpha = pl.kernel(
        _alpha_body,
        out_type=jax.ShapeDtypeStruct((NCHALL * CHA,), _f32),
        mesh=mesh,
        scratch_types=[
            pltpu.VMEM((CW,), jnp.int32),
            pltpu.VMEM((CW,), jnp.int32),
            pltpu.VMEM((CW,), jnp.int32),
            pltpu.VMEM((CW,), jnp.int32),
            pltpu.VMEM((CW, FF), _f32),
            pltpu.VMEM((CW, FF), _f32),
            pltpu.VMEM((CW, FF), _f32),
            pltpu.VMEM((CW, FF), _f32),
            pltpu.VMEM((CHA,), _f32),
            pltpu.SemaphoreType.DMA,
            pltpu.SemaphoreType.DMA,
            pltpu.SemaphoreType.DMA,
            pltpu.SemaphoreType.DMA,
        ],
    )(a128, b128, row, col)

    deg = pl.kernel(
        _deg_body,
        out_type=jax.ShapeDtypeStruct((NC, ACCR, FF), _f32),
        mesh=mesh,
        scratch_types=[
            pltpu.VMEM((CW,), jnp.int32),
            pltpu.VMEM((CHA,), _f32),
            pltpu.VMEM((CW, FF), _f32),
            pltpu.VMEM_SHARED((ACCR, FF), _f32),
            pltpu.SemaphoreType.DMA,
        ],
    )

    dp = deg(alpha, row_l, z128)
    bp = deg(alpha, col_l, z128)

    dinv, binv = _tc_call(_inv_body, (
        jax.ShapeDtypeStruct((NPAD, FF), _f32),
        jax.ShapeDtypeStruct((NPAD, FF), _f32),
    ))(dp, bp)

    stage = pl.kernel(
        _stage_body,
        out_type=jax.ShapeDtypeStruct((NC, ACCR, FF), _f32),
        mesh=mesh,
        scratch_types=[
            pltpu.VMEM((CW,), jnp.int32),
            pltpu.VMEM((CW,), jnp.int32),
            pltpu.VMEM((CW,), jnp.int32),
            pltpu.VMEM((CW,), jnp.int32),
            pltpu.VMEM((CHA,), _f32),
            pltpu.VMEM((CHA,), _f32),
            pltpu.VMEM((CW, FF), _f32),
            pltpu.VMEM((CW, FF), _f32),
            pltpu.VMEM_SHARED((ACCR, FF), _f32),
            pltpu.SemaphoreType.DMA,
            pltpu.SemaphoreType.DMA,
            pltpu.SemaphoreType.DMA,
            pltpu.SemaphoreType.DMA,
        ],
    )

    combine = _tc_call(_combine_binv_body,
                       jax.ShapeDtypeStruct((NPAD, FF), _f32))

    mp = stage(hw1, alpha, row, col_l, z128)
    m1 = combine(mp, binv)
    op = stage(m1, alpha, col, row_l, z128)
    hw2 = _tc_call(_mid_body, jax.ShapeDtypeStruct((NPAD, FF), _f32))(
        op, dinv, b1t, w2b, bw2b)

    mp2 = stage(hw2, alpha, row, col_l, z128)
    m2 = combine(mp2, binv)
    op2 = stage(m2, alpha, col, row_l, z128)
    out_pad = _tc_call(_final_body, jax.ShapeDtypeStruct((NPAD, FF), _f32))(
        op2, dinv, b2t)

    return out_pad[:NN]

# --- scband reference (transcript-rebuilt; emitter-appended) ---
"""Pipeline reference for scband-sheaf-hyper-gnn-31842887533297 (READ-ONLY COPY).

The authoritative reference and input builder live on the scoring server;
editing this copy changes nothing except your own understanding.
"""

import jax, jax.numpy as jnp
import numpy as np

N = 10000
K = 160000
NE = 10000
F = 128
HID = 32
D = 4

def setup_inputs(seed: int = 0):
    key = jax.random.key(seed)
    ks = jax.random.split(key, 16)
    x = jax.random.normal(ks[0], (N, F), dtype=jnp.float32)
    row = jax.random.randint(ks[1], (K,), 0, N)
    col = jax.random.randint(ks[2], (K,), 0, NE)
    col = col.at[-1].set(NE - 1)
    edge_index = jnp.stack([row, col])
    node_types = jax.random.randint(ks[3], (N,), 0, 3)
    hyperedge_types = jax.random.randint(ks[4], (NE,), 0, 6)
    hyperedge_attr = jax.random.normal(ks[5], (NE, F), dtype=jnp.float32)
    W_lin = jax.random.normal(ks[6], (F, HID * D), dtype=jnp.float32) / np.sqrt(F)
    b_lin = jnp.zeros((HID * D,), dtype=jnp.float32)
    W_sheaf = jax.random.normal(ks[7], (2 * HID, D), dtype=jnp.float32) / np.sqrt(2 * HID)
    b_sheaf = jnp.zeros((D,), dtype=jnp.float32)
    W1 = jax.random.normal(ks[8], (HID, HID), dtype=jnp.float32) / np.sqrt(HID)
    bW1 = jnp.zeros((HID,), dtype=jnp.float32)
    bias1 = jnp.zeros((HID,), dtype=jnp.float32)
    W2 = jax.random.normal(ks[9], (HID, HID), dtype=jnp.float32) / np.sqrt(HID)
    bW2 = jnp.zeros((HID,), dtype=jnp.float32)
    bias2 = jnp.zeros((HID,), dtype=jnp.float32)
    return {"x": x, "edge_index": edge_index, "node_types": node_types,
            "hyperedge_types": hyperedge_types, "hyperedge_attr": hyperedge_attr,
            "W_lin": W_lin, "b_lin": b_lin, "W_sheaf": W_sheaf, "b_sheaf": b_sheaf,
            "W1": W1, "bW1": bW1, "bias1": bias1,
            "W2": W2, "bW2": bW2, "bias2": bias2}

def _diag_sheaf_conv(h, row_e, col_e, alpha, W, bW, bias, Nd, Ed):
    # HyperDiffusionDiagSheafConv with degree_norm: D^-1 H^T alpha B^-1 H alpha x
    h = h @ W + bW
    Dsum = jax.ops.segment_sum(alpha, row_e, num_segments=Nd)
    Dinv = jnp.where(Dsum > 0, 1.0 / Dsum, 0.0)
    Bsum = jax.ops.segment_sum(alpha, col_e, num_segments=Ed)
    Binv = jnp.where(Bsum > 0, 1.0 / Bsum, 0.0)
    m = jax.ops.segment_sum((alpha * Binv[col_e])[:, None] * h[row_e], col_e, num_segments=Ed)
    out = jax.ops.segment_sum((alpha * Dinv[row_e])[:, None] * m[col_e], row_e, num_segments=Nd)
    return out + bias

def reference(x, edge_index, node_types, hyperedge_types, hyperedge_attr,
              W_lin, b_lin, W_sheaf, b_sheaf, W1, bW1, bias1, W2, bW2, bias2):
    num_nodes = x.shape[0]
    num_edges = hyperedge_attr.shape[0]
    row, col = edge_index[0], edge_index[1]
    # lin: MLP(num_layers=1) -> single linear to hidden*d, reshape to stalk view
    h = (x @ W_lin + b_lin).reshape(num_nodes * D, HID)
    he = (hyperedge_attr @ W_lin + b_lin).reshape(num_edges * D, HID)
    # SheafBuilderDiag (local_concat, var1): reduce stalks, concat node/hedge feats, predict d diagonal values
    xn = h.reshape(num_nodes, D, HID).mean(axis=1)
    en = he.reshape(num_edges, D, HID).mean(axis=1)
    cat = jnp.concatenate([xn[row], en[col]], axis=-1)
    h_sheaf = jax.nn.sigmoid(cat @ W_sheaf + b_sheaf)  # [K, D]
    dr = jnp.arange(D)
    row_e = (row[:, None] * D + dr[None, :]).reshape(-1)
    col_e = (col[:, None] * D + dr[None, :]).reshape(-1)
    alpha = h_sheaf.reshape(-1)
    Nd = num_nodes * D
    Ed = num_edges * D
    # conv 1 + elu (dropout is identity in eval)
    h = jax.nn.elu(_diag_sheaf_conv(h, row_e, col_e, alpha, W1, bW1, bias1, Nd, Ed))
    # final conv (sheaf reused: dynamic_sheaf=False)
    h = _diag_sheaf_conv(h, row_e, col_e, alpha, W2, bW2, bias2, Nd, Ed)
    out = jax.nn.elu(h.reshape(num_nodes, HID * D))
    return out

if __name__ == "__main__":
    import jax
    _d = setup_inputs()
    print(jax.jit(kernel)(*tuple(_d.values())))

</pallas_src>

<mosaic_0001>
#map = affine_map<(d0, d1) -> (0, 0)>
#map1 = affine_map<(d0, d1) -> (0)>
module attributes {stable_mosaic.version = 14 : i64} {
  func.func @_alpha_body(%arg0: i32, %arg1: i32, %arg2: memref<10112x128xf32, #tpu.memory_space<hbm>>, %arg3: memref<10112x128xf32, #tpu.memory_space<hbm>>, %arg4: memref<1280x128xi32, #tpu.memory_space<hbm>>, %arg5: memref<1280x128xi32, #tpu.memory_space<hbm>>, %arg6: memref<2560000xf32, #tpu.memory_space<hbm>>, %arg7: memref<128xi32, #tpu.memory_space<vmem>>, %arg8: memref<128xi32, #tpu.memory_space<vmem>>, %arg9: memref<128xi32, #tpu.memory_space<vmem>>, %arg10: memref<128xi32, #tpu.memory_space<vmem>>, %arg11: memref<128x128xf32, #tpu.memory_space<vmem>>, %arg12: memref<128x128xf32, #tpu.memory_space<vmem>>, %arg13: memref<128x128xf32, #tpu.memory_space<vmem>>, %arg14: memref<128x128xf32, #tpu.memory_space<vmem>>, %arg15: memref<2000xf32, #tpu.memory_space<vmem>>, %arg16: memref<!tpu.dma_semaphore, #tpu.memory_space<semaphore_mem>>, %arg17: memref<!tpu.dma_semaphore, #tpu.memory_space<semaphore_mem>>, %arg18: memref<!tpu.dma_semaphore, #tpu.memory_space<semaphore_mem>>, %arg19: memref<!tpu.dma_semaphore, #tpu.memory_space<semaphore_mem>>) attributes {dimension_semantics = [#tpu.dimension_semantics<core_parallel>, #tpu.dimension_semantics<subcore_parallel>], iteration_bounds = array<i64: 2, 16>, scalar_prefetch = 0 : i64, scratch_operands = 13 : i64, tpu.core_type = #tpu.core_type<sc_vector_subcore>, window_params = [{transform_indices = #map}, {transform_indices = #map}, {transform_indices = #map}, {transform_indices = #map}, {transform_indices = #map1}]} {
    %mul3A = arith.constant 2 : i32
    %mul3A_0 = arith.muli %arg1, %mul3A : i32
    %add3A = arith.addi %mul3A_0, %arg0 : i32
    %mul3A_1 = arith.constant 40 : i32
    %mul3A_2 = arith.muli %add3A, %mul3A_1 : i32
    %add3A_3 = arith.constant 0 : i32
    %add3A_4 = arith.addi %mul3A_2, %add3A_3 : i32
    "tpu.region"() ({
      %run_scoped3A = tpu.sem_alloc : memref<!tpu.dma_semaphore, #tpu.memory_space<semaphore_mem>>
      %dma_start3A_15 = arith.constant 0 : i32
      %dma_start3A_16 = tpu.memref_slice %arg4[%add3A_4, %dma_start3A_15] : memref<1280x128xi32, #tpu.memory_space<hbm>> -> memref<1x128xi32, #tpu.memory_space<hbm>>
      %dma_start3A_17 = tpu.memref_squeeze %dma_start3A_16 : memref<1x128xi32, #tpu.memory_space<hbm>> -> memref<128xi32, #tpu.memory_space<hbm>>
      %dma_start3A_18 = arith.constant 0 : i32
      %dma_start3A_19 = tpu.memref_slice %arg4[%add3A_4, %dma_start3A_18] : memref<1280x128xi32, #tpu.memory_space<hbm>> -> memref<1x128xi32, #tpu.memory_space<hbm>>
      %dma_start3A_20 = tpu.memref_squeeze %dma_start3A_19 : memref<1x128xi32, #tpu.memory_space<hbm>> -> memref<128xi32, #tpu.memory_space<hbm>>
      tpu.enqueue_dma source(%dma_start3A_20 : memref<128xi32, #tpu.memory_space<hbm>>) target(%arg7 : memref<128xi32, #tpu.memory_space<vmem>>) target_semaphore(%run_scoped3A : memref<!tpu.dma_semaphore, #tpu.memory_space<semaphore_mem>>)
      %dma_wait3A = arith.constant 0 : i32
      %dma_wait3A_21 = tpu.memref_slice %arg4[%add3A_4, %dma_wait3A] : memref<1280x128xi32, #tpu.memory_space<hbm>> -> memref<1x128xi32, #tpu.memory_space<hbm>>
      %dma_wait3A_22 = tpu.memref_squeeze %dma_wait3A_21 : memref<1x128xi32, #tpu.memory_space<hbm>> -> memref<128xi32, #tpu.memory_space<hbm>>
      %dma_wait3A_23 = arith.constant 0 : i32
      %dma_wait3A_24 = tpu.memref_slice %arg4[%add3A_4, %dma_wait3A_23] : memref<1280x128xi32, #tpu.memory_space<hbm>> -> memref<1x128xi32, #tpu.memory_space<hbm>>
      %dma_wait3A_25 = tpu.memref_squeeze %dma_wait3A_24 : memref<1x128xi32, #tpu.memory_space<hbm>> -> memref<128xi32, #tpu.memory_space<hbm>>
      tpu.wait_dma2 semaphore(%run_scoped3A : memref<!tpu.dma_semaphore, #tpu.memory_space<semaphore_mem>>) src(%dma_wait3A_25 : memref<128xi32, #tpu.memory_space<hbm>>) dst(%arg7 : memref<128xi32, #tpu.memory_space<vmem>>)
      tpu.yield
    }) : () -> ()
    "tpu.region"() ({
      %run_scoped3A = tpu.sem_alloc : memref<!tpu.dma_semaphore, #tpu.memory_space<semaphore_mem>>
      %dma_start3A_15 = arith.constant 0 : i32
      %dma_start3A_16 = tpu.memref_slice %arg5[%add3A_4, %dma_start3A_15] : memref<1280x128xi32, #tpu.memory_space<hbm>> -> memref<1x128xi32, #tpu.memory_space<hbm>>
      %dma_start3A_17 = tpu.memref_squeeze %dma_start3A_16 : memref<1x128xi32, #tpu.memory_space<hbm>> -> memref<128xi32, #tpu.memory_space<hbm>>
      %dma_start3A_18 = arith.constant 0 : i32
      %dma_start3A_19 = tpu.memref_slice %arg5[%add3A_4, %dma_start3A_18] : memref<1280x128xi32, #tpu.memory_space<hbm>> -> memref<1x128xi32, #tpu.memory_space<hbm>>
      %dma_start3A_20 = tpu.memref_squeeze %dma_start3A_19 : memref<1x128xi32, #tpu.memory_space<hbm>> -> memref<128xi32, #tpu.memory_space<hbm>>
      tpu.enqueue_dma source(%dma_start3A_20 : memref<128xi32, #tpu.memory_space<hbm>>) target(%arg9 : memref<128xi32, #tpu.memory_space<vmem>>) target_semaphore(%run_scoped3A : memref<!tpu.dma_semaphore, #tpu.memory_space<semaphore_mem>>)
      %dma_wait3A = arith.constant 0 : i32
      %dma_wait3A_21 = tpu.memref_slice %arg5[%add3A_4, %dma_wait3A] : memref<1280x128xi32, #tpu.memory_space<hbm>> -> memref<1x128xi32, #tpu.memory_space<hbm>>
      %dma_wait3A_22 = tpu.memref_squeeze %dma_wait3A_21 : memref<1x128xi32, #tpu.memory_space<hbm>> -> memref<128xi32, #tpu.memory_space<hbm>>
      %dma_wait3A_23 = arith.constant 0 : i32
      %dma_wait3A_24 = tpu.memref_slice %arg5[%add3A_4, %dma_wait3A_23] : memref<1280x128xi32, #tpu.memory_space<hbm>> -> memref<1x128xi32, #tpu.memory_space<hbm>>
      %dma_wait3A_25 = tpu.memref_squeeze %dma_wait3A_24 : memref<1x128xi32, #tpu.memory_space<hbm>> -> memref<128xi32, #tpu.memory_space<hbm>>
      tpu.wait_dma2 semaphore(%run_scoped3A : memref<!tpu.dma_semaphore, #tpu.memory_space<semaphore_mem>>) src(%dma_wait3A_25 : memref<128xi32, #tpu.memory_space<hbm>>) dst(%arg9 : memref<128xi32, #tpu.memory_space<vmem>>)
      tpu.yield
    }) : () -> ()
    %dma_start3A = arith.constant 0 : i32
    %dma_start3A_5 = arith.constant 0 : i32
    %dma_start3A_6 = tpu.memref_slice %arg2[%dma_start3A, %dma_start3A_5] : memref<10112x128xf32, #tpu.memory_space<hbm>> -> memref<10112x128xf32, #tpu.memory_space<hbm>>
    tpu.enqueue_indirect_dma source(%dma_start3A_6 : memref<10112x128xf32, #tpu.memory_space<hbm>>) target(%arg11 : memref<128x128xf32, #tpu.memory_space<vmem>>) offsets(%arg7 : memref<128xi32, #tpu.memory_space<vmem>>) semaphore(%arg16 : memref<!tpu.dma_semaphore, #tpu.memory_space<semaphore_mem>>)
    %dma_start3A_7 = arith.constant 0 : i32
    %dma_start3A_8 = arith.constant 0 : i32
    %dma_start3A_9 = tpu.memref_slice %arg3[%dma_start3A_7, %dma_start3A_8] : memref<10112x128xf32, #tpu.memory_space<hbm>> -> memref<10112x128xf32, #tpu.memory_space<hbm>>
    tpu.enqueue_indirect_dma source(%dma_start3A_9 : memref<10112x128xf32, #tpu.memory_space<hbm>>) target(%arg13 : memref<128x128xf32, #tpu.memory_space<vmem>>) offsets(%arg9 : memref<128xi32, #tpu.memory_space<vmem>>) semaphore(%arg18 : memref<!tpu.dma_semaphore, #tpu.memory_space<semaphore_mem>>)
    %scan3A = arith.constant 0 : i32
    %scan3A_10 = arith.constant 0 : i32
    %scan3A_11 = arith.constant 20 : i32
    %scan3A_12 = arith.addi %scan3A_10, %scan3A_11 : i32
    %scan3A_13 = arith.constant 1 : i32
    scf.for %scan3A_15 = %scan3A_10 to %scan3A_12 step %scan3A_13  : i32 {
      %mul3A_16 = arith.constant 2 : i32
      %mul3A_17 = arith.muli %scan3A_15, %mul3A_16 : i32
      %add3A_18 = arith.constant 0 : i32
      %add3A_19 = arith.addi %mul3A_17, %add3A_18 : i32
      %add3A_20 = arith.constant 1 : i32
      %add3A_21 = arith.addi %add3A_19, %add3A_20 : i32
      %lt3A = arith.constant 40 : i32
      %lt3A_22 = arith.cmpi slt, %add3A_21, %lt3A : i32
      %convert_element_type3A = arith.extui %lt3A_22 : i1 to i32
      %cond3A = arith.constant 0 : i32
      %cond3A_23 = arith.cmpi ne, %convert_element_type3A, %cond3A : i32
      scf.if %cond3A_23 {
        %add3A_68 = arith.constant 1 : i32
        %add3A_69 = arith.addi %add3A_19, %add3A_68 : i32
        %mul3A_70 = arith.constant 40 : i32
        %mul3A_71 = arith.muli %add3A, %mul3A_70 : i32
        %add3A_72 = arith.addi %mul3A_71, %add3A_69 : i32
        "tpu.region"() ({
          %run_scoped3A = tpu.sem_alloc : memref<!tpu.dma_semaphore, #tpu.memory_space<semaphore_mem>>
          %dma_start3A_79 = arith.constant 0 : i32
          %dma_start3A_80 = tpu.memref_slice %arg4[%add3A_72, %dma_start3A_79] : memref<1280x128xi32, #tpu.memory_space<hbm>> -> memref<1x128xi32, #tpu.memory_space<hbm>>
          %dma_start3A_81 = tpu.memref_squeeze %dma_start3A_80 : memref<1x128xi32, #tpu.memory_space<hbm>> -> memref<128xi32, #tpu.memory_space<hbm>>
          %dma_start3A_82 = arith.constant 0 : i32
          %dma_start3A_83 = tpu.memref_slice %arg4[%add3A_72, %dma_start3A_82] : memref<1280x128xi32, #tpu.memory_space<hbm>> -> memref<1x128xi32, #tpu.memory_space<hbm>>
          %dma_start3A_84 = tpu.memref_squeeze %dma_start3A_83 : memref<1x128xi32, #tpu.memory_space<hbm>> -> memref<128xi32, #tpu.memory_space<hbm>>
          tpu.enqueue_dma source(%dma_start3A_84 : memref<128xi32, #tpu.memory_space<hbm>>) target(%arg8 : memref<128xi32, #tpu.memory_space<vmem>>) target_semaphore(%run_scoped3A : memref<!tpu.dma_semaphore, #tpu.memory_space<semaphore_mem>>)
          %dma_wait3A_85 = arith.constant 0 : i32
          %dma_wait3A_86 = tpu.memref_slice %arg4[%add3A_72, %dma_wait3A_85] : memref<1280x128xi32, #tpu.memory_space<hbm>> -> memref<1x128xi32, #tpu.memory_space<hbm>>
          %dma_wait3A_87 = tpu.memref_squeeze %dma_wait3A_86 : memref<1x128xi32, #tpu.memory_space<hbm>> -> memref<128xi32, #tpu.memory_space<hbm>>
          %dma_wait3A_88 = arith.constant 0 : i32
          %dma_wait3A_89 = tpu.memref_slice %arg4[%add3A_72, %dma_wait3A_88] : memref<1280x128xi32, #tpu.memory_space<hbm>> -> memref<1x128xi32, #tpu.memory_space<hbm>>
          %dma_wait3A_90 = tpu.memref_squeeze %dma_wait3A_89 : memref<1x128xi32, #tpu.memory_space<hbm>> -> memref<128xi32, #tpu.memory_space<hbm>>
          tpu.wait_dma2 semaphore(%run_scoped3A : memref<!tpu.dma_semaphore, #tpu.memory_space<semaphore_mem>>) src(%dma_wait3A_90 : memref<128xi32, #tpu.memory_space<hbm>>) dst(%arg8 : memref<128xi32, #tpu.memory_space<vmem>>)
          tpu.yield
        }) : () -> ()
        "tpu.region"() ({
          %run_scoped3A = tpu.sem_alloc : memref<!tpu.dma_semaphore, #tpu.memory_space<semaphore_mem>>
          %dma_start3A_79 = arith.constant 0 : i32
          %dma_start3A_80 = tpu.memref_slice %arg5[%add3A_72, %dma_start3A_79] : memref<1280x128xi32, #tpu.memory_space<hbm>> -> memref<1x128xi32, #tpu.memory_space<hbm>>
          %dma_start3A_81 = tpu.memref_squeeze %dma_start3A_80 : memref<1x128xi32, #tpu.memory_space<hbm>> -> memref<128xi32, #tpu.memory_space<hbm>>
          %dma_start3A_82 = arith.constant 0 : i32
          %dma_start3A_83 = tpu.memref_slice %arg5[%add3A_72, %dma_start3A_82] : memref<1280x128xi32, #tpu.memory_space<hbm>> -> memref<1x128xi32, #tpu.memory_space<hbm>>
          %dma_start3A_84 = tpu.memref_squeeze %dma_start3A_83 : memref<1x128xi32, #tpu.memory_space<hbm>> -> memref<128xi32, #tpu.memory_space<hbm>>
          tpu.enqueue_dma source(%dma_start3A_84 : memref<128xi32, #tpu.memory_space<hbm>>) target(%arg10 : memref<128xi32, #tpu.memory_space<vmem>>) target_semaphore(%run_scoped3A : memref<!tpu.dma_semaphore, #tpu.memory_space<semaphore_mem>>)
          %dma_wait3A_85 = arith.constant 0 : i32
          %dma_wait3A_86 = tpu.memref_slice %arg5[%add3A_72, %dma_wait3A_85] : memref<1280x128xi32, #tpu.memory_space<hbm>> -> memref<1x128xi32, #tpu.memory_space<hbm>>
          %dma_wait3A_87 = tpu.memref_squeeze %dma_wait3A_86 : memref<1x128xi32, #tpu.memory_space<hbm>> -> memref<128xi32, #tpu.memory_space<hbm>>
          %dma_wait3A_88 = arith.constant 0 : i32
          %dma_wait3A_89 = tpu.memref_slice %arg5[%add3A_72, %dma_wait3A_88] : memref<1280x128xi32, #tpu.memory_space<hbm>> -> memref<1x128xi32, #tpu.memory_space<hbm>>
          %dma_wait3A_90 = tpu.memref_squeeze %dma_wait3A_89 : memref<1x128xi32, #tpu.memory_space<hbm>> -> memref<128xi32, #tpu.memory_space<hbm>>
          tpu.wait_dma2 semaphore(%run_scoped3A : memref<!tpu.dma_semaphore, #tpu.memory_space<semaphore_mem>>) src(%dma_wait3A_90 : memref<128xi32, #tpu.memory_space<hbm>>) dst(%arg10 : memref<128xi32, #tpu.memory_space<vmem>>)
          tpu.yield
        }) : () -> ()
        %dma_start3A_73 = arith.constant 0 : i32
        %dma_start3A_74 = arith.constant 0 : i32
        %dma_start3A_75 = tpu.memref_slice %arg2[%dma_start3A_73, %dma_start3A_74] : memref<10112x128xf32, #tpu.memory_space<hbm>> -> memref<10112x128xf32, #tpu.memory_space<hbm>>
        tpu.enqueue_indirect_dma source(%dma_start3A_75 : memref<10112x128xf32, #tpu.memory_space<hbm>>) target(%arg12 : memref<128x128xf32, #tpu.memory_space<vmem>>) offsets(%arg8 : memref<128xi32, #tpu.memory_space<vmem>>) semaphore(%arg17 : memref<!tpu.dma_semaphore, #tpu.memory_space<semaphore_mem>>)
        %dma_start3A_76 = arith.constant 0 : i32
        %dma_start3A_77 = arith.constant 0 : i32
        %dma_start3A_78 = tpu.memref_slice %arg3[%dma_start3A_76, %dma_start3A_77] : memref<10112x128xf32, #tpu.memory_space<hbm>> -> memref<10112x128xf32, #tpu.memory_space<hbm>>
        tpu.enqueue_indirect_dma source(%dma_start3A_78 : memref<10112x128xf32, #tpu.memory_space<hbm>>) target(%arg14 : memref<128x128xf32, #tpu.memory_space<vmem>>) offsets(%arg10 : memref<128xi32, #tpu.memory_space<vmem>>) semaphore(%arg19 : memref<!tpu.dma_semaphore, #tpu.memory_space<semaphore_mem>>)
      } else {
      }
      %dma_wait3A = arith.constant 0 : i32
      %dma_wait3A_24 = arith.constant 0 : i32
      %dma_wait3A_25 = tpu.memref_slice %arg2[%dma_wait3A, %dma_wait3A_24] : memref<10112x128xf32, #tpu.memory_space<hbm>> -> memref<10112x128xf32, #tpu.memory_space<hbm>>
      tpu.wait_indirect_dma semaphore(%arg16 : memref<!tpu.dma_semaphore, #tpu.memory_space<semaphore_mem>>) src(%dma_wait3A_25 : memref<10112x128xf32, #tpu.memory_space<hbm>>) dst(%arg11 : memref<128x128xf32, #tpu.memory_space<vmem>>)
      %dma_wait3A_26 = arith.constant 0 : i32
      %dma_wait3A_27 = arith.constant 0 : i32
      %dma_wait3A_28 = tpu.memref_slice %arg3[%dma_wait3A_26, %dma_wait3A_27] : memref<10112x128xf32, #tpu.memory_space<hbm>> -> memref<10112x128xf32, #tpu.memory_space<hbm>>
      tpu.wait_indirect_dma semaphore(%arg18 : memref<!tpu.dma_semaphore, #tpu.memory_space<semaphore_mem>>) src(%dma_wait3A_28 : memref<10112x128xf32, #tpu.memory_space<hbm>>) dst(%arg13 : memref<128x128xf32, #tpu.memory_space<vmem>>)
      %scan3A_29 = arith.constant 0 : i32
      %scan3A_30 = arith.constant 0 : i32
      %scan3A_31 = arith.constant 125 : i32
      %scan3A_32 = arith.addi %scan3A_30, %scan3A_31 : i32
      %scan3A_33 = arith.constant 1 : i32
      scf.for %scan3A_68 = %scan3A_30 to %scan3A_32 step %scan3A_33  : i32 {
        %get3A = arith.index_cast %scan3A_68 : i32 to index
        %get3A_69 = arith.constant 0 : index
        %get3A_70 = tpu.vector_load %arg11[%get3A, %get3A_69] {strides = array<i32>} : memref<128x128xf32, #tpu.memory_space<vmem>>, vector<1x16xf32>,
        %get3A_71 = vector.shape_cast %get3A_70 : vector<1x16xf32> to vector<16xf32>
        %get3A_72 = arith.index_cast %scan3A_68 : i32 to index
        %get3A_73 = arith.constant 0 : index
        %get3A_74 = tpu.vector_load %arg13[%get3A_72, %get3A_73] {strides = array<i32>} : memref<128x128xf32, #tpu.memory_space<vmem>>, vector<1x16xf32>,
        %get3A_75 = vector.shape_cast %get3A_74 : vector<1x16xf32> to vector<16xf32>
        %add3A_76 = arith.addf %get3A_71, %get3A_75 : vector<16xf32>
        %neg3A = arith.constant 0.000000e+00 : f32
        %neg3A_77 = vector.broadcast %neg3A : f32 to vector<16xf32>
        %neg3A_78 = arith.subf %neg3A_77, %add3A_76 : vector<16xf32>
        %exp3A = math.exp %neg3A_78 : vector<16xf32>
        %add3A_79 = arith.constant 1.000000e+00 : f32
        %add3A_80 = vector.broadcast %add3A_79 : f32 to vector<16xf32>
        %add3A_81 = arith.addf %add3A_80, %exp3A : vector<16xf32>
        %div3A = arith.constant 1.000000e+00 : f32
        %div3A_82 = vector.broadcast %div3A : f32 to vector<16xf32>
        %div3A_83 = arith.divf %div3A_82, %add3A_81 : vector<16xf32>
        %mul3A_84 = arith.constant 16 : i32
        %mul3A_85 = arith.muli %scan3A_68, %mul3A_84 : i32
        %swap3A = arith.index_cast %mul3A_85 : i32 to index
        %swap3A_86 = tpu.vector_load %arg15[%swap3A] {strides = array<i32>} : memref<2000xf32, #tpu.memory_space<vmem>>, vector<16xf32>,
        %swap3A_87 = vector.shape_cast %swap3A_86 : vector<16xf32> to vector<16xf32>
        %swap3A_88 = vector.shape_cast %div3A_83 : vector<16xf32> to vector<16xf32>
        tpu.vector_store %arg15[%swap3A], %swap3A_88 {strides = array<i32>} : memref<2000xf32, #tpu.memory_space<vmem>>, vector<16xf32>,
      }
      %scan3A_34 = arith.constant 125 : i32
      %mul3A_35 = arith.constant 40 : i32
      %mul3A_36 = arith.muli %add3A, %mul3A_35 : i32
      %add3A_37 = arith.addi %mul3A_36, %add3A_19 : i32
      %mul3A_38 = arith.constant 2000 : i32
      %mul3A_39 = arith.muli %add3A_37, %mul3A_38 : i32
      "tpu.region"() ({
        %run_scoped3A = tpu.sem_alloc : memref<!tpu.dma_semaphore, #tpu.memory_space<semaphore_mem>>
        %dma_start3A_68 = tpu.memref_slice %arg6[%mul3A_39] : memref<2560000xf32, #tpu.memory_space<hbm>> -> memref<2000xf32, #tpu.memory_space<hbm>>
        %dma_start3A_69 = tpu.memref_slice %arg6[%mul3A_39] : memref<2560000xf32, #tpu.memory_space<hbm>> -> memref<2000xf32, #tpu.memory_space<hbm>>
        tpu.enqueue_dma source(%arg15 : memref<2000xf32, #tpu.memory_space<vmem>>) target(%dma_start3A_69 : memref<2000xf32, #tpu.memory_space<hbm>>) target_semaphore(%run_scoped3A : memref<!tpu.dma_semaphore, #tpu.memory_space<semaphore_mem>>)
        %dma_wait3A_70 = tpu.memref_slice %arg6[%mul3A_39] : memref<2560000xf32, #tpu.memory_space<hbm>> -> memref<2000xf32, #tpu.memory_space<hbm>>
        %dma_wait3A_71 = tpu.memref_slice %arg6[%mul3A_39] : memref<2560000xf32, #tpu.memory_space<hbm>> -> memref<2000xf32, #tpu.memory_space<hbm>>
        tpu.wait_dma2 semaphore(%run_scoped3A : memref<!tpu.dma_semaphore, #tpu.memory_space<semaphore_mem>>) src(%arg15 : memref<2000xf32, #tpu.memory_space<vmem>>) dst(%dma_wait3A_71 : memref<2000xf32, #tpu.memory_space<hbm>>)
        tpu.yield
      }) : () -> ()
      %mul3A_40 = arith.constant 2 : i32
      %mul3A_41 = arith.muli %scan3A_15, %mul3A_40 : i32
      %add3A_42 = arith.constant 1 : i32
      %add3A_43 = arith.addi %mul3A_41, %add3A_42 : i32
      %add3A_44 = arith.constant 1 : i32
      %add3A_45 = arith.addi %add3A_43, %add3A_44 : i32
      %lt3A_46 = arith.constant 40 : i32
      %lt3A_47 = arith.cmpi slt, %add3A_45, %lt3A_46 : i32
      %convert_element_type3A_48 = arith.extui %lt3A_47 : i1 to i32
      %cond3A_49 = arith.constant 0 : i32
      %cond3A_50 = arith.cmpi ne, %convert_element_type3A_48, %cond3A_49 : i32
      scf.if %cond3A_50 {
        %add3A_68 = arith.constant 1 : i32
        %add3A_69 = arith.addi %add3A_43, %add3A_68 : i32
        %mul3A_70 = arith.constant 40 : i32
        %mul3A_71 = arith.muli %add3A, %mul3A_70 : i32
        %add3A_72 = arith.addi %mul3A_71, %add3A_69 : i32
        "tpu.region"() ({
          %run_scoped3A = tpu.sem_alloc : memref<!tpu.dma_semaphore, #tpu.memory_space<semaphore_mem>>
          %dma_start3A_79 = arith.constant 0 : i32
          %dma_start3A_80 = tpu.memref_slice %arg4[%add3A_72, %dma_start3A_79] : memref<1280x128xi32, #tpu.memory_space<hbm>> -> memref<1x128xi32, #tpu.memory_space<hbm>>
          %dma_start3A_81 = tpu.memref_squeeze %dma_start3A_80 : memref<1x128xi32, #tpu.memory_space<hbm>> -> memref<128xi32, #tpu.memory_space<hbm>>
          %dma_start3A_82 = arith.constant 0 : i32
          %dma_start3A_83 = tpu.memref_slice %arg4[%add3A_72, %dma_start3A_82] : memref<1280x128xi32, #tpu.memory_space<hbm>> -> memref<1x128xi32, #tpu.memory_space<hbm>>
          %dma_start3A_84 = tpu.memref_squeeze %dma_start3A_83 : memref<1x128xi32, #tpu.memory_space<hbm>> -> memref<128xi32, #tpu.memory_space<hbm>>
          tpu.enqueue_dma source(%dma_start3A_84 : memref<128xi32, #tpu.memory_space<hbm>>) target(%arg7 : memref<128xi32, #tpu.memory_space<vmem>>) target_semaphore(%run_scoped3A : memref<!tpu.dma_semaphore, #tpu.memory_space<semaphore_mem>>)
          %dma_wait3A_85 = arith.constant 0 : i32
          %dma_wait3A_86 = tpu.memref_slice %arg4[%add3A_72, %dma_wait3A_85] : memref<1280x128xi32, #tpu.memory_space<hbm>> -> memref<1x128xi32, #tpu.memory_space<hbm>>
          %dma_wait3A_87 = tpu.memref_squeeze %dma_wait3A_86 : memref<1x128xi32, #tpu.memory_space<hbm>> -> memref<128xi32, #tpu.memory_space<hbm>>
          %dma_wait3A_88 = arith.constant 0 : i32
          %dma_wait3A_89 = tpu.memref_slice %arg4[%add3A_72, %dma_wait3A_88] : memref<1280x128xi32, #tpu.memory_space<hbm>> -> memref<1x128xi32, #tpu.memory_space<hbm>>
          %dma_wait3A_90 = tpu.memref_squeeze %dma_wait3A_89 : memref<1x128xi32, #tpu.memory_space<hbm>> -> memref<128xi32, #tpu.memory_space<hbm>>
          tpu.wait_dma2 semaphore(%run_scoped3A : memref<!tpu.dma_semaphore, #tpu.memory_space<semaphore_mem>>) src(%dma_wait3A_90 : memref<128xi32, #tpu.memory_space<hbm>>) dst(%arg7 : memref<128xi32, #tpu.memory_space<vmem>>)
          tpu.yield
        }) : () -> ()
        "tpu.region"() ({
          %run_scoped3A = tpu.sem_alloc : memref<!tpu.dma_semaphore, #tpu.memory_space<semaphore_mem>>
          %dma_start3A_79 = arith.constant 0 : i32
          %dma_start3A_80 = tpu.memref_slice %arg5[%add3A_72, %dma_start3A_79] : memref<1280x128xi32, #tpu.memory_space<hbm>> -> memref<1x128xi32, #tpu.memory_space<hbm>>
          %dma_start3A_81 = tpu.memref_squeeze %dma_start3A_80 : memref<1x128xi32, #tpu.memory_space<hbm>> -> memref<128xi32, #tpu.memory_space<hbm>>
          %dma_start3A_82 = arith.constant 0 : i32
          %dma_start3A_83 = tpu.memref_slice %arg5[%add3A_72, %dma_start3A_82] : memref<1280x128xi32, #tpu.memory_space<hbm>> -> memref<1x128xi32, #tpu.memory_space<hbm>>
          %dma_start3A_84 = tpu.memref_squeeze %dma_start3A_83 : memref<1x128xi32, #tpu.memory_space<hbm>> -> memref<128xi32, #tpu.memory_space<hbm>>
          tpu.enqueue_dma source(%dma_start3A_84 : memref<128xi32, #tpu.memory_space<hbm>>) target(%arg9 : memref<128xi32, #tpu.memory_space<vmem>>) target_semaphore(%run_scoped3A : memref<!tpu.dma_semaphore, #tpu.memory_space<semaphore_mem>>)
          %dma_wait3A_85 = arith.constant 0 : i32
          %dma_wait3A_86 = tpu.memref_slice %arg5[%add3A_72, %dma_wait3A_85] : memref<1280x128xi32, #tpu.memory_space<hbm>> -> memref<1x128xi32, #tpu.memory_space<hbm>>
          %dma_wait3A_87 = tpu.memref_squeeze %dma_wait3A_86 : memref<1x128xi32, #tpu.memory_space<hbm>> -> memref<128xi32, #tpu.memory_space<hbm>>
          %dma_wait3A_88 = arith.constant 0 : i32
          %dma_wait3A_89 = tpu.memref_slice %arg5[%add3A_72, %dma_wait3A_88] : memref<1280x128xi32, #tpu.memory_space<hbm>> -> memref<1x128xi32, #tpu.memory_space<hbm>>
          %dma_wait3A_90 = tpu.memref_squeeze %dma_wait3A_89 : memref<1x128xi32, #tpu.memory_space<hbm>> -> memref<128xi32, #tpu.memory_space<hbm>>
          tpu.wait_dma2 semaphore(%run_scoped3A : memref<!tpu.dma_semaphore, #tpu.memory_space<semaphore_mem>>) src(%dma_wait3A_90 : memref<128xi32, #tpu.memory_space<hbm>>) dst(%arg9 : memref<128xi32, #tpu.memory_space<vmem>>)
          tpu.yield
        }) : () -> ()
        %dma_start3A_73 = arith.constant 0 : i32
        %dma_start3A_74 = arith.constant 0 : i32
        %dma_start3A_75 = tpu.memref_slice %arg2[%dma_start3A_73, %dma_start3A_74] : memref<10112x128xf32, #tpu.memory_space<hbm>> -> memref<10112x128xf32, #tpu.memory_space<hbm>>
        tpu.enqueue_indirect_dma source(%dma_start3A_75 : memref<10112x128xf32, #tpu.memory_space<hbm>>) target(%arg11 : memref<128x128xf32, #tpu.memory_space<vmem>>) offsets(%arg7 : memref<128xi32, #tpu.memory_space<vmem>>) semaphore(%arg16 : memref<!tpu.dma_semaphore, #tpu.memory_space<semaphore_mem>>)
        %dma_start3A_76 = arith.constant 0 : i32
        %dma_start3A_77 = arith.constant 0 : i32
        %dma_start3A_78 = tpu.memref_slice %arg3[%dma_start3A_76, %dma_start3A_77] : memref<10112x128xf32, #tpu.memory_space<hbm>> -> memref<10112x128xf32, #tpu.memory_space<hbm>>
        tpu.enqueue_indirect_dma source(%dma_start3A_78 : memref<10112x128xf32, #tpu.memory_space<hbm>>) target(%arg13 : memref<128x128xf32, #tpu.memory_space<vmem>>) offsets(%arg9 : memref<128xi32, #tpu.memory_space<vmem>>) semaphore(%arg18 : memref<!tpu.dma_semaphore, #tpu.memory_space<semaphore_mem>>)
      } else {
      }
      %dma_wait3A_51 = arith.constant 0 : i32
      %dma_wait3A_52 = arith.constant 0 : i32
      %dma_wait3A_53 = tpu.memref_slice %arg2[%dma_wait3A_51, %dma_wait3A_52] : memref<10112x128xf32, #tpu.memory_space<hbm>> -> memref<10112x128xf32, #tpu.memory_space<hbm>>
      tpu.wait_indirect_dma semaphore(%arg17 : memref<!tpu.dma_semaphore, #tpu.memory_space<semaphore_mem>>) src(%dma_wait3A_53 : memref<10112x128xf32, #tpu.memory_space<hbm>>) dst(%arg12 : memref<128x128xf32, #tpu.memory_space<vmem>>)
      %dma_wait3A_54 = arith.constant 0 : i32
      %dma_wait3A_55 = arith.constant 0 : i32
      %dma_wait3A_56 = tpu.memref_slice %arg3[%dma_wait3A_54, %dma_wait3A_55] : memref<10112x128xf32, #tpu.memory_space<hbm>> -> memref<10112x128xf32, #tpu.memory_space<hbm>>
      tpu.wait_indirect_dma semaphore(%arg19 : memref<!tpu.dma_semaphore, #tpu.memory_space<semaphore_mem>>) src(%dma_wait3A_56 : memref<10112x128xf32, #tpu.memory_space<hbm>>) dst(%arg14 : memref<128x128xf32, #tpu.memory_space<vmem>>)
      %scan3A_57 = arith.constant 0 : i32
      %scan3A_58 = arith.constant 0 : i32
      %scan3A_59 = arith.constant 125 : i32
      %scan3A_60 = arith.addi %scan3A_58, %scan3A_59 : i32
      %scan3A_61 = arith.constant 1 : i32
      scf.for %scan3A_68 = %scan3A_58 to %scan3A_60 step %scan3A_61  : i32 {
        %get3A = arith.index_cast %scan3A_68 : i32 to index
        %get3A_69 = arith.constant 0 : index
        %get3A_70 = tpu.vector_load %arg12[%get3A, %get3A_69] {strides = array<i32>} : memref<128x128xf32, #tpu.memory_space<vmem>>, vector<1x16xf32>,
        %get3A_71 = vector.shape_cast %get3A_70 : vector<1x16xf32> to vector<16xf32>
        %get3A_72 = arith.index_cast %scan3A_68 : i32 to index
        %get3A_73 = arith.constant 0 : index
        %get3A_74 = tpu.vector_load %arg14[%get3A_72, %get3A_73] {strides = array<i32>} : memref<128x128xf32, #tpu.memory_space<vmem>>, vector<1x16xf32>,
        %get3A_75 = vector.shape_cast %get3A_74 : vector<1x16xf32> to vector<16xf32>
        %add3A_76 = arith.addf %get3A_71, %get3A_75 : vector<16xf32>
        %neg3A = arith.constant 0.000000e+00 : f32
        %neg3A_77 = vector.broadcast %neg3A : f32 to vector<16xf32>
        %neg3A_78 = arith.subf %neg3A_77, %add3A_76 : vector<16xf32>
        %exp3A = math.exp %neg3A_78 : vector<16xf32>
        %add3A_79 = arith.constant 1.000000e+00 : f32
        %add3A_80 = vector.broadcast %add3A_79 : f32 to vector<16xf32>
        %add3A_81 = arith.addf %add3A_80, %exp3A : vector<16xf32>
        %div3A = arith.constant 1.000000e+00 : f32
        %div3A_82 = vector.broadcast %div3A : f32 to vector<16xf32>
        %div3A_83 = arith.divf %div3A_82, %add3A_81 : vector<16xf32>
        %mul3A_84 = arith.constant 16 : i32
        %mul3A_85 = arith.muli %scan3A_68, %mul3A_84 : i32
        %swap3A = arith.index_cast %mul3A_85 : i32 to index
        %swap3A_86 = tpu.vector_load %arg15[%swap3A] {strides = array<i32>} : memref<2000xf32, #tpu.memory_space<vmem>>, vector<16xf32>,
        %swap3A_87 = vector.shape_cast %swap3A_86 : vector<16xf32> to vector<16xf32>
        %swap3A_88 = vector.shape_cast %div3A_83 : vector<16xf32> to vector<16xf32>
        tpu.vector_store %arg15[%swap3A], %swap3A_88 {strides = array<i32>} : memref<2000xf32, #tpu.memory_space<vmem>>, vector<16xf32>,
      }
      %scan3A_62 = arith.constant 125 : i32
      %mul3A_63 = arith.constant 40 : i32
      %mul3A_64 = arith.muli %add3A, %mul3A_63 : i32
      %add3A_65 = arith.addi %mul3A_64, %add3A_43 : i32
      %mul3A_66 = arith.constant 2000 : i32
      %mul3A_67 = arith.muli %add3A_65, %mul3A_66 : i32
      "tpu.region"() ({
        %run_scoped3A = tpu.sem_alloc : memref<!tpu.dma_semaphore, #tpu.memory_space<semaphore_mem>>
        %dma_start3A_68 = tpu.memref_slice %arg6[%mul3A_67] : memref<2560000xf32, #tpu.memory_space<hbm>> -> memref<2000xf32, #tpu.memory_space<hbm>>
        %dma_start3A_69 = tpu.memref_slice %arg6[%mul3A_67] : memref<2560000xf32, #tpu.memory_space<hbm>> -> memref<2000xf32, #tpu.memory_space<hbm>>
        tpu.enqueue_dma source(%arg15 : memref<2000xf32, #tpu.memory_space<vmem>>) target(%dma_start3A_69 : memref<2000xf32, #tpu.memory_space<hbm>>) target_semaphore(%run_scoped3A : memref<!tpu.dma_semaphore, #tpu.memory_space<semaphore_mem>>)
        %dma_wait3A_70 = tpu.memref_slice %arg6[%mul3A_67] : memref<2560000xf32, #tpu.memory_space<hbm>> -> memref<2000xf32, #tpu.memory_space<hbm>>
        %dma_wait3A_71 = tpu.memref_slice %arg6[%mul3A_67] : memref<2560000xf32, #tpu.memory_space<hbm>> -> memref<2000xf32, #tpu.memory_space<hbm>>
        tpu.wait_dma2 semaphore(%run_scoped3A : memref<!tpu.dma_semaphore, #tpu.memory_space<semaphore_mem>>) src(%arg15 : memref<2000xf32, #tpu.memory_space<vmem>>) dst(%dma_wait3A_71 : memref<2000xf32, #tpu.memory_space<hbm>>)
        tpu.yield
      }) : () -> ()
    }
    %scan3A_14 = arith.constant 20 : i32
    return
  }
}

#map = affine_map<(d0, d1) -> (0, 0)>
#map1 = affine_map<(d0, d1) -> (0)>
#map2 = affine_map<(d0, d1) -> (0, 0, 0)>
module attributes {stable_mosaic.version = 14 : i64} {
  func.func @_stage_body(%arg0: i32, %arg1: i32, %arg2: memref<10112x128xf32, #tpu.memory_space<hbm>>, %arg3: memref<2560000xf32, #tpu.memory_space<hbm>>, %arg4: memref<1280x128xi32, #tpu.memory_space<hbm>>, %arg5: memref<2x1280x128xi32, #tpu.memory_space<hbm>>, %arg6: memref<10112x128xf32, #tpu.memory_space<hbm>>, %arg7: memref<2x5120x128xf32, #tpu.memory_space<hbm>>, %arg8: memref<128xi32, #tpu.memory_space<vmem>>, %arg9: memref<128xi32, #tpu.memory_space<vmem>>, %arg10: memref<128xi32, #tpu.memory_space<vmem>>, %arg11: memref<128xi32, #tpu.memory_space<vmem>>, %arg12: memref<2000xf32, #tpu.memory_space<vmem>>, %arg13: memref<2000xf32, #tpu.memory_space<vmem>>, %arg14: memref<128x128xf32, #tpu.memory_space<vmem>>, %arg15: memref<128x128xf32, #tpu.memory_space<vmem>>, %arg16: memref<5120x128xf32, #tpu.memory_space<vmem_shared>>, %arg17: memref<!tpu.dma_semaphore, #tpu.memory_space<semaphore_mem>>, %arg18: memref<!tpu.dma_semaphore, #tpu.memory_space<semaphore_mem>>, %arg19: memref<!tpu.dma_semaphore, #tpu.memory_space<semaphore_mem>>, %arg20: memref<!tpu.dma_semaphore, #tpu.memory_space<semaphore_mem>>) attributes {dimension_semantics = [#tpu.dimension_semantics<core_parallel>, #tpu.dimension_semantics<subcore_parallel>], iteration_bounds = array<i64: 2, 16>, scalar_prefetch = 0 : i64, scratch_operands = 13 : i64, tpu.core_type = #tpu.core_type<sc_vector_subcore>, window_params = [{transform_indices = #map}, {transform_indices = #map1}, {transform_indices = #map}, {transform_indices = #map2}, {transform_indices = #map}, {transform_indices = #map2}]} {
    %mul3A = arith.constant 320 : i32
    %mul3A_0 = arith.muli %arg1, %mul3A : i32
    %mul3A_1 = arith.constant 320 : i32
    %mul3A_2 = arith.muli %arg1, %mul3A_1 : i32
    "tpu.region"() ({
      %run_scoped3A = tpu.sem_alloc : memref<!tpu.dma_semaphore, #tpu.memory_space<semaphore_mem>>
      %dma_start3A_22 = arith.constant 0 : i32
      %dma_start3A_23 = tpu.memref_slice %arg16[%mul3A_2, %dma_start3A_22] : memref<5120x128xf32, #tpu.memory_space<vmem_shared>> -> memref<320x128xf32, #tpu.memory_space<vmem_shared>>
      %dma_start3A_24 = arith.constant 0 : i32
      %dma_start3A_25 = tpu.memref_slice %arg6[%mul3A_0, %dma_start3A_24] : memref<10112x128xf32, #tpu.memory_space<hbm>> -> memref<320x128xf32, #tpu.memory_space<hbm>>
      tpu.enqueue_dma source(%dma_start3A_25 : memref<320x128xf32, #tpu.memory_space<hbm>>) target(%dma_start3A_23 : memref<320x128xf32, #tpu.memory_space<vmem_shared>>) target_semaphore(%run_scoped3A : memref<!tpu.dma_semaphore, #tpu.memory_space<semaphore_mem>>)
      %dma_wait3A_26 = arith.constant 0 : i32
      %dma_wait3A_27 = tpu.memref_slice %arg16[%mul3A_2, %dma_wait3A_26] : memref<5120x128xf32, #tpu.memory_space<vmem_shared>> -> memref<320x128xf32, #tpu.memory_space<vmem_shared>>
      %dma_wait3A_28 = arith.constant 0 : i32
      %dma_wait3A_29 = tpu.memref_slice %arg6[%mul3A_0, %dma_wait3A_28] : memref<10112x128xf32, #tpu.memory_space<hbm>> -> memref<320x128xf32, #tpu.memory_space<hbm>>
      tpu.wait_dma2 semaphore(%run_scoped3A : memref<!tpu.dma_semaphore, #tpu.memory_space<semaphore_mem>>) src(%dma_wait3A_29 : memref<320x128xf32, #tpu.memory_space<hbm>>) dst(%dma_wait3A_27 : memref<320x128xf32, #tpu.memory_space<vmem_shared>>)
      tpu.yield
    }) : () -> ()
    %barrier3A = arith.constant 0 : index
    tpu.barrier barrier_id(%barrier3A)
    %mul3A_3 = arith.constant 80 : i32
    %mul3A_4 = arith.muli %arg1, %mul3A_3 : i32
    %add3A = arith.constant 0 : i32
    %add3A_5 = arith.addi %mul3A_4, %add3A : i32
    "tpu.region"() ({
      %run_scoped3A = tpu.sem_alloc : memref<!tpu.dma_semaphore, #tpu.memory_space<semaphore_mem>>
      %dma_start3A_22 = arith.constant 0 : i32
      %dma_start3A_23 = tpu.memref_slice %arg4[%add3A_5, %dma_start3A_22] : memref<1280x128xi32, #tpu.memory_space<hbm>> -> memref<1x128xi32, #tpu.memory_space<hbm>>
      %dma_start3A_24 = tpu.memref_squeeze %dma_start3A_23 : memref<1x128xi32, #tpu.memory_space<hbm>> -> memref<128xi32, #tpu.memory_space<hbm>>
      %dma_start3A_25 = arith.constant 0 : i32
      %dma_start3A_26 = tpu.memref_slice %arg4[%add3A_5, %dma_start3A_25] : memref<1280x128xi32, #tpu.memory_space<hbm>> -> memref<1x128xi32, #tpu.memory_space<hbm>>
      %dma_start3A_27 = tpu.memref_squeeze %dma_start3A_26 : memref<1x128xi32, #tpu.memory_space<hbm>> -> memref<128xi32, #tpu.memory_space<hbm>>
      tpu.enqueue_dma source(%dma_start3A_27 : memref<128xi32, #tpu.memory_space<hbm>>) target(%arg8 : memref<128xi32, #tpu.memory_space<vmem>>) target_semaphore(%run_scoped3A : memref<!tpu.dma_semaphore, #tpu.memory_space<semaphore_mem>>)
      %dma_wait3A_28 = arith.constant 0 : i32
      %dma_wait3A_29 = tpu.memref_slice %arg4[%add3A_5, %dma_wait3A_28] : memref<1280x128xi32, #tpu.memory_space<hbm>> -> memref<1x128xi32, #tpu.memory_space<hbm>>
      %dma_wait3A_30 = tpu.memref_squeeze %dma_wait3A_29 : memref<1x128xi32, #tpu.memory_space<hbm>> -> memref<128xi32, #tpu.memory_space<hbm>>
      %dma_wait3A_31 = arith.constant 0 : i32
      %dma_wait3A_32 = tpu.memref_slice %arg4[%add3A_5, %dma_wait3A_31] : memref<1280x128xi32, #tpu.memory_space<hbm>> -> memref<1x128xi32, #tpu.memory_space<hbm>>
      %dma_wait3A_33 = tpu.memref_squeeze %dma_wait3A_32 : memref<1x128xi32, #tpu.memory_space<hbm>> -> memref<128xi32, #tpu.memory_space<hbm>>
      tpu.wait_dma2 semaphore(%run_scoped3A : memref<!tpu.dma_semaphore, #tpu.memory_space<semaphore_mem>>) src(%dma_wait3A_33 : memref<128xi32, #tpu.memory_space<hbm>>) dst(%arg8 : memref<128xi32, #tpu.memory_space<vmem>>)
      tpu.yield
    }) : () -> ()
    "tpu.region"() ({
      %run_scoped3A = tpu.sem_alloc : memref<!tpu.dma_semaphore, #tpu.memory_space<semaphore_mem>>
      %dma_start3A_22 = arith.constant 0 : i32
      %dma_start3A_23 = tpu.memref_slice %arg5[%arg0, %add3A_5, %dma_start3A_22] : memref<2x1280x128xi32, #tpu.memory_space<hbm>> -> memref<1x1x128xi32, #tpu.memory_space<hbm>>
      %dma_start3A_24 = tpu.memref_squeeze %dma_start3A_23 : memref<1x1x128xi32, #tpu.memory_space<hbm>> -> memref<128xi32, #tpu.memory_space<hbm>>
      %dma_start3A_25 = arith.constant 0 : i32
      %dma_start3A_26 = tpu.memref_slice %arg5[%arg0, %add3A_5, %dma_start3A_25] : memref<2x1280x128xi32, #tpu.memory_space<hbm>> -> memref<1x1x128xi32, #tpu.memory_space<hbm>>
      %dma_start3A_27 = tpu.memref_squeeze %dma_start3A_26 : memref<1x1x128xi32, #tpu.memory_space<hbm>> -> memref<128xi32, #tpu.memory_space<hbm>>
      tpu.enqueue_dma source(%dma_start3A_27 : memref<128xi32, #tpu.memory_space<hbm>>) target(%arg10 : memref<128xi32, #tpu.memory_space<vmem>>) target_semaphore(%run_scoped3A : memref<!tpu.dma_semaphore, #tpu.memory_space<semaphore_mem>>)
      %dma_wait3A_28 = arith.constant 0 : i32
      %dma_wait3A_29 = tpu.memref_slice %arg5[%arg0, %add3A_5, %dma_wait3A_28] : memref<2x1280x128xi32, #tpu.memory_space<hbm>> -> memref<1x1x128xi32, #tpu.memory_space<hbm>>
      %dma_wait3A_30 = tpu.memref_squeeze %dma_wait3A_29 : memref<1x1x128xi32, #tpu.memory_space<hbm>> -> memref<128xi32, #tpu.memory_space<hbm>>
      %dma_wait3A_31 = arith.constant 0 : i32
      %dma_wait3A_32 = tpu.memref_slice %arg5[%arg0, %add3A_5, %dma_wait3A_31] : memref<2x1280x128xi32, #tpu.memory_space<hbm>> -> memref<1x1x128xi32, #tpu.memory_space<hbm>>
      %dma_wait3A_33 = tpu.memref_squeeze %dma_wait3A_32 : memref<1x1x128xi32, #tpu.memory_space<hbm>> -> memref<128xi32, #tpu.memory_space<hbm>>
      tpu.wait_dma2 semaphore(%run_scoped3A : memref<!tpu.dma_semaphore, #tpu.memory_space<semaphore_mem>>) src(%dma_wait3A_33 : memref<128xi32, #tpu.memory_space<hbm>>) dst(%arg10 : memref<128xi32, #tpu.memory_space<vmem>>)
      tpu.yield
    }) : () -> ()
    %mul3A_6 = arith.constant 2000 : i32
    %mul3A_7 = arith.muli %add3A_5, %mul3A_6 : i32
    "tpu.region"() ({
      %run_scoped3A = tpu.sem_alloc : memref<!tpu.dma_semaphore, #tpu.memory_space<semaphore_mem>>
      %dma_start3A_22 = tpu.memref_slice %arg3[%mul3A_7] : memref<2560000xf32, #tpu.memory_space<hbm>> -> memref<2000xf32, #tpu.memory_space<hbm>>
      %dma_start3A_23 = tpu.memref_slice %arg3[%mul3A_7] : memref<2560000xf32, #tpu.memory_space<hbm>> -> memref<2000xf32, #tpu.memory_space<hbm>>
      tpu.enqueue_dma source(%dma_start3A_23 : memref<2000xf32, #tpu.memory_space<hbm>>) target(%arg12 : memref<2000xf32, #tpu.memory_space<vmem>>) target_semaphore(%run_scoped3A : memref<!tpu.dma_semaphore, #tpu.memory_space<semaphore_mem>>)
      %dma_wait3A_24 = tpu.memref_slice %arg3[%mul3A_7] : memref<2560000xf32, #tpu.memory_space<hbm>> -> memref<2000xf32, #tpu.memory_space<hbm>>
      %dma_wait3A_25 = tpu.memref_slice %arg3[%mul3A_7] : memref<2560000xf32, #tpu.memory_space<hbm>> -> memref<2000xf32, #tpu.memory_space<hbm>>
      tpu.wait_dma2 semaphore(%run_scoped3A : memref<!tpu.dma_semaphore, #tpu.memory_space<semaphore_mem>>) src(%dma_wait3A_25 : memref<2000xf32, #tpu.memory_space<hbm>>) dst(%arg12 : memref<2000xf32, #tpu.memory_space<vmem>>)
      tpu.yield
    }) : () -> ()
    %dma_start3A = arith.constant 0 : i32
    %dma_start3A_8 = arith.constant 0 : i32
    %dma_start3A_9 = tpu.memref_slice %arg2[%dma_start3A, %dma_start3A_8] : memref<10112x128xf32, #tpu.memory_space<hbm>> -> memref<10112x128xf32, #tpu.memory_space<hbm>>
    tpu.enqueue_indirect_dma source(%dma_start3A_9 : memref<10112x128xf32, #tpu.memory_space<hbm>>) target(%arg14 : memref<128x128xf32, #tpu.memory_space<vmem>>) offsets(%arg8 : memref<128xi32, #tpu.memory_space<vmem>>) semaphore(%arg17 : memref<!tpu.dma_semaphore, #tpu.memory_space<semaphore_mem>>)
    %scan3A = arith.constant 0 : i32
    %scan3A_10 = arith.constant 0 : i32
    %scan3A_11 = arith.constant 40 : i32
    %scan3A_12 = arith.addi %scan3A_10, %scan3A_11 : i32
    %scan3A_13 = arith.constant 1 : i32
    scf.for %scan3A_22 = %scan3A_10 to %scan3A_12 step %scan3A_13  : i32 {
      %mul3A_23 = arith.constant 2 : i32
      %mul3A_24 = arith.muli %scan3A_22, %mul3A_23 : i32
      %add3A_25 = arith.constant 0 : i32
      %add3A_26 = arith.addi %mul3A_24, %add3A_25 : i32
      %dma_wait3A_27 = arith.constant 0 : i32
      %dma_wait3A_28 = arith.constant 0 : i32
      %dma_wait3A_29 = tpu.memref_slice %arg2[%dma_wait3A_27, %dma_wait3A_28] : memref<10112x128xf32, #tpu.memory_space<hbm>> -> memref<10112x128xf32, #tpu.memory_space<hbm>>
      tpu.wait_indirect_dma semaphore(%arg17 : memref<!tpu.dma_semaphore, #tpu.memory_space<semaphore_mem>>) src(%dma_wait3A_29 : memref<10112x128xf32, #tpu.memory_space<hbm>>) dst(%arg14 : memref<128x128xf32, #tpu.memory_space<vmem>>)
      %scan3A_30 = arith.constant 0 : i32
      %scan3A_31 = arith.constant 0 : i32
      %scan3A_32 = arith.constant 125 : i32
      %scan3A_33 = arith.addi %scan3A_31, %scan3A_32 : i32
      %scan3A_34 = arith.constant 1 : i32
      scf.for %scan3A_75 = %scan3A_31 to %scan3A_33 step %scan3A_34  : i32 {
        %mul3A_76 = arith.constant 16 : i32
        %mul3A_77 = arith.muli %scan3A_75, %mul3A_76 : i32
        %get3A = arith.index_cast %mul3A_77 : i32 to index
        %get3A_78 = tpu.vector_load %arg12[%get3A] {strides = array<i32>} : memref<2000xf32, #tpu.memory_space<vmem>>, vector<16xf32>,
        %get3A_79 = vector.shape_cast %get3A_78 : vector<16xf32> to vector<16xf32>
        %broadcast_in_dim3A = arith.constant 0 : i32
        %broadcast_in_dim3A_80 = vector.broadcast %broadcast_in_dim3A : i32 to vector<16xi32>
        %lt3A_81 = arith.constant 0 : i32
        %lt3A_82 = vector.broadcast %lt3A_81 : i32 to vector<16xi32>
        %lt3A_83 = arith.cmpi slt, %broadcast_in_dim3A_80, %lt3A_82 : vector<16xi32>
        %add3A_84 = arith.constant 16 : i32
        %add3A_85 = vector.broadcast %add3A_84 : i32 to vector<16xi32>
        %add3A_86 = arith.addi %broadcast_in_dim3A_80, %add3A_85 : vector<16xi32>
        %select_n3A = arith.select %lt3A_83, %add3A_86, %broadcast_in_dim3A_80 : vector<16xi1>, vector<16xi32>
        %broadcast_in_dim3A_87 = vector.shape_cast %select_n3A : vector<16xi32> to vector<16x1xi32>
        %gather3A = vector.shape_cast %broadcast_in_dim3A_87 : vector<16x1xi32> to vector<16xi32>
        %gather3A_88 = tpu.dynamic_gather %get3A_79[%gather3A] in [0] : vector<16xf32>, vector<16xi32> -> vector<16xf32>
        %broadcast_in_dim3A_89 = arith.constant 1 : i32
        %broadcast_in_dim3A_90 = vector.broadcast %broadcast_in_dim3A_89 : i32 to vector<16xi32>
        %lt3A_91 = arith.constant 0 : i32
        %lt3A_92 = vector.broadcast %lt3A_91 : i32 to vector<16xi32>
        %lt3A_93 = arith.cmpi slt, %broadcast_in_dim3A_90, %lt3A_92 : vector<16xi32>
        %add3A_94 = arith.constant 16 : i32
        %add3A_95 = vector.broadcast %add3A_94 : i32 to vector<16xi32>
        %add3A_96 = arith.addi %broadcast_in_dim3A_90, %add3A_95 : vector<16xi32>
        %select_n3A_97 = arith.select %lt3A_93, %add3A_96, %broadcast_in_dim3A_90 : vector<16xi1>, vector<16xi32>
        %broadcast_in_dim3A_98 = vector.shape_cast %select_n3A_97 : vector<16xi32> to vector<16x1xi32>
        %gather3A_99 = vector.shape_cast %broadcast_in_dim3A_98 : vector<16x1xi32> to vector<16xi32>
        %gather3A_100 = tpu.dynamic_gather %get3A_79[%gather3A_99] in [0] : vector<16xf32>, vector<16xi32> -> vector<16xf32>
        %broadcast_in_dim3A_101 = arith.constant 2 : i32
        %broadcast_in_dim3A_102 = vector.broadcast %broadcast_in_dim3A_101 : i32 to vector<16xi32>
        %lt3A_103 = arith.constant 0 : i32
        %lt3A_104 = vector.broadcast %lt3A_103 : i32 to vector<16xi32>
        %lt3A_105 = arith.cmpi slt, %broadcast_in_dim3A_102, %lt3A_104 : vector<16xi32>
        %add3A_106 = arith.constant 16 : i32
        %add3A_107 = vector.broadcast %add3A_106 : i32 to vector<16xi32>
        %add3A_108 = arith.addi %broadcast_in_dim3A_102, %add3A_107 : vector<16xi32>
        %select_n3A_109 = arith.select %lt3A_105, %add3A_108, %broadcast_in_dim3A_102 : vector<16xi1>, vector<16xi32>
        %broadcast_in_dim3A_110 = vector.shape_cast %select_n3A_109 : vector<16xi32> to vector<16x1xi32>
        %gather3A_111 = vector.shape_cast %broadcast_in_dim3A_110 : vector<16x1xi32> to vector<16xi32>
        %gather3A_112 = tpu.dynamic_gather %get3A_79[%gather3A_111] in [0] : vector<16xf32>, vector<16xi32> -> vector<16xf32>
        %broadcast_in_dim3A_113 = arith.constant 3 : i32
        %broadcast_in_dim3A_114 = vector.broadcast %broadcast_in_dim3A_113 : i32 to vector<16xi32>
        %lt3A_115 = arith.constant 0 : i32
        %lt3A_116 = vector.broadcast %lt3A_115 : i32 to vector<16xi32>
        %lt3A_117 = arith.cmpi slt, %broadcast_in_dim3A_114, %lt3A_116 : vector<16xi32>
        %add3A_118 = arith.constant 16 : i32
        %add3A_119 = vector.broadcast %add3A_118 : i32 to vector<16xi32>
        %add3A_120 = arith.addi %broadcast_in_dim3A_114, %add3A_119 : vector<16xi32>
        %select_n3A_121 = arith.select %lt3A_117, %add3A_120, %broadcast_in_dim3A_114 : vector<16xi1>, vector<16xi32>
        %broadcast_in_dim3A_122 = vector.shape_cast %select_n3A_121 : vector<16xi32> to vector<16x1xi32>
        %gather3A_123 = vector.shape_cast %broadcast_in_dim3A_122 : vector<16x1xi32> to vector<16xi32>
        %gather3A_124 = tpu.dynamic_gather %get3A_79[%gather3A_123] in [0] : vector<16xf32>, vector<16xi32> -> vector<16xf32>
        %get3A_125 = arith.index_cast %scan3A_75 : i32 to index
        %get3A_126 = arith.constant 0 : index
        %get3A_127 = tpu.vector_load %arg14[%get3A_125, %get3A_126] {strides = array<i32>} : memref<128x128xf32, #tpu.memory_space<vmem>>, vector<1x16xf32>,
        %get3A_128 = vector.shape_cast %get3A_127 : vector<1x16xf32> to vector<16xf32>
        %mul3A_129 = arith.mulf %get3A_128, %gather3A_88 : vector<16xf32>
        %swap3A = arith.index_cast %scan3A_75 : i32 to index
        %swap3A_130 = arith.constant 0 : index
        %swap3A_131 = tpu.vector_load %arg14[%swap3A, %swap3A_130] {strides = array<i32>} : memref<128x128xf32, #tpu.memory_space<vmem>>, vector<1x16xf32>,
        %swap3A_132 = vector.shape_cast %swap3A_131 : vector<1x16xf32> to vector<16xf32>
        %swap3A_133 = vector.shape_cast %mul3A_129 : vector<16xf32> to vector<1x16xf32>
        tpu.vector_store %arg14[%swap3A, %swap3A_130], %swap3A_133 {strides = array<i32>} : memref<128x128xf32, #tpu.memory_space<vmem>>, vector<1x16xf32>,
        %get3A_134 = arith.index_cast %scan3A_75 : i32 to index
        %get3A_135 = arith.constant 16 : index
        %get3A_136 = tpu.vector_load %arg14[%get3A_134, %get3A_135] {strides = array<i32>} : memref<128x128xf32, #tpu.memory_space<vmem>>, vector<1x16xf32>,
        %get3A_137 = vector.shape_cast %get3A_136 : vector<1x16xf32> to vector<16xf32>
        %mul3A_138 = arith.mulf %get3A_137, %gather3A_88 : vector<16xf32>
        %swap3A_139 = arith.index_cast %scan3A_75 : i32 to index
        %swap3A_140 = arith.constant 16 : index
        %swap3A_141 = tpu.vector_load %arg14[%swap3A_139, %swap3A_140] {strides = array<i32>} : memref<128x128xf32, #tpu.memory_space<vmem>>, vector<1x16xf32>,
        %swap3A_142 = vector.shape_cast %swap3A_141 : vector<1x16xf32> to vector<16xf32>
        %swap3A_143 = vector.shape_cast %mul3A_138 : vector<16xf32> to vector<1x16xf32>
        tpu.vector_store %arg14[%swap3A_139, %swap3A_140], %swap3A_143 {strides = array<i32>} : memref<128x128xf32, #tpu.memory_space<vmem>>, vector<1x16xf32>,
        %get3A_144 = arith.index_cast %scan3A_75 : i32 to index
        %get3A_145 = arith.constant 32 : index
        %get3A_146 = tpu.vector_load %arg14[%get3A_144, %get3A_145] {strides = array<i32>} : memref<128x128xf32, #tpu.memory_space<vmem>>, vector<1x16xf32>,
        %get3A_147 = vector.shape_cast %get3A_146 : vector<1x16xf32> to vector<16xf32>
        %mul3A_148 = arith.mulf %get3A_147, %gather3A_100 : vector<16xf32>
        %swap3A_149 = arith.index_cast %scan3A_75 : i32 to index
        %swap3A_150 = arith.constant 32 : index
        %swap3A_151 = tpu.vector_load %arg14[%swap3A_149, %swap3A_150] {strides = array<i32>} : memref<128x128xf32, #tpu.memory_space<vmem>>, vector<1x16xf32>,
        %swap3A_152 = vector.shape_cast %swap3A_151 : vector<1x16xf32> to vector<16xf32>
        %swap3A_153 = vector.shape_cast %mul3A_148 : vector<16xf32> to vector<1x16xf32>
        tpu.vector_store %arg14[%swap3A_149, %swap3A_150], %swap3A_153 {strides = array<i32>} : memref<128x128xf32, #tpu.memory_space<vmem>>, vector<1x16xf32>,
        %get3A_154 = arith.index_cast %scan3A_75 : i32 to index
        %get3A_155 = arith.constant 48 : index
        %get3A_156 = tpu.vector_load %arg14[%get3A_154, %get3A_155] {strides = array<i32>} : memref<128x128xf32, #tpu.memory_space<vmem>>, vector<1x16xf32>,
        %get3A_157 = vector.shape_cast %get3A_156 : vector<1x16xf32> to vector<16xf32>
        %mul3A_158 = arith.mulf %get3A_157, %gather3A_100 : vector<16xf32>
        %swap3A_159 = arith.index_cast %scan3A_75 : i32 to index
        %swap3A_160 = arith.constant 48 : index
        %swap3A_161 = tpu.vector_load %arg14[%swap3A_159, %swap3A_160] {strides = array<i32>} : memref<128x128xf32, #tpu.memory_space<vmem>>, vector<1x16xf32>,
        %swap3A_162 = vector.shape_cast %swap3A_161 : vector<1x16xf32> to vector<16xf32>
        %swap3A_163 = vector.shape_cast %mul3A_158 : vector<16xf32> to vector<1x16xf32>
        tpu.vector_store %arg14[%swap3A_159, %swap3A_160], %swap3A_163 {strides = array<i32>} : memref<128x128xf32, #tpu.memory_space<vmem>>, vector<1x16xf32>,
        %get3A_164 = arith.index_cast %scan3A_75 : i32 to index
        %get3A_165 = arith.constant 64 : index
        %get3A_166 = tpu.vector_load %arg14[%get3A_164, %get3A_165] {strides = array<i32>} : memref<128x128xf32, #tpu.memory_space<vmem>>, vector<1x16xf32>,
        %get3A_167 = vector.shape_cast %get3A_166 : vector<1x16xf32> to vector<16xf32>
        %mul3A_168 = arith.mulf %get3A_167, %gather3A_112 : vector<16xf32>
        %swap3A_169 = arith.index_cast %scan3A_75 : i32 to index
        %swap3A_170 = arith.constant 64 : index
        %swap3A_171 = tpu.vector_load %arg14[%swap3A_169, %swap3A_170] {strides = array<i32>} : memref<128x128xf32, #tpu.memory_space<vmem>>, vector<1x16xf32>,
        %swap3A_172 = vector.shape_cast %swap3A_171 : vector<1x16xf32> to vector<16xf32>
        %swap3A_173 = vector.shape_cast %mul3A_168 : vector<16xf32> to vector<1x16xf32>
        tpu.vector_store %arg14[%swap3A_169, %swap3A_170], %swap3A_173 {strides = array<i32>} : memref<128x128xf32, #tpu.memory_space<vmem>>, vector<1x16xf32>,
        %get3A_174 = arith.index_cast %scan3A_75 : i32 to index
        %get3A_175 = arith.constant 80 : index
        %get3A_176 = tpu.vector_load %arg14[%get3A_174, %get3A_175] {strides = array<i32>} : memref<128x128xf32, #tpu.memory_space<vmem>>, vector<1x16xf32>,
        %get3A_177 = vector.shape_cast %get3A_176 : vector<1x16xf32> to vector<16xf32>
        %mul3A_178 = arith.mulf %get3A_177, %gather3A_112 : vector<16xf32>
        %swap3A_179 = arith.index_cast %scan3A_75 : i32 to index
        %swap3A_180 = arith.constant 80 : index
        %swap3A_181 = tpu.vector_load %arg14[%swap3A_179, %swap3A_180] {strides = array<i32>} : memref<128x128xf32, #tpu.memory_space<vmem>>, vector<1x16xf32>,
        %swap3A_182 = vector.shape_cast %swap3A_181 : vector<1x16xf32> to vector<16xf32>
        %swap3A_183 = vector.shape_cast %mul3A_178 : vector<16xf32> to vector<1x16xf32>
        tpu.vector_store %arg14[%swap3A_179, %swap3A_180], %swap3A_183 {strides = array<i32>} : memref<128x128xf32, #tpu.memory_space<vmem>>, vector<1x16xf32>,
        %get3A_184 = arith.index_cast %scan3A_75 : i32 to index
        %get3A_185 = arith.constant 96 : index
        %get3A_186 = tpu.vector_load %arg14[%get3A_184, %get3A_185] {strides = array<i32>} : memref<128x128xf32, #tpu.memory_space<vmem>>, vector<1x16xf32>,
        %get3A_187 = vector.shape_cast %get3A_186 : vector<1x16xf32> to vector<16xf32>
        %mul3A_188 = arith.mulf %get3A_187, %gather3A_124 : vector<16xf32>
        %swap3A_189 = arith.index_cast %scan3A_75 : i32 to index
        %swap3A_190 = arith.constant 96 : index
        %swap3A_191 = tpu.vector_load %arg14[%swap3A_189, %swap3A_190] {strides = array<i32>} : memref<128x128xf32, #tpu.memory_space<vmem>>, vector<1x16xf32>,
        %swap3A_192 = vector.shape_cast %swap3A_191 : vector<1x16xf32> to vector<16xf32>
        %swap3A_193 = vector.shape_cast %mul3A_188 : vector<16xf32> to vector<1x16xf32>
        tpu.vector_store %arg14[%swap3A_189, %swap3A_190], %swap3A_193 {strides = array<i32>} : memref<128x128xf32, #tpu.memory_space<vmem>>, vector<1x16xf32>,
        %get3A_194 = arith.index_cast %scan3A_75 : i32 to index
        %get3A_195 = arith.constant 112 : index
        %get3A_196 = tpu.vector_load %arg14[%get3A_194, %get3A_195] {strides = array<i32>} : memref<128x128xf32, #tpu.memory_space<vmem>>, vector<1x16xf32>,
        %get3A_197 = vector.shape_cast %get3A_196 : vector<1x16xf32> to vector<16xf32>
        %mul3A_198 = arith.mulf %get3A_197, %gather3A_124 : vector<16xf32>
        %swap3A_199 = arith.index_cast %scan3A_75 : i32 to index
        %swap3A_200 = arith.constant 112 : index
        %swap3A_201 = tpu.vector_load %arg14[%swap3A_199, %swap3A_200] {strides = array<i32>} : memref<128x128xf32, #tpu.memory_space<vmem>>, vector<1x16xf32>,
        %swap3A_202 = vector.shape_cast %swap3A_201 : vector<1x16xf32> to vector<16xf32>
        %swap3A_203 = vector.shape_cast %mul3A_198 : vector<16xf32> to vector<1x16xf32>
        tpu.vector_store %arg14[%swap3A_199, %swap3A_200], %swap3A_203 {strides = array<i32>} : memref<128x128xf32, #tpu.memory_space<vmem>>, vector<1x16xf32>,
      }
      %scan3A_35 = arith.constant 125 : i32
      %gt3A = arith.constant 0 : i32
      %gt3A_36 = arith.cmpi sgt, %add3A_26, %gt3A : i32
      %convert_element_type3A = arith.extui %gt3A_36 : i1 to i32
      %cond3A = arith.constant 0 : i32
      %cond3A_37 = arith.cmpi ne, %convert_element_type3A, %cond3A : i32
      scf.if %cond3A_37 {
        %dma_wait3A_75 = arith.constant 0 : i32
        %dma_wait3A_76 = arith.constant 0 : i32
        %dma_wait3A_77 = tpu.memref_slice %arg16[%dma_wait3A_75, %dma_wait3A_76] : memref<5120x128xf32, #tpu.memory_space<vmem_shared>> -> memref<5120x128xf32, #tpu.memory_space<vmem_shared>>
        tpu.wait_indirect_dma semaphore(%arg20 : memref<!tpu.dma_semaphore, #tpu.memory_space<semaphore_mem>>) src(%arg15 : memref<128x128xf32, #tpu.memory_space<vmem>>) dst(%dma_wait3A_77 : memref<5120x128xf32, #tpu.memory_space<vmem_shared>>)
      } else {
      }
      %add3A_38 = arith.constant 1 : i32
      %add3A_39 = arith.addi %add3A_26, %add3A_38 : i32
      %lt3A = arith.constant 80 : i32
      %lt3A_40 = arith.cmpi slt, %add3A_39, %lt3A : i32
      %convert_element_type3A_41 = arith.extui %lt3A_40 : i1 to i32
      %cond3A_42 = arith.constant 0 : i32
      %cond3A_43 = arith.cmpi ne, %convert_element_type3A_41, %cond3A_42 : i32
      scf.if %cond3A_43 {
        %add3A_75 = arith.constant 1 : i32
        %add3A_76 = arith.addi %add3A_26, %add3A_75 : i32
        %mul3A_77 = arith.constant 80 : i32
        %mul3A_78 = arith.muli %arg1, %mul3A_77 : i32
        %add3A_79 = arith.addi %mul3A_78, %add3A_76 : i32
        "tpu.region"() ({
          %run_scoped3A = tpu.sem_alloc : memref<!tpu.dma_semaphore, #tpu.memory_space<semaphore_mem>>
          %dma_start3A_85 = arith.constant 0 : i32
          %dma_start3A_86 = tpu.memref_slice %arg4[%add3A_79, %dma_start3A_85] : memref<1280x128xi32, #tpu.memory_space<hbm>> -> memref<1x128xi32, #tpu.memory_space<hbm>>
          %dma_start3A_87 = tpu.memref_squeeze %dma_start3A_86 : memref<1x128xi32, #tpu.memory_space<hbm>> -> memref<128xi32, #tpu.memory_space<hbm>>
          %dma_start3A_88 = arith.constant 0 : i32
          %dma_start3A_89 = tpu.memref_slice %arg4[%add3A_79, %dma_start3A_88] : memref<1280x128xi32, #tpu.memory_space<hbm>> -> memref<1x128xi32, #tpu.memory_space<hbm>>
          %dma_start3A_90 = tpu.memref_squeeze %dma_start3A_89 : memref<1x128xi32, #tpu.memory_space<hbm>> -> memref<128xi32, #tpu.memory_space<hbm>>
          tpu.enqueue_dma source(%dma_start3A_90 : memref<128xi32, #tpu.memory_space<hbm>>) target(%arg9 : memref<128xi32, #tpu.memory_space<vmem>>) target_semaphore(%run_scoped3A : memref<!tpu.dma_semaphore, #tpu.memory_space<semaphore_mem>>)
          %dma_wait3A_91 = arith.constant 0 : i32
          %dma_wait3A_92 = tpu.memref_slice %arg4[%add3A_79, %dma_wait3A_91] : memref<1280x128xi32, #tpu.memory_space<hbm>> -> memref<1x128xi32, #tpu.memory_space<hbm>>
          %dma_wait3A_93 = tpu.memref_squeeze %dma_wait3A_92 : memref<1x128xi32, #tpu.memory_space<hbm>> -> memref<128xi32, #tpu.memory_space<hbm>>
          %dma_wait3A_94 = arith.constant 0 : i32
          %dma_wait3A_95 = tpu.memref_slice %arg4[%add3A_79, %dma_wait3A_94] : memref<1280x128xi32, #tpu.memory_space<hbm>> -> memref<1x128xi32, #tpu.memory_space<hbm>>
          %dma_wait3A_96 = tpu.memref_squeeze %dma_wait3A_95 : memref<1x128xi32, #tpu.memory_space<hbm>> -> memref<128xi32, #tpu.memory_space<hbm>>
          tpu.wait_dma2 semaphore(%run_scoped3A : memref<!tpu.dma_semaphore, #tpu.memory_space<semaphore_mem>>) src(%dma_wait3A_96 : memref<128xi32, #tpu.memory_space<hbm>>) dst(%arg9 : memref<128xi32, #tpu.memory_space<vmem>>)
          tpu.yield
        }) : () -> ()
        "tpu.region"() ({
          %run_scoped3A = tpu.sem_alloc : memref<!tpu.dma_semaphore, #tpu.memory_space<semaphore_mem>>
          %dma_start3A_85 = arith.constant 0 : i32
          %dma_start3A_86 = tpu.memref_slice %arg5[%arg0, %add3A_79, %dma_start3A_85] : memref<2x1280x128xi32, #tpu.memory_space<hbm>> -> memref<1x1x128xi32, #tpu.memory_space<hbm>>
          %dma_start3A_87 = tpu.memref_squeeze %dma_start3A_86 : memref<1x1x128xi32, #tpu.memory_space<hbm>> -> memref<128xi32, #tpu.memory_space<hbm>>
          %dma_start3A_88 = arith.constant 0 : i32
          %dma_start3A_89 = tpu.memref_slice %arg5[%arg0, %add3A_79, %dma_start3A_88] : memref<2x1280x128xi32, #tpu.memory_space<hbm>> -> memref<1x1x128xi32, #tpu.memory_space<hbm>>
          %dma_start3A_90 = tpu.memref_squeeze %dma_start3A_89 : memref<1x1x128xi32, #tpu.memory_space<hbm>> -> memref<128xi32, #tpu.memory_space<hbm>>
          tpu.enqueue_dma source(%dma_start3A_90 : memref<128xi32, #tpu.memory_space<hbm>>) target(%arg11 : memref<128xi32, #tpu.memory_space<vmem>>) target_semaphore(%run_scoped3A : memref<!tpu.dma_semaphore, #tpu.memory_space<semaphore_mem>>)
          %dma_wait3A_91 = arith.constant 0 : i32
          %dma_wait3A_92 = tpu.memref_slice %arg5[%arg0, %add3A_79, %dma_wait3A_91] : memref<2x1280x128xi32, #tpu.memory_space<hbm>> -> memref<1x1x128xi32, #tpu.memory_space<hbm>>
          %dma_wait3A_93 = tpu.memref_squeeze %dma_wait3A_92 : memref<1x1x128xi32, #tpu.memory_space<hbm>> -> memref<128xi32, #tpu.memory_space<hbm>>
          %dma_wait3A_94 = arith.constant 0 : i32
          %dma_wait3A_95 = tpu.memref_slice %arg5[%arg0, %add3A_79, %dma_wait3A_94] : memref<2x1280x128xi32, #tpu.memory_space<hbm>> -> memref<1x1x128xi32, #tpu.memory_space<hbm>>
          %dma_wait3A_96 = tpu.memref_squeeze %dma_wait3A_95 : memref<1x1x128xi32, #tpu.memory_space<hbm>> -> memref<128xi32, #tpu.memory_space<hbm>>
          tpu.wait_dma2 semaphore(%run_scoped3A : memref<!tpu.dma_semaphore, #tpu.memory_space<semaphore_mem>>) src(%dma_wait3A_96 : memref<128xi32, #tpu.memory_space<hbm>>) dst(%arg11 : memref<128xi32, #tpu.memory_space<vmem>>)
          tpu.yield
        }) : () -> ()
        %mul3A_80 = arith.constant 2000 : i32
        %mul3A_81 = arith.muli %add3A_79, %mul3A_80 : i32
        "tpu.region"() ({
          %run_scoped3A = tpu.sem_alloc : memref<!tpu.dma_semaphore, #tpu.memory_space<semaphore_mem>>
          %dma_start3A_85 = tpu.memref_slice %arg3[%mul3A_81] : memref<2560000xf32, #tpu.memory_space<hbm>> -> memref<2000xf32, #tpu.memory_space<hbm>>
          %dma_start3A_86 = tpu.memref_slice %arg3[%mul3A_81] : memref<2560000xf32, #tpu.memory_space<hbm>> -> memref<2000xf32, #tpu.memory_space<hbm>>
          tpu.enqueue_dma source(%dma_start3A_86 : memref<2000xf32, #tpu.memory_space<hbm>>) target(%arg13 : memref<2000xf32, #tpu.memory_space<vmem>>) target_semaphore(%run_scoped3A : memref<!tpu.dma_semaphore, #tpu.memory_space<semaphore_mem>>)
          %dma_wait3A_87 = tpu.memref_slice %arg3[%mul3A_81] : memref<2560000xf32, #tpu.memory_space<hbm>> -> memref<2000xf32, #tpu.memory_space<hbm>>
          %dma_wait3A_88 = tpu.memref_slice %arg3[%mul3A_81] : memref<2560000xf32, #tpu.memory_space<hbm>> -> memref<2000xf32, #tpu.memory_space<hbm>>
          tpu.wait_dma2 semaphore(%run_scoped3A : memref<!tpu.dma_semaphore, #tpu.memory_space<semaphore_mem>>) src(%dma_wait3A_88 : memref<2000xf32, #tpu.memory_space<hbm>>) dst(%arg13 : memref<2000xf32, #tpu.memory_space<vmem>>)
          tpu.yield
        }) : () -> ()
        %dma_start3A_82 = arith.constant 0 : i32
        %dma_start3A_83 = arith.constant 0 : i32
        %dma_start3A_84 = tpu.memref_slice %arg2[%dma_start3A_82, %dma_start3A_83] : memref<10112x128xf32, #tpu.memory_space<hbm>> -> memref<10112x128xf32, #tpu.memory_space<hbm>>
        tpu.enqueue_indirect_dma source(%dma_start3A_84 : memref<10112x128xf32, #tpu.memory_space<hbm>>) target(%arg15 : memref<128x128xf32, #tpu.memory_space<vmem>>) offsets(%arg9 : memref<128xi32, #tpu.memory_space<vmem>>) semaphore(%arg18 : memref<!tpu.dma_semaphore, #tpu.memory_space<semaphore_mem>>)
      } else {
      }
      %dma_start3A_44 = arith.constant 0 : i32
      %dma_start3A_45 = arith.constant 0 : i32
      %dma_start3A_46 = tpu.memref_slice %arg16[%dma_start3A_44, %dma_start3A_45] : memref<5120x128xf32, #tpu.memory_space<vmem_shared>> -> memref<5120x128xf32, #tpu.memory_space<vmem_shared>>
      tpu.enqueue_indirect_dma source(%arg14 : memref<128x128xf32, #tpu.memory_space<vmem>>) target(%dma_start3A_46 : memref<5120x128xf32, #tpu.memory_space<vmem_shared>>) offsets(%arg10 : memref<128xi32, #tpu.memory_space<vmem>>) semaphore(%arg19 : memref<!tpu.dma_semaphore, #tpu.memory_space<semaphore_mem>>) {add = true}
      %mul3A_47 = arith.constant 2 : i32
      %mul3A_48 = arith.muli %scan3A_22, %mul3A_47 : i32
      %add3A_49 = arith.constant 1 : i32
      %add3A_50 = arith.addi %mul3A_48, %add3A_49 : i32
      %dma_wait3A_51 = arith.constant 0 : i32
      %dma_wait3A_52 = arith.constant 0 : i32
      %dma_wait3A_53 = tpu.memref_slice %arg2[%dma_wait3A_51, %dma_wait3A_52] : memref<10112x128xf32, #tpu.memory_space<hbm>> -> memref<10112x128xf32, #tpu.memory_space<hbm>>
      tpu.wait_indirect_dma semaphore(%arg18 : memref<!tpu.dma_semaphore, #tpu.memory_space<semaphore_mem>>) src(%dma_wait3A_53 : memref<10112x128xf32, #tpu.memory_space<hbm>>) dst(%arg15 : memref<128x128xf32, #tpu.memory_space<vmem>>)
      %scan3A_54 = arith.constant 0 : i32
      %scan3A_55 = arith.constant 0 : i32
      %scan3A_56 = arith.constant 125 : i32
      %scan3A_57 = arith.addi %scan3A_55, %scan3A_56 : i32
      %scan3A_58 = arith.constant 1 : i32
      scf.for %scan3A_75 = %scan3A_55 to %scan3A_57 step %scan3A_58  : i32 {
        %mul3A_76 = arith.constant 16 : i32
        %mul3A_77 = arith.muli %scan3A_75, %mul3A_76 : i32
        %get3A = arith.index_cast %mul3A_77 : i32 to index
        %get3A_78 = tpu.vector_load %arg13[%get3A] {strides = array<i32>} : memref<2000xf32, #tpu.memory_space<vmem>>, vector<16xf32>,
        %get3A_79 = vector.shape_cast %get3A_78 : vector<16xf32> to vector<16xf32>
        %broadcast_in_dim3A = arith.constant 0 : i32
        %broadcast_in_dim3A_80 = vector.broadcast %broadcast_in_dim3A : i32 to vector<16xi32>
        %lt3A_81 = arith.constant 0 : i32
        %lt3A_82 = vector.broadcast %lt3A_81 : i32 to vector<16xi32>
        %lt3A_83 = arith.cmpi slt, %broadcast_in_dim3A_80, %lt3A_82 : vector<16xi32>
        %add3A_84 = arith.constant 16 : i32
        %add3A_85 = vector.broadcast %add3A_84 : i32 to vector<16xi32>
        %add3A_86 = arith.addi %broadcast_in_dim3A_80, %add3A_85 : vector<16xi32>
        %select_n3A = arith.select %lt3A_83, %add3A_86, %broadcast_in_dim3A_80 : vector<16xi1>, vector<16xi32>
        %broadcast_in_dim3A_87 = vector.shape_cast %select_n3A : vector<16xi32> to vector<16x1xi32>
        %gather3A = vector.shape_cast %broadcast_in_dim3A_87 : vector<16x1xi32> to vector<16xi32>
        %gather3A_88 = tpu.dynamic_gather %get3A_79[%gather3A] in [0] : vector<16xf32>, vector<16xi32> -> vector<16xf32>
        %broadcast_in_dim3A_89 = arith.constant 1 : i32
        %broadcast_in_dim3A_90 = vector.broadcast %broadcast_in_dim3A_89 : i32 to vector<16xi32>
        %lt3A_91 = arith.constant 0 : i32
        %lt3A_92 = vector.broadcast %lt3A_91 : i32 to vector<16xi32>
        %lt3A_93 = arith.cmpi slt, %broadcast_in_dim3A_90, %lt3A_92 : vector<16xi32>
        %add3A_94 = arith.constant 16 : i32
        %add3A_95 = vector.broadcast %add3A_94 : i32 to vector<16xi32>
        %add3A_96 = arith.addi %broadcast_in_dim3A_90, %add3A_95 : vector<16xi32>
        %select_n3A_97 = arith.select %lt3A_93, %add3A_96, %broadcast_in_dim3A_90 : vector<16xi1>, vector<16xi32>
        %broadcast_in_dim3A_98 = vector.shape_cast %select_n3A_97 : vector<16xi32> to vector<16x1xi32>
        %gather3A_99 = vector.shape_cast %broadcast_in_dim3A_98 : vector<16x1xi32> to vector<16xi32>
        %gather3A_100 = tpu.dynamic_gather %get3A_79[%gather3A_99] in [0] : vector<16xf32>, vector<16xi32> -> vector<16xf32>
        %broadcast_in_dim3A_101 = arith.constant 2 : i32
        %broadcast_in_dim3A_102 = vector.broadcast %broadcast_in_dim3A_101 : i32 to vector<16xi32>
        %lt3A_103 = arith.constant 0 : i32
        %lt3A_104 = vector.broadcast %lt3A_103 : i32 to vector<16xi32>
        %lt3A_105 = arith.cmpi slt, %broadcast_in_dim3A_102, %lt3A_104 : vector<16xi32>
        %add3A_106 = arith.constant 16 : i32
        %add3A_107 = vector.broadcast %add3A_106 : i32 to vector<16xi32>
        %add3A_108 = arith.addi %broadcast_in_dim3A_102, %add3A_107 : vector<16xi32>
        %select_n3A_109 = arith.select %lt3A_105, %add3A_108, %broadcast_in_dim3A_102 : vector<16xi1>, vector<16xi32>
        %broadcast_in_dim3A_110 = vector.shape_cast %select_n3A_109 : vector<16xi32> to vector<16x1xi32>
        %gather3A_111 = vector.shape_cast %broadcast_in_dim3A_110 : vector<16x1xi32> to vector<16xi32>
        %gather3A_112 = tpu.dynamic_gather %get3A_79[%gather3A_111] in [0] : vector<16xf32>, vector<16xi32> -> vector<16xf32>
        %broadcast_in_dim3A_113 = arith.constant 3 : i32
        %broadcast_in_dim3A_114 = vector.broadcast %broadcast_in_dim3A_113 : i32 to vector<16xi32>
        %lt3A_115 = arith.constant 0 : i32
        %lt3A_116 = vector.broadcast %lt3A_115 : i32 to vector<16xi32>
        %lt3A_117 = arith.cmpi slt, %broadcast_in_dim3A_114, %lt3A_116 : vector<16xi32>
        %add3A_118 = arith.constant 16 : i32
        %add3A_119 = vector.broadcast %add3A_118 : i32 to vector<16xi32>
        %add3A_120 = arith.addi %broadcast_in_dim3A_114, %add3A_119 : vector<16xi32>
        %select_n3A_121 = arith.select %lt3A_117, %add3A_120, %broadcast_in_dim3A_114 : vector<16xi1>, vector<16xi32>
        %broadcast_in_dim3A_122 = vector.shape_cast %select_n3A_121 : vector<16xi32> to vector<16x1xi32>
        %gather3A_123 = vector.shape_cast %broadcast_in_dim3A_122 : vector<16x1xi32> to vector<16xi32>
        %gather3A_124 = tpu.dynamic_gather %get3A_79[%gather3A_123] in [0] : vector<16xf32>, vector<16xi32> -> vector<16xf32>
        %get3A_125 = arith.index_cast %scan3A_75 : i32 to index
        %get3A_126 = arith.constant 0 : index
        %get3A_127 = tpu.vector_load %arg15[%get3A_125, %get3A_126] {strides = array<i32>} : memref<128x128xf32, #tpu.memory_space<vmem>>, vector<1x16xf32>,
        %get3A_128 = vector.shape_cast %get3A_127 : vector<1x16xf32> to vector<16xf32>
        %mul3A_129 = arith.mulf %get3A_128, %gather3A_88 : vector<16xf32>
        %swap3A = arith.index_cast %scan3A_75 : i32 to index
        %swap3A_130 = arith.constant 0 : index
        %swap3A_131 = tpu.vector_load %arg15[%swap3A, %swap3A_130] {strides = array<i32>} : memref<128x128xf32, #tpu.memory_space<vmem>>, vector<1x16xf32>,
        %swap3A_132 = vector.shape_cast %swap3A_131 : vector<1x16xf32> to vector<16xf32>
        %swap3A_133 = vector.shape_cast %mul3A_129 : vector<16xf32> to vector<1x16xf32>
        tpu.vector_store %arg15[%swap3A, %swap3A_130], %swap3A_133 {strides = array<i32>} : memref<128x128xf32, #tpu.memory_space<vmem>>, vector<1x16xf32>,
        %get3A_134 = arith.index_cast %scan3A_75 : i32 to index
        %get3A_135 = arith.constant 16 : index
        %get3A_136 = tpu.vector_load %arg15[%get3A_134, %get3A_135] {strides = array<i32>} : memref<128x128xf32, #tpu.memory_space<vmem>>, vector<1x16xf32>,
        %get3A_137 = vector.shape_cast %get3A_136 : vector<1x16xf32> to vector<16xf32>
        %mul3A_138 = arith.mulf %get3A_137, %gather3A_88 : vector<16xf32>
        %swap3A_139 = arith.index_cast %scan3A_75 : i32 to index
        %swap3A_140 = arith.constant 16 : index
        %swap3A_141 = tpu.vector_load %arg15[%swap3A_139, %swap3A_140] {strides = array<i32>} : memref<128x128xf32, #tpu.memory_space<vmem>>, vector<1x16xf32>,
        %swap3A_142 = vector.shape_cast %swap3A_141 : vector<1x16xf32> to vector<16xf32>
        %swap3A_143 = vector.shape_cast %mul3A_138 : vector<16xf32> to vector<1x16xf32>
        tpu.vector_store %arg15[%swap3A_139, %swap3A_140], %swap3A_143 {strides = array<i32>} : memref<128x128xf32, #tpu.memory_space<vmem>>, vector<1x16xf32>,
        %get3A_144 = arith.index_cast %scan3A_75 : i32 to index
        %get3A_145 = arith.constant 32 : index
        %get3A_146 = tpu.vector_load %arg15[%get3A_144, %get3A_145] {strides = array<i32>} : memref<128x128xf32, #tpu.memory_space<vmem>>, vector<1x16xf32>,
        %get3A_147 = vector.shape_cast %get3A_146 : vector<1x16xf32> to vector<16xf32>
        %mul3A_148 = arith.mulf %get3A_147, %gather3A_100 : vector<16xf32>
        %swap3A_149 = arith.index_cast %scan3A_75 : i32 to index
        %swap3A_150 = arith.constant 32 : index
        %swap3A_151 = tpu.vector_load %arg15[%swap3A_149, %swap3A_150] {strides = array<i32>} : memref<128x128xf32, #tpu.memory_space<vmem>>, vector<1x16xf32>,
        %swap3A_152 = vector.shape_cast %swap3A_151 : vector<1x16xf32> to vector<16xf32>
        %swap3A_153 = vector.shape_cast %mul3A_148 : vector<16xf32> to vector<1x16xf32>
        tpu.vector_store %arg15[%swap3A_149, %swap3A_150], %swap3A_153 {strides = array<i32>} : memref<128x128xf32, #tpu.memory_space<vmem>>, vector<1x16xf32>,
        %get3A_154 = arith.index_cast %scan3A_75 : i32 to index
        %get3A_155 = arith.constant 48 : index
        %get3A_156 = tpu.vector_load %arg15[%get3A_154, %get3A_155] {strides = array<i32>} : memref<128x128xf32, #tpu.memory_space<vmem>>, vector<1x16xf32>,
        %get3A_157 = vector.shape_cast %get3A_156 : vector<1x16xf32> to vector<16xf32>
        %mul3A_158 = arith.mulf %get3A_157, %gather3A_100 : vector<16xf32>
        %swap3A_159 = arith.index_cast %scan3A_75 : i32 to index
        %swap3A_160 = arith.constant 48 : index
        %swap3A_161 = tpu.vector_load %arg15[%swap3A_159, %swap3A_160] {strides = array<i32>} : memref<128x128xf32, #tpu.memory_space<vmem>>, vector<1x16xf32>,
        %swap3A_162 = vector.shape_cast %swap3A_161 : vector<1x16xf32> to vector<16xf32>
        %swap3A_163 = vector.shape_cast %mul3A_158 : vector<16xf32> to vector<1x16xf32>
        tpu.vector_store %arg15[%swap3A_159, %swap3A_160], %swap3A_163 {strides = array<i32>} : memref<128x128xf32, #tpu.memory_space<vmem>>, vector<1x16xf32>,
        %get3A_164 = arith.index_cast %scan3A_75 : i32 to index
        %get3A_165 = arith.constant 64 : index
        %get3A_166 = tpu.vector_load %arg15[%get3A_164, %get3A_165] {strides = array<i32>} : memref<128x128xf32, #tpu.memory_space<vmem>>, vector<1x16xf32>,
        %get3A_167 = vector.shape_cast %get3A_166 : vector<1x16xf32> to vector<16xf32>
        %mul3A_168 = arith.mulf %get3A_167, %gather3A_112 : vector<16xf32>
        %swap3A_169 = arith.index_cast %scan3A_75 : i32 to index
        %swap3A_170 = arith.constant 64 : index
        %swap3A_171 = tpu.vector_load %arg15[%swap3A_169, %swap3A_170] {strides = array<i32>} : memref<128x128xf32, #tpu.memory_space<vmem>>, vector<1x16xf32>,
        %swap3A_172 = vector.shape_cast %swap3A_171 : vector<1x16xf32> to vector<16xf32>
        %swap3A_173 = vector.shape_cast %mul3A_168 : vector<16xf32> to vector<1x16xf32>
        tpu.vector_store %arg15[%swap3A_169, %swap3A_170], %swap3A_173 {strides = array<i32>} : memref<128x128xf32, #tpu.memory_space<vmem>>, vector<1x16xf32>,
        %get3A_174 = arith.index_cast %scan3A_75 : i32 to index
        %get3A_175 = arith.constant 80 : index
        %get3A_176 = tpu.vector_load %arg15[%get3A_174, %get3A_175] {strides = array<i32>} : memref<128x128xf32, #tpu.memory_space<vmem>>, vector<1x16xf32>,
        %get3A_177 = vector.shape_cast %get3A_176 : vector<1x16xf32> to vector<16xf32>
        %mul3A_178 = arith.mulf %get3A_177, %gather3A_112 : vector<16xf32>
        %swap3A_179 = arith.index_cast %scan3A_75 : i32 to index
        %swap3A_180 = arith.constant 80 : index
        %swap3A_181 = tpu.vector_load %arg15[%swap3A_179, %swap3A_180] {strides = array<i32>} : memref<128x128xf32, #tpu.memory_space<vmem>>, vector<1x16xf32>,
        %swap3A_182 = vector.shape_cast %swap3A_181 : vector<1x16xf32> to vector<16xf32>
        %swap3A_183 = vector.shape_cast %mul3A_178 : vector<16xf32> to vector<1x16xf32>
        tpu.vector_store %arg15[%swap3A_179, %swap3A_180], %swap3A_183 {strides = array<i32>} : memref<128x128xf32, #tpu.memory_space<vmem>>, vector<1x16xf32>,
        %get3A_184 = arith.index_cast %scan3A_75 : i32 to index
        %get3A_185 = arith.constant 96 : index
        %get3A_186 = tpu.vector_load %arg15[%get3A_184, %get3A_185] {strides = array<i32>} : memref<128x128xf32, #tpu.memory_space<vmem>>, vector<1x16xf32>,
        %get3A_187 = vector.shape_cast %get3A_186 : vector<1x16xf32> to vector<16xf32>
        %mul3A_188 = arith.mulf %get3A_187, %gather3A_124 : vector<16xf32>
        %swap3A_189 = arith.index_cast %scan3A_75 : i32 to index
        %swap3A_190 = arith.constant 96 : index
        %swap3A_191 = tpu.vector_load %arg15[%swap3A_189, %swap3A_190] {strides = array<i32>} : memref<128x128xf32, #tpu.memory_space<vmem>>, vector<1x16xf32>,
        %swap3A_192 = vector.shape_cast %swap3A_191 : vector<1x16xf32> to vector<16xf32>
        %swap3A_193 = vector.shape_cast %mul3A_188 : vector<16xf32> to vector<1x16xf32>
        tpu.vector_store %arg15[%swap3A_189, %swap3A_190], %swap3A_193 {strides = array<i32>} : memref<128x128xf32, #tpu.memory_space<vmem>>, vector<1x16xf32>,
        %get3A_194 = arith.index_cast %scan3A_75 : i32 to index
        %get3A_195 = arith.constant 112 : index
        %get3A_196 = tpu.vector_load %arg15[%get3A_194, %get3A_195] {strides = array<i32>} : memref<128x128xf32, #tpu.memory_space<vmem>>, vector<1x16xf32>,
        %get3A_197 = vector.shape_cast %get3A_196 : vector<1x16xf32> to vector<16xf32>
        %mul3A_198 = arith.mulf %get3A_197, %gather3A_124 : vector<16xf32>
        %swap3A_199 = arith.index_cast %scan3A_75 : i32 to index
        %swap3A_200 = arith.constant 112 : index
        %swap3A_201 = tpu.vector_load %arg15[%swap3A_199, %swap3A_200] {strides = array<i32>} : memref<128x128xf32, #tpu.memory_space<vmem>>, vector<1x16xf32>,
        %swap3A_202 = vector.shape_cast %swap3A_201 : vector<1x16xf32> to vector<16xf32>
        %swap3A_203 = vector.shape_cast %mul3A_198 : vector<16xf32> to vector<1x16xf32>
        tpu.vector_store %arg15[%swap3A_199, %swap3A_200], %swap3A_203 {strides = array<i32>} : memref<128x128xf32, #tpu.memory_space<vmem>>, vector<1x16xf32>,
      }
      %scan3A_59 = arith.constant 125 : i32
      %gt3A_60 = arith.constant 0 : i32
      %gt3A_61 = arith.cmpi sgt, %add3A_50, %gt3A_60 : i32
      %convert_element_type3A_62 = arith.extui %gt3A_61 : i1 to i32
      %cond3A_63 = arith.constant 0 : i32
      %cond3A_64 = arith.cmpi ne, %convert_element_type3A_62, %cond3A_63 : i32
      scf.if %cond3A_64 {
        %dma_wait3A_75 = arith.constant 0 : i32
        %dma_wait3A_76 = arith.constant 0 : i32
        %dma_wait3A_77 = tpu.memref_slice %arg16[%dma_wait3A_75, %dma_wait3A_76] : memref<5120x128xf32, #tpu.memory_space<vmem_shared>> -> memref<5120x128xf32, #tpu.memory_space<vmem_shared>>
        tpu.wait_indirect_dma semaphore(%arg19 : memref<!tpu.dma_semaphore, #tpu.memory_space<semaphore_mem>>) src(%arg14 : memref<128x128xf32, #tpu.memory_space<vmem>>) dst(%dma_wait3A_77 : memref<5120x128xf32, #tpu.memory_space<vmem_shared>>)
      } else {
      }
      %add3A_65 = arith.constant 1 : i32
      %add3A_66 = arith.addi %add3A_50, %add3A_65 : i32
      %lt3A_67 = arith.constant 80 : i32
      %lt3A_68 = arith.cmpi slt, %add3A_66, %lt3A_67 : i32
      %convert_element_type3A_69 = arith.extui %lt3A_68 : i1 to i32
      %cond3A_70 = arith.constant 0 : i32
      %cond3A_71 = arith.cmpi ne, %convert_element_type3A_69, %cond3A_70 : i32
      scf.if %cond3A_71 {
        %add3A_75 = arith.constant 1 : i32
        %add3A_76 = arith.addi %add3A_50, %add3A_75 : i32
        %mul3A_77 = arith.constant 80 : i32
        %mul3A_78 = arith.muli %arg1, %mul3A_77 : i32
        %add3A_79 = arith.addi %mul3A_78, %add3A_76 : i32
        "tpu.region"() ({
          %run_scoped3A = tpu.sem_alloc : memref<!tpu.dma_semaphore, #tpu.memory_space<semaphore_mem>>
          %dma_start3A_85 = arith.constant 0 : i32
          %dma_start3A_86 = tpu.memref_slice %arg4[%add3A_79, %dma_start3A_85] : memref<1280x128xi32, #tpu.memory_space<hbm>> -> memref<1x128xi32, #tpu.memory_space<hbm>>
          %dma_start3A_87 = tpu.memref_squeeze %dma_start3A_86 : memref<1x128xi32, #tpu.memory_space<hbm>> -> memref<128xi32, #tpu.memory_space<hbm>>
          %dma_start3A_88 = arith.constant 0 : i32
          %dma_start3A_89 = tpu.memref_slice %arg4[%add3A_79, %dma_start3A_88] : memref<1280x128xi32, #tpu.memory_space<hbm>> -> memref<1x128xi32, #tpu.memory_space<hbm>>
          %dma_start3A_90 = tpu.memref_squeeze %dma_start3A_89 : memref<1x128xi32, #tpu.memory_space<hbm>> -> memref<128xi32, #tpu.memory_space<hbm>>
          tpu.enqueue_dma source(%dma_start3A_90 : memref<128xi32, #tpu.memory_space<hbm>>) target(%arg8 : memref<128xi32, #tpu.memory_space<vmem>>) target_semaphore(%run_scoped3A : memref<!tpu.dma_semaphore, #tpu.memory_space<semaphore_mem>>)
          %dma_wait3A_91 = arith.constant 0 : i32
          %dma_wait3A_92 = tpu.memref_slice %arg4[%add3A_79, %dma_wait3A_91] : memref<1280x128xi32, #tpu.memory_space<hbm>> -> memref<1x128xi32, #tpu.memory_space<hbm>>
          %dma_wait3A_93 = tpu.memref_squeeze %dma_wait3A_92 : memref<1x128xi32, #tpu.memory_space<hbm>> -> memref<128xi32, #tpu.memory_space<hbm>>
          %dma_wait3A_94 = arith.constant 0 : i32
          %dma_wait3A_95 = tpu.memref_slice %arg4[%add3A_79, %dma_wait3A_94] : memref<1280x128xi32, #tpu.memory_space<hbm>> -> memref<1x128xi32, #tpu.memory_space<hbm>>
          %dma_wait3A_96 = tpu.memref_squeeze %dma_wait3A_95 : memref<1x128xi32, #tpu.memory_space<hbm>> -> memref<128xi32, #tpu.memory_space<hbm>>
          tpu.wait_dma2 semaphore(%run_scoped3A : memref<!tpu.dma_semaphore, #tpu.memory_space<semaphore_mem>>) src(%dma_wait3A_96 : memref<128xi32, #tpu.memory_space<hbm>>) dst(%arg8 : memref<128xi32, #tpu.memory_space<vmem>>)
          tpu.yield
        }) : () -> ()
        "tpu.region"() ({
          %run_scoped3A = tpu.sem_alloc : memref<!tpu.dma_semaphore, #tpu.memory_space<semaphore_mem>>
          %dma_start3A_85 = arith.constant 0 : i32
          %dma_start3A_86 = tpu.memref_slice %arg5[%arg0, %add3A_79, %dma_start3A_85] : memref<2x1280x128xi32, #tpu.memory_space<hbm>> -> memref<1x1x128xi32, #tpu.memory_space<hbm>>
          %dma_start3A_87 = tpu.memref_squeeze %dma_start3A_86 : memref<1x1x128xi32, #tpu.memory_space<hbm>> -> memref<128xi32, #tpu.memory_space<hbm>>
          %dma_start3A_88 = arith.constant 0 : i32
          %dma_start3A_89 = tpu.memref_slice %arg5[%arg0, %add3A_79, %dma_start3A_88] : memref<2x1280x128xi32, #tpu.memory_space<hbm>> -> memref<1x1x128xi32, #tpu.memory_space<hbm>>
          %dma_start3A_90 = tpu.memref_squeeze %dma_start3A_89 : memref<1x1x128xi32, #tpu.memory_space<hbm>> -> memref<128xi32, #tpu.memory_space<hbm>>
          tpu.enqueue_dma source(%dma_start3A_90 : memref<128xi32, #tpu.memory_space<hbm>>) target(%arg10 : memref<128xi32, #tpu.memory_space<vmem>>) target_semaphore(%run_scoped3A : memref<!tpu.dma_semaphore, #tpu.memory_space<semaphore_mem>>)
          %dma_wait3A_91 = arith.constant 0 : i32
          %dma_wait3A_92 = tpu.memref_slice %arg5[%arg0, %add3A_79, %dma_wait3A_91] : memref<2x1280x128xi32, #tpu.memory_space<hbm>> -> memref<1x1x128xi32, #tpu.memory_space<hbm>>
          %dma_wait3A_93 = tpu.memref_squeeze %dma_wait3A_92 : memref<1x1x128xi32, #tpu.memory_space<hbm>> -> memref<128xi32, #tpu.memory_space<hbm>>
          %dma_wait3A_94 = arith.constant 0 : i32
          %dma_wait3A_95 = tpu.memref_slice %arg5[%arg0, %add3A_79, %dma_wait3A_94] : memref<2x1280x128xi32, #tpu.memory_space<hbm>> -> memref<1x1x128xi32, #tpu.memory_space<hbm>>
          %dma_wait3A_96 = tpu.memref_squeeze %dma_wait3A_95 : memref<1x1x128xi32, #tpu.memory_space<hbm>> -> memref<128xi32, #tpu.memory_space<hbm>>
          tpu.wait_dma2 semaphore(%run_scoped3A : memref<!tpu.dma_semaphore, #tpu.memory_space<semaphore_mem>>) src(%dma_wait3A_96 : memref<128xi32, #tpu.memory_space<hbm>>) dst(%arg10 : memref<128xi32, #tpu.memory_space<vmem>>)
          tpu.yield
        }) : () -> ()
        %mul3A_80 = arith.constant 2000 : i32
        %mul3A_81 = arith.muli %add3A_79, %mul3A_80 : i32
        "tpu.region"() ({
          %run_scoped3A = tpu.sem_alloc : memref<!tpu.dma_semaphore, #tpu.memory_space<semaphore_mem>>
          %dma_start3A_85 = tpu.memref_slice %arg3[%mul3A_81] : memref<2560000xf32, #tpu.memory_space<hbm>> -> memref<2000xf32, #tpu.memory_space<hbm>>
          %dma_start3A_86 = tpu.memref_slice %arg3[%mul3A_81] : memref<2560000xf32, #tpu.memory_space<hbm>> -> memref<2000xf32, #tpu.memory_space<hbm>>
          tpu.enqueue_dma source(%dma_start3A_86 : memref<2000xf32, #tpu.memory_space<hbm>>) target(%arg12 : memref<2000xf32, #tpu.memory_space<vmem>>) target_semaphore(%run_scoped3A : memref<!tpu.dma_semaphore, #tpu.memory_space<semaphore_mem>>)
          %dma_wait3A_87 = tpu.memref_slice %arg3[%mul3A_81] : memref<2560000xf32, #tpu.memory_space<hbm>> -> memref<2000xf32, #tpu.memory_space<hbm>>
          %dma_wait3A_88 = tpu.memref_slice %arg3[%mul3A_81] : memref<2560000xf32, #tpu.memory_space<hbm>> -> memref<2000xf32, #tpu.memory_space<hbm>>
          tpu.wait_dma2 semaphore(%run_scoped3A : memref<!tpu.dma_semaphore, #tpu.memory_space<semaphore_mem>>) src(%dma_wait3A_88 : memref<2000xf32, #tpu.memory_space<hbm>>) dst(%arg12 : memref<2000xf32, #tpu.memory_space<vmem>>)
          tpu.yield
        }) : () -> ()
        %dma_start3A_82 = arith.constant 0 : i32
        %dma_start3A_83 = arith.constant 0 : i32
        %dma_start3A_84 = tpu.memref_slice %arg2[%dma_start3A_82, %dma_start3A_83] : memref<10112x128xf32, #tpu.memory_space<hbm>> -> memref<10112x128xf32, #tpu.memory_space<hbm>>
        tpu.enqueue_indirect_dma source(%dma_start3A_84 : memref<10112x128xf32, #tpu.memory_space<hbm>>) target(%arg14 : memref<128x128xf32, #tpu.memory_space<vmem>>) offsets(%arg8 : memref<128xi32, #tpu.memory_space<vmem>>) semaphore(%arg17 : memref<!tpu.dma_semaphore, #tpu.memory_space<semaphore_mem>>)
      } else {
      }
      %dma_start3A_72 = arith.constant 0 : i32
      %dma_start3A_73 = arith.constant 0 : i32
      %dma_start3A_74 = tpu.memref_slice %arg16[%dma_start3A_72, %dma_start3A_73] : memref<5120x128xf32, #tpu.memory_space<vmem_shared>> -> memref<5120x128xf32, #tpu.memory_space<vmem_shared>>
      tpu.enqueue_indirect_dma source(%arg15 : memref<128x128xf32, #tpu.memory_space<vmem>>) target(%dma_start3A_74 : memref<5120x128xf32, #tpu.memory_space<vmem_shared>>) offsets(%arg11 : memref<128xi32, #tpu.memory_space<vmem>>) semaphore(%arg20 : memref<!tpu.dma_semaphore, #tpu.memory_space<semaphore_mem>>) {add = true}
    }
    %scan3A_14 = arith.constant 40 : i32
    %dma_wait3A = arith.constant 0 : i32
    %dma_wait3A_15 = arith.constant 0 : i32
    %dma_wait3A_16 = tpu.memref_slice %arg16[%dma_wait3A, %dma_wait3A_15] : memref<5120x128xf32, #tpu.memory_space<vmem_shared>> -> memref<5120x128xf32, #tpu.memory_space<vmem_shared>>
    tpu.wait_indirect_dma semaphore(%arg20 : memref<!tpu.dma_semaphore, #tpu.memory_space<semaphore_mem>>) src(%arg15 : memref<128x128xf32, #tpu.memory_space<vmem>>) dst(%dma_wait3A_16 : memref<5120x128xf32, #tpu.memory_space<vmem_shared>>)
    %barrier3A_17 = arith.constant 0 : index
    tpu.barrier barrier_id(%barrier3A_17)
    %mul3A_18 = arith.constant 320 : i32
    %mul3A_19 = arith.muli %arg1, %mul3A_18 : i32
    %mul3A_20 = arith.constant 320 : i32
    %mul3A_21 = arith.muli %arg1, %mul3A_20 : i32
    "tpu.region"() ({
      %run_scoped3A = tpu.sem_alloc : memref<!tpu.dma_semaphore, #tpu.memory_space<semaphore_mem>>
      %dma_start3A_22 = arith.constant 0 : i32
      %dma_start3A_23 = tpu.memref_slice %arg7[%arg0, %mul3A_21, %dma_start3A_22] : memref<2x5120x128xf32, #tpu.memory_space<hbm>> -> memref<1x320x128xf32, #tpu.memory_space<hbm>>
      %dma_start3A_24 = tpu.memref_squeeze %dma_start3A_23 : memref<1x320x128xf32, #tpu.memory_space<hbm>> -> memref<320x128xf32, #tpu.memory_space<hbm>>
      %dma_start3A_25 = arith.constant 0 : i32
      %dma_start3A_26 = tpu.memref_slice %arg16[%mul3A_19, %dma_start3A_25] : memref<5120x128xf32, #tpu.memory_space<vmem_shared>> -> memref<320x128xf32, #tpu.memory_space<vmem_shared>>
      tpu.enqueue_dma source(%dma_start3A_26 : memref<320x128xf32, #tpu.memory_space<vmem_shared>>) target(%dma_start3A_24 : memref<320x128xf32, #tpu.memory_space<hbm>>) target_semaphore(%run_scoped3A : memref<!tpu.dma_semaphore, #tpu.memory_space<semaphore_mem>>)
      %dma_wait3A_27 = arith.constant 0 : i32
      %dma_wait3A_28 = tpu.memref_slice %arg7[%arg0, %mul3A_21, %dma_wait3A_27] : memref<2x5120x128xf32, #tpu.memory_space<hbm>> -> memref<1x320x128xf32, #tpu.memory_space<hbm>>
      %dma_wait3A_29 = tpu.memref_squeeze %dma_wait3A_28 : memref<1x320x128xf32, #tpu.memory_space<hbm>> -> memref<320x128xf32, #tpu.memory_space<hbm>>
      %dma_wait3A_30 = arith.constant 0 : i32
      %dma_wait3A_31 = tpu.memref_slice %arg16[%mul3A_19, %dma_wait3A_30] : memref<5120x128xf32, #tpu.memory_space<vmem_shared>> -> memref<320x128xf32, #tpu.memory_space<vmem_shared>>
      tpu.wait_dma2 semaphore(%run_scoped3A : memref<!tpu.dma_semaphore, #tpu.memory_space<semaphore_mem>>) src(%dma_wait3A_31 : memref<320x128xf32, #tpu.memory_space<vmem_shared>>) dst(%dma_wait3A_29 : memref<320x128xf32, #tpu.memory_space<hbm>>)
      tpu.yield
    }) : () -> ()
    return
  }
}

#map = affine_map<(d0, d1) -> (0)>
#map1 = affine_map<(d0, d1) -> (0, 0, 0)>
#map2 = affine_map<(d0, d1) -> (0, 0)>
module attributes {stable_mosaic.version = 14 : i64} {
  func.func @_deg_body(%arg0: i32, %arg1: i32, %arg2: memref<2560000xf32, #tpu.memory_space<hbm>>, %arg3: memref<2x1280x128xi32, #tpu.memory_space<hbm>>, %arg4: memref<10112x128xf32, #tpu.memory_space<hbm>>, %arg5: memref<2x5120x128xf32, #tpu.memory_space<hbm>>, %arg6: memref<128xi32, #tpu.memory_space<vmem>>, %arg7: memref<2000xf32, #tpu.memory_space<vmem>>, %arg8: memref<128x128xf32, #tpu.memory_space<vmem>>, %arg9: memref<5120x128xf32, #tpu.memory_space<vmem_shared>>, %arg10: memref<!tpu.dma_semaphore, #tpu.memory_space<semaphore_mem>>) attributes {dimension_semantics = [#tpu.dimension_semantics<core_parallel>, #tpu.dimension_semantics<subcore_parallel>], iteration_bounds = array<i64: 2, 16>, scalar_prefetch = 0 : i64, scratch_operands = 5 : i64, tpu.core_type = #tpu.core_type<sc_vector_subcore>, window_params = [{transform_indices = #map}, {transform_indices = #map1}, {transform_indices = #map2}, {transform_indices = #map1}]} {
    %mul3A = arith.constant 320 : i32
    %mul3A_0 = arith.muli %arg1, %mul3A : i32
    %mul3A_1 = arith.constant 320 : i32
    %mul3A_2 = arith.muli %arg1, %mul3A_1 : i32
    "tpu.region"() ({
      %run_scoped3A = tpu.sem_alloc : memref<!tpu.dma_semaphore, #tpu.memory_space<semaphore_mem>>
      %dma_start3A = arith.constant 0 : i32
      %dma_start3A_13 = tpu.memref_slice %arg9[%mul3A_2, %dma_start3A] : memref<5120x128xf32, #tpu.memory_space<vmem_shared>> -> memref<320x128xf32, #tpu.memory_space<vmem_shared>>
      %dma_start3A_14 = arith.constant 0 : i32
      %dma_start3A_15 = tpu.memref_slice %arg4[%mul3A_0, %dma_start3A_14] : memref<10112x128xf32, #tpu.memory_space<hbm>> -> memref<320x128xf32, #tpu.memory_space<hbm>>
      tpu.enqueue_dma source(%dma_start3A_15 : memref<320x128xf32, #tpu.memory_space<hbm>>) target(%dma_start3A_13 : memref<320x128xf32, #tpu.memory_space<vmem_shared>>) target_semaphore(%run_scoped3A : memref<!tpu.dma_semaphore, #tpu.memory_space<semaphore_mem>>)
      %dma_wait3A = arith.constant 0 : i32
      %dma_wait3A_16 = tpu.memref_slice %arg9[%mul3A_2, %dma_wait3A] : memref<5120x128xf32, #tpu.memory_space<vmem_shared>> -> memref<320x128xf32, #tpu.memory_space<vmem_shared>>
      %dma_wait3A_17 = arith.constant 0 : i32
      %dma_wait3A_18 = tpu.memref_slice %arg4[%mul3A_0, %dma_wait3A_17] : memref<10112x128xf32, #tpu.memory_space<hbm>> -> memref<320x128xf32, #tpu.memory_space<hbm>>
      tpu.wait_dma2 semaphore(%run_scoped3A : memref<!tpu.dma_semaphore, #tpu.memory_space<semaphore_mem>>) src(%dma_wait3A_18 : memref<320x128xf32, #tpu.memory_space<hbm>>) dst(%dma_wait3A_16 : memref<320x128xf32, #tpu.memory_space<vmem_shared>>)
      tpu.yield
    }) : () -> ()
    "tpu.region"() ({
      %run_scoped3A = tpu.sem_alloc : memref<!tpu.dma_semaphore, #tpu.memory_space<semaphore_mem>>
      %dma_start3A = arith.constant 0 : i32
      %dma_start3A_13 = arith.constant 0 : i32
      %dma_start3A_14 = tpu.memref_slice %arg4[%dma_start3A, %dma_start3A_13] : memref<10112x128xf32, #tpu.memory_space<hbm>> -> memref<128x128xf32, #tpu.memory_space<hbm>>
      %dma_start3A_15 = arith.constant 0 : i32
      %dma_start3A_16 = arith.constant 0 : i32
      %dma_start3A_17 = tpu.memref_slice %arg4[%dma_start3A_15, %dma_start3A_16] : memref<10112x128xf32, #tpu.memory_space<hbm>> -> memref<128x128xf32, #tpu.memory_space<hbm>>
      tpu.enqueue_dma source(%dma_start3A_17 : memref<128x128xf32, #tpu.memory_space<hbm>>) target(%arg8 : memref<128x128xf32, #tpu.memory_space<vmem>>) target_semaphore(%run_scoped3A : memref<!tpu.dma_semaphore, #tpu.memory_space<semaphore_mem>>)
      %dma_wait3A = arith.constant 0 : i32
      %dma_wait3A_18 = arith.constant 0 : i32
      %dma_wait3A_19 = tpu.memref_slice %arg4[%dma_wait3A, %dma_wait3A_18] : memref<10112x128xf32, #tpu.memory_space<hbm>> -> memref<128x128xf32, #tpu.memory_space<hbm>>
      %dma_wait3A_20 = arith.constant 0 : i32
      %dma_wait3A_21 = arith.constant 0 : i32
      %dma_wait3A_22 = tpu.memref_slice %arg4[%dma_wait3A_20, %dma_wait3A_21] : memref<10112x128xf32, #tpu.memory_space<hbm>> -> memref<128x128xf32, #tpu.memory_space<hbm>>
      tpu.wait_dma2 semaphore(%run_scoped3A : memref<!tpu.dma_semaphore, #tpu.memory_space<semaphore_mem>>) src(%dma_wait3A_22 : memref<128x128xf32, #tpu.memory_space<hbm>>) dst(%arg8 : memref<128x128xf32, #tpu.memory_space<vmem>>)
      tpu.yield
    }) : () -> ()
    %barrier3A = arith.constant 0 : index
    tpu.barrier barrier_id(%barrier3A)
    %scan3A = arith.constant 0 : i32
    %scan3A_3 = arith.constant 0 : i32
    %scan3A_4 = arith.constant 80 : i32
    %scan3A_5 = arith.addi %scan3A_3, %scan3A_4 : i32
    %scan3A_6 = arith.constant 1 : i32
    scf.for %scan3A_13 = %scan3A_3 to %scan3A_5 step %scan3A_6  : i32 {
      %mul3A_14 = arith.constant 80 : i32
      %mul3A_15 = arith.muli %arg1, %mul3A_14 : i32
      %add3A = arith.addi %mul3A_15, %scan3A_13 : i32
      "tpu.region"() ({
        %run_scoped3A = tpu.sem_alloc : memref<!tpu.dma_semaphore, #tpu.memory_space<semaphore_mem>>
        %dma_start3A = arith.constant 0 : i32
        %dma_start3A_24 = tpu.memref_slice %arg3[%arg0, %add3A, %dma_start3A] : memref<2x1280x128xi32, #tpu.memory_space<hbm>> -> memref<1x1x128xi32, #tpu.memory_space<hbm>>
        %dma_start3A_25 = tpu.memref_squeeze %dma_start3A_24 : memref<1x1x128xi32, #tpu.memory_space<hbm>> -> memref<128xi32, #tpu.memory_space<hbm>>
        %dma_start3A_26 = arith.constant 0 : i32
        %dma_start3A_27 = tpu.memref_slice %arg3[%arg0, %add3A, %dma_start3A_26] : memref<2x1280x128xi32, #tpu.memory_space<hbm>> -> memref<1x1x128xi32, #tpu.memory_space<hbm>>
        %dma_start3A_28 = tpu.memref_squeeze %dma_start3A_27 : memref<1x1x128xi32, #tpu.memory_space<hbm>> -> memref<128xi32, #tpu.memory_space<hbm>>
        tpu.enqueue_dma source(%dma_start3A_28 : memref<128xi32, #tpu.memory_space<hbm>>) target(%arg6 : memref<128xi32, #tpu.memory_space<vmem>>) target_semaphore(%run_scoped3A : memref<!tpu.dma_semaphore, #tpu.memory_space<semaphore_mem>>)
        %dma_wait3A = arith.constant 0 : i32
        %dma_wait3A_29 = tpu.memref_slice %arg3[%arg0, %add3A, %dma_wait3A] : memref<2x1280x128xi32, #tpu.memory_space<hbm>> -> memref<1x1x128xi32, #tpu.memory_space<hbm>>
        %dma_wait3A_30 = tpu.memref_squeeze %dma_wait3A_29 : memref<1x1x128xi32, #tpu.memory_space<hbm>> -> memref<128xi32, #tpu.memory_space<hbm>>
        %dma_wait3A_31 = arith.constant 0 : i32
        %dma_wait3A_32 = tpu.memref_slice %arg3[%arg0, %add3A, %dma_wait3A_31] : memref<2x1280x128xi32, #tpu.memory_space<hbm>> -> memref<1x1x128xi32, #tpu.memory_space<hbm>>
        %dma_wait3A_33 = tpu.memref_squeeze %dma_wait3A_32 : memref<1x1x128xi32, #tpu.memory_space<hbm>> -> memref<128xi32, #tpu.memory_space<hbm>>
        tpu.wait_dma2 semaphore(%run_scoped3A : memref<!tpu.dma_semaphore, #tpu.memory_space<semaphore_mem>>) src(%dma_wait3A_33 : memref<128xi32, #tpu.memory_space<hbm>>) dst(%arg6 : memref<128xi32, #tpu.memory_space<vmem>>)
        tpu.yield
      }) : () -> ()
      %mul3A_16 = arith.constant 2000 : i32
      %mul3A_17 = arith.muli %add3A, %mul3A_16 : i32
      "tpu.region"() ({
        %run_scoped3A = tpu.sem_alloc : memref<!tpu.dma_semaphore, #tpu.memory_space<semaphore_mem>>
        %dma_start3A = tpu.memref_slice %arg2[%mul3A_17] : memref<2560000xf32, #tpu.memory_space<hbm>> -> memref<2000xf32, #tpu.memory_space<hbm>>
        %dma_start3A_24 = tpu.memref_slice %arg2[%mul3A_17] : memref<2560000xf32, #tpu.memory_space<hbm>> -> memref<2000xf32, #tpu.memory_space<hbm>>
        tpu.enqueue_dma source(%dma_start3A_24 : memref<2000xf32, #tpu.memory_space<hbm>>) target(%arg7 : memref<2000xf32, #tpu.memory_space<vmem>>) target_semaphore(%run_scoped3A : memref<!tpu.dma_semaphore, #tpu.memory_space<semaphore_mem>>)
        %dma_wait3A = tpu.memref_slice %arg2[%mul3A_17] : memref<2560000xf32, #tpu.memory_space<hbm>> -> memref<2000xf32, #tpu.memory_space<hbm>>
        %dma_wait3A_25 = tpu.memref_slice %arg2[%mul3A_17] : memref<2560000xf32, #tpu.memory_space<hbm>> -> memref<2000xf32, #tpu.memory_space<hbm>>
        tpu.wait_dma2 semaphore(%run_scoped3A : memref<!tpu.dma_semaphore, #tpu.memory_space<semaphore_mem>>) src(%dma_wait3A_25 : memref<2000xf32, #tpu.memory_space<hbm>>) dst(%arg7 : memref<2000xf32, #tpu.memory_space<vmem>>)
        tpu.yield
      }) : () -> ()
      %scan3A_18 = arith.constant 0 : i32
      %scan3A_19 = arith.constant 0 : i32
      %scan3A_20 = arith.constant 125 : i32
      %scan3A_21 = arith.addi %scan3A_19, %scan3A_20 : i32
      %scan3A_22 = arith.constant 1 : i32
      scf.for %scan3A_24 = %scan3A_19 to %scan3A_21 step %scan3A_22  : i32 {
        %mul3A_25 = arith.constant 16 : i32
        %mul3A_26 = arith.muli %scan3A_24, %mul3A_25 : i32
        %get3A = arith.index_cast %mul3A_26 : i32 to index
        %get3A_27 = tpu.vector_load %arg7[%get3A] {strides = array<i32>} : memref<2000xf32, #tpu.memory_space<vmem>>, vector<16xf32>,
        %get3A_28 = vector.shape_cast %get3A_27 : vector<16xf32> to vector<16xf32>
        %broadcast_in_dim3A = arith.constant 0 : i32
        %broadcast_in_dim3A_29 = vector.broadcast %broadcast_in_dim3A : i32 to vector<16xi32>
        %lt3A = arith.constant 0 : i32
        %lt3A_30 = vector.broadcast %lt3A : i32 to vector<16xi32>
        %lt3A_31 = arith.cmpi slt, %broadcast_in_dim3A_29, %lt3A_30 : vector<16xi32>
        %add3A_32 = arith.constant 16 : i32
        %add3A_33 = vector.broadcast %add3A_32 : i32 to vector<16xi32>
        %add3A_34 = arith.addi %broadcast_in_dim3A_29, %add3A_33 : vector<16xi32>
        %select_n3A = arith.select %lt3A_31, %add3A_34, %broadcast_in_dim3A_29 : vector<16xi1>, vector<16xi32>
        %broadcast_in_dim3A_35 = vector.shape_cast %select_n3A : vector<16xi32> to vector<16x1xi32>
        %gather3A = vector.shape_cast %broadcast_in_dim3A_35 : vector<16x1xi32> to vector<16xi32>
        %gather3A_36 = tpu.dynamic_gather %get3A_28[%gather3A] in [0] : vector<16xf32>, vector<16xi32> -> vector<16xf32>
        %broadcast_in_dim3A_37 = arith.constant 1 : i32
        %broadcast_in_dim3A_38 = vector.broadcast %broadcast_in_dim3A_37 : i32 to vector<16xi32>
        %lt3A_39 = arith.constant 0 : i32
        %lt3A_40 = vector.broadcast %lt3A_39 : i32 to vector<16xi32>
        %lt3A_41 = arith.cmpi slt, %broadcast_in_dim3A_38, %lt3A_40 : vector<16xi32>
        %add3A_42 = arith.constant 16 : i32
        %add3A_43 = vector.broadcast %add3A_42 : i32 to vector<16xi32>
        %add3A_44 = arith.addi %broadcast_in_dim3A_38, %add3A_43 : vector<16xi32>
        %select_n3A_45 = arith.select %lt3A_41, %add3A_44, %broadcast_in_dim3A_38 : vector<16xi1>, vector<16xi32>
        %broadcast_in_dim3A_46 = vector.shape_cast %select_n3A_45 : vector<16xi32> to vector<16x1xi32>
        %gather3A_47 = vector.shape_cast %broadcast_in_dim3A_46 : vector<16x1xi32> to vector<16xi32>
        %gather3A_48 = tpu.dynamic_gather %get3A_28[%gather3A_47] in [0] : vector<16xf32>, vector<16xi32> -> vector<16xf32>
        %broadcast_in_dim3A_49 = arith.constant 2 : i32
        %broadcast_in_dim3A_50 = vector.broadcast %broadcast_in_dim3A_49 : i32 to vector<16xi32>
        %lt3A_51 = arith.constant 0 : i32
        %lt3A_52 = vector.broadcast %lt3A_51 : i32 to vector<16xi32>
        %lt3A_53 = arith.cmpi slt, %broadcast_in_dim3A_50, %lt3A_52 : vector<16xi32>
        %add3A_54 = arith.constant 16 : i32
        %add3A_55 = vector.broadcast %add3A_54 : i32 to vector<16xi32>
        %add3A_56 = arith.addi %broadcast_in_dim3A_50, %add3A_55 : vector<16xi32>
        %select_n3A_57 = arith.select %lt3A_53, %add3A_56, %broadcast_in_dim3A_50 : vector<16xi1>, vector<16xi32>
        %broadcast_in_dim3A_58 = vector.shape_cast %select_n3A_57 : vector<16xi32> to vector<16x1xi32>
        %gather3A_59 = vector.shape_cast %broadcast_in_dim3A_58 : vector<16x1xi32> to vector<16xi32>
        %gather3A_60 = tpu.dynamic_gather %get3A_28[%gather3A_59] in [0] : vector<16xf32>, vector<16xi32> -> vector<16xf32>
        %broadcast_in_dim3A_61 = arith.constant 3 : i32
        %broadcast_in_dim3A_62 = vector.broadcast %broadcast_in_dim3A_61 : i32 to vector<16xi32>
        %lt3A_63 = arith.constant 0 : i32
        %lt3A_64 = vector.broadcast %lt3A_63 : i32 to vector<16xi32>
        %lt3A_65 = arith.cmpi slt, %broadcast_in_dim3A_62, %lt3A_64 : vector<16xi32>
        %add3A_66 = arith.constant 16 : i32
        %add3A_67 = vector.broadcast %add3A_66 : i32 to vector<16xi32>
        %add3A_68 = arith.addi %broadcast_in_dim3A_62, %add3A_67 : vector<16xi32>
        %select_n3A_69 = arith.select %lt3A_65, %add3A_68, %broadcast_in_dim3A_62 : vector<16xi1>, vector<16xi32>
        %broadcast_in_dim3A_70 = vector.shape_cast %select_n3A_69 : vector<16xi32> to vector<16x1xi32>
        %gather3A_71 = vector.shape_cast %broadcast_in_dim3A_70 : vector<16x1xi32> to vector<16xi32>
        %gather3A_72 = tpu.dynamic_gather %get3A_28[%gather3A_71] in [0] : vector<16xf32>, vector<16xi32> -> vector<16xf32>
        %get3A_73 = arith.index_cast %scan3A_24 : i32 to index
        %get3A_74 = arith.constant 0 : index
        %get3A_75 = tpu.vector_load %arg8[%get3A_73, %get3A_74] {strides = array<i32>} : memref<128x128xf32, #tpu.memory_space<vmem>>, vector<1x16xf32>,
        %get3A_76 = vector.shape_cast %get3A_75 : vector<1x16xf32> to vector<16xf32>
        %mul3A_77 = arith.constant 0.000000e+00 : f32
        %mul3A_78 = vector.broadcast %mul3A_77 : f32 to vector<16xf32>
        %mul3A_79 = arith.mulf %get3A_76, %mul3A_78 : vector<16xf32>
        %add3A_80 = arith.addf %mul3A_79, %gather3A_36 : vector<16xf32>
        %swap3A = arith.index_cast %scan3A_24 : i32 to index
        %swap3A_81 = arith.constant 0 : index
        %swap3A_82 = tpu.vector_load %arg8[%swap3A, %swap3A_81] {strides = array<i32>} : memref<128x128xf32, #tpu.memory_space<vmem>>, vector<1x16xf32>,
        %swap3A_83 = vector.shape_cast %swap3A_82 : vector<1x16xf32> to vector<16xf32>
        %swap3A_84 = vector.shape_cast %add3A_80 : vector<16xf32> to vector<1x16xf32>
        tpu.vector_store %arg8[%swap3A, %swap3A_81], %swap3A_84 {strides = array<i32>} : memref<128x128xf32, #tpu.memory_space<vmem>>, vector<1x16xf32>,
        %get3A_85 = arith.index_cast %scan3A_24 : i32 to index
        %get3A_86 = arith.constant 16 : index
        %get3A_87 = tpu.vector_load %arg8[%get3A_85, %get3A_86] {strides = array<i32>} : memref<128x128xf32, #tpu.memory_space<vmem>>, vector<1x16xf32>,
        %get3A_88 = vector.shape_cast %get3A_87 : vector<1x16xf32> to vector<16xf32>
        %mul3A_89 = arith.constant 0.000000e+00 : f32
        %mul3A_90 = vector.broadcast %mul3A_89 : f32 to vector<16xf32>
        %mul3A_91 = arith.mulf %get3A_88, %mul3A_90 : vector<16xf32>
        %add3A_92 = arith.addf %mul3A_91, %gather3A_36 : vector<16xf32>
        %swap3A_93 = arith.index_cast %scan3A_24 : i32 to index
        %swap3A_94 = arith.constant 16 : index
        %swap3A_95 = tpu.vector_load %arg8[%swap3A_93, %swap3A_94] {strides = array<i32>} : memref<128x128xf32, #tpu.memory_space<vmem>>, vector<1x16xf32>,
        %swap3A_96 = vector.shape_cast %swap3A_95 : vector<1x16xf32> to vector<16xf32>
        %swap3A_97 = vector.shape_cast %add3A_92 : vector<16xf32> to vector<1x16xf32>
        tpu.vector_store %arg8[%swap3A_93, %swap3A_94], %swap3A_97 {strides = array<i32>} : memref<128x128xf32, #tpu.memory_space<vmem>>, vector<1x16xf32>,
        %get3A_98 = arith.index_cast %scan3A_24 : i32 to index
        %get3A_99 = arith.constant 32 : index
        %get3A_100 = tpu.vector_load %arg8[%get3A_98, %get3A_99] {strides = array<i32>} : memref<128x128xf32, #tpu.memory_space<vmem>>, vector<1x16xf32>,
        %get3A_101 = vector.shape_cast %get3A_100 : vector<1x16xf32> to vector<16xf32>
        %mul3A_102 = arith.constant 0.000000e+00 : f32
        %mul3A_103 = vector.broadcast %mul3A_102 : f32 to vector<16xf32>
        %mul3A_104 = arith.mulf %get3A_101, %mul3A_103 : vector<16xf32>
        %add3A_105 = arith.addf %mul3A_104, %gather3A_48 : vector<16xf32>
        %swap3A_106 = arith.index_cast %scan3A_24 : i32 to index
        %swap3A_107 = arith.constant 32 : index
        %swap3A_108 = tpu.vector_load %arg8[%swap3A_106, %swap3A_107] {strides = array<i32>} : memref<128x128xf32, #tpu.memory_space<vmem>>, vector<1x16xf32>,
        %swap3A_109 = vector.shape_cast %swap3A_108 : vector<1x16xf32> to vector<16xf32>
        %swap3A_110 = vector.shape_cast %add3A_105 : vector<16xf32> to vector<1x16xf32>
        tpu.vector_store %arg8[%swap3A_106, %swap3A_107], %swap3A_110 {strides = array<i32>} : memref<128x128xf32, #tpu.memory_space<vmem>>, vector<1x16xf32>,
        %get3A_111 = arith.index_cast %scan3A_24 : i32 to index
        %get3A_112 = arith.constant 48 : index
        %get3A_113 = tpu.vector_load %arg8[%get3A_111, %get3A_112] {strides = array<i32>} : memref<128x128xf32, #tpu.memory_space<vmem>>, vector<1x16xf32>,
        %get3A_114 = vector.shape_cast %get3A_113 : vector<1x16xf32> to vector<16xf32>
        %mul3A_115 = arith.constant 0.000000e+00 : f32
        %mul3A_116 = vector.broadcast %mul3A_115 : f32 to vector<16xf32>
        %mul3A_117 = arith.mulf %get3A_114, %mul3A_116 : vector<16xf32>
        %add3A_118 = arith.addf %mul3A_117, %gather3A_48 : vector<16xf32>
        %swap3A_119 = arith.index_cast %scan3A_24 : i32 to index
        %swap3A_120 = arith.constant 48 : index
        %swap3A_121 = tpu.vector_load %arg8[%swap3A_119, %swap3A_120] {strides = array<i32>} : memref<128x128xf32, #tpu.memory_space<vmem>>, vector<1x16xf32>,
        %swap3A_122 = vector.shape_cast %swap3A_121 : vector<1x16xf32> to vector<16xf32>
        %swap3A_123 = vector.shape_cast %add3A_118 : vector<16xf32> to vector<1x16xf32>
        tpu.vector_store %arg8[%swap3A_119, %swap3A_120], %swap3A_123 {strides = array<i32>} : memref<128x128xf32, #tpu.memory_space<vmem>>, vector<1x16xf32>,
        %get3A_124 = arith.index_cast %scan3A_24 : i32 to index
        %get3A_125 = arith.constant 64 : index
        %get3A_126 = tpu.vector_load %arg8[%get3A_124, %get3A_125] {strides = array<i32>} : memref<128x128xf32, #tpu.memory_space<vmem>>, vector<1x16xf32>,
        %get3A_127 = vector.shape_cast %get3A_126 : vector<1x16xf32> to vector<16xf32>
        %mul3A_128 = arith.constant 0.000000e+00 : f32
        %mul3A_129 = vector.broadcast %mul3A_128 : f32 to vector<16xf32>
        %mul3A_130 = arith.mulf %get3A_127, %mul3A_129 : vector<16xf32>
        %add3A_131 = arith.addf %mul3A_130, %gather3A_60 : vector<16xf32>
        %swap3A_132 = arith.index_cast %scan3A_24 : i32 to index
        %swap3A_133 = arith.constant 64 : index
        %swap3A_134 = tpu.vector_load %arg8[%swap3A_132, %swap3A_133] {strides = array<i32>} : memref<128x128xf32, #tpu.memory_space<vmem>>, vector<1x16xf32>,
        %swap3A_135 = vector.shape_cast %swap3A_134 : vector<1x16xf32> to vector<16xf32>
        %swap3A_136 = vector.shape_cast %add3A_131 : vector<16xf32> to vector<1x16xf32>
        tpu.vector_store %arg8[%swap3A_132, %swap3A_133], %swap3A_136 {strides = array<i32>} : memref<128x128xf32, #tpu.memory_space<vmem>>, vector<1x16xf32>,
        %get3A_137 = arith.index_cast %scan3A_24 : i32 to index
        %get3A_138 = arith.constant 80 : index
        %get3A_139 = tpu.vector_load %arg8[%get3A_137, %get3A_138] {strides = array<i32>} : memref<128x128xf32, #tpu.memory_space<vmem>>, vector<1x16xf32>,
        %get3A_140 = vector.shape_cast %get3A_139 : vector<1x16xf32> to vector<16xf32>
        %mul3A_141 = arith.constant 0.000000e+00 : f32
        %mul3A_142 = vector.broadcast %mul3A_141 : f32 to vector<16xf32>
        %mul3A_143 = arith.mulf %get3A_140, %mul3A_142 : vector<16xf32>
        %add3A_144 = arith.addf %mul3A_143, %gather3A_60 : vector<16xf32>
        %swap3A_145 = arith.index_cast %scan3A_24 : i32 to index
        %swap3A_146 = arith.constant 80 : index
        %swap3A_147 = tpu.vector_load %arg8[%swap3A_145, %swap3A_146] {strides = array<i32>} : memref<128x128xf32, #tpu.memory_space<vmem>>, vector<1x16xf32>,
        %swap3A_148 = vector.shape_cast %swap3A_147 : vector<1x16xf32> to vector<16xf32>
        %swap3A_149 = vector.shape_cast %add3A_144 : vector<16xf32> to vector<1x16xf32>
        tpu.vector_store %arg8[%swap3A_145, %swap3A_146], %swap3A_149 {strides = array<i32>} : memref<128x128xf32, #tpu.memory_space<vmem>>, vector<1x16xf32>,
        %get3A_150 = arith.index_cast %scan3A_24 : i32 to index
        %get3A_151 = arith.constant 96 : index
        %get3A_152 = tpu.vector_load %arg8[%get3A_150, %get3A_151] {strides = array<i32>} : memref<128x128xf32, #tpu.memory_space<vmem>>, vector<1x16xf32>,
        %get3A_153 = vector.shape_cast %get3A_152 : vector<1x16xf32> to vector<16xf32>
        %mul3A_154 = arith.constant 0.000000e+00 : f32
        %mul3A_155 = vector.broadcast %mul3A_154 : f32 to vector<16xf32>
        %mul3A_156 = arith.mulf %get3A_153, %mul3A_155 : vector<16xf32>
        %add3A_157 = arith.addf %mul3A_156, %gather3A_72 : vector<16xf32>
        %swap3A_158 = arith.index_cast %scan3A_24 : i32 to index
        %swap3A_159 = arith.constant 96 : index
        %swap3A_160 = tpu.vector_load %arg8[%swap3A_158, %swap3A_159] {strides = array<i32>} : memref<128x128xf32, #tpu.memory_space<vmem>>, vector<1x16xf32>,
        %swap3A_161 = vector.shape_cast %swap3A_160 : vector<1x16xf32> to vector<16xf32>
        %swap3A_162 = vector.shape_cast %add3A_157 : vector<16xf32> to vector<1x16xf32>
        tpu.vector_store %arg8[%swap3A_158, %swap3A_159], %swap3A_162 {strides = array<i32>} : memref<128x128xf32, #tpu.memory_space<vmem>>, vector<1x16xf32>,
        %get3A_163 = arith.index_cast %scan3A_24 : i32 to index
        %get3A_164 = arith.constant 112 : index
        %get3A_165 = tpu.vector_load %arg8[%get3A_163, %get3A_164] {strides = array<i32>} : memref<128x128xf32, #tpu.memory_space<vmem>>, vector<1x16xf32>,
        %get3A_166 = vector.shape_cast %get3A_165 : vector<1x16xf32> to vector<16xf32>
        %mul3A_167 = arith.constant 0.000000e+00 : f32
        %mul3A_168 = vector.broadcast %mul3A_167 : f32 to vector<16xf32>
        %mul3A_169 = arith.mulf %get3A_166, %mul3A_168 : vector<16xf32>
        %add3A_170 = arith.addf %mul3A_169, %gather3A_72 : vector<16xf32>
        %swap3A_171 = arith.index_cast %scan3A_24 : i32 to index
        %swap3A_172 = arith.constant 112 : index
        %swap3A_173 = tpu.vector_load %arg8[%swap3A_171, %swap3A_172] {strides = array<i32>} : memref<128x128xf32, #tpu.memory_space<vmem>>, vector<1x16xf32>,
        %swap3A_174 = vector.shape_cast %swap3A_173 : vector<1x16xf32> to vector<16xf32>
        %swap3A_175 = vector.shape_cast %add3A_170 : vector<16xf32> to vector<1x16xf32>
        tpu.vector_store %arg8[%swap3A_171, %swap3A_172], %swap3A_175 {strides = array<i32>} : memref<128x128xf32, #tpu.memory_space<vmem>>, vector<1x16xf32>,
      }
      %scan3A_23 = arith.constant 125 : i32
      "tpu.region"() ({
        %run_scoped3A = tpu.sem_alloc : memref<!tpu.dma_semaphore, #tpu.memory_space<semaphore_mem>>
        %dma_start3A = arith.constant 0 : i32
        %dma_start3A_24 = arith.constant 0 : i32
        %dma_start3A_25 = tpu.memref_slice %arg9[%dma_start3A, %dma_start3A_24] : memref<5120x128xf32, #tpu.memory_space<vmem_shared>> -> memref<5120x128xf32, #tpu.memory_space<vmem_shared>>
        tpu.enqueue_indirect_dma source(%arg8 : memref<128x128xf32, #tpu.memory_space<vmem>>) target(%dma_start3A_25 : memref<5120x128xf32, #tpu.memory_space<vmem_shared>>) offsets(%arg6 : memref<128xi32, #tpu.memory_space<vmem>>) semaphore(%run_scoped3A : memref<!tpu.dma_semaphore, #tpu.memory_space<semaphore_mem>>) {add = true}
        %dma_wait3A = arith.constant 0 : i32
        %dma_wait3A_26 = arith.constant 0 : i32
        %dma_wait3A_27 = tpu.memref_slice %arg9[%dma_wait3A, %dma_wait3A_26] : memref<5120x128xf32, #tpu.memory_space<vmem_shared>> -> memref<5120x128xf32, #tpu.memory_space<vmem_shared>>
        tpu.wait_indirect_dma semaphore(%run_scoped3A : memref<!tpu.dma_semaphore, #tpu.memory_space<semaphore_mem>>) src(%arg8 : memref<128x128xf32, #tpu.memory_space<vmem>>) dst(%dma_wait3A_27 : memref<5120x128xf32, #tpu.memory_space<vmem_shared>>)
        tpu.yield
      }) : () -> ()
    }
    %scan3A_7 = arith.constant 80 : i32
    %barrier3A_8 = arith.constant 0 : index
    tpu.barrier barrier_id(%barrier3A_8)
    %mul3A_9 = arith.constant 320 : i32
    %mul3A_10 = arith.muli %arg1, %mul3A_9 : i32
    %mul3A_11 = arith.constant 320 : i32
    %mul3A_12 = arith.muli %arg1, %mul3A_11 : i32
    "tpu.region"() ({
      %run_scoped3A = tpu.sem_alloc : memref<!tpu.dma_semaphore, #tpu.memory_space<semaphore_mem>>
      %dma_start3A = arith.constant 0 : i32
      %dma_start3A_13 = tpu.memref_slice %arg5[%arg0, %mul3A_12, %dma_start3A] : memref<2x5120x128xf32, #tpu.memory_space<hbm>> -> memref<1x320x128xf32, #tpu.memory_space<hbm>>
      %dma_start3A_14 = tpu.memref_squeeze %dma_start3A_13 : memref<1x320x128xf32, #tpu.memory_space<hbm>> -> memref<320x128xf32, #tpu.memory_space<hbm>>
      %dma_start3A_15 = arith.constant 0 : i32
      %dma_start3A_16 = tpu.memref_slice %arg9[%mul3A_10, %dma_start3A_15] : memref<5120x128xf32, #tpu.memory_space<vmem_shared>> -> memref<320x128xf32, #tpu.memory_space<vmem_shared>>
      tpu.enqueue_dma source(%dma_start3A_16 : memref<320x128xf32, #tpu.memory_space<vmem_shared>>) target(%dma_start3A_14 : memref<320x128xf32, #tpu.memory_space<hbm>>) target_semaphore(%run_scoped3A : memref<!tpu.dma_semaphore, #tpu.memory_space<semaphore_mem>>)
      %dma_wait3A = arith.constant 0 : i32
      %dma_wait3A_17 = tpu.memref_slice %arg5[%arg0, %mul3A_12, %dma_wait3A] : memref<2x5120x128xf32, #tpu.memory_space<hbm>> -> memref<1x320x128xf32, #tpu.memory_space<hbm>>
      %dma_wait3A_18 = tpu.memref_squeeze %dma_wait3A_17 : memref<1x320x128xf32, #tpu.memory_space<hbm>> -> memref<320x128xf32, #tpu.memory_space<hbm>>
      %dma_wait3A_19 = arith.constant 0 : i32
      %dma_wait3A_20 = tpu.memref_slice %arg9[%mul3A_10, %dma_wait3A_19] : memref<5120x128xf32, #tpu.memory_space<vmem_shared>> -> memref<320x128xf32, #tpu.memory_space<vmem_shared>>
      tpu.wait_dma2 semaphore(%run_scoped3A : memref<!tpu.dma_semaphore, #tpu.memory_space<semaphore_mem>>) src(%dma_wait3A_20 : memref<320x128xf32, #tpu.memory_space<vmem_shared>>) dst(%dma_wait3A_18 : memref<320x128xf32, #tpu.memory_space<hbm>>)
      tpu.yield
    }) : () -> ()
    return
  }
}

#map = affine_map<(d0, d1) -> (0)>
#map1 = affine_map<(d0, d1) -> (0, 0, 0)>
#map2 = affine_map<(d0, d1) -> (0, 0)>
module attributes {stable_mosaic.version = 14 : i64} {
  func.func @_deg_body(%arg0: i32, %arg1: i32, %arg2: memref<2560000xf32, #tpu.memory_space<hbm>>, %arg3: memref<2x1280x128xi32, #tpu.memory_space<hbm>>, %arg4: memref<10112x128xf32, #tpu.memory_space<hbm>>, %arg5: memref<2x5120x128xf32, #tpu.memory_space<hbm>>, %arg6: memref<128xi32, #tpu.memory_space<vmem>>, %arg7: memref<2000xf32, #tpu.memory_space<vmem>>, %arg8: memref<128x128xf32, #tpu.memory_space<vmem>>, %arg9: memref<5120x128xf32, #tpu.memory_space<vmem_shared>>, %arg10: memref<!tpu.dma_semaphore, #tpu.memory_space<semaphore_mem>>) attributes {dimension_semantics = [#tpu.dimension_semantics<core_parallel>, #tpu.dimension_semantics<subcore_parallel>], iteration_bounds = array<i64: 2, 16>, scalar_prefetch = 0 : i64, scratch_operands = 5 : i64, tpu.core_type = #tpu.core_type<sc_vector_subcore>, window_params = [{transform_indices = #map}, {transform_indices = #map1}, {transform_indices = #map2}, {transform_indices = #map1}]} {
    %mul3A = arith.constant 320 : i32
    %mul3A_0 = arith.muli %arg1, %mul3A : i32
    %mul3A_1 = arith.constant 320 : i32
    %mul3A_2 = arith.muli %arg1, %mul3A_1 : i32
    "tpu.region"() ({
      %run_scoped3A = tpu.sem_alloc : memref<!tpu.dma_semaphore, #tpu.memory_space<semaphore_mem>>
      %dma_start3A = arith.constant 0 : i32
      %dma_start3A_13 = tpu.memref_slice %arg9[%mul3A_2, %dma_start3A] : memref<5120x128xf32, #tpu.memory_space<vmem_shared>> -> memref<320x128xf32, #tpu.memory_space<vmem_shared>>
      %dma_start3A_14 = arith.constant 0 : i32
      %dma_start3A_15 = tpu.memref_slice %arg4[%mul3A_0, %dma_start3A_14] : memref<10112x128xf32, #tpu.memory_space<hbm>> -> memref<320x128xf32, #tpu.memory_space<hbm>>
      tpu.enqueue_dma source(%dma_start3A_15 : memref<320x128xf32, #tpu.memory_space<hbm>>) target(%dma_start3A_13 : memref<320x128xf32, #tpu.memory_space<vmem_shared>>) target_semaphore(%run_scoped3A : memref<!tpu.dma_semaphore, #tpu.memory_space<semaphore_mem>>)
      %dma_wait3A = arith.constant 0 : i32
      %dma_wait3A_16 = tpu.memref_slice %arg9[%mul3A_2, %dma_wait3A] : memref<5120x128xf32, #tpu.memory_space<vmem_shared>> -> memref<320x128xf32, #tpu.memory_space<vmem_shared>>
      %dma_wait3A_17 = arith.constant 0 : i32
      %dma_wait3A_18 = tpu.memref_slice %arg4[%mul3A_0, %dma_wait3A_17] : memref<10112x128xf32, #tpu.memory_space<hbm>> -> memref<320x128xf32, #tpu.memory_space<hbm>>
      tpu.wait_dma2 semaphore(%run_scoped3A : memref<!tpu.dma_semaphore, #tpu.memory_space<semaphore_mem>>) src(%dma_wait3A_18 : memref<320x128xf32, #tpu.memory_space<hbm>>) dst(%dma_wait3A_16 : memref<320x128xf32, #tpu.memory_space<vmem_shared>>)
      tpu.yield
    }) : () -> ()
    "tpu.region"() ({
      %run_scoped3A = tpu.sem_alloc : memref<!tpu.dma_semaphore, #tpu.memory_space<semaphore_mem>>
      %dma_start3A = arith.constant 0 : i32
      %dma_start3A_13 = arith.constant 0 : i32
      %dma_start3A_14 = tpu.memref_slice %arg4[%dma_start3A, %dma_start3A_13] : memref<10112x128xf32, #tpu.memory_space<hbm>> -> memref<128x128xf32, #tpu.memory_space<hbm>>
      %dma_start3A_15 = arith.constant 0 : i32
      %dma_start3A_16 = arith.constant 0 : i32
      %dma_start3A_17 = tpu.memref_slice %arg4[%dma_start3A_15, %dma_start3A_16] : memref<10112x128xf32, #tpu.memory_space<hbm>> -> memref<128x128xf32, #tpu.memory_space<hbm>>
      tpu.enqueue_dma source(%dma_start3A_17 : memref<128x128xf32, #tpu.memory_space<hbm>>) target(%arg8 : memref<128x128xf32, #tpu.memory_space<vmem>>) target_semaphore(%run_scoped3A : memref<!tpu.dma_semaphore, #tpu.memory_space<semaphore_mem>>)
      %dma_wait3A = arith.constant 0 : i32
      %dma_wait3A_18 = arith.constant 0 : i32
      %dma_wait3A_19 = tpu.memref_slice %arg4[%dma_wait3A, %dma_wait3A_18] : memref<10112x128xf32, #tpu.memory_space<hbm>> -> memref<128x128xf32, #tpu.memory_space<hbm>>
      %dma_wait3A_20 = arith.constant 0 : i32
      %dma_wait3A_21 = arith.constant 0 : i32
      %dma_wait3A_22 = tpu.memref_slice %arg4[%dma_wait3A_20, %dma_wait3A_21] : memref<10112x128xf32, #tpu.memory_space<hbm>> -> memref<128x128xf32, #tpu.memory_space<hbm>>
      tpu.wait_dma2 semaphore(%run_scoped3A : memref<!tpu.dma_semaphore, #tpu.memory_space<semaphore_mem>>) src(%dma_wait3A_22 : memref<128x128xf32, #tpu.memory_space<hbm>>) dst(%arg8 : memref<128x128xf32, #tpu.memory_space<vmem>>)
      tpu.yield
    }) : () -> ()
    %barrier3A = arith.constant 0 : index
    tpu.barrier barrier_id(%barrier3A)
    %scan3A = arith.constant 0 : i32
    %scan3A_3 = arith.constant 0 : i32
    %scan3A_4 = arith.constant 80 : i32
    %scan3A_5 = arith.addi %scan3A_3, %scan3A_4 : i32
    %scan3A_6 = arith.constant 1 : i32
    scf.for %scan3A_13 = %scan3A_3 to %scan3A_5 step %scan3A_6  : i32 {
      %mul3A_14 = arith.constant 80 : i32
      %mul3A_15 = arith.muli %arg1, %mul3A_14 : i32
      %add3A = arith.addi %mul3A_15, %scan3A_13 : i32
      "tpu.region"() ({
        %run_scoped3A = tpu.sem_alloc : memref<!tpu.dma_semaphore, #tpu.memory_space<semaphore_mem>>
        %dma_start3A = arith.constant 0 : i32
        %dma_start3A_24 = tpu.memref_slice %arg3[%arg0, %add3A, %dma_start3A] : memref<2x1280x128xi32, #tpu.memory_space<hbm>> -> memref<1x1x128xi32, #tpu.memory_space<hbm>>
        %dma_start3A_25 = tpu.memref_squeeze %dma_start3A_24 : memref<1x1x128xi32, #tpu.memory_space<hbm>> -> memref<128xi32, #tpu.memory_space<hbm>>
        %dma_start3A_26 = arith.constant 0 : i32
        %dma_start3A_27 = tpu.memref_slice %arg3[%arg0, %add3A, %dma_start3A_26] : memref<2x1280x128xi32, #tpu.memory_space<hbm>> -> memref<1x1x128xi32, #tpu.memory_space<hbm>>
        %dma_start3A_28 = tpu.memref_squeeze %dma_start3A_27 : memref<1x1x128xi32, #tpu.memory_space<hbm>> -> memref<128xi32, #tpu.memory_space<hbm>>
        tpu.enqueue_dma source(%dma_start3A_28 : memref<128xi32, #tpu.memory_space<hbm>>) target(%arg6 : memref<128xi32, #tpu.memory_space<vmem>>) target_semaphore(%run_scoped3A : memref<!tpu.dma_semaphore, #tpu.memory_space<semaphore_mem>>)
        %dma_wait3A = arith.constant 0 : i32
        %dma_wait3A_29 = tpu.memref_slice %arg3[%arg0, %add3A, %dma_wait3A] : memref<2x1280x128xi32, #tpu.memory_space<hbm>> -> memref<1x1x128xi32, #tpu.memory_space<hbm>>
        %dma_wait3A_30 = tpu.memref_squeeze %dma_wait3A_29 : memref<1x1x128xi32, #tpu.memory_space<hbm>> -> memref<128xi32, #tpu.memory_space<hbm>>
        %dma_wait3A_31 = arith.constant 0 : i32
        %dma_wait3A_32 = tpu.memref_slice %arg3[%arg0, %add3A, %dma_wait3A_31] : memref<2x1280x128xi32, #tpu.memory_space<hbm>> -> memref<1x1x128xi32, #tpu.memory_space<hbm>>
        %dma_wait3A_33 = tpu.memref_squeeze %dma_wait3A_32 : memref<1x1x128xi32, #tpu.memory_space<hbm>> -> memref<128xi32, #tpu.memory_space<hbm>>
        tpu.wait_dma2 semaphore(%run_scoped3A : memref<!tpu.dma_semaphore, #tpu.memory_space<semaphore_mem>>) src(%dma_wait3A_33 : memref<128xi32, #tpu.memory_space<hbm>>) dst(%arg6 : memref<128xi32, #tpu.memory_space<vmem>>)
        tpu.yield
      }) : () -> ()
      %mul3A_16 = arith.constant 2000 : i32
      %mul3A_17 = arith.muli %add3A, %mul3A_16 : i32
      "tpu.region"() ({
        %run_scoped3A = tpu.sem_alloc : memref<!tpu.dma_semaphore, #tpu.memory_space<semaphore_mem>>
        %dma_start3A = tpu.memref_slice %arg2[%mul3A_17] : memref<2560000xf32, #tpu.memory_space<hbm>> -> memref<2000xf32, #tpu.memory_space<hbm>>
        %dma_start3A_24 = tpu.memref_slice %arg2[%mul3A_17] : memref<2560000xf32, #tpu.memory_space<hbm>> -> memref<2000xf32, #tpu.memory_space<hbm>>
        tpu.enqueue_dma source(%dma_start3A_24 : memref<2000xf32, #tpu.memory_space<hbm>>) target(%arg7 : memref<2000xf32, #tpu.memory_space<vmem>>) target_semaphore(%run_scoped3A : memref<!tpu.dma_semaphore, #tpu.memory_space<semaphore_mem>>)
        %dma_wait3A = tpu.memref_slice %arg2[%mul3A_17] : memref<2560000xf32, #tpu.memory_space<hbm>> -> memref<2000xf32, #tpu.memory_space<hbm>>
        %dma_wait3A_25 = tpu.memref_slice %arg2[%mul3A_17] : memref<2560000xf32, #tpu.memory_space<hbm>> -> memref<2000xf32, #tpu.memory_space<hbm>>
        tpu.wait_dma2 semaphore(%run_scoped3A : memref<!tpu.dma_semaphore, #tpu.memory_space<semaphore_mem>>) src(%dma_wait3A_25 : memref<2000xf32, #tpu.memory_space<hbm>>) dst(%arg7 : memref<2000xf32, #tpu.memory_space<vmem>>)
        tpu.yield
      }) : () -> ()
      %scan3A_18 = arith.constant 0 : i32
      %scan3A_19 = arith.constant 0 : i32
      %scan3A_20 = arith.constant 125 : i32
      %scan3A_21 = arith.addi %scan3A_19, %scan3A_20 : i32
      %scan3A_22 = arith.constant 1 : i32
      scf.for %scan3A_24 = %scan3A_19 to %scan3A_21 step %scan3A_22  : i32 {
        %mul3A_25 = arith.constant 16 : i32
        %mul3A_26 = arith.muli %scan3A_24, %mul3A_25 : i32
        %get3A = arith.index_cast %mul3A_26 : i32 to index
        %get3A_27 = tpu.vector_load %arg7[%get3A] {strides = array<i32>} : memref<2000xf32, #tpu.memory_space<vmem>>, vector<16xf32>,
        %get3A_28 = vector.shape_cast %get3A_27 : vector<16xf32> to vector<16xf32>
        %broadcast_in_dim3A = arith.constant 0 : i32
        %broadcast_in_dim3A_29 = vector.broadcast %broadcast_in_dim3A : i32 to vector<16xi32>
        %lt3A = arith.constant 0 : i32
        %lt3A_30 = vector.broadcast %lt3A : i32 to vector<16xi32>
        %lt3A_31 = arith.cmpi slt, %broadcast_in_dim3A_29, %lt3A_30 : vector<16xi32>
        %add3A_32 = arith.constant 16 : i32
        %add3A_33 = vector.broadcast %add3A_32 : i32 to vector<16xi32>
        %add3A_34 = arith.addi %broadcast_in_dim3A_29, %add3A_33 : vector<16xi32>
        %select_n3A = arith.select %lt3A_31, %add3A_34, %broadcast_in_dim3A_29 : vector<16xi1>, vector<16xi32>
        %broadcast_in_dim3A_35 = vector.shape_cast %select_n3A : vector<16xi32> to vector<16x1xi32>
        %gather3A = vector.shape_cast %broadcast_in_dim3A_35 : vector<16x1xi32> to vector<16xi32>
        %gather3A_36 = tpu.dynamic_gather %get3A_28[%gather3A] in [0] : vector<16xf32>, vector<16xi32> -> vector<16xf32>
        %broadcast_in_dim3A_37 = arith.constant 1 : i32
        %broadcast_in_dim3A_38 = vector.broadcast %broadcast_in_dim3A_37 : i32 to vector<16xi32>
        %lt3A_39 = arith.constant 0 : i32
        %lt3A_40 = vector.broadcast %lt3A_39 : i32 to vector<16xi32>
        %lt3A_41 = arith.cmpi slt, %broadcast_in_dim3A_38, %lt3A_40 : vector<16xi32>
        %add3A_42 = arith.constant 16 : i32
        %add3A_43 = vector.broadcast %add3A_42 : i32 to vector<16xi32>
        %add3A_44 = arith.addi %broadcast_in_dim3A_38, %add3A_43 : vector<16xi32>
        %select_n3A_45 = arith.select %lt3A_41, %add3A_44, %broadcast_in_dim3A_38 : vector<16xi1>, vector<16xi32>
        %broadcast_in_dim3A_46 = vector.shape_cast %select_n3A_45 : vector<16xi32> to vector<16x1xi32>
        %gather3A_47 = vector.shape_cast %broadcast_in_dim3A_46 : vector<16x1xi32> to vector<16xi32>
        %gather3A_48 = tpu.dynamic_gather %get3A_28[%gather3A_47] in [0] : vector<16xf32>, vector<16xi32> -> vector<16xf32>
        %broadcast_in_dim3A_49 = arith.constant 2 : i32
        %broadcast_in_dim3A_50 = vector.broadcast %broadcast_in_dim3A_49 : i32 to vector<16xi32>
        %lt3A_51 = arith.constant 0 : i32
        %lt3A_52 = vector.broadcast %lt3A_51 : i32 to vector<16xi32>
        %lt3A_53 = arith.cmpi slt, %broadcast_in_dim3A_50, %lt3A_52 : vector<16xi32>
        %add3A_54 = arith.constant 16 : i32
        %add3A_55 = vector.broadcast %add3A_54 : i32 to vector<16xi32>
        %add3A_56 = arith.addi %broadcast_in_dim3A_50, %add3A_55 : vector<16xi32>
        %select_n3A_57 = arith.select %lt3A_53, %add3A_56, %broadcast_in_dim3A_50 : vector<16xi1>, vector<16xi32>
        %broadcast_in_dim3A_58 = vector.shape_cast %select_n3A_57 : vector<16xi32> to vector<16x1xi32>
        %gather3A_59 = vector.shape_cast %broadcast_in_dim3A_58 : vector<16x1xi32> to vector<16xi32>
        %gather3A_60 = tpu.dynamic_gather %get3A_28[%gather3A_59] in [0] : vector<16xf32>, vector<16xi32> -> vector<16xf32>
        %broadcast_in_dim3A_61 = arith.constant 3 : i32
        %broadcast_in_dim3A_62 = vector.broadcast %broadcast_in_dim3A_61 : i32 to vector<16xi32>
        %lt3A_63 = arith.constant 0 : i32
        %lt3A_64 = vector.broadcast %lt3A_63 : i32 to vector<16xi32>
        %lt3A_65 = arith.cmpi slt, %broadcast_in_dim3A_62, %lt3A_64 : vector<16xi32>
        %add3A_66 = arith.constant 16 : i32
        %add3A_67 = vector.broadcast %add3A_66 : i32 to vector<16xi32>
        %add3A_68 = arith.addi %broadcast_in_dim3A_62, %add3A_67 : vector<16xi32>
        %select_n3A_69 = arith.select %lt3A_65, %add3A_68, %broadcast_in_dim3A_62 : vector<16xi1>, vector<16xi32>
        %broadcast_in_dim3A_70 = vector.shape_cast %select_n3A_69 : vector<16xi32> to vector<16x1xi32>
        %gather3A_71 = vector.shape_cast %broadcast_in_dim3A_70 : vector<16x1xi32> to vector<16xi32>
        %gather3A_72 = tpu.dynamic_gather %get3A_28[%gather3A_71] in [0] : vector<16xf32>, vector<16xi32> -> vector<16xf32>
        %get3A_73 = arith.index_cast %scan3A_24 : i32 to index
        %get3A_74 = arith.constant 0 : index
        %get3A_75 = tpu.vector_load %arg8[%get3A_73, %get3A_74] {strides = array<i32>} : memref<128x128xf32, #tpu.memory_space<vmem>>, vector<1x16xf32>,
        %get3A_76 = vector.shape_cast %get3A_75 : vector<1x16xf32> to vector<16xf32>
        %mul3A_77 = arith.constant 0.000000e+00 : f32
        %mul3A_78 = vector.broadcast %mul3A_77 : f32 to vector<16xf32>
        %mul3A_79 = arith.mulf %get3A_76, %mul3A_78 : vector<16xf32>
        %add3A_80 = arith.addf %mul3A_79, %gather3A_36 : vector<16xf32>
        %swap3A = arith.index_cast %scan3A_24 : i32 to index
        %swap3A_81 = arith.constant 0 : index
        %swap3A_82 = tpu.vector_load %arg8[%swap3A, %swap3A_81] {strides = array<i32>} : memref<128x128xf32, #tpu.memory_space<vmem>>, vector<1x16xf32>,
        %swap3A_83 = vector.shape_cast %swap3A_82 : vector<1x16xf32> to vector<16xf32>
        %swap3A_84 = vector.shape_cast %add3A_80 : vector<16xf32> to vector<1x16xf32>
        tpu.vector_store %arg8[%swap3A, %swap3A_81], %swap3A_84 {strides = array<i32>} : memref<128x128xf32, #tpu.memory_space<vmem>>, vector<1x16xf32>,
        %get3A_85 = arith.index_cast %scan3A_24 : i32 to index
        %get3A_86 = arith.constant 16 : index
        %get3A_87 = tpu.vector_load %arg8[%get3A_85, %get3A_86] {strides = array<i32>} : memref<128x128xf32, #tpu.memory_space<vmem>>, vector<1x16xf32>,
        %get3A_88 = vector.shape_cast %get3A_87 : vector<1x16xf32> to vector<16xf32>
        %mul3A_89 = arith.constant 0.000000e+00 : f32
        %mul3A_90 = vector.broadcast %mul3A_89 : f32 to vector<16xf32>
        %mul3A_91 = arith.mulf %get3A_88, %mul3A_90 : vector<16xf32>
        %add3A_92 = arith.addf %mul3A_91, %gather3A_36 : vector<16xf32>
        %swap3A_93 = arith.index_cast %scan3A_24 : i32 to index
        %swap3A_94 = arith.constant 16 : index
        %swap3A_95 = tpu.vector_load %arg8[%swap3A_93, %swap3A_94] {strides = array<i32>} : memref<128x128xf32, #tpu.memory_space<vmem>>, vector<1x16xf32>,
        %swap3A_96 = vector.shape_cast %swap3A_95 : vector<1x16xf32> to vector<16xf32>
        %swap3A_97 = vector.shape_cast %add3A_92 : vector<16xf32> to vector<1x16xf32>
        tpu.vector_store %arg8[%swap3A_93, %swap3A_94], %swap3A_97 {strides = array<i32>} : memref<128x128xf32, #tpu.memory_space<vmem>>, vector<1x16xf32>,
        %get3A_98 = arith.index_cast %scan3A_24 : i32 to index
        %get3A_99 = arith.constant 32 : index
        %get3A_100 = tpu.vector_load %arg8[%get3A_98, %get3A_99] {strides = array<i32>} : memref<128x128xf32, #tpu.memory_space<vmem>>, vector<1x16xf32>,
        %get3A_101 = vector.shape_cast %get3A_100 : vector<1x16xf32> to vector<16xf32>
        %mul3A_102 = arith.constant 0.000000e+00 : f32
        %mul3A_103 = vector.broadcast %mul3A_102 : f32 to vector<16xf32>
        %mul3A_104 = arith.mulf %get3A_101, %mul3A_103 : vector<16xf32>
        %add3A_105 = arith.addf %mul3A_104, %gather3A_48 : vector<16xf32>
        %swap3A_106 = arith.index_cast %scan3A_24 : i32 to index
        %swap3A_107 = arith.constant 32 : index
        %swap3A_108 = tpu.vector_load %arg8[%swap3A_106, %swap3A_107] {strides = array<i32>} : memref<128x128xf32, #tpu.memory_space<vmem>>, vector<1x16xf32>,
        %swap3A_109 = vector.shape_cast %swap3A_108 : vector<1x16xf32> to vector<16xf32>
        %swap3A_110 = vector.shape_cast %add3A_105 : vector<16xf32> to vector<1x16xf32>
        tpu.vector_store %arg8[%swap3A_106, %swap3A_107], %swap3A_110 {strides = array<i32>} : memref<128x128xf32, #tpu.memory_space<vmem>>, vector<1x16xf32>,
        %get3A_111 = arith.index_cast %scan3A_24 : i32 to index
        %get3A_112 = arith.constant 48 : index
        %get3A_113 = tpu.vector_load %arg8[%get3A_111, %get3A_112] {strides = array<i32>} : memref<128x128xf32, #tpu.memory_space<vmem>>, vector<1x16xf32>,
        %get3A_114 = vector.shape_cast %get3A_113 : vector<1x16xf32> to vector<16xf32>
        %mul3A_115 = arith.constant 0.000000e+00 : f32
        %mul3A_116 = vector.broadcast %mul3A_115 : f32 to vector<16xf32>
        %mul3A_117 = arith.mulf %get3A_114, %mul3A_116 : vector<16xf32>
        %add3A_118 = arith.addf %mul3A_117, %gather3A_48 : vector<16xf32>
        %swap3A_119 = arith.index_cast %scan3A_24 : i32 to index
        %swap3A_120 = arith.constant 48 : index
        %swap3A_121 = tpu.vector_load %arg8[%swap3A_119, %swap3A_120] {strides = array<i32>} : memref<128x128xf32, #tpu.memory_space<vmem>>, vector<1x16xf32>,
        %swap3A_122 = vector.shape_cast %swap3A_121 : vector<1x16xf32> to vector<16xf32>
        %swap3A_123 = vector.shape_cast %add3A_118 : vector<16xf32> to vector<1x16xf32>
        tpu.vector_store %arg8[%swap3A_119, %swap3A_120], %swap3A_123 {strides = array<i32>} : memref<128x128xf32, #tpu.memory_space<vmem>>, vector<1x16xf32>,
        %get3A_124 = arith.index_cast %scan3A_24 : i32 to index
        %get3A_125 = arith.constant 64 : index
        %get3A_126 = tpu.vector_load %arg8[%get3A_124, %get3A_125] {strides = array<i32>} : memref<128x128xf32, #tpu.memory_space<vmem>>, vector<1x16xf32>,
        %get3A_127 = vector.shape_cast %get3A_126 : vector<1x16xf32> to vector<16xf32>
        %mul3A_128 = arith.constant 0.000000e+00 : f32
        %mul3A_129 = vector.broadcast %mul3A_128 : f32 to vector<16xf32>
        %mul3A_130 = arith.mulf %get3A_127, %mul3A_129 : vector<16xf32>
        %add3A_131 = arith.addf %mul3A_130, %gather3A_60 : vector<16xf32>
        %swap3A_132 = arith.index_cast %scan3A_24 : i32 to index
        %swap3A_133 = arith.constant 64 : index
        %swap3A_134 = tpu.vector_load %arg8[%swap3A_132, %swap3A_133] {strides = array<i32>} : memref<128x128xf32, #tpu.memory_space<vmem>>, vector<1x16xf32>,
        %swap3A_135 = vector.shape_cast %swap3A_134 : vector<1x16xf32> to vector<16xf32>
        %swap3A_136 = vector.shape_cast %add3A_131 : vector<16xf32> to vector<1x16xf32>
        tpu.vector_store %arg8[%swap3A_132, %swap3A_133], %swap3A_136 {strides = array<i32>} : memref<128x128xf32, #tpu.memory_space<vmem>>, vector<1x16xf32>,
        %get3A_137 = arith.index_cast %scan3A_24 : i32 to index
        %get3A_138 = arith.constant 80 : index
        %get3A_139 = tpu.vector_load %arg8[%get3A_137, %get3A_138] {strides = array<i32>} : memref<128x128xf32, #tpu.memory_space<vmem>>, vector<1x16xf32>,
        %get3A_140 = vector.shape_cast %get3A_139 : vector<1x16xf32> to vector<16xf32>
        %mul3A_141 = arith.constant 0.000000e+00 : f32
        %mul3A_142 = vector.broadcast %mul3A_141 : f32 to vector<16xf32>
        %mul3A_143 = arith.mulf %get3A_140, %mul3A_142 : vector<16xf32>
        %add3A_144 = arith.addf %mul3A_143, %gather3A_60 : vector<16xf32>
        %swap3A_145 = arith.index_cast %scan3A_24 : i32 to index
        %swap3A_146 = arith.constant 80 : index
        %swap3A_147 = tpu.vector_load %arg8[%swap3A_145, %swap3A_146] {strides = array<i32>} : memref<128x128xf32, #tpu.memory_space<vmem>>, vector<1x16xf32>,
        %swap3A_148 = vector.shape_cast %swap3A_147 : vector<1x16xf32> to vector<16xf32>
        %swap3A_149 = vector.shape_cast %add3A_144 : vector<16xf32> to vector<1x16xf32>
        tpu.vector_store %arg8[%swap3A_145, %swap3A_146], %swap3A_149 {strides = array<i32>} : memref<128x128xf32, #tpu.memory_space<vmem>>, vector<1x16xf32>,
        %get3A_150 = arith.index_cast %scan3A_24 : i32 to index
        %get3A_151 = arith.constant 96 : index
        %get3A_152 = tpu.vector_load %arg8[%get3A_150, %get3A_151] {strides = array<i32>} : memref<128x128xf32, #tpu.memory_space<vmem>>, vector<1x16xf32>,
        %get3A_153 = vector.shape_cast %get3A_152 : vector<1x16xf32> to vector<16xf32>
        %mul3A_154 = arith.constant 0.000000e+00 : f32
        %mul3A_155 = vector.broadcast %mul3A_154 : f32 to vector<16xf32>
        %mul3A_156 = arith.mulf %get3A_153, %mul3A_155 : vector<16xf32>
        %add3A_157 = arith.addf %mul3A_156, %gather3A_72 : vector<16xf32>
        %swap3A_158 = arith.index_cast %scan3A_24 : i32 to index
        %swap3A_159 = arith.constant 96 : index
        %swap3A_160 = tpu.vector_load %arg8[%swap3A_158, %swap3A_159] {strides = array<i32>} : memref<128x128xf32, #tpu.memory_space<vmem>>, vector<1x16xf32>,
        %swap3A_161 = vector.shape_cast %swap3A_160 : vector<1x16xf32> to vector<16xf32>
        %swap3A_162 = vector.shape_cast %add3A_157 : vector<16xf32> to vector<1x16xf32>
        tpu.vector_store %arg8[%swap3A_158, %swap3A_159], %swap3A_162 {strides = array<i32>} : memref<128x128xf32, #tpu.memory_space<vmem>>, vector<1x16xf32>,
        %get3A_163 = arith.index_cast %scan3A_24 : i32 to index
        %get3A_164 = arith.constant 112 : index
        %get3A_165 = tpu.vector_load %arg8[%get3A_163, %get3A_164] {strides = array<i32>} : memref<128x128xf32, #tpu.memory_space<vmem>>, vector<1x16xf32>,
        %get3A_166 = vector.shape_cast %get3A_165 : vector<1x16xf32> to vector<16xf32>
        %mul3A_167 = arith.constant 0.000000e+00 : f32
        %mul3A_168 = vector.broadcast %mul3A_167 : f32 to vector<16xf32>
        %mul3A_169 = arith.mulf %get3A_166, %mul3A_168 : vector<16xf32>
        %add3A_170 = arith.addf %mul3A_169, %gather3A_72 : vector<16xf32>
        %swap3A_171 = arith.index_cast %scan3A_24 : i32 to index
        %swap3A_172 = arith.constant 112 : index
        %swap3A_173 = tpu.vector_load %arg8[%swap3A_171, %swap3A_172] {strides = array<i32>} : memref<128x128xf32, #tpu.memory_space<vmem>>, vector<1x16xf32>,
        %swap3A_174 = vector.shape_cast %swap3A_173 : vector<1x16xf32> to vector<16xf32>
        %swap3A_175 = vector.shape_cast %add3A_170 : vector<16xf32> to vector<1x16xf32>
        tpu.vector_store %arg8[%swap3A_171, %swap3A_172], %swap3A_175 {strides = array<i32>} : memref<128x128xf32, #tpu.memory_space<vmem>>, vector<1x16xf32>,
      }
      %scan3A_23 = arith.constant 125 : i32
      "tpu.region"() ({
        %run_scoped3A = tpu.sem_alloc : memref<!tpu.dma_semaphore, #tpu.memory_space<semaphore_mem>>
        %dma_start3A = arith.constant 0 : i32
        %dma_start3A_24 = arith.constant 0 : i32
        %dma_start3A_25 = tpu.memref_slice %arg9[%dma_start3A, %dma_start3A_24] : memref<5120x128xf32, #tpu.memory_space<vmem_shared>> -> memref<5120x128xf32, #tpu.memory_space<vmem_shared>>
        tpu.enqueue_indirect_dma source(%arg8 : memref<128x128xf32, #tpu.memory_space<vmem>>) target(%dma_start3A_25 : memref<5120x128xf32, #tpu.memory_space<vmem_shared>>) offsets(%arg6 : memref<128xi32, #tpu.memory_space<vmem>>) semaphore(%run_scoped3A : memref<!tpu.dma_semaphore, #tpu.memory_space<semaphore_mem>>) {add = true}
        %dma_wait3A = arith.constant 0 : i32
        %dma_wait3A_26 = arith.constant 0 : i32
        %dma_wait3A_27 = tpu.memref_slice %arg9[%dma_wait3A, %dma_wait3A_26] : memref<5120x128xf32, #tpu.memory_space<vmem_shared>> -> memref<5120x128xf32, #tpu.memory_space<vmem_shared>>
        tpu.wait_indirect_dma semaphore(%run_scoped3A : memref<!tpu.dma_semaphore, #tpu.memory_space<semaphore_mem>>) src(%arg8 : memref<128x128xf32, #tpu.memory_space<vmem>>) dst(%dma_wait3A_27 : memref<5120x128xf32, #tpu.memory_space<vmem_shared>>)
        tpu.yield
      }) : () -> ()
    }
    %scan3A_7 = arith.constant 80 : i32
    %barrier3A_8 = arith.constant 0 : index
    tpu.barrier barrier_id(%barrier3A_8)
    %mul3A_9 = arith.constant 320 : i32
    %mul3A_10 = arith.muli %arg1, %mul3A_9 : i32
    %mul3A_11 = arith.constant 320 : i32
    %mul3A_12 = arith.muli %arg1, %mul3A_11 : i32
    "tpu.region"() ({
      %run_scoped3A = tpu.sem_alloc : memref<!tpu.dma_semaphore, #tpu.memory_space<semaphore_mem>>
      %dma_start3A = arith.constant 0 : i32
      %dma_start3A_13 = tpu.memref_slice %arg5[%arg0, %mul3A_12, %dma_start3A] : memref<2x5120x128xf32, #tpu.memory_space<hbm>> -> memref<1x320x128xf32, #tpu.memory_space<hbm>>
      %dma_start3A_14 = tpu.memref_squeeze %dma_start3A_13 : memref<1x320x128xf32, #tpu.memory_space<hbm>> -> memref<320x128xf32, #tpu.memory_space<hbm>>
      %dma_start3A_15 = arith.constant 0 : i32
      %dma_start3A_16 = tpu.memref_slice %arg9[%mul3A_10, %dma_start3A_15] : memref<5120x128xf32, #tpu.memory_space<vmem_shared>> -> memref<320x128xf32, #tpu.memory_space<vmem_shared>>
      tpu.enqueue_dma source(%dma_start3A_16 : memref<320x128xf32, #tpu.memory_space<vmem_shared>>) target(%dma_start3A_14 : memref<320x128xf32, #tpu.memory_space<hbm>>) target_semaphore(%run_scoped3A : memref<!tpu.dma_semaphore, #tpu.memory_space<semaphore_mem>>)
      %dma_wait3A = arith.constant 0 : i32
      %dma_wait3A_17 = tpu.memref_slice %arg5[%arg0, %mul3A_12, %dma_wait3A] : memref<2x5120x128xf32, #tpu.memory_space<hbm>> -> memref<1x320x128xf32, #tpu.memory_space<hbm>>
      %dma_wait3A_18 = tpu.memref_squeeze %dma_wait3A_17 : memref<1x320x128xf32, #tpu.memory_space<hbm>> -> memref<320x128xf32, #tpu.memory_space<hbm>>
      %dma_wait3A_19 = arith.constant 0 : i32
      %dma_wait3A_20 = tpu.memref_slice %arg9[%mul3A_10, %dma_wait3A_19] : memref<5120x128xf32, #tpu.memory_space<vmem_shared>> -> memref<320x128xf32, #tpu.memory_space<vmem_shared>>
      tpu.wait_dma2 semaphore(%run_scoped3A : memref<!tpu.dma_semaphore, #tpu.memory_space<semaphore_mem>>) src(%dma_wait3A_20 : memref<320x128xf32, #tpu.memory_space<vmem_shared>>) dst(%dma_wait3A_18 : memref<320x128xf32, #tpu.memory_space<hbm>>)
      tpu.yield
    }) : () -> ()
    return
  }
}

#map = affine_map<(d0, d1) -> (0, 0)>
#map1 = affine_map<(d0, d1) -> (0)>
#map2 = affine_map<(d0, d1) -> (0, 0, 0)>
module attributes {stable_mosaic.version = 14 : i64} {
  func.func @_stage_body(%arg0: i32, %arg1: i32, %arg2: memref<10112x128xf32, #tpu.memory_space<hbm>>, %arg3: memref<2560000xf32, #tpu.memory_space<hbm>>, %arg4: memref<1280x128xi32, #tpu.memory_space<hbm>>, %arg5: memref<2x1280x128xi32, #tpu.memory_space<hbm>>, %arg6: memref<10112x128xf32, #tpu.memory_space<hbm>>, %arg7: memref<2x5120x128xf32, #tpu.memory_space<hbm>>, %arg8: memref<128xi32, #tpu.memory_space<vmem>>, %arg9: memref<128xi32, #tpu.memory_space<vmem>>, %arg10: memref<128xi32, #tpu.memory_space<vmem>>, %arg11: memref<128xi32, #tpu.memory_space<vmem>>, %arg12: memref<2000xf32, #tpu.memory_space<vmem>>, %arg13: memref<2000xf32, #tpu.memory_space<vmem>>, %arg14: memref<128x128xf32, #tpu.memory_space<vmem>>, %arg15: memref<128x128xf32, #tpu.memory_space<vmem>>, %arg16: memref<5120x128xf32, #tpu.memory_space<vmem_shared>>, %arg17: memref<!tpu.dma_semaphore, #tpu.memory_space<semaphore_mem>>, %arg18: memref<!tpu.dma_semaphore, #tpu.memory_space<semaphore_mem>>, %arg19: memref<!tpu.dma_semaphore, #tpu.memory_space<semaphore_mem>>, %arg20: memref<!tpu.dma_semaphore, #tpu.memory_space<semaphore_mem>>) attributes {dimension_semantics = [#tpu.dimension_semantics<core_parallel>, #tpu.dimension_semantics<subcore_parallel>], iteration_bounds = array<i64: 2, 16>, scalar_prefetch = 0 : i64, scratch_operands = 13 : i64, tpu.core_type = #tpu.core_type<sc_vector_subcore>, window_params = [{transform_indices = #map}, {transform_indices = #map1}, {transform_indices = #map}, {transform_indices = #map2}, {transform_indices = #map}, {transform_indices = #map2}]} {
    %mul3A = arith.constant 320 : i32
    %mul3A_0 = arith.muli %arg1, %mul3A : i32
    %mul3A_1 = arith.constant 320 : i32
    %mul3A_2 = arith.muli %arg1, %mul3A_1 : i32
    "tpu.region"() ({
      %run_scoped3A = tpu.sem_alloc : memref<!tpu.dma_semaphore, #tpu.memory_space<semaphore_mem>>
      %dma_start3A_22 = arith.constant 0 : i32
      %dma_start3A_23 = tpu.memref_slice %arg16[%mul3A_2, %dma_start3A_22] : memref<5120x128xf32, #tpu.memory_space<vmem_shared>> -> memref<320x128xf32, #tpu.memory_space<vmem_shared>>
      %dma_start3A_24 = arith.constant 0 : i32
      %dma_start3A_25 = tpu.memref_slice %arg6[%mul3A_0, %dma_start3A_24] : memref<10112x128xf32, #tpu.memory_space<hbm>> -> memref<320x128xf32, #tpu.memory_space<hbm>>
      tpu.enqueue_dma source(%dma_start3A_25 : memref<320x128xf32, #tpu.memory_space<hbm>>) target(%dma_start3A_23 : memref<320x128xf32, #tpu.memory_space<vmem_shared>>) target_semaphore(%run_scoped3A : memref<!tpu.dma_semaphore, #tpu.memory_space<semaphore_mem>>)
      %dma_wait3A_26 = arith.constant 0 : i32
      %dma_wait3A_27 = tpu.memref_slice %arg16[%mul3A_2, %dma_wait3A_26] : memref<5120x128xf32, #tpu.memory_space<vmem_shared>> -> memref<320x128xf32, #tpu.memory_space<vmem_shared>>
      %dma_wait3A_28 = arith.constant 0 : i32
      %dma_wait3A_29 = tpu.memref_slice %arg6[%mul3A_0, %dma_wait3A_28] : memref<10112x128xf32, #tpu.memory_space<hbm>> -> memref<320x128xf32, #tpu.memory_space<hbm>>
      tpu.wait_dma2 semaphore(%run_scoped3A : memref<!tpu.dma_semaphore, #tpu.memory_space<semaphore_mem>>) src(%dma_wait3A_29 : memref<320x128xf32, #tpu.memory_space<hbm>>) dst(%dma_wait3A_27 : memref<320x128xf32, #tpu.memory_space<vmem_shared>>)
      tpu.yield
    }) : () -> ()
    %barrier3A = arith.constant 0 : index
    tpu.barrier barrier_id(%barrier3A)
    %mul3A_3 = arith.constant 80 : i32
    %mul3A_4 = arith.muli %arg1, %mul3A_3 : i32
    %add3A = arith.constant 0 : i32
    %add3A_5 = arith.addi %mul3A_4, %add3A : i32
    "tpu.region"() ({
      %run_scoped3A = tpu.sem_alloc : memref<!tpu.dma_semaphore, #tpu.memory_space<semaphore_mem>>
      %dma_start3A_22 = arith.constant 0 : i32
      %dma_start3A_23 = tpu.memref_slice %arg4[%add3A_5, %dma_start3A_22] : memref<1280x128xi32, #tpu.memory_space<hbm>> -> memref<1x128xi32, #tpu.memory_space<hbm>>
      %dma_start3A_24 = tpu.memref_squeeze %dma_start3A_23 : memref<1x128xi32, #tpu.memory_space<hbm>> -> memref<128xi32, #tpu.memory_space<hbm>>
      %dma_start3A_25 = arith.constant 0 : i32
      %dma_start3A_26 = tpu.memref_slice %arg4[%add3A_5, %dma_start3A_25] : memref<1280x128xi32, #tpu.memory_space<hbm>> -> memref<1x128xi32, #tpu.memory_space<hbm>>
      %dma_start3A_27 = tpu.memref_squeeze %dma_start3A_26 : memref<1x128xi32, #tpu.memory_space<hbm>> -> memref<128xi32, #tpu.memory_space<hbm>>
      tpu.enqueue_dma source(%dma_start3A_27 : memref<128xi32, #tpu.memory_space<hbm>>) target(%arg8 : memref<128xi32, #tpu.memory_space<vmem>>) target_semaphore(%run_scoped3A : memref<!tpu.dma_semaphore, #tpu.memory_space<semaphore_mem>>)
      %dma_wait3A_28 = arith.constant 0 : i32
      %dma_wait3A_29 = tpu.memref_slice %arg4[%add3A_5, %dma_wait3A_28] : memref<1280x128xi32, #tpu.memory_space<hbm>> -> memref<1x128xi32, #tpu.memory_space<hbm>>
      %dma_wait3A_30 = tpu.memref_squeeze %dma_wait3A_29 : memref<1x128xi32, #tpu.memory_space<hbm>> -> memref<128xi32, #tpu.memory_space<hbm>>
      %dma_wait3A_31 = arith.constant 0 : i32
      %dma_wait3A_32 = tpu.memref_slice %arg4[%add3A_5, %dma_wait3A_31] : memref<1280x128xi32, #tpu.memory_space<hbm>> -> memref<1x128xi32, #tpu.memory_space<hbm>>
      %dma_wait3A_33 = tpu.memref_squeeze %dma_wait3A_32 : memref<1x128xi32, #tpu.memory_space<hbm>> -> memref<128xi32, #tpu.memory_space<hbm>>
      tpu.wait_dma2 semaphore(%run_scoped3A : memref<!tpu.dma_semaphore, #tpu.memory_space<semaphore_mem>>) src(%dma_wait3A_33 : memref<128xi32, #tpu.memory_space<hbm>>) dst(%arg8 : memref<128xi32, #tpu.memory_space<vmem>>)
      tpu.yield
    }) : () -> ()
    "tpu.region"() ({
      %run_scoped3A = tpu.sem_alloc : memref<!tpu.dma_semaphore, #tpu.memory_space<semaphore_mem>>
      %dma_start3A_22 = arith.constant 0 : i32
      %dma_start3A_23 = tpu.memref_slice %arg5[%arg0, %add3A_5, %dma_start3A_22] : memref<2x1280x128xi32, #tpu.memory_space<hbm>> -> memref<1x1x128xi32, #tpu.memory_space<hbm>>
      %dma_start3A_24 = tpu.memref_squeeze %dma_start3A_23 : memref<1x1x128xi32, #tpu.memory_space<hbm>> -> memref<128xi32, #tpu.memory_space<hbm>>
      %dma_start3A_25 = arith.constant 0 : i32
      %dma_start3A_26 = tpu.memref_slice %arg5[%arg0, %add3A_5, %dma_start3A_25] : memref<2x1280x128xi32, #tpu.memory_space<hbm>> -> memref<1x1x128xi32, #tpu.memory_space<hbm>>
      %dma_start3A_27 = tpu.memref_squeeze %dma_start3A_26 : memref<1x1x128xi32, #tpu.memory_space<hbm>> -> memref<128xi32, #tpu.memory_space<hbm>>
      tpu.enqueue_dma source(%dma_start3A_27 : memref<128xi32, #tpu.memory_space<hbm>>) target(%arg10 : memref<128xi32, #tpu.memory_space<vmem>>) target_semaphore(%run_scoped3A : memref<!tpu.dma_semaphore, #tpu.memory_space<semaphore_mem>>)
      %dma_wait3A_28 = arith.constant 0 : i32
      %dma_wait3A_29 = tpu.memref_slice %arg5[%arg0, %add3A_5, %dma_wait3A_28] : memref<2x1280x128xi32, #tpu.memory_space<hbm>> -> memref<1x1x128xi32, #tpu.memory_space<hbm>>
      %dma_wait3A_30 = tpu.memref_squeeze %dma_wait3A_29 : memref<1x1x128xi32, #tpu.memory_space<hbm>> -> memref<128xi32, #tpu.memory_space<hbm>>
      %dma_wait3A_31 = arith.constant 0 : i32
      %dma_wait3A_32 = tpu.memref_slice %arg5[%arg0, %add3A_5, %dma_wait3A_31] : memref<2x1280x128xi32, #tpu.memory_space<hbm>> -> memref<1x1x128xi32, #tpu.memory_space<hbm>>
      %dma_wait3A_33 = tpu.memref_squeeze %dma_wait3A_32 : memref<1x1x128xi32, #tpu.memory_space<hbm>> -> memref<128xi32, #tpu.memory_space<hbm>>
      tpu.wait_dma2 semaphore(%run_scoped3A : memref<!tpu.dma_semaphore, #tpu.memory_space<semaphore_mem>>) src(%dma_wait3A_33 : memref<128xi32, #tpu.memory_space<hbm>>) dst(%arg10 : memref<128xi32, #tpu.memory_space<vmem>>)
      tpu.yield
    }) : () -> ()
    %mul3A_6 = arith.constant 2000 : i32
    %mul3A_7 = arith.muli %add3A_5, %mul3A_6 : i32
    "tpu.region"() ({
      %run_scoped3A = tpu.sem_alloc : memref<!tpu.dma_semaphore, #tpu.memory_space<semaphore_mem>>
      %dma_start3A_22 = tpu.memref_slice %arg3[%mul3A_7] : memref<2560000xf32, #tpu.memory_space<hbm>> -> memref<2000xf32, #tpu.memory_space<hbm>>
      %dma_start3A_23 = tpu.memref_slice %arg3[%mul3A_7] : memref<2560000xf32, #tpu.memory_space<hbm>> -> memref<2000xf32, #tpu.memory_space<hbm>>
      tpu.enqueue_dma source(%dma_start3A_23 : memref<2000xf32, #tpu.memory_space<hbm>>) target(%arg12 : memref<2000xf32, #tpu.memory_space<vmem>>) target_semaphore(%run_scoped3A : memref<!tpu.dma_semaphore, #tpu.memory_space<semaphore_mem>>)
      %dma_wait3A_24 = tpu.memref_slice %arg3[%mul3A_7] : memref<2560000xf32, #tpu.memory_space<hbm>> -> memref<2000xf32, #tpu.memory_space<hbm>>
      %dma_wait3A_25 = tpu.memref_slice %arg3[%mul3A_7] : memref<2560000xf32, #tpu.memory_space<hbm>> -> memref<2000xf32, #tpu.memory_space<hbm>>
      tpu.wait_dma2 semaphore(%run_scoped3A : memref<!tpu.dma_semaphore, #tpu.memory_space<semaphore_mem>>) src(%dma_wait3A_25 : memref<2000xf32, #tpu.memory_space<hbm>>) dst(%arg12 : memref<2000xf32, #tpu.memory_space<vmem>>)
      tpu.yield
    }) : () -> ()
    %dma_start3A = arith.constant 0 : i32
    %dma_start3A_8 = arith.constant 0 : i32
    %dma_start3A_9 = tpu.memref_slice %arg2[%dma_start3A, %dma_start3A_8] : memref<10112x128xf32, #tpu.memory_space<hbm>> -> memref<10112x128xf32, #tpu.memory_space<hbm>>
    tpu.enqueue_indirect_dma source(%dma_start3A_9 : memref<10112x128xf32, #tpu.memory_space<hbm>>) target(%arg14 : memref<128x128xf32, #tpu.memory_space<vmem>>) offsets(%arg8 : memref<128xi32, #tpu.memory_space<vmem>>) semaphore(%arg17 : memref<!tpu.dma_semaphore, #tpu.memory_space<semaphore_mem>>)
    %scan3A = arith.constant 0 : i32
    %scan3A_10 = arith.constant 0 : i32
    %scan3A_11 = arith.constant 40 : i32
    %scan3A_12 = arith.addi %scan3A_10, %scan3A_11 : i32
    %scan3A_13 = arith.constant 1 : i32
    scf.for %scan3A_22 = %scan3A_10 to %scan3A_12 step %scan3A_13  : i32 {
      %mul3A_23 = arith.constant 2 : i32
      %mul3A_24 = arith.muli %scan3A_22, %mul3A_23 : i32
      %add3A_25 = arith.constant 0 : i32
      %add3A_26 = arith.addi %mul3A_24, %add3A_25 : i32
      %dma_wait3A_27 = arith.constant 0 : i32
      %dma_wait3A_28 = arith.constant 0 : i32
      %dma_wait3A_29 = tpu.memref_slice %arg2[%dma_wait3A_27, %dma_wait3A_28] : memref<10112x128xf32, #tpu.memory_space<hbm>> -> memref<10112x128xf32, #tpu.memory_space<hbm>>
      tpu.wait_indirect_dma semaphore(%arg17 : memref<!tpu.dma_semaphore, #tpu.memory_space<semaphore_mem>>) src(%dma_wait3A_29 : memref<10112x128xf32, #tpu.memory_space<hbm>>) dst(%arg14 : memref<128x128xf32, #tpu.memory_space<vmem>>)
      %scan3A_30 = arith.constant 0 : i32
      %scan3A_31 = arith.constant 0 : i32
      %scan3A_32 = arith.constant 125 : i32
      %scan3A_33 = arith.addi %scan3A_31, %scan3A_32 : i32
      %scan3A_34 = arith.constant 1 : i32
      scf.for %scan3A_75 = %scan3A_31 to %scan3A_33 step %scan3A_34  : i32 {
        %mul3A_76 = arith.constant 16 : i32
        %mul3A_77 = arith.muli %scan3A_75, %mul3A_76 : i32
        %get3A = arith.index_cast %mul3A_77 : i32 to index
        %get3A_78 = tpu.vector_load %arg12[%get3A] {strides = array<i32>} : memref<2000xf32, #tpu.memory_space<vmem>>, vector<16xf32>,
        %get3A_79 = vector.shape_cast %get3A_78 : vector<16xf32> to vector<16xf32>
        %broadcast_in_dim3A = arith.constant 0 : i32
        %broadcast_in_dim3A_80 = vector.broadcast %broadcast_in_dim3A : i32 to vector<16xi32>
        %lt3A_81 = arith.constant 0 : i32
        %lt3A_82 = vector.broadcast %lt3A_81 : i32 to vector<16xi32>
        %lt3A_83 = arith.cmpi slt, %broadcast_in_dim3A_80, %lt3A_82 : vector<16xi32>
        %add3A_84 = arith.constant 16 : i32
        %add3A_85 = vector.broadcast %add3A_84 : i32 to vector<16xi32>
        %add3A_86 = arith.addi %broadcast_in_dim3A_80, %add3A_85 : vector<16xi32>
        %select_n3A = arith.select %lt3A_83, %add3A_86, %broadcast_in_dim3A_80 : vector<16xi1>, vector<16xi32>
        %broadcast_in_dim3A_87 = vector.shape_cast %select_n3A : vector<16xi32> to vector<16x1xi32>
        %gather3A = vector.shape_cast %broadcast_in_dim3A_87 : vector<16x1xi32> to vector<16xi32>
        %gather3A_88 = tpu.dynamic_gather %get3A_79[%gather3A] in [0] : vector<16xf32>, vector<16xi32> -> vector<16xf32>
        %broadcast_in_dim3A_89 = arith.constant 1 : i32
        %broadcast_in_dim3A_90 = vector.broadcast %broadcast_in_dim3A_89 : i32 to vector<16xi32>
        %lt3A_91 = arith.constant 0 : i32
        %lt3A_92 = vector.broadcast %lt3A_91 : i32 to vector<16xi32>
        %lt3A_93 = arith.cmpi slt, %broadcast_in_dim3A_90, %lt3A_92 : vector<16xi32>
        %add3A_94 = arith.constant 16 : i32
        %add3A_95 = vector.broadcast %add3A_94 : i32 to vector<16xi32>
        %add3A_96 = arith.addi %broadcast_in_dim3A_90, %add3A_95 : vector<16xi32>
        %select_n3A_97 = arith.select %lt3A_93, %add3A_96, %broadcast_in_dim3A_90 : vector<16xi1>, vector<16xi32>
        %broadcast_in_dim3A_98 = vector.shape_cast %select_n3A_97 : vector<16xi32> to vector<16x1xi32>
        %gather3A_99 = vector.shape_cast %broadcast_in_dim3A_98 : vector<16x1xi32> to vector<16xi32>
        %gather3A_100 = tpu.dynamic_gather %get3A_79[%gather3A_99] in [0] : vector<16xf32>, vector<16xi32> -> vector<16xf32>
        %broadcast_in_dim3A_101 = arith.constant 2 : i32
        %broadcast_in_dim3A_102 = vector.broadcast %broadcast_in_dim3A_101 : i32 to vector<16xi32>
        %lt3A_103 = arith.constant 0 : i32
        %lt3A_104 = vector.broadcast %lt3A_103 : i32 to vector<16xi32>
        %lt3A_105 = arith.cmpi slt, %broadcast_in_dim3A_102, %lt3A_104 : vector<16xi32>
        %add3A_106 = arith.constant 16 : i32
        %add3A_107 = vector.broadcast %add3A_106 : i32 to vector<16xi32>
        %add3A_108 = arith.addi %broadcast_in_dim3A_102, %add3A_107 : vector<16xi32>
        %select_n3A_109 = arith.select %lt3A_105, %add3A_108, %broadcast_in_dim3A_102 : vector<16xi1>, vector<16xi32>
        %broadcast_in_dim3A_110 = vector.shape_cast %select_n3A_109 : vector<16xi32> to vector<16x1xi32>
        %gather3A_111 = vector.shape_cast %broadcast_in_dim3A_110 : vector<16x1xi32> to vector<16xi32>
        %gather3A_112 = tpu.dynamic_gather %get3A_79[%gather3A_111] in [0] : vector<16xf32>, vector<16xi32> -> vector<16xf32>
        %broadcast_in_dim3A_113 = arith.constant 3 : i32
        %broadcast_in_dim3A_114 = vector.broadcast %broadcast_in_dim3A_113 : i32 to vector<16xi32>
        %lt3A_115 = arith.constant 0 : i32
        %lt3A_116 = vector.broadcast %lt3A_115 : i32 to vector<16xi32>
        %lt3A_117 = arith.cmpi slt, %broadcast_in_dim3A_114, %lt3A_116 : vector<16xi32>
        %add3A_118 = arith.constant 16 : i32
        %add3A_119 = vector.broadcast %add3A_118 : i32 to vector<16xi32>
        %add3A_120 = arith.addi %broadcast_in_dim3A_114, %add3A_119 : vector<16xi32>
        %select_n3A_121 = arith.select %lt3A_117, %add3A_120, %broadcast_in_dim3A_114 : vector<16xi1>, vector<16xi32>
        %broadcast_in_dim3A_122 = vector.shape_cast %select_n3A_121 : vector<16xi32> to vector<16x1xi32>
        %gather3A_123 = vector.shape_cast %broadcast_in_dim3A_122 : vector<16x1xi32> to vector<16xi32>
        %gather3A_124 = tpu.dynamic_gather %get3A_79[%gather3A_123] in [0] : vector<16xf32>, vector<16xi32> -> vector<16xf32>
        %get3A_125 = arith.index_cast %scan3A_75 : i32 to index
        %get3A_126 = arith.constant 0 : index
        %get3A_127 = tpu.vector_load %arg14[%get3A_125, %get3A_126] {strides = array<i32>} : memref<128x128xf32, #tpu.memory_space<vmem>>, vector<1x16xf32>,
        %get3A_128 = vector.shape_cast %get3A_127 : vector<1x16xf32> to vector<16xf32>
        %mul3A_129 = arith.mulf %get3A_128, %gather3A_88 : vector<16xf32>
        %swap3A = arith.index_cast %scan3A_75 : i32 to index
        %swap3A_130 = arith.constant 0 : index
        %swap3A_131 = tpu.vector_load %arg14[%swap3A, %swap3A_130] {strides = array<i32>} : memref<128x128xf32, #tpu.memory_space<vmem>>, vector<1x16xf32>,
        %swap3A_132 = vector.shape_cast %swap3A_131 : vector<1x16xf32> to vector<16xf32>
        %swap3A_133 = vector.shape_cast %mul3A_129 : vector<16xf32> to vector<1x16xf32>
        tpu.vector_store %arg14[%swap3A, %swap3A_130], %swap3A_133 {strides = array<i32>} : memref<128x128xf32, #tpu.memory_space<vmem>>, vector<1x16xf32>,
        %get3A_134 = arith.index_cast %scan3A_75 : i32 to index
        %get3A_135 = arith.constant 16 : index
        %get3A_136 = tpu.vector_load %arg14[%get3A_134, %get3A_135] {strides = array<i32>} : memref<128x128xf32, #tpu.memory_space<vmem>>, vector<1x16xf32>,
        %get3A_137 = vector.shape_cast %get3A_136 : vector<1x16xf32> to vector<16xf32>
        %mul3A_138 = arith.mulf %get3A_137, %gather3A_88 : vector<16xf32>
        %swap3A_139 = arith.index_cast %scan3A_75 : i32 to index
        %swap3A_140 = arith.constant 16 : index
        %swap3A_141 = tpu.vector_load %arg14[%swap3A_139, %swap3A_140] {strides = array<i32>} : memref<128x128xf32, #tpu.memory_space<vmem>>, vector<1x16xf32>,
        %swap3A_142 = vector.shape_cast %swap3A_141 : vector<1x16xf32> to vector<16xf32>
        %swap3A_143 = vector.shape_cast %mul3A_138 : vector<16xf32> to vector<1x16xf32>
        tpu.vector_store %arg14[%swap3A_139, %swap3A_140], %swap3A_143 {strides = array<i32>} : memref<128x128xf32, #tpu.memory_space<vmem>>, vector<1x16xf32>,
        %get3A_144 = arith.index_cast %scan3A_75 : i32 to index
        %get3A_145 = arith.constant 32 : index
        %get3A_146 = tpu.vector_load %arg14[%get3A_144, %get3A_145] {strides = array<i32>} : memref<128x128xf32, #tpu.memory_space<vmem>>, vector<1x16xf32>,
        %get3A_147 = vector.shape_cast %get3A_146 : vector<1x16xf32> to vector<16xf32>
        %mul3A_148 = arith.mulf %get3A_147, %gather3A_100 : vector<16xf32>
        %swap3A_149 = arith.index_cast %scan3A_75 : i32 to index
        %swap3A_150 = arith.constant 32 : index
        %swap3A_151 = tpu.vector_load %arg14[%swap3A_149, %swap3A_150] {strides = array<i32>} : memref<128x128xf32, #tpu.memory_space<vmem>>, vector<1x16xf32>,
        %swap3A_152 = vector.shape_cast %swap3A_151 : vector<1x16xf32> to vector<16xf32>
        %swap3A_153 = vector.shape_cast %mul3A_148 : vector<16xf32> to vector<1x16xf32>
        tpu.vector_store %arg14[%swap3A_149, %swap3A_150], %swap3A_153 {strides = array<i32>} : memref<128x128xf32, #tpu.memory_space<vmem>>, vector<1x16xf32>,
        %get3A_154 = arith.index_cast %scan3A_75 : i32 to index
        %get3A_155 = arith.constant 48 : index
        %get3A_156 = tpu.vector_load %arg14[%get3A_154, %get3A_155] {strides = array<i32>} : memref<128x128xf32, #tpu.memory_space<vmem>>, vector<1x16xf32>,
        %get3A_157 = vector.shape_cast %get3A_156 : vector<1x16xf32> to vector<16xf32>
        %mul3A_158 = arith.mulf %get3A_157, %gather3A_100 : vector<16xf32>
        %swap3A_159 = arith.index_cast %scan3A_75 : i32 to index
        %swap3A_160 = arith.constant 48 : index
        %swap3A_161 = tpu.vector_load %arg14[%swap3A_159, %swap3A_160] {strides = array<i32>} : memref<128x128xf32, #tpu.memory_space<vmem>>, vector<1x16xf32>,
        %swap3A_162 = vector.shape_cast %swap3A_161 : vector<1x16xf32> to vector<16xf32>
        %swap3A_163 = vector.shape_cast %mul3A_158 : vector<16xf32> to vector<1x16xf32>
        tpu.vector_store %arg14[%swap3A_159, %swap3A_160], %swap3A_163 {strides = array<i32>} : memref<128x128xf32, #tpu.memory_space<vmem>>, vector<1x16xf32>,
        %get3A_164 = arith.index_cast %scan3A_75 : i32 to index
        %get3A_165 = arith.constant 64 : index
        %get3A_166 = tpu.vector_load %arg14[%get3A_164, %get3A_165] {strides = array<i32>} : memref<128x128xf32, #tpu.memory_space<vmem>>, vector<1x16xf32>,
        %get3A_167 = vector.shape_cast %get3A_166 : vector<1x16xf32> to vector<16xf32>
        %mul3A_168 = arith.mulf %get3A_167, %gather3A_112 : vector<16xf32>
        %swap3A_169 = arith.index_cast %scan3A_75 : i32 to index
        %swap3A_170 = arith.constant 64 : index
        %swap3A_171 = tpu.vector_load %arg14[%swap3A_169, %swap3A_170] {strides = array<i32>} : memref<128x128xf32, #tpu.memory_space<vmem>>, vector<1x16xf32>,
        %swap3A_172 = vector.shape_cast %swap3A_171 : vector<1x16xf32> to vector<16xf32>
        %swap3A_173 = vector.shape_cast %mul3A_168 : vector<16xf32> to vector<1x16xf32>
        tpu.vector_store %arg14[%swap3A_169, %swap3A_170], %swap3A_173 {strides = array<i32>} : memref<128x128xf32, #tpu.memory_space<vmem>>, vector<1x16xf32>,
        %get3A_174 = arith.index_cast %scan3A_75 : i32 to index
        %get3A_175 = arith.constant 80 : index
        %get3A_176 = tpu.vector_load %arg14[%get3A_174, %get3A_175] {strides = array<i32>} : memref<128x128xf32, #tpu.memory_space<vmem>>, vector<1x16xf32>,
        %get3A_177 = vector.shape_cast %get3A_176 : vector<1x16xf32> to vector<16xf32>
        %mul3A_178 = arith.mulf %get3A_177, %gather3A_112 : vector<16xf32>
        %swap3A_179 = arith.index_cast %scan3A_75 : i32 to index
        %swap3A_180 = arith.constant 80 : index
        %swap3A_181 = tpu.vector_load %arg14[%swap3A_179, %swap3A_180] {strides = array<i32>} : memref<128x128xf32, #tpu.memory_space<vmem>>, vector<1x16xf32>,
        %swap3A_182 = vector.shape_cast %swap3A_181 : vector<1x16xf32> to vector<16xf32>
        %swap3A_183 = vector.shape_cast %mul3A_178 : vector<16xf32> to vector<1x16xf32>
        tpu.vector_store %arg14[%swap3A_179, %swap3A_180], %swap3A_183 {strides = array<i32>} : memref<128x128xf32, #tpu.memory_space<vmem>>, vector<1x16xf32>,
        %get3A_184 = arith.index_cast %scan3A_75 : i32 to index
        %get3A_185 = arith.constant 96 : index
        %get3A_186 = tpu.vector_load %arg14[%get3A_184, %get3A_185] {strides = array<i32>} : memref<128x128xf32, #tpu.memory_space<vmem>>, vector<1x16xf32>,
        %get3A_187 = vector.shape_cast %get3A_186 : vector<1x16xf32> to vector<16xf32>
        %mul3A_188 = arith.mulf %get3A_187, %gather3A_124 : vector<16xf32>
        %swap3A_189 = arith.index_cast %scan3A_75 : i32 to index
        %swap3A_190 = arith.constant 96 : index
        %swap3A_191 = tpu.vector_load %arg14[%swap3A_189, %swap3A_190] {strides = array<i32>} : memref<128x128xf32, #tpu.memory_space<vmem>>, vector<1x16xf32>,
        %swap3A_192 = vector.shape_cast %swap3A_191 : vector<1x16xf32> to vector<16xf32>
        %swap3A_193 = vector.shape_cast %mul3A_188 : vector<16xf32> to vector<1x16xf32>
        tpu.vector_store %arg14[%swap3A_189, %swap3A_190], %swap3A_193 {strides = array<i32>} : memref<128x128xf32, #tpu.memory_space<vmem>>, vector<1x16xf32>,
        %get3A_194 = arith.index_cast %scan3A_75 : i32 to index
        %get3A_195 = arith.constant 112 : index
        %get3A_196 = tpu.vector_load %arg14[%get3A_194, %get3A_195] {strides = array<i32>} : memref<128x128xf32, #tpu.memory_space<vmem>>, vector<1x16xf32>,
        %get3A_197 = vector.shape_cast %get3A_196 : vector<1x16xf32> to vector<16xf32>
        %mul3A_198 = arith.mulf %get3A_197, %gather3A_124 : vector<16xf32>
        %swap3A_199 = arith.index_cast %scan3A_75 : i32 to index
        %swap3A_200 = arith.constant 112 : index
        %swap3A_201 = tpu.vector_load %arg14[%swap3A_199, %swap3A_200] {strides = array<i32>} : memref<128x128xf32, #tpu.memory_space<vmem>>, vector<1x16xf32>,
        %swap3A_202 = vector.shape_cast %swap3A_201 : vector<1x16xf32> to vector<16xf32>
        %swap3A_203 = vector.shape_cast %mul3A_198 : vector<16xf32> to vector<1x16xf32>
        tpu.vector_store %arg14[%swap3A_199, %swap3A_200], %swap3A_203 {strides = array<i32>} : memref<128x128xf32, #tpu.memory_space<vmem>>, vector<1x16xf32>,
      }
      %scan3A_35 = arith.constant 125 : i32
      %gt3A = arith.constant 0 : i32
      %gt3A_36 = arith.cmpi sgt, %add3A_26, %gt3A : i32
      %convert_element_type3A = arith.extui %gt3A_36 : i1 to i32
      %cond3A = arith.constant 0 : i32
      %cond3A_37 = arith.cmpi ne, %convert_element_type3A, %cond3A : i32
      scf.if %cond3A_37 {
        %dma_wait3A_75 = arith.constant 0 : i32
        %dma_wait3A_76 = arith.constant 0 : i32
        %dma_wait3A_77 = tpu.memref_slice %arg16[%dma_wait3A_75, %dma_wait3A_76] : memref<5120x128xf32, #tpu.memory_space<vmem_shared>> -> memref<5120x128xf32, #tpu.memory_space<vmem_shared>>
        tpu.wait_indirect_dma semaphore(%arg20 : memref<!tpu.dma_semaphore, #tpu.memory_space<semaphore_mem>>) src(%arg15 : memref<128x128xf32, #tpu.memory_space<vmem>>) dst(%dma_wait3A_77 : memref<5120x128xf32, #tpu.memory_space<vmem_shared>>)
      } else {
      }
      %add3A_38 = arith.constant 1 : i32
      %add3A_39 = arith.addi %add3A_26, %add3A_38 : i32
      %lt3A = arith.constant 80 : i32
      %lt3A_40 = arith.cmpi slt, %add3A_39, %lt3A : i32
      %convert_element_type3A_41 = arith.extui %lt3A_40 : i1 to i32
      %cond3A_42 = arith.constant 0 : i32
      %cond3A_43 = arith.cmpi ne, %convert_element_type3A_41, %cond3A_42 : i32
      scf.if %cond3A_43 {
        %add3A_75 = arith.constant 1 : i32
        %add3A_76 = arith.addi %add3A_26, %add3A_75 : i32
        %mul3A_77 = arith.constant 80 : i32
        %mul3A_78 = arith.muli %arg1, %mul3A_77 : i32
        %add3A_79 = arith.addi %mul3A_78, %add3A_76 : i32
        "tpu.region"() ({
          %run_scoped3A = tpu.sem_alloc : memref<!tpu.dma_semaphore, #tpu.memory_space<semaphore_mem>>
          %dma_start3A_85 = arith.constant 0 : i32
          %dma_start3A_86 = tpu.memref_slice %arg4[%add3A_79, %dma_start3A_85] : memref<1280x128xi32, #tpu.memory_space<hbm>> -> memref<1x128xi32, #tpu.memory_space<hbm>>
          %dma_start3A_87 = tpu.memref_squeeze %dma_start3A_86 : memref<1x128xi32, #tpu.memory_space<hbm>> -> memref<128xi32, #tpu.memory_space<hbm>>
          %dma_start3A_88 = arith.constant 0 : i32
          %dma_start3A_89 = tpu.memref_slice %arg4[%add3A_79, %dma_start3A_88] : memref<1280x128xi32, #tpu.memory_space<hbm>> -> memref<1x128xi32, #tpu.memory_space<hbm>>
          %dma_start3A_90 = tpu.memref_squeeze %dma_start3A_89 : memref<1x128xi32, #tpu.memory_space<hbm>> -> memref<128xi32, #tpu.memory_space<hbm>>
          tpu.enqueue_dma source(%dma_start3A_90 : memref<128xi32, #tpu.memory_space<hbm>>) target(%arg9 : memref<128xi32, #tpu.memory_space<vmem>>) target_semaphore(%run_scoped3A : memref<!tpu.dma_semaphore, #tpu.memory_space<semaphore_mem>>)
          %dma_wait3A_91 = arith.constant 0 : i32
          %dma_wait3A_92 = tpu.memref_slice %arg4[%add3A_79, %dma_wait3A_91] : memref<1280x128xi32, #tpu.memory_space<hbm>> -> memref<1x128xi32, #tpu.memory_space<hbm>>
          %dma_wait3A_93 = tpu.memref_squeeze %dma_wait3A_92 : memref<1x128xi32, #tpu.memory_space<hbm>> -> memref<128xi32, #tpu.memory_space<hbm>>
          %dma_wait3A_94 = arith.constant 0 : i32
          %dma_wait3A_95 = tpu.memref_slice %arg4[%add3A_79, %dma_wait3A_94] : memref<1280x128xi32, #tpu.memory_space<hbm>> -> memref<1x128xi32, #tpu.memory_space<hbm>>
          %dma_wait3A_96 = tpu.memref_squeeze %dma_wait3A_95 : memref<1x128xi32, #tpu.memory_space<hbm>> -> memref<128xi32, #tpu.memory_space<hbm>>
          tpu.wait_dma2 semaphore(%run_scoped3A : memref<!tpu.dma_semaphore, #tpu.memory_space<semaphore_mem>>) src(%dma_wait3A_96 : memref<128xi32, #tpu.memory_space<hbm>>) dst(%arg9 : memref<128xi32, #tpu.memory_space<vmem>>)
          tpu.yield
        }) : () -> ()
        "tpu.region"() ({
          %run_scoped3A = tpu.sem_alloc : memref<!tpu.dma_semaphore, #tpu.memory_space<semaphore_mem>>
          %dma_start3A_85 = arith.constant 0 : i32
          %dma_start3A_86 = tpu.memref_slice %arg5[%arg0, %add3A_79, %dma_start3A_85] : memref<2x1280x128xi32, #tpu.memory_space<hbm>> -> memref<1x1x128xi32, #tpu.memory_space<hbm>>
          %dma_start3A_87 = tpu.memref_squeeze %dma_start3A_86 : memref<1x1x128xi32, #tpu.memory_space<hbm>> -> memref<128xi32, #tpu.memory_space<hbm>>
          %dma_start3A_88 = arith.constant 0 : i32
          %dma_start3A_89 = tpu.memref_slice %arg5[%arg0, %add3A_79, %dma_start3A_88] : memref<2x1280x128xi32, #tpu.memory_space<hbm>> -> memref<1x1x128xi32, #tpu.memory_space<hbm>>
          %dma_start3A_90 = tpu.memref_squeeze %dma_start3A_89 : memref<1x1x128xi32, #tpu.memory_space<hbm>> -> memref<128xi32, #tpu.memory_space<hbm>>
          tpu.enqueue_dma source(%dma_start3A_90 : memref<128xi32, #tpu.memory_space<hbm>>) target(%arg11 : memref<128xi32, #tpu.memory_space<vmem>>) target_semaphore(%run_scoped3A : memref<!tpu.dma_semaphore, #tpu.memory_space<semaphore_mem>>)
          %dma_wait3A_91 = arith.constant 0 : i32
          %dma_wait3A_92 = tpu.memref_slice %arg5[%arg0, %add3A_79, %dma_wait3A_91] : memref<2x1280x128xi32, #tpu.memory_space<hbm>> -> memref<1x1x128xi32, #tpu.memory_space<hbm>>
          %dma_wait3A_93 = tpu.memref_squeeze %dma_wait3A_92 : memref<1x1x128xi32, #tpu.memory_space<hbm>> -> memref<128xi32, #tpu.memory_space<hbm>>
          %dma_wait3A_94 = arith.constant 0 : i32
          %dma_wait3A_95 = tpu.memref_slice %arg5[%arg0, %add3A_79, %dma_wait3A_94] : memref<2x1280x128xi32, #tpu.memory_space<hbm>> -> memref<1x1x128xi32, #tpu.memory_space<hbm>>
          %dma_wait3A_96 = tpu.memref_squeeze %dma_wait3A_95 : memref<1x1x128xi32, #tpu.memory_space<hbm>> -> memref<128xi32, #tpu.memory_space<hbm>>
          tpu.wait_dma2 semaphore(%run_scoped3A : memref<!tpu.dma_semaphore, #tpu.memory_space<semaphore_mem>>) src(%dma_wait3A_96 : memref<128xi32, #tpu.memory_space<hbm>>) dst(%arg11 : memref<128xi32, #tpu.memory_space<vmem>>)
          tpu.yield
        }) : () -> ()
        %mul3A_80 = arith.constant 2000 : i32
        %mul3A_81 = arith.muli %add3A_79, %mul3A_80 : i32
        "tpu.region"() ({
          %run_scoped3A = tpu.sem_alloc : memref<!tpu.dma_semaphore, #tpu.memory_space<semaphore_mem>>
          %dma_start3A_85 = tpu.memref_slice %arg3[%mul3A_81] : memref<2560000xf32, #tpu.memory_space<hbm>> -> memref<2000xf32, #tpu.memory_space<hbm>>
          %dma_start3A_86 = tpu.memref_slice %arg3[%mul3A_81] : memref<2560000xf32, #tpu.memory_space<hbm>> -> memref<2000xf32, #tpu.memory_space<hbm>>
          tpu.enqueue_dma source(%dma_start3A_86 : memref<2000xf32, #tpu.memory_space<hbm>>) target(%arg13 : memref<2000xf32, #tpu.memory_space<vmem>>) target_semaphore(%run_scoped3A : memref<!tpu.dma_semaphore, #tpu.memory_space<semaphore_mem>>)
          %dma_wait3A_87 = tpu.memref_slice %arg3[%mul3A_81] : memref<2560000xf32, #tpu.memory_space<hbm>> -> memref<2000xf32, #tpu.memory_space<hbm>>
          %dma_wait3A_88 = tpu.memref_slice %arg3[%mul3A_81] : memref<2560000xf32, #tpu.memory_space<hbm>> -> memref<2000xf32, #tpu.memory_space<hbm>>
          tpu.wait_dma2 semaphore(%run_scoped3A : memref<!tpu.dma_semaphore, #tpu.memory_space<semaphore_mem>>) src(%dma_wait3A_88 : memref<2000xf32, #tpu.memory_space<hbm>>) dst(%arg13 : memref<2000xf32, #tpu.memory_space<vmem>>)
          tpu.yield
        }) : () -> ()
        %dma_start3A_82 = arith.constant 0 : i32
        %dma_start3A_83 = arith.constant 0 : i32
        %dma_start3A_84 = tpu.memref_slice %arg2[%dma_start3A_82, %dma_start3A_83] : memref<10112x128xf32, #tpu.memory_space<hbm>> -> memref<10112x128xf32, #tpu.memory_space<hbm>>
        tpu.enqueue_indirect_dma source(%dma_start3A_84 : memref<10112x128xf32, #tpu.memory_space<hbm>>) target(%arg15 : memref<128x128xf32, #tpu.memory_space<vmem>>) offsets(%arg9 : memref<128xi32, #tpu.memory_space<vmem>>) semaphore(%arg18 : memref<!tpu.dma_semaphore, #tpu.memory_space<semaphore_mem>>)
      } else {
      }
      %dma_start3A_44 = arith.constant 0 : i32
      %dma_start3A_45 = arith.constant 0 : i32
      %dma_start3A_46 = tpu.memref_slice %arg16[%dma_start3A_44, %dma_start3A_45] : memref<5120x128xf32, #tpu.memory_space<vmem_shared>> -> memref<5120x128xf32, #tpu.memory_space<vmem_shared>>
      tpu.enqueue_indirect_dma source(%arg14 : memref<128x128xf32, #tpu.memory_space<vmem>>) target(%dma_start3A_46 : memref<5120x128xf32, #tpu.memory_space<vmem_shared>>) offsets(%arg10 : memref<128xi32, #tpu.memory_space<vmem>>) semaphore(%arg19 : memref<!tpu.dma_semaphore, #tpu.memory_space<semaphore_mem>>) {add = true}
      %mul3A_47 = arith.constant 2 : i32
      %mul3A_48 = arith.muli %scan3A_22, %mul3A_47 : i32
      %add3A_49 = arith.constant 1 : i32
      %add3A_50 = arith.addi %mul3A_48, %add3A_49 : i32
      %dma_wait3A_51 = arith.constant 0 : i32
      %dma_wait3A_52 = arith.constant 0 : i32
      %dma_wait3A_53 = tpu.memref_slice %arg2[%dma_wait3A_51, %dma_wait3A_52] : memref<10112x128xf32, #tpu.memory_space<hbm>> -> memref<10112x128xf32, #tpu.memory_space<hbm>>
      tpu.wait_indirect_dma semaphore(%arg18 : memref<!tpu.dma_semaphore, #tpu.memory_space<semaphore_mem>>) src(%dma_wait3A_53 : memref<10112x128xf32, #tpu.memory_space<hbm>>) dst(%arg15 : memref<128x128xf32, #tpu.memory_space<vmem>>)
      %scan3A_54 = arith.constant 0 : i32
      %scan3A_55 = arith.constant 0 : i32
      %scan3A_56 = arith.constant 125 : i32
      %scan3A_57 = arith.addi %scan3A_55, %scan3A_56 : i32
      %scan3A_58 = arith.constant 1 : i32
      scf.for %scan3A_75 = %scan3A_55 to %scan3A_57 step %scan3A_58  : i32 {
        %mul3A_76 = arith.constant 16 : i32
        %mul3A_77 = arith.muli %scan3A_75, %mul3A_76 : i32
        %get3A = arith.index_cast %mul3A_77 : i32 to index
        %get3A_78 = tpu.vector_load %arg13[%get3A] {strides = array<i32>} : memref<2000xf32, #tpu.memory_space<vmem>>, vector<16xf32>,
        %get3A_79 = vector.shape_cast %get3A_78 : vector<16xf32> to vector<16xf32>
        %broadcast_in_dim3A = arith.constant 0 : i32
        %broadcast_in_dim3A_80 = vector.broadcast %broadcast_in_dim3A : i32 to vector<16xi32>
        %lt3A_81 = arith.constant 0 : i32
        %lt3A_82 = vector.broadcast %lt3A_81 : i32 to vector<16xi32>
        %lt3A_83 = arith.cmpi slt, %broadcast_in_dim3A_80, %lt3A_82 : vector<16xi32>
        %add3A_84 = arith.constant 16 : i32
        %add3A_85 = vector.broadcast %add3A_84 : i32 to vector<16xi32>
        %add3A_86 = arith.addi %broadcast_in_dim3A_80, %add3A_85 : vector<16xi32>
        %select_n3A = arith.select %lt3A_83, %add3A_86, %broadcast_in_dim3A_80 : vector<16xi1>, vector<16xi32>
        %broadcast_in_dim3A_87 = vector.shape_cast %select_n3A : vector<16xi32> to vector<16x1xi32>
        %gather3A = vector.shape_cast %broadcast_in_dim3A_87 : vector<16x1xi32> to vector<16xi32>
        %gather3A_88 = tpu.dynamic_gather %get3A_79[%gather3A] in [0] : vector<16xf32>, vector<16xi32> -> vector<16xf32>
        %broadcast_in_dim3A_89 = arith.constant 1 : i32
        %broadcast_in_dim3A_90 = vector.broadcast %broadcast_in_dim3A_89 : i32 to vector<16xi32>
        %lt3A_91 = arith.constant 0 : i32
        %lt3A_92 = vector.broadcast %lt3A_91 : i32 to vector<16xi32>
        %lt3A_93 = arith.cmpi slt, %broadcast_in_dim3A_90, %lt3A_92 : vector<16xi32>
        %add3A_94 = arith.constant 16 : i32
        %add3A_95 = vector.broadcast %add3A_94 : i32 to vector<16xi32>
        %add3A_96 = arith.addi %broadcast_in_dim3A_90, %add3A_95 : vector<16xi32>
        %select_n3A_97 = arith.select %lt3A_93, %add3A_96, %broadcast_in_dim3A_90 : vector<16xi1>, vector<16xi32>
        %broadcast_in_dim3A_98 = vector.shape_cast %select_n3A_97 : vector<16xi32> to vector<16x1xi32>
        %gather3A_99 = vector.shape_cast %broadcast_in_dim3A_98 : vector<16x1xi32> to vector<16xi32>
        %gather3A_100 = tpu.dynamic_gather %get3A_79[%gather3A_99] in [0] : vector<16xf32>, vector<16xi32> -> vector<16xf32>
        %broadcast_in_dim3A_101 = arith.constant 2 : i32
        %broadcast_in_dim3A_102 = vector.broadcast %broadcast_in_dim3A_101 : i32 to vector<16xi32>
        %lt3A_103 = arith.constant 0 : i32
        %lt3A_104 = vector.broadcast %lt3A_103 : i32 to vector<16xi32>
        %lt3A_105 = arith.cmpi slt, %broadcast_in_dim3A_102, %lt3A_104 : vector<16xi32>
        %add3A_106 = arith.constant 16 : i32
        %add3A_107 = vector.broadcast %add3A_106 : i32 to vector<16xi32>
        %add3A_108 = arith.addi %broadcast_in_dim3A_102, %add3A_107 : vector<16xi32>
        %select_n3A_109 = arith.select %lt3A_105, %add3A_108, %broadcast_in_dim3A_102 : vector<16xi1>, vector<16xi32>
        %broadcast_in_dim3A_110 = vector.shape_cast %select_n3A_109 : vector<16xi32> to vector<16x1xi32>
        %gather3A_111 = vector.shape_cast %broadcast_in_dim3A_110 : vector<16x1xi32> to vector<16xi32>
        %gather3A_112 = tpu.dynamic_gather %get3A_79[%gather3A_111] in [0] : vector<16xf32>, vector<16xi32> -> vector<16xf32>
        %broadcast_in_dim3A_113 = arith.constant 3 : i32
        %broadcast_in_dim3A_114 = vector.broadcast %broadcast_in_dim3A_113 : i32 to vector<16xi32>
        %lt3A_115 = arith.constant 0 : i32
        %lt3A_116 = vector.broadcast %lt3A_115 : i32 to vector<16xi32>
        %lt3A_117 = arith.cmpi slt, %broadcast_in_dim3A_114, %lt3A_116 : vector<16xi32>
        %add3A_118 = arith.constant 16 : i32
        %add3A_119 = vector.broadcast %add3A_118 : i32 to vector<16xi32>
        %add3A_120 = arith.addi %broadcast_in_dim3A_114, %add3A_119 : vector<16xi32>
        %select_n3A_121 = arith.select %lt3A_117, %add3A_120, %broadcast_in_dim3A_114 : vector<16xi1>, vector<16xi32>
        %broadcast_in_dim3A_122 = vector.shape_cast %select_n3A_121 : vector<16xi32> to vector<16x1xi32>
        %gather3A_123 = vector.shape_cast %broadcast_in_dim3A_122 : vector<16x1xi32> to vector<16xi32>
        %gather3A_124 = tpu.dynamic_gather %get3A_79[%gather3A_123] in [0] : vector<16xf32>, vector<16xi32> -> vector<16xf32>
        %get3A_125 = arith.index_cast %scan3A_75 : i32 to index
        %get3A_126 = arith.constant 0 : index
        %get3A_127 = tpu.vector_load %arg15[%get3A_125, %get3A_126] {strides = array<i32>} : memref<128x128xf32, #tpu.memory_space<vmem>>, vector<1x16xf32>,
        %get3A_128 = vector.shape_cast %get3A_127 : vector<1x16xf32> to vector<16xf32>
        %mul3A_129 = arith.mulf %get3A_128, %gather3A_88 : vector<16xf32>
        %swap3A = arith.index_cast %scan3A_75 : i32 to index
        %swap3A_130 = arith.constant 0 : index
        %swap3A_131 = tpu.vector_load %arg15[%swap3A, %swap3A_130] {strides = array<i32>} : memref<128x128xf32, #tpu.memory_space<vmem>>, vector<1x16xf32>,
        %swap3A_132 = vector.shape_cast %swap3A_131 : vector<1x16xf32> to vector<16xf32>
        %swap3A_133 = vector.shape_cast %mul3A_129 : vector<16xf32> to vector<1x16xf32>
        tpu.vector_store %arg15[%swap3A, %swap3A_130], %swap3A_133 {strides = array<i32>} : memref<128x128xf32, #tpu.memory_space<vmem>>, vector<1x16xf32>,
        %get3A_134 = arith.index_cast %scan3A_75 : i32 to index
        %get3A_135 = arith.constant 16 : index
        %get3A_136 = tpu.vector_load %arg15[%get3A_134, %get3A_135] {strides = array<i32>} : memref<128x128xf32, #tpu.memory_space<vmem>>, vector<1x16xf32>,
        %get3A_137 = vector.shape_cast %get3A_136 : vector<1x16xf32> to vector<16xf32>
        %mul3A_138 = arith.mulf %get3A_137, %gather3A_88 : vector<16xf32>
        %swap3A_139 = arith.index_cast %scan3A_75 : i32 to index
        %swap3A_140 = arith.constant 16 : index
        %swap3A_141 = tpu.vector_load %arg15[%swap3A_139, %swap3A_140] {strides = array<i32>} : memref<128x128xf32, #tpu.memory_space<vmem>>, vector<1x16xf32>,
        %swap3A_142 = vector.shape_cast %swap3A_141 : vector<1x16xf32> to vector<16xf32>
        %swap3A_143 = vector.shape_cast %mul3A_138 : vector<16xf32> to vector<1x16xf32>
        tpu.vector_store %arg15[%swap3A_139, %swap3A_140], %swap3A_143 {strides = array<i32>} : memref<128x128xf32, #tpu.memory_space<vmem>>, vector<1x16xf32>,
        %get3A_144 = arith.index_cast %scan3A_75 : i32 to index
        %get3A_145 = arith.constant 32 : index
        %get3A_146 = tpu.vector_load %arg15[%get3A_144, %get3A_145] {strides = array<i32>} : memref<128x128xf32, #tpu.memory_space<vmem>>, vector<1x16xf32>,
        %get3A_147 = vector.shape_cast %get3A_146 : vector<1x16xf32> to vector<16xf32>
        %mul3A_148 = arith.mulf %get3A_147, %gather3A_100 : vector<16xf32>
        %swap3A_149 = arith.index_cast %scan3A_75 : i32 to index
        %swap3A_150 = arith.constant 32 : index
        %swap3A_151 = tpu.vector_load %arg15[%swap3A_149, %swap3A_150] {strides = array<i32>} : memref<128x128xf32, #tpu.memory_space<vmem>>, vector<1x16xf32>,
        %swap3A_152 = vector.shape_cast %swap3A_151 : vector<1x16xf32> to vector<16xf32>
        %swap3A_153 = vector.shape_cast %mul3A_148 : vector<16xf32> to vector<1x16xf32>
        tpu.vector_store %arg15[%swap3A_149, %swap3A_150], %swap3A_153 {strides = array<i32>} : memref<128x128xf32, #tpu.memory_space<vmem>>, vector<1x16xf32>,
        %get3A_154 = arith.index_cast %scan3A_75 : i32 to index
        %get3A_155 = arith.constant 48 : index
        %get3A_156 = tpu.vector_load %arg15[%get3A_154, %get3A_155] {strides = array<i32>} : memref<128x128xf32, #tpu.memory_space<vmem>>, vector<1x16xf32>,
        %get3A_157 = vector.shape_cast %get3A_156 : vector<1x16xf32> to vector<16xf32>
        %mul3A_158 = arith.mulf %get3A_157, %gather3A_100 : vector<16xf32>
        %swap3A_159 = arith.index_cast %scan3A_75 : i32 to index
        %swap3A_160 = arith.constant 48 : index
        %swap3A_161 = tpu.vector_load %arg15[%swap3A_159, %swap3A_160] {strides = array<i32>} : memref<128x128xf32, #tpu.memory_space<vmem>>, vector<1x16xf32>,
        %swap3A_162 = vector.shape_cast %swap3A_161 : vector<1x16xf32> to vector<16xf32>
        %swap3A_163 = vector.shape_cast %mul3A_158 : vector<16xf32> to vector<1x16xf32>
        tpu.vector_store %arg15[%swap3A_159, %swap3A_160], %swap3A_163 {strides = array<i32>} : memref<128x128xf32, #tpu.memory_space<vmem>>, vector<1x16xf32>,
        %get3A_164 = arith.index_cast %scan3A_75 : i32 to index
        %get3A_165 = arith.constant 64 : index
        %get3A_166 = tpu.vector_load %arg15[%get3A_164, %get3A_165] {strides = array<i32>} : memref<128x128xf32, #tpu.memory_space<vmem>>, vector<1x16xf32>,
        %get3A_167 = vector.shape_cast %get3A_166 : vector<1x16xf32> to vector<16xf32>
        %mul3A_168 = arith.mulf %get3A_167, %gather3A_112 : vector<16xf32>
        %swap3A_169 = arith.index_cast %scan3A_75 : i32 to index
        %swap3A_170 = arith.constant 64 : index
        %swap3A_171 = tpu.vector_load %arg15[%swap3A_169, %swap3A_170] {strides = array<i32>} : memref<128x128xf32, #tpu.memory_space<vmem>>, vector<1x16xf32>,
        %swap3A_172 = vector.shape_cast %swap3A_171 : vector<1x16xf32> to vector<16xf32>
        %swap3A_173 = vector.shape_cast %mul3A_168 : vector<16xf32> to vector<1x16xf32>
        tpu.vector_store %arg15[%swap3A_169, %swap3A_170], %swap3A_173 {strides = array<i32>} : memref<128x128xf32, #tpu.memory_space<vmem>>, vector<1x16xf32>,
        %get3A_174 = arith.index_cast %scan3A_75 : i32 to index
        %get3A_175 = arith.constant 80 : index
        %get3A_176 = tpu.vector_load %arg15[%get3A_174, %get3A_175] {strides = array<i32>} : memref<128x128xf32, #tpu.memory_space<vmem>>, vector<1x16xf32>,
        %get3A_177 = vector.shape_cast %get3A_176 : vector<1x16xf32> to vector<16xf32>
        %mul3A_178 = arith.mulf %get3A_177, %gather3A_112 : vector<16xf32>
        %swap3A_179 = arith.index_cast %scan3A_75 : i32 to index
        %swap3A_180 = arith.constant 80 : index
        %swap3A_181 = tpu.vector_load %arg15[%swap3A_179, %swap3A_180] {strides = array<i32>} : memref<128x128xf32, #tpu.memory_space<vmem>>, vector<1x16xf32>,
        %swap3A_182 = vector.shape_cast %swap3A_181 : vector<1x16xf32> to vector<16xf32>
        %swap3A_183 = vector.shape_cast %mul3A_178 : vector<16xf32> to vector<1x16xf32>
        tpu.vector_store %arg15[%swap3A_179, %swap3A_180], %swap3A_183 {strides = array<i32>} : memref<128x128xf32, #tpu.memory_space<vmem>>, vector<1x16xf32>,
        %get3A_184 = arith.index_cast %scan3A_75 : i32 to index
        %get3A_185 = arith.constant 96 : index
        %get3A_186 = tpu.vector_load %arg15[%get3A_184, %get3A_185] {strides = array<i32>} : memref<128x128xf32, #tpu.memory_space<vmem>>, vector<1x16xf32>,
        %get3A_187 = vector.shape_cast %get3A_186 : vector<1x16xf32> to vector<16xf32>
        %mul3A_188 = arith.mulf %get3A_187, %gather3A_124 : vector<16xf32>
        %swap3A_189 = arith.index_cast %scan3A_75 : i32 to index
        %swap3A_190 = arith.constant 96 : index
        %swap3A_191 = tpu.vector_load %arg15[%swap3A_189, %swap3A_190] {strides = array<i32>} : memref<128x128xf32, #tpu.memory_space<vmem>>, vector<1x16xf32>,
        %swap3A_192 = vector.shape_cast %swap3A_191 : vector<1x16xf32> to vector<16xf32>
        %swap3A_193 = vector.shape_cast %mul3A_188 : vector<16xf32> to vector<1x16xf32>
        tpu.vector_store %arg15[%swap3A_189, %swap3A_190], %swap3A_193 {strides = array<i32>} : memref<128x128xf32, #tpu.memory_space<vmem>>, vector<1x16xf32>,
        %get3A_194 = arith.index_cast %scan3A_75 : i32 to index
        %get3A_195 = arith.constant 112 : index
        %get3A_196 = tpu.vector_load %arg15[%get3A_194, %get3A_195] {strides = array<i32>} : memref<128x128xf32, #tpu.memory_space<vmem>>, vector<1x16xf32>,
        %get3A_197 = vector.shape_cast %get3A_196 : vector<1x16xf32> to vector<16xf32>
        %mul3A_198 = arith.mulf %get3A_197, %gather3A_124 : vector<16xf32>
        %swap3A_199 = arith.index_cast %scan3A_75 : i32 to index
        %swap3A_200 = arith.constant 112 : index
        %swap3A_201 = tpu.vector_load %arg15[%swap3A_199, %swap3A_200] {strides = array<i32>} : memref<128x128xf32, #tpu.memory_space<vmem>>, vector<1x16xf32>,
        %swap3A_202 = vector.shape_cast %swap3A_201 : vector<1x16xf32> to vector<16xf32>
        %swap3A_203 = vector.shape_cast %mul3A_198 : vector<16xf32> to vector<1x16xf32>
        tpu.vector_store %arg15[%swap3A_199, %swap3A_200], %swap3A_203 {strides = array<i32>} : memref<128x128xf32, #tpu.memory_space<vmem>>, vector<1x16xf32>,
      }
      %scan3A_59 = arith.constant 125 : i32
      %gt3A_60 = arith.constant 0 : i32
      %gt3A_61 = arith.cmpi sgt, %add3A_50, %gt3A_60 : i32
      %convert_element_type3A_62 = arith.extui %gt3A_61 : i1 to i32
      %cond3A_63 = arith.constant 0 : i32
      %cond3A_64 = arith.cmpi ne, %convert_element_type3A_62, %cond3A_63 : i32
      scf.if %cond3A_64 {
        %dma_wait3A_75 = arith.constant 0 : i32
        %dma_wait3A_76 = arith.constant 0 : i32
        %dma_wait3A_77 = tpu.memref_slice %arg16[%dma_wait3A_75, %dma_wait3A_76] : memref<5120x128xf32, #tpu.memory_space<vmem_shared>> -> memref<5120x128xf32, #tpu.memory_space<vmem_shared>>
        tpu.wait_indirect_dma semaphore(%arg19 : memref<!tpu.dma_semaphore, #tpu.memory_space<semaphore_mem>>) src(%arg14 : memref<128x128xf32, #tpu.memory_space<vmem>>) dst(%dma_wait3A_77 : memref<5120x128xf32, #tpu.memory_space<vmem_shared>>)
      } else {
      }
      %add3A_65 = arith.constant 1 : i32
      %add3A_66 = arith.addi %add3A_50, %add3A_65 : i32
      %lt3A_67 = arith.constant 80 : i32
      %lt3A_68 = arith.cmpi slt, %add3A_66, %lt3A_67 : i32
      %convert_element_type3A_69 = arith.extui %lt3A_68 : i1 to i32
      %cond3A_70 = arith.constant 0 : i32
      %cond3A_71 = arith.cmpi ne, %convert_element_type3A_69, %cond3A_70 : i32
      scf.if %cond3A_71 {
        %add3A_75 = arith.constant 1 : i32
        %add3A_76 = arith.addi %add3A_50, %add3A_75 : i32
        %mul3A_77 = arith.constant 80 : i32
        %mul3A_78 = arith.muli %arg1, %mul3A_77 : i32
        %add3A_79 = arith.addi %mul3A_78, %add3A_76 : i32
        "tpu.region"() ({
          %run_scoped3A = tpu.sem_alloc : memref<!tpu.dma_semaphore, #tpu.memory_space<semaphore_mem>>
          %dma_start3A_85 = arith.constant 0 : i32
          %dma_start3A_86 = tpu.memref_slice %arg4[%add3A_79, %dma_start3A_85] : memref<1280x128xi32, #tpu.memory_space<hbm>> -> memref<1x128xi32, #tpu.memory_space<hbm>>
          %dma_start3A_87 = tpu.memref_squeeze %dma_start3A_86 : memref<1x128xi32, #tpu.memory_space<hbm>> -> memref<128xi32, #tpu.memory_space<hbm>>
          %dma_start3A_88 = arith.constant 0 : i32
          %dma_start3A_89 = tpu.memref_slice %arg4[%add3A_79, %dma_start3A_88] : memref<1280x128xi32, #tpu.memory_space<hbm>> -> memref<1x128xi32, #tpu.memory_space<hbm>>
          %dma_start3A_90 = tpu.memref_squeeze %dma_start3A_89 : memref<1x128xi32, #tpu.memory_space<hbm>> -> memref<128xi32, #tpu.memory_space<hbm>>
          tpu.enqueue_dma source(%dma_start3A_90 : memref<128xi32, #tpu.memory_space<hbm>>) target(%arg8 : memref<128xi32, #tpu.memory_space<vmem>>) target_semaphore(%run_scoped3A : memref<!tpu.dma_semaphore, #tpu.memory_space<semaphore_mem>>)
          %dma_wait3A_91 = arith.constant 0 : i32
          %dma_wait3A_92 = tpu.memref_slice %arg4[%add3A_79, %dma_wait3A_91] : memref<1280x128xi32, #tpu.memory_space<hbm>> -> memref<1x128xi32, #tpu.memory_space<hbm>>
          %dma_wait3A_93 = tpu.memref_squeeze %dma_wait3A_92 : memref<1x128xi32, #tpu.memory_space<hbm>> -> memref<128xi32, #tpu.memory_space<hbm>>
          %dma_wait3A_94 = arith.constant 0 : i32
          %dma_wait3A_95 = tpu.memref_slice %arg4[%add3A_79, %dma_wait3A_94] : memref<1280x128xi32, #tpu.memory_space<hbm>> -> memref<1x128xi32, #tpu.memory_space<hbm>>
          %dma_wait3A_96 = tpu.memref_squeeze %dma_wait3A_95 : memref<1x128xi32, #tpu.memory_space<hbm>> -> memref<128xi32, #tpu.memory_space<hbm>>
          tpu.wait_dma2 semaphore(%run_scoped3A : memref<!tpu.dma_semaphore, #tpu.memory_space<semaphore_mem>>) src(%dma_wait3A_96 : memref<128xi32, #tpu.memory_space<hbm>>) dst(%arg8 : memref<128xi32, #tpu.memory_space<vmem>>)
          tpu.yield
        }) : () -> ()
        "tpu.region"() ({
          %run_scoped3A = tpu.sem_alloc : memref<!tpu.dma_semaphore, #tpu.memory_space<semaphore_mem>>
          %dma_start3A_85 = arith.constant 0 : i32
          %dma_start3A_86 = tpu.memref_slice %arg5[%arg0, %add3A_79, %dma_start3A_85] : memref<2x1280x128xi32, #tpu.memory_space<hbm>> -> memref<1x1x128xi32, #tpu.memory_space<hbm>>
          %dma_start3A_87 = tpu.memref_squeeze %dma_start3A_86 : memref<1x1x128xi32, #tpu.memory_space<hbm>> -> memref<128xi32, #tpu.memory_space<hbm>>
          %dma_start3A_88 = arith.constant 0 : i32
          %dma_start3A_89 = tpu.memref_slice %arg5[%arg0, %add3A_79, %dma_start3A_88] : memref<2x1280x128xi32, #tpu.memory_space<hbm>> -> memref<1x1x128xi32, #tpu.memory_space<hbm>>
          %dma_start3A_90 = tpu.memref_squeeze %dma_start3A_89 : memref<1x1x128xi32, #tpu.memory_space<hbm>> -> memref<128xi32, #tpu.memory_space<hbm>>
          tpu.enqueue_dma source(%dma_start3A_90 : memref<128xi32, #tpu.memory_space<hbm>>) target(%arg10 : memref<128xi32, #tpu.memory_space<vmem>>) target_semaphore(%run_scoped3A : memref<!tpu.dma_semaphore, #tpu.memory_space<semaphore_mem>>)
          %dma_wait3A_91 = arith.constant 0 : i32
          %dma_wait3A_92 = tpu.memref_slice %arg5[%arg0, %add3A_79, %dma_wait3A_91] : memref<2x1280x128xi32, #tpu.memory_space<hbm>> -> memref<1x1x128xi32, #tpu.memory_space<hbm>>
          %dma_wait3A_93 = tpu.memref_squeeze %dma_wait3A_92 : memref<1x1x128xi32, #tpu.memory_space<hbm>> -> memref<128xi32, #tpu.memory_space<hbm>>
          %dma_wait3A_94 = arith.constant 0 : i32
          %dma_wait3A_95 = tpu.memref_slice %arg5[%arg0, %add3A_79, %dma_wait3A_94] : memref<2x1280x128xi32, #tpu.memory_space<hbm>> -> memref<1x1x128xi32, #tpu.memory_space<hbm>>
          %dma_wait3A_96 = tpu.memref_squeeze %dma_wait3A_95 : memref<1x1x128xi32, #tpu.memory_space<hbm>> -> memref<128xi32, #tpu.memory_space<hbm>>
          tpu.wait_dma2 semaphore(%run_scoped3A : memref<!tpu.dma_semaphore, #tpu.memory_space<semaphore_mem>>) src(%dma_wait3A_96 : memref<128xi32, #tpu.memory_space<hbm>>) dst(%arg10 : memref<128xi32, #tpu.memory_space<vmem>>)
          tpu.yield
        }) : () -> ()
        %mul3A_80 = arith.constant 2000 : i32
        %mul3A_81 = arith.muli %add3A_79, %mul3A_80 : i32
        "tpu.region"() ({
          %run_scoped3A = tpu.sem_alloc : memref<!tpu.dma_semaphore, #tpu.memory_space<semaphore_mem>>
          %dma_start3A_85 = tpu.memref_slice %arg3[%mul3A_81] : memref<2560000xf32, #tpu.memory_space<hbm>> -> memref<2000xf32, #tpu.memory_space<hbm>>
          %dma_start3A_86 = tpu.memref_slice %arg3[%mul3A_81] : memref<2560000xf32, #tpu.memory_space<hbm>> -> memref<2000xf32, #tpu.memory_space<hbm>>
          tpu.enqueue_dma source(%dma_start3A_86 : memref<2000xf32, #tpu.memory_space<hbm>>) target(%arg12 : memref<2000xf32, #tpu.memory_space<vmem>>) target_semaphore(%run_scoped3A : memref<!tpu.dma_semaphore, #tpu.memory_space<semaphore_mem>>)
          %dma_wait3A_87 = tpu.memref_slice %arg3[%mul3A_81] : memref<2560000xf32, #tpu.memory_space<hbm>> -> memref<2000xf32, #tpu.memory_space<hbm>>
          %dma_wait3A_88 = tpu.memref_slice %arg3[%mul3A_81] : memref<2560000xf32, #tpu.memory_space<hbm>> -> memref<2000xf32, #tpu.memory_space<hbm>>
          tpu.wait_dma2 semaphore(%run_scoped3A : memref<!tpu.dma_semaphore, #tpu.memory_space<semaphore_mem>>) src(%dma_wait3A_88 : memref<2000xf32, #tpu.memory_space<hbm>>) dst(%arg12 : memref<2000xf32, #tpu.memory_space<vmem>>)
          tpu.yield
        }) : () -> ()
        %dma_start3A_82 = arith.constant 0 : i32
        %dma_start3A_83 = arith.constant 0 : i32
        %dma_start3A_84 = tpu.memref_slice %arg2[%dma_start3A_82, %dma_start3A_83] : memref<10112x128xf32, #tpu.memory_space<hbm>> -> memref<10112x128xf32, #tpu.memory_space<hbm>>
        tpu.enqueue_indirect_dma source(%dma_start3A_84 : memref<10112x128xf32, #tpu.memory_space<hbm>>) target(%arg14 : memref<128x128xf32, #tpu.memory_space<vmem>>) offsets(%arg8 : memref<128xi32, #tpu.memory_space<vmem>>) semaphore(%arg17 : memref<!tpu.dma_semaphore, #tpu.memory_space<semaphore_mem>>)
      } else {
      }
      %dma_start3A_72 = arith.constant 0 : i32
      %dma_start3A_73 = arith.constant 0 : i32
      %dma_start3A_74 = tpu.memref_slice %arg16[%dma_start3A_72, %dma_start3A_73] : memref<5120x128xf32, #tpu.memory_space<vmem_shared>> -> memref<5120x128xf32, #tpu.memory_space<vmem_shared>>
      tpu.enqueue_indirect_dma source(%arg15 : memref<128x128xf32, #tpu.memory_space<vmem>>) target(%dma_start3A_74 : memref<5120x128xf32, #tpu.memory_space<vmem_shared>>) offsets(%arg11 : memref<128xi32, #tpu.memory_space<vmem>>) semaphore(%arg20 : memref<!tpu.dma_semaphore, #tpu.memory_space<semaphore_mem>>) {add = true}
    }
    %scan3A_14 = arith.constant 40 : i32
    %dma_wait3A = arith.constant 0 : i32
    %dma_wait3A_15 = arith.constant 0 : i32
    %dma_wait3A_16 = tpu.memref_slice %arg16[%dma_wait3A, %dma_wait3A_15] : memref<5120x128xf32, #tpu.memory_space<vmem_shared>> -> memref<5120x128xf32, #tpu.memory_space<vmem_shared>>
    tpu.wait_indirect_dma semaphore(%arg20 : memref<!tpu.dma_semaphore, #tpu.memory_space<semaphore_mem>>) src(%arg15 : memref<128x128xf32, #tpu.memory_space<vmem>>) dst(%dma_wait3A_16 : memref<5120x128xf32, #tpu.memory_space<vmem_shared>>)
    %barrier3A_17 = arith.constant 0 : index
    tpu.barrier barrier_id(%barrier3A_17)
    %mul3A_18 = arith.constant 320 : i32
    %mul3A_19 = arith.muli %arg1, %mul3A_18 : i32
    %mul3A_20 = arith.constant 320 : i32
    %mul3A_21 = arith.muli %arg1, %mul3A_20 : i32
    "tpu.region"() ({
      %run_scoped3A = tpu.sem_alloc : memref<!tpu.dma_semaphore, #tpu.memory_space<semaphore_mem>>
      %dma_start3A_22 = arith.constant 0 : i32
      %dma_start3A_23 = tpu.memref_slice %arg7[%arg0, %mul3A_21, %dma_start3A_22] : memref<2x5120x128xf32, #tpu.memory_space<hbm>> -> memref<1x320x128xf32, #tpu.memory_space<hbm>>
      %dma_start3A_24 = tpu.memref_squeeze %dma_start3A_23 : memref<1x320x128xf32, #tpu.memory_space<hbm>> -> memref<320x128xf32, #tpu.memory_space<hbm>>
      %dma_start3A_25 = arith.constant 0 : i32
      %dma_start3A_26 = tpu.memref_slice %arg16[%mul3A_19, %dma_start3A_25] : memref<5120x128xf32, #tpu.memory_space<vmem_shared>> -> memref<320x128xf32, #tpu.memory_space<vmem_shared>>
      tpu.enqueue_dma source(%dma_start3A_26 : memref<320x128xf32, #tpu.memory_space<vmem_shared>>) target(%dma_start3A_24 : memref<320x128xf32, #tpu.memory_space<hbm>>) target_semaphore(%run_scoped3A : memref<!tpu.dma_semaphore, #tpu.memory_space<semaphore_mem>>)
      %dma_wait3A_27 = arith.constant 0 : i32
      %dma_wait3A_28 = tpu.memref_slice %arg7[%arg0, %mul3A_21, %dma_wait3A_27] : memref<2x5120x128xf32, #tpu.memory_space<hbm>> -> memref<1x320x128xf32, #tpu.memory_space<hbm>>
      %dma_wait3A_29 = tpu.memref_squeeze %dma_wait3A_28 : memref<1x320x128xf32, #tpu.memory_space<hbm>> -> memref<320x128xf32, #tpu.memory_space<hbm>>
      %dma_wait3A_30 = arith.constant 0 : i32
      %dma_wait3A_31 = tpu.memref_slice %arg16[%mul3A_19, %dma_wait3A_30] : memref<5120x128xf32, #tpu.memory_space<vmem_shared>> -> memref<320x128xf32, #tpu.memory_space<vmem_shared>>
      tpu.wait_dma2 semaphore(%run_scoped3A : memref<!tpu.dma_semaphore, #tpu.memory_space<semaphore_mem>>) src(%dma_wait3A_31 : memref<320x128xf32, #tpu.memory_space<vmem_shared>>) dst(%dma_wait3A_29 : memref<320x128xf32, #tpu.memory_space<hbm>>)
      tpu.yield
    }) : () -> ()
    return
  }
}

#map = affine_map<(d0, d1) -> (0, 0)>
#map1 = affine_map<(d0, d1) -> (0)>
#map2 = affine_map<(d0, d1) -> (0, 0, 0)>
module attributes {stable_mosaic.version = 14 : i64} {
  func.func @_stage_body(%arg0: i32, %arg1: i32, %arg2: memref<10112x128xf32, #tpu.memory_space<hbm>>, %arg3: memref<2560000xf32, #tpu.memory_space<hbm>>, %arg4: memref<1280x128xi32, #tpu.memory_space<hbm>>, %arg5: memref<2x1280x128xi32, #tpu.memory_space<hbm>>, %arg6: memref<10112x128xf32, #tpu.memory_space<hbm>>, %arg7: memref<2x5120x128xf32, #tpu.memory_space<hbm>>, %arg8: memref<128xi32, #tpu.memory_space<vmem>>, %arg9: memref<128xi32, #tpu.memory_space<vmem>>, %arg10: memref<128xi32, #tpu.memory_space<vmem>>, %arg11: memref<128xi32, #tpu.memory_space<vmem>>, %arg12: memref<2000xf32, #tpu.memory_space<vmem>>, %arg13: memref<2000xf32, #tpu.memory_space<vmem>>, %arg14: memref<128x128xf32, #tpu.memory_space<vmem>>, %arg15: memref<128x128xf32, #tpu.memory_space<vmem>>, %arg16: memref<5120x128xf32, #tpu.memory_space<vmem_shared>>, %arg17: memref<!tpu.dma_semaphore, #tpu.memory_space<semaphore_mem>>, %arg18: memref<!tpu.dma_semaphore, #tpu.memory_space<semaphore_mem>>, %arg19: memref<!tpu.dma_semaphore, #tpu.memory_space<semaphore_mem>>, %arg20: memref<!tpu.dma_semaphore, #tpu.memory_space<semaphore_mem>>) attributes {dimension_semantics = [#tpu.dimension_semantics<core_parallel>, #tpu.dimension_semantics<subcore_parallel>], iteration_bounds = array<i64: 2, 16>, scalar_prefetch = 0 : i64, scratch_operands = 13 : i64, tpu.core_type = #tpu.core_type<sc_vector_subcore>, window_params = [{transform_indices = #map}, {transform_indices = #map1}, {transform_indices = #map}, {transform_indices = #map2}, {transform_indices = #map}, {transform_indices = #map2}]} {
    %mul3A = arith.constant 320 : i32
    %mul3A_0 = arith.muli %arg1, %mul3A : i32
    %mul3A_1 = arith.constant 320 : i32
    %mul3A_2 = arith.muli %arg1, %mul3A_1 : i32
    "tpu.region"() ({
      %run_scoped3A = tpu.sem_alloc : memref<!tpu.dma_semaphore, #tpu.memory_space<semaphore_mem>>
      %dma_start3A_22 = arith.constant 0 : i32
      %dma_start3A_23 = tpu.memref_slice %arg16[%mul3A_2, %dma_start3A_22] : memref<5120x128xf32, #tpu.memory_space<vmem_shared>> -> memref<320x128xf32, #tpu.memory_space<vmem_shared>>
      %dma_start3A_24 = arith.constant 0 : i32
      %dma_start3A_25 = tpu.memref_slice %arg6[%mul3A_0, %dma_start3A_24] : memref<10112x128xf32, #tpu.memory_space<hbm>> -> memref<320x128xf32, #tpu.memory_space<hbm>>
      tpu.enqueue_dma source(%dma_start3A_25 : memref<320x128xf32, #tpu.memory_space<hbm>>) target(%dma_start3A_23 : memref<320x128xf32, #tpu.memory_space<vmem_shared>>) target_semaphore(%run_scoped3A : memref<!tpu.dma_semaphore, #tpu.memory_space<semaphore_mem>>)
      %dma_wait3A_26 = arith.constant 0 : i32
      %dma_wait3A_27 = tpu.memref_slice %arg16[%mul3A_2, %dma_wait3A_26] : memref<5120x128xf32, #tpu.memory_space<vmem_shared>> -> memref<320x128xf32, #tpu.memory_space<vmem_shared>>
      %dma_wait3A_28 = arith.constant 0 : i32
      %dma_wait3A_29 = tpu.memref_slice %arg6[%mul3A_0, %dma_wait3A_28] : memref<10112x128xf32, #tpu.memory_space<hbm>> -> memref<320x128xf32, #tpu.memory_space<hbm>>
      tpu.wait_dma2 semaphore(%run_scoped3A : memref<!tpu.dma_semaphore, #tpu.memory_space<semaphore_mem>>) src(%dma_wait3A_29 : memref<320x128xf32, #tpu.memory_space<hbm>>) dst(%dma_wait3A_27 : memref<320x128xf32, #tpu.memory_space<vmem_shared>>)
      tpu.yield
    }) : () -> ()
    %barrier3A = arith.constant 0 : index
    tpu.barrier barrier_id(%barrier3A)
    %mul3A_3 = arith.constant 80 : i32
    %mul3A_4 = arith.muli %arg1, %mul3A_3 : i32
    %add3A = arith.constant 0 : i32
    %add3A_5 = arith.addi %mul3A_4, %add3A : i32
    "tpu.region"() ({
      %run_scoped3A = tpu.sem_alloc : memref<!tpu.dma_semaphore, #tpu.memory_space<semaphore_mem>>
      %dma_start3A_22 = arith.constant 0 : i32
      %dma_start3A_23 = tpu.memref_slice %arg4[%add3A_5, %dma_start3A_22] : memref<1280x128xi32, #tpu.memory_space<hbm>> -> memref<1x128xi32, #tpu.memory_space<hbm>>
      %dma_start3A_24 = tpu.memref_squeeze %dma_start3A_23 : memref<1x128xi32, #tpu.memory_space<hbm>> -> memref<128xi32, #tpu.memory_space<hbm>>
      %dma_start3A_25 = arith.constant 0 : i32
      %dma_start3A_26 = tpu.memref_slice %arg4[%add3A_5, %dma_start3A_25] : memref<1280x128xi32, #tpu.memory_space<hbm>> -> memref<1x128xi32, #tpu.memory_space<hbm>>
      %dma_start3A_27 = tpu.memref_squeeze %dma_start3A_26 : memref<1x128xi32, #tpu.memory_space<hbm>> -> memref<128xi32, #tpu.memory_space<hbm>>
      tpu.enqueue_dma source(%dma_start3A_27 : memref<128xi32, #tpu.memory_space<hbm>>) target(%arg8 : memref<128xi32, #tpu.memory_space<vmem>>) target_semaphore(%run_scoped3A : memref<!tpu.dma_semaphore, #tpu.memory_space<semaphore_mem>>)
      %dma_wait3A_28 = arith.constant 0 : i32
      %dma_wait3A_29 = tpu.memref_slice %arg4[%add3A_5, %dma_wait3A_28] : memref<1280x128xi32, #tpu.memory_space<hbm>> -> memref<1x128xi32, #tpu.memory_space<hbm>>
      %dma_wait3A_30 = tpu.memref_squeeze %dma_wait3A_29 : memref<1x128xi32, #tpu.memory_space<hbm>> -> memref<128xi32, #tpu.memory_space<hbm>>
      %dma_wait3A_31 = arith.constant 0 : i32
      %dma_wait3A_32 = tpu.memref_slice %arg4[%add3A_5, %dma_wait3A_31] : memref<1280x128xi32, #tpu.memory_space<hbm>> -> memref<1x128xi32, #tpu.memory_space<hbm>>
      %dma_wait3A_33 = tpu.memref_squeeze %dma_wait3A_32 : memref<1x128xi32, #tpu.memory_space<hbm>> -> memref<128xi32, #tpu.memory_space<hbm>>
      tpu.wait_dma2 semaphore(%run_scoped3A : memref<!tpu.dma_semaphore, #tpu.memory_space<semaphore_mem>>) src(%dma_wait3A_33 : memref<128xi32, #tpu.memory_space<hbm>>) dst(%arg8 : memref<128xi32, #tpu.memory_space<vmem>>)
      tpu.yield
    }) : () -> ()
    "tpu.region"() ({
      %run_scoped3A = tpu.sem_alloc : memref<!tpu.dma_semaphore, #tpu.memory_space<semaphore_mem>>
      %dma_start3A_22 = arith.constant 0 : i32
      %dma_start3A_23 = tpu.memref_slice %arg5[%arg0, %add3A_5, %dma_start3A_22] : memref<2x1280x128xi32, #tpu.memory_space<hbm>> -> memref<1x1x128xi32, #tpu.memory_space<hbm>>
      %dma_start3A_24 = tpu.memref_squeeze %dma_start3A_23 : memref<1x1x128xi32, #tpu.memory_space<hbm>> -> memref<128xi32, #tpu.memory_space<hbm>>
      %dma_start3A_25 = arith.constant 0 : i32
      %dma_start3A_26 = tpu.memref_slice %arg5[%arg0, %add3A_5, %dma_start3A_25] : memref<2x1280x128xi32, #tpu.memory_space<hbm>> -> memref<1x1x128xi32, #tpu.memory_space<hbm>>
      %dma_start3A_27 = tpu.memref_squeeze %dma_start3A_26 : memref<1x1x128xi32, #tpu.memory_space<hbm>> -> memref<128xi32, #tpu.memory_space<hbm>>
      tpu.enqueue_dma source(%dma_start3A_27 : memref<128xi32, #tpu.memory_space<hbm>>) target(%arg10 : memref<128xi32, #tpu.memory_space<vmem>>) target_semaphore(%run_scoped3A : memref<!tpu.dma_semaphore, #tpu.memory_space<semaphore_mem>>)
      %dma_wait3A_28 = arith.constant 0 : i32
      %dma_wait3A_29 = tpu.memref_slice %arg5[%arg0, %add3A_5, %dma_wait3A_28] : memref<2x1280x128xi32, #tpu.memory_space<hbm>> -> memref<1x1x128xi32, #tpu.memory_space<hbm>>
      %dma_wait3A_30 = tpu.memref_squeeze %dma_wait3A_29 : memref<1x1x128xi32, #tpu.memory_space<hbm>> -> memref<128xi32, #tpu.memory_space<hbm>>
      %dma_wait3A_31 = arith.constant 0 : i32
      %dma_wait3A_32 = tpu.memref_slice %arg5[%arg0, %add3A_5, %dma_wait3A_31] : memref<2x1280x128xi32, #tpu.memory_space<hbm>> -> memref<1x1x128xi32, #tpu.memory_space<hbm>>
      %dma_wait3A_33 = tpu.memref_squeeze %dma_wait3A_32 : memref<1x1x128xi32, #tpu.memory_space<hbm>> -> memref<128xi32, #tpu.memory_space<hbm>>
      tpu.wait_dma2 semaphore(%run_scoped3A : memref<!tpu.dma_semaphore, #tpu.memory_space<semaphore_mem>>) src(%dma_wait3A_33 : memref<128xi32, #tpu.memory_space<hbm>>) dst(%arg10 : memref<128xi32, #tpu.memory_space<vmem>>)
      tpu.yield
    }) : () -> ()
    %mul3A_6 = arith.constant 2000 : i32
    %mul3A_7 = arith.muli %add3A_5, %mul3A_6 : i32
    "tpu.region"() ({
      %run_scoped3A = tpu.sem_alloc : memref<!tpu.dma_semaphore, #tpu.memory_space<semaphore_mem>>
      %dma_start3A_22 = tpu.memref_slice %arg3[%mul3A_7] : memref<2560000xf32, #tpu.memory_space<hbm>> -> memref<2000xf32, #tpu.memory_space<hbm>>
      %dma_start3A_23 = tpu.memref_slice %arg3[%mul3A_7] : memref<2560000xf32, #tpu.memory_space<hbm>> -> memref<2000xf32, #tpu.memory_space<hbm>>
      tpu.enqueue_dma source(%dma_start3A_23 : memref<2000xf32, #tpu.memory_space<hbm>>) target(%arg12 : memref<2000xf32, #tpu.memory_space<vmem>>) target_semaphore(%run_scoped3A : memref<!tpu.dma_semaphore, #tpu.memory_space<semaphore_mem>>)
      %dma_wait3A_24 = tpu.memref_slice %arg3[%mul3A_7] : memref<2560000xf32, #tpu.memory_space<hbm>> -> memref<2000xf32, #tpu.memory_space<hbm>>
      %dma_wait3A_25 = tpu.memref_slice %arg3[%mul3A_7] : memref<2560000xf32, #tpu.memory_space<hbm>> -> memref<2000xf32, #tpu.memory_space<hbm>>
      tpu.wait_dma2 semaphore(%run_scoped3A : memref<!tpu.dma_semaphore, #tpu.memory_space<semaphore_mem>>) src(%dma_wait3A_25 : memref<2000xf32, #tpu.memory_space<hbm>>) dst(%arg12 : memref<2000xf32, #tpu.memory_space<vmem>>)
      tpu.yield
    }) : () -> ()
    %dma_start3A = arith.constant 0 : i32
    %dma_start3A_8 = arith.constant 0 : i32
    %dma_start3A_9 = tpu.memref_slice %arg2[%dma_start3A, %dma_start3A_8] : memref<10112x128xf32, #tpu.memory_space<hbm>> -> memref<10112x128xf32, #tpu.memory_space<hbm>>
    tpu.enqueue_indirect_dma source(%dma_start3A_9 : memref<10112x128xf32, #tpu.memory_space<hbm>>) target(%arg14 : memref<128x128xf32, #tpu.memory_space<vmem>>) offsets(%arg8 : memref<128xi32, #tpu.memory_space<vmem>>) semaphore(%arg17 : memref<!tpu.dma_semaphore, #tpu.memory_space<semaphore_mem>>)
    %scan3A = arith.constant 0 : i32
    %scan3A_10 = arith.constant 0 : i32
    %scan3A_11 = arith.constant 40 : i32
    %scan3A_12 = arith.addi %scan3A_10, %scan3A_11 : i32
    %scan3A_13 = arith.constant 1 : i32
    scf.for %scan3A_22 = %scan3A_10 to %scan3A_12 step %scan3A_13  : i32 {
      %mul3A_23 = arith.constant 2 : i32
      %mul3A_24 = arith.muli %scan3A_22, %mul3A_23 : i32
      %add3A_25 = arith.constant 0 : i32
      %add3A_26 = arith.addi %mul3A_24, %add3A_25 : i32
      %dma_wait3A_27 = arith.constant 0 : i32
      %dma_wait3A_28 = arith.constant 0 : i32
      %dma_wait3A_29 = tpu.memref_slice %arg2[%dma_wait3A_27, %dma_wait3A_28] : memref<10112x128xf32, #tpu.memory_space<hbm>> -> memref<10112x128xf32, #tpu.memory_space<hbm>>
      tpu.wait_indirect_dma semaphore(%arg17 : memref<!tpu.dma_semaphore, #tpu.memory_space<semaphore_mem>>) src(%dma_wait3A_29 : memref<10112x128xf32, #tpu.memory_space<hbm>>) dst(%arg14 : memref<128x128xf32, #tpu.memory_space<vmem>>)
      %scan3A_30 = arith.constant 0 : i32
      %scan3A_31 = arith.constant 0 : i32
      %scan3A_32 = arith.constant 125 : i32
      %scan3A_33 = arith.addi %scan3A_31, %scan3A_32 : i32
      %scan3A_34 = arith.constant 1 : i32
      scf.for %scan3A_75 = %scan3A_31 to %scan3A_33 step %scan3A_34  : i32 {
        %mul3A_76 = arith.constant 16 : i32
        %mul3A_77 = arith.muli %scan3A_75, %mul3A_76 : i32
        %get3A = arith.index_cast %mul3A_77 : i32 to index
        %get3A_78 = tpu.vector_load %arg12[%get3A] {strides = array<i32>} : memref<2000xf32, #tpu.memory_space<vmem>>, vector<16xf32>,
        %get3A_79 = vector.shape_cast %get3A_78 : vector<16xf32> to vector<16xf32>
        %broadcast_in_dim3A = arith.constant 0 : i32
        %broadcast_in_dim3A_80 = vector.broadcast %broadcast_in_dim3A : i32 to vector<16xi32>
        %lt3A_81 = arith.constant 0 : i32
        %lt3A_82 = vector.broadcast %lt3A_81 : i32 to vector<16xi32>
        %lt3A_83 = arith.cmpi slt, %broadcast_in_dim3A_80, %lt3A_82 : vector<16xi32>
        %add3A_84 = arith.constant 16 : i32
        %add3A_85 = vector.broadcast %add3A_84 : i32 to vector<16xi32>
        %add3A_86 = arith.addi %broadcast_in_dim3A_80, %add3A_85 : vector<16xi32>
        %select_n3A = arith.select %lt3A_83, %add3A_86, %broadcast_in_dim3A_80 : vector<16xi1>, vector<16xi32>
        %broadcast_in_dim3A_87 = vector.shape_cast %select_n3A : vector<16xi32> to vector<16x1xi32>
        %gather3A = vector.shape_cast %broadcast_in_dim3A_87 : vector<16x1xi32> to vector<16xi32>
        %gather3A_88 = tpu.dynamic_gather %get3A_79[%gather3A] in [0] : vector<16xf32>, vector<16xi32> -> vector<16xf32>
        %broadcast_in_dim3A_89 = arith.constant 1 : i32
        %broadcast_in_dim3A_90 = vector.broadcast %broadcast_in_dim3A_89 : i32 to vector<16xi32>
        %lt3A_91 = arith.constant 0 : i32
        %lt3A_92 = vector.broadcast %lt3A_91 : i32 to vector<16xi32>
        %lt3A_93 = arith.cmpi slt, %broadcast_in_dim3A_90, %lt3A_92 : vector<16xi32>
        %add3A_94 = arith.constant 16 : i32
        %add3A_95 = vector.broadcast %add3A_94 : i32 to vector<16xi32>
        %add3A_96 = arith.addi %broadcast_in_dim3A_90, %add3A_95 : vector<16xi32>
        %select_n3A_97 = arith.select %lt3A_93, %add3A_96, %broadcast_in_dim3A_90 : vector<16xi1>, vector<16xi32>
        %broadcast_in_dim3A_98 = vector.shape_cast %select_n3A_97 : vector<16xi32> to vector<16x1xi32>
        %gather3A_99 = vector.shape_cast %broadcast_in_dim3A_98 : vector<16x1xi32> to vector<16xi32>
        %gather3A_100 = tpu.dynamic_gather %get3A_79[%gather3A_99] in [0] : vector<16xf32>, vector<16xi32> -> vector<16xf32>
        %broadcast_in_dim3A_101 = arith.constant 2 : i32
        %broadcast_in_dim3A_102 = vector.broadcast %broadcast_in_dim3A_101 : i32 to vector<16xi32>
        %lt3A_103 = arith.constant 0 : i32
        %lt3A_104 = vector.broadcast %lt3A_103 : i32 to vector<16xi32>
        %lt3A_105 = arith.cmpi slt, %broadcast_in_dim3A_102, %lt3A_104 : vector<16xi32>
        %add3A_106 = arith.constant 16 : i32
        %add3A_107 = vector.broadcast %add3A_106 : i32 to vector<16xi32>
        %add3A_108 = arith.addi %broadcast_in_dim3A_102, %add3A_107 : vector<16xi32>
        %select_n3A_109 = arith.select %lt3A_105, %add3A_108, %broadcast_in_dim3A_102 : vector<16xi1>, vector<16xi32>
        %broadcast_in_dim3A_110 = vector.shape_cast %select_n3A_109 : vector<16xi32> to vector<16x1xi32>
        %gather3A_111 = vector.shape_cast %broadcast_in_dim3A_110 : vector<16x1xi32> to vector<16xi32>
        %gather3A_112 = tpu.dynamic_gather %get3A_79[%gather3A_111] in [0] : vector<16xf32>, vector<16xi32> -> vector<16xf32>
        %broadcast_in_dim3A_113 = arith.constant 3 : i32
        %broadcast_in_dim3A_114 = vector.broadcast %broadcast_in_dim3A_113 : i32 to vector<16xi32>
        %lt3A_115 = arith.constant 0 : i32
        %lt3A_116 = vector.broadcast %lt3A_115 : i32 to vector<16xi32>
        %lt3A_117 = arith.cmpi slt, %broadcast_in_dim3A_114, %lt3A_116 : vector<16xi32>
        %add3A_118 = arith.constant 16 : i32
        %add3A_119 = vector.broadcast %add3A_118 : i32 to vector<16xi32>
        %add3A_120 = arith.addi %broadcast_in_dim3A_114, %add3A_119 : vector<16xi32>
        %select_n3A_121 = arith.select %lt3A_117, %add3A_120, %broadcast_in_dim3A_114 : vector<16xi1>, vector<16xi32>
        %broadcast_in_dim3A_122 = vector.shape_cast %select_n3A_121 : vector<16xi32> to vector<16x1xi32>
        %gather3A_123 = vector.shape_cast %broadcast_in_dim3A_122 : vector<16x1xi32> to vector<16xi32>
        %gather3A_124 = tpu.dynamic_gather %get3A_79[%gather3A_123] in [0] : vector<16xf32>, vector<16xi32> -> vector<16xf32>
        %get3A_125 = arith.index_cast %scan3A_75 : i32 to index
        %get3A_126 = arith.constant 0 : index
        %get3A_127 = tpu.vector_load %arg14[%get3A_125, %get3A_126] {strides = array<i32>} : memref<128x128xf32, #tpu.memory_space<vmem>>, vector<1x16xf32>,
        %get3A_128 = vector.shape_cast %get3A_127 : vector<1x16xf32> to vector<16xf32>
        %mul3A_129 = arith.mulf %get3A_128, %gather3A_88 : vector<16xf32>
        %swap3A = arith.index_cast %scan3A_75 : i32 to index
        %swap3A_130 = arith.constant 0 : index
        %swap3A_131 = tpu.vector_load %arg14[%swap3A, %swap3A_130] {strides = array<i32>} : memref<128x128xf32, #tpu.memory_space<vmem>>, vector<1x16xf32>,
        %swap3A_132 = vector.shape_cast %swap3A_131 : vector<1x16xf32> to vector<16xf32>
        %swap3A_133 = vector.shape_cast %mul3A_129 : vector<16xf32> to vector<1x16xf32>
        tpu.vector_store %arg14[%swap3A, %swap3A_130], %swap3A_133 {strides = array<i32>} : memref<128x128xf32, #tpu.memory_space<vmem>>, vector<1x16xf32>,
        %get3A_134 = arith.index_cast %scan3A_75 : i32 to index
        %get3A_135 = arith.constant 16 : index
        %get3A_136 = tpu.vector_load %arg14[%get3A_134, %get3A_135] {strides = array<i32>} : memref<128x128xf32, #tpu.memory_space<vmem>>, vector<1x16xf32>,
        %get3A_137 = vector.shape_cast %get3A_136 : vector<1x16xf32> to vector<16xf32>
        %mul3A_138 = arith.mulf %get3A_137, %gather3A_88 : vector<16xf32>
        %swap3A_139 = arith.index_cast %scan3A_75 : i32 to index
        %swap3A_140 = arith.constant 16 : index
        %swap3A_141 = tpu.vector_load %arg14[%swap3A_139, %swap3A_140] {strides = array<i32>} : memref<128x128xf32, #tpu.memory_space<vmem>>, vector<1x16xf32>,
        %swap3A_142 = vector.shape_cast %swap3A_141 : vector<1x16xf32> to vector<16xf32>
        %swap3A_143 = vector.shape_cast %mul3A_138 : vector<16xf32> to vector<1x16xf32>
        tpu.vector_store %arg14[%swap3A_139, %swap3A_140], %swap3A_143 {strides = array<i32>} : memref<128x128xf32, #tpu.memory_space<vmem>>, vector<1x16xf32>,
        %get3A_144 = arith.index_cast %scan3A_75 : i32 to index
        %get3A_145 = arith.constant 32 : index
        %get3A_146 = tpu.vector_load %arg14[%get3A_144, %get3A_145] {strides = array<i32>} : memref<128x128xf32, #tpu.memory_space<vmem>>, vector<1x16xf32>,
        %get3A_147 = vector.shape_cast %get3A_146 : vector<1x16xf32> to vector<16xf32>
        %mul3A_148 = arith.mulf %get3A_147, %gather3A_100 : vector<16xf32>
        %swap3A_149 = arith.index_cast %scan3A_75 : i32 to index
        %swap3A_150 = arith.constant 32 : index
        %swap3A_151 = tpu.vector_load %arg14[%swap3A_149, %swap3A_150] {strides = array<i32>} : memref<128x128xf32, #tpu.memory_space<vmem>>, vector<1x16xf32>,
        %swap3A_152 = vector.shape_cast %swap3A_151 : vector<1x16xf32> to vector<16xf32>
        %swap3A_153 = vector.shape_cast %mul3A_148 : vector<16xf32> to vector<1x16xf32>
        tpu.vector_store %arg14[%swap3A_149, %swap3A_150], %swap3A_153 {strides = array<i32>} : memref<128x128xf32, #tpu.memory_space<vmem>>, vector<1x16xf32>,
        %get3A_154 = arith.index_cast %scan3A_75 : i32 to index
        %get3A_155 = arith.constant 48 : index
        %get3A_156 = tpu.vector_load %arg14[%get3A_154, %get3A_155] {strides = array<i32>} : memref<128x128xf32, #tpu.memory_space<vmem>>, vector<1x16xf32>,
        %get3A_157 = vector.shape_cast %get3A_156 : vector<1x16xf32> to vector<16xf32>
        %mul3A_158 = arith.mulf %get3A_157, %gather3A_100 : vector<16xf32>
        %swap3A_159 = arith.index_cast %scan3A_75 : i32 to index
        %swap3A_160 = arith.constant 48 : index
        %swap3A_161 = tpu.vector_load %arg14[%swap3A_159, %swap3A_160] {strides = array<i32>} : memref<128x128xf32, #tpu.memory_space<vmem>>, vector<1x16xf32>,
        %swap3A_162 = vector.shape_cast %swap3A_161 : vector<1x16xf32> to vector<16xf32>
        %swap3A_163 = vector.shape_cast %mul3A_158 : vector<16xf32> to vector<1x16xf32>
        tpu.vector_store %arg14[%swap3A_159, %swap3A_160], %swap3A_163 {strides = array<i32>} : memref<128x128xf32, #tpu.memory_space<vmem>>, vector<1x16xf32>,
        %get3A_164 = arith.index_cast %scan3A_75 : i32 to index
        %get3A_165 = arith.constant 64 : index
        %get3A_166 = tpu.vector_load %arg14[%get3A_164, %get3A_165] {strides = array<i32>} : memref<128x128xf32, #tpu.memory_space<vmem>>, vector<1x16xf32>,
        %get3A_167 = vector.shape_cast %get3A_166 : vector<1x16xf32> to vector<16xf32>
        %mul3A_168 = arith.mulf %get3A_167, %gather3A_112 : vector<16xf32>
        %swap3A_169 = arith.index_cast %scan3A_75 : i32 to index
        %swap3A_170 = arith.constant 64 : index
        %swap3A_171 = tpu.vector_load %arg14[%swap3A_169, %swap3A_170] {strides = array<i32>} : memref<128x128xf32, #tpu.memory_space<vmem>>, vector<1x16xf32>,
        %swap3A_172 = vector.shape_cast %swap3A_171 : vector<1x16xf32> to vector<16xf32>
        %swap3A_173 = vector.shape_cast %mul3A_168 : vector<16xf32> to vector<1x16xf32>
        tpu.vector_store %arg14[%swap3A_169, %swap3A_170], %swap3A_173 {strides = array<i32>} : memref<128x128xf32, #tpu.memory_space<vmem>>, vector<1x16xf32>,
        %get3A_174 = arith.index_cast %scan3A_75 : i32 to index
        %get3A_175 = arith.constant 80 : index
        %get3A_176 = tpu.vector_load %arg14[%get3A_174, %get3A_175] {strides = array<i32>} : memref<128x128xf32, #tpu.memory_space<vmem>>, vector<1x16xf32>,
        %get3A_177 = vector.shape_cast %get3A_176 : vector<1x16xf32> to vector<16xf32>
        %mul3A_178 = arith.mulf %get3A_177, %gather3A_112 : vector<16xf32>
        %swap3A_179 = arith.index_cast %scan3A_75 : i32 to index
        %swap3A_180 = arith.constant 80 : index
        %swap3A_181 = tpu.vector_load %arg14[%swap3A_179, %swap3A_180] {strides = array<i32>} : memref<128x128xf32, #tpu.memory_space<vmem>>, vector<1x16xf32>,
        %swap3A_182 = vector.shape_cast %swap3A_181 : vector<1x16xf32> to vector<16xf32>
        %swap3A_183 = vector.shape_cast %mul3A_178 : vector<16xf32> to vector<1x16xf32>
        tpu.vector_store %arg14[%swap3A_179, %swap3A_180], %swap3A_183 {strides = array<i32>} : memref<128x128xf32, #tpu.memory_space<vmem>>, vector<1x16xf32>,
        %get3A_184 = arith.index_cast %scan3A_75 : i32 to index
        %get3A_185 = arith.constant 96 : index
        %get3A_186 = tpu.vector_load %arg14[%get3A_184, %get3A_185] {strides = array<i32>} : memref<128x128xf32, #tpu.memory_space<vmem>>, vector<1x16xf32>,
        %get3A_187 = vector.shape_cast %get3A_186 : vector<1x16xf32> to vector<16xf32>
        %mul3A_188 = arith.mulf %get3A_187, %gather3A_124 : vector<16xf32>
        %swap3A_189 = arith.index_cast %scan3A_75 : i32 to index
        %swap3A_190 = arith.constant 96 : index
        %swap3A_191 = tpu.vector_load %arg14[%swap3A_189, %swap3A_190] {strides = array<i32>} : memref<128x128xf32, #tpu.memory_space<vmem>>, vector<1x16xf32>,
        %swap3A_192 = vector.shape_cast %swap3A_191 : vector<1x16xf32> to vector<16xf32>
        %swap3A_193 = vector.shape_cast %mul3A_188 : vector<16xf32> to vector<1x16xf32>
        tpu.vector_store %arg14[%swap3A_189, %swap3A_190], %swap3A_193 {strides = array<i32>} : memref<128x128xf32, #tpu.memory_space<vmem>>, vector<1x16xf32>,
        %get3A_194 = arith.index_cast %scan3A_75 : i32 to index
        %get3A_195 = arith.constant 112 : index
        %get3A_196 = tpu.vector_load %arg14[%get3A_194, %get3A_195] {strides = array<i32>} : memref<128x128xf32, #tpu.memory_space<vmem>>, vector<1x16xf32>,
        %get3A_197 = vector.shape_cast %get3A_196 : vector<1x16xf32> to vector<16xf32>
        %mul3A_198 = arith.mulf %get3A_197, %gather3A_124 : vector<16xf32>
        %swap3A_199 = arith.index_cast %scan3A_75 : i32 to index
        %swap3A_200 = arith.constant 112 : index
        %swap3A_201 = tpu.vector_load %arg14[%swap3A_199, %swap3A_200] {strides = array<i32>} : memref<128x128xf32, #tpu.memory_space<vmem>>, vector<1x16xf32>,
        %swap3A_202 = vector.shape_cast %swap3A_201 : vector<1x16xf32> to vector<16xf32>
        %swap3A_203 = vector.shape_cast %mul3A_198 : vector<16xf32> to vector<1x16xf32>
        tpu.vector_store %arg14[%swap3A_199, %swap3A_200], %swap3A_203 {strides = array<i32>} : memref<128x128xf32, #tpu.memory_space<vmem>>, vector<1x16xf32>,
      }
      %scan3A_35 = arith.constant 125 : i32
      %gt3A = arith.constant 0 : i32
      %gt3A_36 = arith.cmpi sgt, %add3A_26, %gt3A : i32
      %convert_element_type3A = arith.extui %gt3A_36 : i1 to i32
      %cond3A = arith.constant 0 : i32
      %cond3A_37 = arith.cmpi ne, %convert_element_type3A, %cond3A : i32
      scf.if %cond3A_37 {
        %dma_wait3A_75 = arith.constant 0 : i32
        %dma_wait3A_76 = arith.constant 0 : i32
        %dma_wait3A_77 = tpu.memref_slice %arg16[%dma_wait3A_75, %dma_wait3A_76] : memref<5120x128xf32, #tpu.memory_space<vmem_shared>> -> memref<5120x128xf32, #tpu.memory_space<vmem_shared>>
        tpu.wait_indirect_dma semaphore(%arg20 : memref<!tpu.dma_semaphore, #tpu.memory_space<semaphore_mem>>) src(%arg15 : memref<128x128xf32, #tpu.memory_space<vmem>>) dst(%dma_wait3A_77 : memref<5120x128xf32, #tpu.memory_space<vmem_shared>>)
      } else {
      }
      %add3A_38 = arith.constant 1 : i32
      %add3A_39 = arith.addi %add3A_26, %add3A_38 : i32
      %lt3A = arith.constant 80 : i32
      %lt3A_40 = arith.cmpi slt, %add3A_39, %lt3A : i32
      %convert_element_type3A_41 = arith.extui %lt3A_40 : i1 to i32
      %cond3A_42 = arith.constant 0 : i32
      %cond3A_43 = arith.cmpi ne, %convert_element_type3A_41, %cond3A_42 : i32
      scf.if %cond3A_43 {
        %add3A_75 = arith.constant 1 : i32
        %add3A_76 = arith.addi %add3A_26, %add3A_75 : i32
        %mul3A_77 = arith.constant 80 : i32
        %mul3A_78 = arith.muli %arg1, %mul3A_77 : i32
        %add3A_79 = arith.addi %mul3A_78, %add3A_76 : i32
        "tpu.region"() ({
          %run_scoped3A = tpu.sem_alloc : memref<!tpu.dma_semaphore, #tpu.memory_space<semaphore_mem>>
          %dma_start3A_85 = arith.constant 0 : i32
          %dma_start3A_86 = tpu.memref_slice %arg4[%add3A_79, %dma_start3A_85] : memref<1280x128xi32, #tpu.memory_space<hbm>> -> memref<1x128xi32, #tpu.memory_space<hbm>>
          %dma_start3A_87 = tpu.memref_squeeze %dma_start3A_86 : memref<1x128xi32, #tpu.memory_space<hbm>> -> memref<128xi32, #tpu.memory_space<hbm>>
          %dma_start3A_88 = arith.constant 0 : i32
          %dma_start3A_89 = tpu.memref_slice %arg4[%add3A_79, %dma_start3A_88] : memref<1280x128xi32, #tpu.memory_space<hbm>> -> memref<1x128xi32, #tpu.memory_space<hbm>>
          %dma_start3A_90 = tpu.memref_squeeze %dma_start3A_89 : memref<1x128xi32, #tpu.memory_space<hbm>> -> memref<128xi32, #tpu.memory_space<hbm>>
          tpu.enqueue_dma source(%dma_start3A_90 : memref<128xi32, #tpu.memory_space<hbm>>) target(%arg9 : memref<128xi32, #tpu.memory_space<vmem>>) target_semaphore(%run_scoped3A : memref<!tpu.dma_semaphore, #tpu.memory_space<semaphore_mem>>)
          %dma_wait3A_91 = arith.constant 0 : i32
          %dma_wait3A_92 = tpu.memref_slice %arg4[%add3A_79, %dma_wait3A_91] : memref<1280x128xi32, #tpu.memory_space<hbm>> -> memref<1x128xi32, #tpu.memory_space<hbm>>
          %dma_wait3A_93 = tpu.memref_squeeze %dma_wait3A_92 : memref<1x128xi32, #tpu.memory_space<hbm>> -> memref<128xi32, #tpu.memory_space<hbm>>
          %dma_wait3A_94 = arith.constant 0 : i32
          %dma_wait3A_95 = tpu.memref_slice %arg4[%add3A_79, %dma_wait3A_94] : memref<1280x128xi32, #tpu.memory_space<hbm>> -> memref<1x128xi32, #tpu.memory_space<hbm>>
          %dma_wait3A_96 = tpu.memref_squeeze %dma_wait3A_95 : memref<1x128xi32, #tpu.memory_space<hbm>> -> memref<128xi32, #tpu.memory_space<hbm>>
          tpu.wait_dma2 semaphore(%run_scoped3A : memref<!tpu.dma_semaphore, #tpu.memory_space<semaphore_mem>>) src(%dma_wait3A_96 : memref<128xi32, #tpu.memory_space<hbm>>) dst(%arg9 : memref<128xi32, #tpu.memory_space<vmem>>)
          tpu.yield
        }) : () -> ()
        "tpu.region"() ({
          %run_scoped3A = tpu.sem_alloc : memref<!tpu.dma_semaphore, #tpu.memory_space<semaphore_mem>>
          %dma_start3A_85 = arith.constant 0 : i32
          %dma_start3A_86 = tpu.memref_slice %arg5[%arg0, %add3A_79, %dma_start3A_85] : memref<2x1280x128xi32, #tpu.memory_space<hbm>> -> memref<1x1x128xi32, #tpu.memory_space<hbm>>
          %dma_start3A_87 = tpu.memref_squeeze %dma_start3A_86 : memref<1x1x128xi32, #tpu.memory_space<hbm>> -> memref<128xi32, #tpu.memory_space<hbm>>
          %dma_start3A_88 = arith.constant 0 : i32
          %dma_start3A_89 = tpu.memref_slice %arg5[%arg0, %add3A_79, %dma_start3A_88] : memref<2x1280x128xi32, #tpu.memory_space<hbm>> -> memref<1x1x128xi32, #tpu.memory_space<hbm>>
          %dma_start3A_90 = tpu.memref_squeeze %dma_start3A_89 : memref<1x1x128xi32, #tpu.memory_space<hbm>> -> memref<128xi32, #tpu.memory_space<hbm>>
          tpu.enqueue_dma source(%dma_start3A_90 : memref<128xi32, #tpu.memory_space<hbm>>) target(%arg11 : memref<128xi32, #tpu.memory_space<vmem>>) target_semaphore(%run_scoped3A : memref<!tpu.dma_semaphore, #tpu.memory_space<semaphore_mem>>)
          %dma_wait3A_91 = arith.constant 0 : i32
          %dma_wait3A_92 = tpu.memref_slice %arg5[%arg0, %add3A_79, %dma_wait3A_91] : memref<2x1280x128xi32, #tpu.memory_space<hbm>> -> memref<1x1x128xi32, #tpu.memory_space<hbm>>
          %dma_wait3A_93 = tpu.memref_squeeze %dma_wait3A_92 : memref<1x1x128xi32, #tpu.memory_space<hbm>> -> memref<128xi32, #tpu.memory_space<hbm>>
          %dma_wait3A_94 = arith.constant 0 : i32
          %dma_wait3A_95 = tpu.memref_slice %arg5[%arg0, %add3A_79, %dma_wait3A_94] : memref<2x1280x128xi32, #tpu.memory_space<hbm>> -> memref<1x1x128xi32, #tpu.memory_space<hbm>>
          %dma_wait3A_96 = tpu.memref_squeeze %dma_wait3A_95 : memref<1x1x128xi32, #tpu.memory_space<hbm>> -> memref<128xi32, #tpu.memory_space<hbm>>
          tpu.wait_dma2 semaphore(%run_scoped3A : memref<!tpu.dma_semaphore, #tpu.memory_space<semaphore_mem>>) src(%dma_wait3A_96 : memref<128xi32, #tpu.memory_space<hbm>>) dst(%arg11 : memref<128xi32, #tpu.memory_space<vmem>>)
          tpu.yield
        }) : () -> ()
        %mul3A_80 = arith.constant 2000 : i32
        %mul3A_81 = arith.muli %add3A_79, %mul3A_80 : i32
        "tpu.region"() ({
          %run_scoped3A = tpu.sem_alloc : memref<!tpu.dma_semaphore, #tpu.memory_space<semaphore_mem>>
          %dma_start3A_85 = tpu.memref_slice %arg3[%mul3A_81] : memref<2560000xf32, #tpu.memory_space<hbm>> -> memref<2000xf32, #tpu.memory_space<hbm>>
          %dma_start3A_86 = tpu.memref_slice %arg3[%mul3A_81] : memref<2560000xf32, #tpu.memory_space<hbm>> -> memref<2000xf32, #tpu.memory_space<hbm>>
          tpu.enqueue_dma source(%dma_start3A_86 : memref<2000xf32, #tpu.memory_space<hbm>>) target(%arg13 : memref<2000xf32, #tpu.memory_space<vmem>>) target_semaphore(%run_scoped3A : memref<!tpu.dma_semaphore, #tpu.memory_space<semaphore_mem>>)
          %dma_wait3A_87 = tpu.memref_slice %arg3[%mul3A_81] : memref<2560000xf32, #tpu.memory_space<hbm>> -> memref<2000xf32, #tpu.memory_space<hbm>>
          %dma_wait3A_88 = tpu.memref_slice %arg3[%mul3A_81] : memref<2560000xf32, #tpu.memory_space<hbm>> -> memref<2000xf32, #tpu.memory_space<hbm>>
          tpu.wait_dma2 semaphore(%run_scoped3A : memref<!tpu.dma_semaphore, #tpu.memory_space<semaphore_mem>>) src(%dma_wait3A_88 : memref<2000xf32, #tpu.memory_space<hbm>>) dst(%arg13 : memref<2000xf32, #tpu.memory_space<vmem>>)
          tpu.yield
        }) : () -> ()
        %dma_start3A_82 = arith.constant 0 : i32
        %dma_start3A_83 = arith.constant 0 : i32
        %dma_start3A_84 = tpu.memref_slice %arg2[%dma_start3A_82, %dma_start3A_83] : memref<10112x128xf32, #tpu.memory_space<hbm>> -> memref<10112x128xf32, #tpu.memory_space<hbm>>
        tpu.enqueue_indirect_dma source(%dma_start3A_84 : memref<10112x128xf32, #tpu.memory_space<hbm>>) target(%arg15 : memref<128x128xf32, #tpu.memory_space<vmem>>) offsets(%arg9 : memref<128xi32, #tpu.memory_space<vmem>>) semaphore(%arg18 : memref<!tpu.dma_semaphore, #tpu.memory_space<semaphore_mem>>)
      } else {
      }
      %dma_start3A_44 = arith.constant 0 : i32
      %dma_start3A_45 = arith.constant 0 : i32
      %dma_start3A_46 = tpu.memref_slice %arg16[%dma_start3A_44, %dma_start3A_45] : memref<5120x128xf32, #tpu.memory_space<vmem_shared>> -> memref<5120x128xf32, #tpu.memory_space<vmem_shared>>
      tpu.enqueue_indirect_dma source(%arg14 : memref<128x128xf32, #tpu.memory_space<vmem>>) target(%dma_start3A_46 : memref<5120x128xf32, #tpu.memory_space<vmem_shared>>) offsets(%arg10 : memref<128xi32, #tpu.memory_space<vmem>>) semaphore(%arg19 : memref<!tpu.dma_semaphore, #tpu.memory_space<semaphore_mem>>) {add = true}
      %mul3A_47 = arith.constant 2 : i32
      %mul3A_48 = arith.muli %scan3A_22, %mul3A_47 : i32
      %add3A_49 = arith.constant 1 : i32
      %add3A_50 = arith.addi %mul3A_48, %add3A_49 : i32
      %dma_wait3A_51 = arith.constant 0 : i32
      %dma_wait3A_52 = arith.constant 0 : i32
      %dma_wait3A_53 = tpu.memref_slice %arg2[%dma_wait3A_51, %dma_wait3A_52] : memref<10112x128xf32, #tpu.memory_space<hbm>> -> memref<10112x128xf32, #tpu.memory_space<hbm>>
      tpu.wait_indirect_dma semaphore(%arg18 : memref<!tpu.dma_semaphore, #tpu.memory_space<semaphore_mem>>) src(%dma_wait3A_53 : memref<10112x128xf32, #tpu.memory_space<hbm>>) dst(%arg15 : memref<128x128xf32, #tpu.memory_space<vmem>>)
      %scan3A_54 = arith.constant 0 : i32
      %scan3A_55 = arith.constant 0 : i32
      %scan3A_56 = arith.constant 125 : i32
      %scan3A_57 = arith.addi %scan3A_55, %scan3A_56 : i32
      %scan3A_58 = arith.constant 1 : i32
      scf.for %scan3A_75 = %scan3A_55 to %scan3A_57 step %scan3A_58  : i32 {
        %mul3A_76 = arith.constant 16 : i32
        %mul3A_77 = arith.muli %scan3A_75, %mul3A_76 : i32
        %get3A = arith.index_cast %mul3A_77 : i32 to index
        %get3A_78 = tpu.vector_load %arg13[%get3A] {strides = array<i32>} : memref<2000xf32, #tpu.memory_space<vmem>>, vector<16xf32>,
        %get3A_79 = vector.shape_cast %get3A_78 : vector<16xf32> to vector<16xf32>
        %broadcast_in_dim3A = arith.constant 0 : i32
        %broadcast_in_dim3A_80 = vector.broadcast %broadcast_in_dim3A : i32 to vector<16xi32>
        %lt3A_81 = arith.constant 0 : i32
        %lt3A_82 = vector.broadcast %lt3A_81 : i32 to vector<16xi32>
        %lt3A_83 = arith.cmpi slt, %broadcast_in_dim3A_80, %lt3A_82 : vector<16xi32>
        %add3A_84 = arith.constant 16 : i32
        %add3A_85 = vector.broadcast %add3A_84 : i32 to vector<16xi32>
        %add3A_86 = arith.addi %broadcast_in_dim3A_80, %add3A_85 : vector<16xi32>
        %select_n3A = arith.select %lt3A_83, %add3A_86, %broadcast_in_dim3A_80 : vector<16xi1>, vector<16xi32>
        %broadcast_in_dim3A_87 = vector.shape_cast %select_n3A : vector<16xi32> to vector<16x1xi32>
        %gather3A = vector.shape_cast %broadcast_in_dim3A_87 : vector<16x1xi32> to vector<16xi32>
        %gather3A_88 = tpu.dynamic_gather %get3A_79[%gather3A] in [0] : vector<16xf32>, vector<16xi32> -> vector<16xf32>
        %broadcast_in_dim3A_89 = arith.constant 1 : i32
        %broadcast_in_dim3A_90 = vector.broadcast %broadcast_in_dim3A_89 : i32 to vector<16xi32>
        %lt3A_91 = arith.constant 0 : i32
        %lt3A_92 = vector.broadcast %lt3A_91 : i32 to vector<16xi32>
        %lt3A_93 = arith.cmpi slt, %broadcast_in_dim3A_90, %lt3A_92 : vector<16xi32>
        %add3A_94 = arith.constant 16 : i32
        %add3A_95 = vector.broadcast %add3A_94 : i32 to vector<16xi32>
        %add3A_96 = arith.addi %broadcast_in_dim3A_90, %add3A_95 : vector<16xi32>
        %select_n3A_97 = arith.select %lt3A_93, %add3A_96, %broadcast_in_dim3A_90 : vector<16xi1>, vector<16xi32>
        %broadcast_in_dim3A_98 = vector.shape_cast %select_n3A_97 : vector<16xi32> to vector<16x1xi32>
        %gather3A_99 = vector.shape_cast %broadcast_in_dim3A_98 : vector<16x1xi32> to vector<16xi32>
        %gather3A_100 = tpu.dynamic_gather %get3A_79[%gather3A_99] in [0] : vector<16xf32>, vector<16xi32> -> vector<16xf32>
        %broadcast_in_dim3A_101 = arith.constant 2 : i32
        %broadcast_in_dim3A_102 = vector.broadcast %broadcast_in_dim3A_101 : i32 to vector<16xi32>
        %lt3A_103 = arith.constant 0 : i32
        %lt3A_104 = vector.broadcast %lt3A_103 : i32 to vector<16xi32>
        %lt3A_105 = arith.cmpi slt, %broadcast_in_dim3A_102, %lt3A_104 : vector<16xi32>
        %add3A_106 = arith.constant 16 : i32
        %add3A_107 = vector.broadcast %add3A_106 : i32 to vector<16xi32>
        %add3A_108 = arith.addi %broadcast_in_dim3A_102, %add3A_107 : vector<16xi32>
        %select_n3A_109 = arith.select %lt3A_105, %add3A_108, %broadcast_in_dim3A_102 : vector<16xi1>, vector<16xi32>
        %broadcast_in_dim3A_110 = vector.shape_cast %select_n3A_109 : vector<16xi32> to vector<16x1xi32>
        %gather3A_111 = vector.shape_cast %broadcast_in_dim3A_110 : vector<16x1xi32> to vector<16xi32>
        %gather3A_112 = tpu.dynamic_gather %get3A_79[%gather3A_111] in [0] : vector<16xf32>, vector<16xi32> -> vector<16xf32>
        %broadcast_in_dim3A_113 = arith.constant 3 : i32
        %broadcast_in_dim3A_114 = vector.broadcast %broadcast_in_dim3A_113 : i32 to vector<16xi32>
        %lt3A_115 = arith.constant 0 : i32
        %lt3A_116 = vector.broadcast %lt3A_115 : i32 to vector<16xi32>
        %lt3A_117 = arith.cmpi slt, %broadcast_in_dim3A_114, %lt3A_116 : vector<16xi32>
        %add3A_118 = arith.constant 16 : i32
        %add3A_119 = vector.broadcast %add3A_118 : i32 to vector<16xi32>
        %add3A_120 = arith.addi %broadcast_in_dim3A_114, %add3A_119 : vector<16xi32>
        %select_n3A_121 = arith.select %lt3A_117, %add3A_120, %broadcast_in_dim3A_114 : vector<16xi1>, vector<16xi32>
        %broadcast_in_dim3A_122 = vector.shape_cast %select_n3A_121 : vector<16xi32> to vector<16x1xi32>
        %gather3A_123 = vector.shape_cast %broadcast_in_dim3A_122 : vector<16x1xi32> to vector<16xi32>
        %gather3A_124 = tpu.dynamic_gather %get3A_79[%gather3A_123] in [0] : vector<16xf32>, vector<16xi32> -> vector<16xf32>
        %get3A_125 = arith.index_cast %scan3A_75 : i32 to index
        %get3A_126 = arith.constant 0 : index
        %get3A_127 = tpu.vector_load %arg15[%get3A_125, %get3A_126] {strides = array<i32>} : memref<128x128xf32, #tpu.memory_space<vmem>>, vector<1x16xf32>,
        %get3A_128 = vector.shape_cast %get3A_127 : vector<1x16xf32> to vector<16xf32>
        %mul3A_129 = arith.mulf %get3A_128, %gather3A_88 : vector<16xf32>
        %swap3A = arith.index_cast %scan3A_75 : i32 to index
        %swap3A_130 = arith.constant 0 : index
        %swap3A_131 = tpu.vector_load %arg15[%swap3A, %swap3A_130] {strides = array<i32>} : memref<128x128xf32, #tpu.memory_space<vmem>>, vector<1x16xf32>,
        %swap3A_132 = vector.shape_cast %swap3A_131 : vector<1x16xf32> to vector<16xf32>
        %swap3A_133 = vector.shape_cast %mul3A_129 : vector<16xf32> to vector<1x16xf32>
        tpu.vector_store %arg15[%swap3A, %swap3A_130], %swap3A_133 {strides = array<i32>} : memref<128x128xf32, #tpu.memory_space<vmem>>, vector<1x16xf32>,
        %get3A_134 = arith.index_cast %scan3A_75 : i32 to index
        %get3A_135 = arith.constant 16 : index
        %get3A_136 = tpu.vector_load %arg15[%get3A_134, %get3A_135] {strides = array<i32>} : memref<128x128xf32, #tpu.memory_space<vmem>>, vector<1x16xf32>,
        %get3A_137 = vector.shape_cast %get3A_136 : vector<1x16xf32> to vector<16xf32>
        %mul3A_138 = arith.mulf %get3A_137, %gather3A_88 : vector<16xf32>
        %swap3A_139 = arith.index_cast %scan3A_75 : i32 to index
        %swap3A_140 = arith.constant 16 : index
        %swap3A_141 = tpu.vector_load %arg15[%swap3A_139, %swap3A_140] {strides = array<i32>} : memref<128x128xf32, #tpu.memory_space<vmem>>, vector<1x16xf32>,
        %swap3A_142 = vector.shape_cast %swap3A_141 : vector<1x16xf32> to vector<16xf32>
        %swap3A_143 = vector.shape_cast %mul3A_138 : vector<16xf32> to vector<1x16xf32>
        tpu.vector_store %arg15[%swap3A_139, %swap3A_140], %swap3A_143 {strides = array<i32>} : memref<128x128xf32, #tpu.memory_space<vmem>>, vector<1x16xf32>,
        %get3A_144 = arith.index_cast %scan3A_75 : i32 to index
        %get3A_145 = arith.constant 32 : index
        %get3A_146 = tpu.vector_load %arg15[%get3A_144, %get3A_145] {strides = array<i32>} : memref<128x128xf32, #tpu.memory_space<vmem>>, vector<1x16xf32>,
        %get3A_147 = vector.shape_cast %get3A_146 : vector<1x16xf32> to vector<16xf32>
        %mul3A_148 = arith.mulf %get3A_147, %gather3A_100 : vector<16xf32>
        %swap3A_149 = arith.index_cast %scan3A_75 : i32 to index
        %swap3A_150 = arith.constant 32 : index
        %swap3A_151 = tpu.vector_load %arg15[%swap3A_149, %swap3A_150] {strides = array<i32>} : memref<128x128xf32, #tpu.memory_space<vmem>>, vector<1x16xf32>,
        %swap3A_152 = vector.shape_cast %swap3A_151 : vector<1x16xf32> to vector<16xf32>
        %swap3A_153 = vector.shape_cast %mul3A_148 : vector<16xf32> to vector<1x16xf32>
        tpu.vector_store %arg15[%swap3A_149, %swap3A_150], %swap3A_153 {strides = array<i32>} : memref<128x128xf32, #tpu.memory_space<vmem>>, vector<1x16xf32>,
        %get3A_154 = arith.index_cast %scan3A_75 : i32 to index
        %get3A_155 = arith.constant 48 : index
        %get3A_156 = tpu.vector_load %arg15[%get3A_154, %get3A_155] {strides = array<i32>} : memref<128x128xf32, #tpu.memory_space<vmem>>, vector<1x16xf32>,
        %get3A_157 = vector.shape_cast %get3A_156 : vector<1x16xf32> to vector<16xf32>
        %mul3A_158 = arith.mulf %get3A_157, %gather3A_100 : vector<16xf32>
        %swap3A_159 = arith.index_cast %scan3A_75 : i32 to index
        %swap3A_160 = arith.constant 48 : index
        %swap3A_161 = tpu.vector_load %arg15[%swap3A_159, %swap3A_160] {strides = array<i32>} : memref<128x128xf32, #tpu.memory_space<vmem>>, vector<1x16xf32>,
        %swap3A_162 = vector.shape_cast %swap3A_161 : vector<1x16xf32> to vector<16xf32>
        %swap3A_163 = vector.shape_cast %mul3A_158 : vector<16xf32> to vector<1x16xf32>
        tpu.vector_store %arg15[%swap3A_159, %swap3A_160], %swap3A_163 {strides = array<i32>} : memref<128x128xf32, #tpu.memory_space<vmem>>, vector<1x16xf32>,
        %get3A_164 = arith.index_cast %scan3A_75 : i32 to index
        %get3A_165 = arith.constant 64 : index
        %get3A_166 = tpu.vector_load %arg15[%get3A_164, %get3A_165] {strides = array<i32>} : memref<128x128xf32, #tpu.memory_space<vmem>>, vector<1x16xf32>,
        %get3A_167 = vector.shape_cast %get3A_166 : vector<1x16xf32> to vector<16xf32>
        %mul3A_168 = arith.mulf %get3A_167, %gather3A_112 : vector<16xf32>
        %swap3A_169 = arith.index_cast %scan3A_75 : i32 to index
        %swap3A_170 = arith.constant 64 : index
        %swap3A_171 = tpu.vector_load %arg15[%swap3A_169, %swap3A_170] {strides = array<i32>} : memref<128x128xf32, #tpu.memory_space<vmem>>, vector<1x16xf32>,
        %swap3A_172 = vector.shape_cast %swap3A_171 : vector<1x16xf32> to vector<16xf32>
        %swap3A_173 = vector.shape_cast %mul3A_168 : vector<16xf32> to vector<1x16xf32>
        tpu.vector_store %arg15[%swap3A_169, %swap3A_170], %swap3A_173 {strides = array<i32>} : memref<128x128xf32, #tpu.memory_space<vmem>>, vector<1x16xf32>,
        %get3A_174 = arith.index_cast %scan3A_75 : i32 to index
        %get3A_175 = arith.constant 80 : index
        %get3A_176 = tpu.vector_load %arg15[%get3A_174, %get3A_175] {strides = array<i32>} : memref<128x128xf32, #tpu.memory_space<vmem>>, vector<1x16xf32>,
        %get3A_177 = vector.shape_cast %get3A_176 : vector<1x16xf32> to vector<16xf32>
        %mul3A_178 = arith.mulf %get3A_177, %gather3A_112 : vector<16xf32>
        %swap3A_179 = arith.index_cast %scan3A_75 : i32 to index
        %swap3A_180 = arith.constant 80 : index
        %swap3A_181 = tpu.vector_load %arg15[%swap3A_179, %swap3A_180] {strides = array<i32>} : memref<128x128xf32, #tpu.memory_space<vmem>>, vector<1x16xf32>,
        %swap3A_182 = vector.shape_cast %swap3A_181 : vector<1x16xf32> to vector<16xf32>
        %swap3A_183 = vector.shape_cast %mul3A_178 : vector<16xf32> to vector<1x16xf32>
        tpu.vector_store %arg15[%swap3A_179, %swap3A_180], %swap3A_183 {strides = array<i32>} : memref<128x128xf32, #tpu.memory_space<vmem>>, vector<1x16xf32>,
        %get3A_184 = arith.index_cast %scan3A_75 : i32 to index
        %get3A_185 = arith.constant 96 : index
        %get3A_186 = tpu.vector_load %arg15[%get3A_184, %get3A_185] {strides = array<i32>} : memref<128x128xf32, #tpu.memory_space<vmem>>, vector<1x16xf32>,
        %get3A_187 = vector.shape_cast %get3A_186 : vector<1x16xf32> to vector<16xf32>
        %mul3A_188 = arith.mulf %get3A_187, %gather3A_124 : vector<16xf32>
        %swap3A_189 = arith.index_cast %scan3A_75 : i32 to index
        %swap3A_190 = arith.constant 96 : index
        %swap3A_191 = tpu.vector_load %arg15[%swap3A_189, %swap3A_190] {strides = array<i32>} : memref<128x128xf32, #tpu.memory_space<vmem>>, vector<1x16xf32>,
        %swap3A_192 = vector.shape_cast %swap3A_191 : vector<1x16xf32> to vector<16xf32>
        %swap3A_193 = vector.shape_cast %mul3A_188 : vector<16xf32> to vector<1x16xf32>
        tpu.vector_store %arg15[%swap3A_189, %swap3A_190], %swap3A_193 {strides = array<i32>} : memref<128x128xf32, #tpu.memory_space<vmem>>, vector<1x16xf32>,
        %get3A_194 = arith.index_cast %scan3A_75 : i32 to index
        %get3A_195 = arith.constant 112 : index
        %get3A_196 = tpu.vector_load %arg15[%get3A_194, %get3A_195] {strides = array<i32>} : memref<128x128xf32, #tpu.memory_space<vmem>>, vector<1x16xf32>,
        %get3A_197 = vector.shape_cast %get3A_196 : vector<1x16xf32> to vector<16xf32>
        %mul3A_198 = arith.mulf %get3A_197, %gather3A_124 : vector<16xf32>
        %swap3A_199 = arith.index_cast %scan3A_75 : i32 to index
        %swap3A_200 = arith.constant 112 : index
        %swap3A_201 = tpu.vector_load %arg15[%swap3A_199, %swap3A_200] {strides = array<i32>} : memref<128x128xf32, #tpu.memory_space<vmem>>, vector<1x16xf32>,
        %swap3A_202 = vector.shape_cast %swap3A_201 : vector<1x16xf32> to vector<16xf32>
        %swap3A_203 = vector.shape_cast %mul3A_198 : vector<16xf32> to vector<1x16xf32>
        tpu.vector_store %arg15[%swap3A_199, %swap3A_200], %swap3A_203 {strides = array<i32>} : memref<128x128xf32, #tpu.memory_space<vmem>>, vector<1x16xf32>,
      }
      %scan3A_59 = arith.constant 125 : i32
      %gt3A_60 = arith.constant 0 : i32
      %gt3A_61 = arith.cmpi sgt, %add3A_50, %gt3A_60 : i32
      %convert_element_type3A_62 = arith.extui %gt3A_61 : i1 to i32
      %cond3A_63 = arith.constant 0 : i32
      %cond3A_64 = arith.cmpi ne, %convert_element_type3A_62, %cond3A_63 : i32
      scf.if %cond3A_64 {
        %dma_wait3A_75 = arith.constant 0 : i32
        %dma_wait3A_76 = arith.constant 0 : i32
        %dma_wait3A_77 = tpu.memref_slice %arg16[%dma_wait3A_75, %dma_wait3A_76] : memref<5120x128xf32, #tpu.memory_space<vmem_shared>> -> memref<5120x128xf32, #tpu.memory_space<vmem_shared>>
        tpu.wait_indirect_dma semaphore(%arg19 : memref<!tpu.dma_semaphore, #tpu.memory_space<semaphore_mem>>) src(%arg14 : memref<128x128xf32, #tpu.memory_space<vmem>>) dst(%dma_wait3A_77 : memref<5120x128xf32, #tpu.memory_space<vmem_shared>>)
      } else {
      }
      %add3A_65 = arith.constant 1 : i32
      %add3A_66 = arith.addi %add3A_50, %add3A_65 : i32
      %lt3A_67 = arith.constant 80 : i32
      %lt3A_68 = arith.cmpi slt, %add3A_66, %lt3A_67 : i32
      %convert_element_type3A_69 = arith.extui %lt3A_68 : i1 to i32
      %cond3A_70 = arith.constant 0 : i32
      %cond3A_71 = arith.cmpi ne, %convert_element_type3A_69, %cond3A_70 : i32
      scf.if %cond3A_71 {
        %add3A_75 = arith.constant 1 : i32
        %add3A_76 = arith.addi %add3A_50, %add3A_75 : i32
        %mul3A_77 = arith.constant 80 : i32
        %mul3A_78 = arith.muli %arg1, %mul3A_77 : i32
        %add3A_79 = arith.addi %mul3A_78, %add3A_76 : i32
        "tpu.region"() ({
          %run_scoped3A = tpu.sem_alloc : memref<!tpu.dma_semaphore, #tpu.memory_space<semaphore_mem>>
          %dma_start3A_85 = arith.constant 0 : i32
          %dma_start3A_86 = tpu.memref_slice %arg4[%add3A_79, %dma_start3A_85] : memref<1280x128xi32, #tpu.memory_space<hbm>> -> memref<1x128xi32, #tpu.memory_space<hbm>>
          %dma_start3A_87 = tpu.memref_squeeze %dma_start3A_86 : memref<1x128xi32, #tpu.memory_space<hbm>> -> memref<128xi32, #tpu.memory_space<hbm>>
          %dma_start3A_88 = arith.constant 0 : i32
          %dma_start3A_89 = tpu.memref_slice %arg4[%add3A_79, %dma_start3A_88] : memref<1280x128xi32, #tpu.memory_space<hbm>> -> memref<1x128xi32, #tpu.memory_space<hbm>>
          %dma_start3A_90 = tpu.memref_squeeze %dma_start3A_89 : memref<1x128xi32, #tpu.memory_space<hbm>> -> memref<128xi32, #tpu.memory_space<hbm>>
          tpu.enqueue_dma source(%dma_start3A_90 : memref<128xi32, #tpu.memory_space<hbm>>) target(%arg8 : memref<128xi32, #tpu.memory_space<vmem>>) target_semaphore(%run_scoped3A : memref<!tpu.dma_semaphore, #tpu.memory_space<semaphore_mem>>)
          %dma_wait3A_91 = arith.constant 0 : i32
          %dma_wait3A_92 = tpu.memref_slice %arg4[%add3A_79, %dma_wait3A_91] : memref<1280x128xi32, #tpu.memory_space<hbm>> -> memref<1x128xi32, #tpu.memory_space<hbm>>
          %dma_wait3A_93 = tpu.memref_squeeze %dma_wait3A_92 : memref<1x128xi32, #tpu.memory_space<hbm>> -> memref<128xi32, #tpu.memory_space<hbm>>
          %dma_wait3A_94 = arith.constant 0 : i32
          %dma_wait3A_95 = tpu.memref_slice %arg4[%add3A_79, %dma_wait3A_94] : memref<1280x128xi32, #tpu.memory_space<hbm>> -> memref<1x128xi32, #tpu.memory_space<hbm>>
          %dma_wait3A_96 = tpu.memref_squeeze %dma_wait3A_95 : memref<1x128xi32, #tpu.memory_space<hbm>> -> memref<128xi32, #tpu.memory_space<hbm>>
          tpu.wait_dma2 semaphore(%run_scoped3A : memref<!tpu.dma_semaphore, #tpu.memory_space<semaphore_mem>>) src(%dma_wait3A_96 : memref<128xi32, #tpu.memory_space<hbm>>) dst(%arg8 : memref<128xi32, #tpu.memory_space<vmem>>)
          tpu.yield
        }) : () -> ()
        "tpu.region"() ({
          %run_scoped3A = tpu.sem_alloc : memref<!tpu.dma_semaphore, #tpu.memory_space<semaphore_mem>>
          %dma_start3A_85 = arith.constant 0 : i32
          %dma_start3A_86 = tpu.memref_slice %arg5[%arg0, %add3A_79, %dma_start3A_85] : memref<2x1280x128xi32, #tpu.memory_space<hbm>> -> memref<1x1x128xi32, #tpu.memory_space<hbm>>
          %dma_start3A_87 = tpu.memref_squeeze %dma_start3A_86 : memref<1x1x128xi32, #tpu.memory_space<hbm>> -> memref<128xi32, #tpu.memory_space<hbm>>
          %dma_start3A_88 = arith.constant 0 : i32
          %dma_start3A_89 = tpu.memref_slice %arg5[%arg0, %add3A_79, %dma_start3A_88] : memref<2x1280x128xi32, #tpu.memory_space<hbm>> -> memref<1x1x128xi32, #tpu.memory_space<hbm>>
          %dma_start3A_90 = tpu.memref_squeeze %dma_start3A_89 : memref<1x1x128xi32, #tpu.memory_space<hbm>> -> memref<128xi32, #tpu.memory_space<hbm>>
          tpu.enqueue_dma source(%dma_start3A_90 : memref<128xi32, #tpu.memory_space<hbm>>) target(%arg10 : memref<128xi32, #tpu.memory_space<vmem>>) target_semaphore(%run_scoped3A : memref<!tpu.dma_semaphore, #tpu.memory_space<semaphore_mem>>)
          %dma_wait3A_91 = arith.constant 0 : i32
          %dma_wait3A_92 = tpu.memref_slice %arg5[%arg0, %add3A_79, %dma_wait3A_91] : memref<2x1280x128xi32, #tpu.memory_space<hbm>> -> memref<1x1x128xi32, #tpu.memory_space<hbm>>
          %dma_wait3A_93 = tpu.memref_squeeze %dma_wait3A_92 : memref<1x1x128xi32, #tpu.memory_space<hbm>> -> memref<128xi32, #tpu.memory_space<hbm>>
          %dma_wait3A_94 = arith.constant 0 : i32
          %dma_wait3A_95 = tpu.memref_slice %arg5[%arg0, %add3A_79, %dma_wait3A_94] : memref<2x1280x128xi32, #tpu.memory_space<hbm>> -> memref<1x1x128xi32, #tpu.memory_space<hbm>>
          %dma_wait3A_96 = tpu.memref_squeeze %dma_wait3A_95 : memref<1x1x128xi32, #tpu.memory_space<hbm>> -> memref<128xi32, #tpu.memory_space<hbm>>
          tpu.wait_dma2 semaphore(%run_scoped3A : memref<!tpu.dma_semaphore, #tpu.memory_space<semaphore_mem>>) src(%dma_wait3A_96 : memref<128xi32, #tpu.memory_space<hbm>>) dst(%arg10 : memref<128xi32, #tpu.memory_space<vmem>>)
          tpu.yield
        }) : () -> ()
        %mul3A_80 = arith.constant 2000 : i32
        %mul3A_81 = arith.muli %add3A_79, %mul3A_80 : i32
        "tpu.region"() ({
          %run_scoped3A = tpu.sem_alloc : memref<!tpu.dma_semaphore, #tpu.memory_space<semaphore_mem>>
          %dma_start3A_85 = tpu.memref_slice %arg3[%mul3A_81] : memref<2560000xf32, #tpu.memory_space<hbm>> -> memref<2000xf32, #tpu.memory_space<hbm>>
          %dma_start3A_86 = tpu.memref_slice %arg3[%mul3A_81] : memref<2560000xf32, #tpu.memory_space<hbm>> -> memref<2000xf32, #tpu.memory_space<hbm>>
          tpu.enqueue_dma source(%dma_start3A_86 : memref<2000xf32, #tpu.memory_space<hbm>>) target(%arg12 : memref<2000xf32, #tpu.memory_space<vmem>>) target_semaphore(%run_scoped3A : memref<!tpu.dma_semaphore, #tpu.memory_space<semaphore_mem>>)
          %dma_wait3A_87 = tpu.memref_slice %arg3[%mul3A_81] : memref<2560000xf32, #tpu.memory_space<hbm>> -> memref<2000xf32, #tpu.memory_space<hbm>>
          %dma_wait3A_88 = tpu.memref_slice %arg3[%mul3A_81] : memref<2560000xf32, #tpu.memory_space<hbm>> -> memref<2000xf32, #tpu.memory_space<hbm>>
          tpu.wait_dma2 semaphore(%run_scoped3A : memref<!tpu.dma_semaphore, #tpu.memory_space<semaphore_mem>>) src(%dma_wait3A_88 : memref<2000xf32, #tpu.memory_space<hbm>>) dst(%arg12 : memref<2000xf32, #tpu.memory_space<vmem>>)
          tpu.yield
        }) : () -> ()
        %dma_start3A_82 = arith.constant 0 : i32
        %dma_start3A_83 = arith.constant 0 : i32
        %dma_start3A_84 = tpu.memref_slice %arg2[%dma_start3A_82, %dma_start3A_83] : memref<10112x128xf32, #tpu.memory_space<hbm>> -> memref<10112x128xf32, #tpu.memory_space<hbm>>
        tpu.enqueue_indirect_dma source(%dma_start3A_84 : memref<10112x128xf32, #tpu.memory_space<hbm>>) target(%arg14 : memref<128x128xf32, #tpu.memory_space<vmem>>) offsets(%arg8 : memref<128xi32, #tpu.memory_space<vmem>>) semaphore(%arg17 : memref<!tpu.dma_semaphore, #tpu.memory_space<semaphore_mem>>)
      } else {
      }
      %dma_start3A_72 = arith.constant 0 : i32
      %dma_start3A_73 = arith.constant 0 : i32
      %dma_start3A_74 = tpu.memref_slice %arg16[%dma_start3A_72, %dma_start3A_73] : memref<5120x128xf32, #tpu.memory_space<vmem_shared>> -> memref<5120x128xf32, #tpu.memory_space<vmem_shared>>
      tpu.enqueue_indirect_dma source(%arg15 : memref<128x128xf32, #tpu.memory_space<vmem>>) target(%dma_start3A_74 : memref<5120x128xf32, #tpu.memory_space<vmem_shared>>) offsets(%arg11 : memref<128xi32, #tpu.memory_space<vmem>>) semaphore(%arg20 : memref<!tpu.dma_semaphore, #tpu.memory_space<semaphore_mem>>) {add = true}
    }
    %scan3A_14 = arith.constant 40 : i32
    %dma_wait3A = arith.constant 0 : i32
    %dma_wait3A_15 = arith.constant 0 : i32
    %dma_wait3A_16 = tpu.memref_slice %arg16[%dma_wait3A, %dma_wait3A_15] : memref<5120x128xf32, #tpu.memory_space<vmem_shared>> -> memref<5120x128xf32, #tpu.memory_space<vmem_shared>>
    tpu.wait_indirect_dma semaphore(%arg20 : memref<!tpu.dma_semaphore, #tpu.memory_space<semaphore_mem>>) src(%arg15 : memref<128x128xf32, #tpu.memory_space<vmem>>) dst(%dma_wait3A_16 : memref<5120x128xf32, #tpu.memory_space<vmem_shared>>)
    %barrier3A_17 = arith.constant 0 : index
    tpu.barrier barrier_id(%barrier3A_17)
    %mul3A_18 = arith.constant 320 : i32
    %mul3A_19 = arith.muli %arg1, %mul3A_18 : i32
    %mul3A_20 = arith.constant 320 : i32
    %mul3A_21 = arith.muli %arg1, %mul3A_20 : i32
    "tpu.region"() ({
      %run_scoped3A = tpu.sem_alloc : memref<!tpu.dma_semaphore, #tpu.memory_space<semaphore_mem>>
      %dma_start3A_22 = arith.constant 0 : i32
      %dma_start3A_23 = tpu.memref_slice %arg7[%arg0, %mul3A_21, %dma_start3A_22] : memref<2x5120x128xf32, #tpu.memory_space<hbm>> -> memref<1x320x128xf32, #tpu.memory_space<hbm>>
      %dma_start3A_24 = tpu.memref_squeeze %dma_start3A_23 : memref<1x320x128xf32, #tpu.memory_space<hbm>> -> memref<320x128xf32, #tpu.memory_space<hbm>>
      %dma_start3A_25 = arith.constant 0 : i32
      %dma_start3A_26 = tpu.memref_slice %arg16[%mul3A_19, %dma_start3A_25] : memref<5120x128xf32, #tpu.memory_space<vmem_shared>> -> memref<320x128xf32, #tpu.memory_space<vmem_shared>>
      tpu.enqueue_dma source(%dma_start3A_26 : memref<320x128xf32, #tpu.memory_space<vmem_shared>>) target(%dma_start3A_24 : memref<320x128xf32, #tpu.memory_space<hbm>>) target_semaphore(%run_scoped3A : memref<!tpu.dma_semaphore, #tpu.memory_space<semaphore_mem>>)
      %dma_wait3A_27 = arith.constant 0 : i32
      %dma_wait3A_28 = tpu.memref_slice %arg7[%arg0, %mul3A_21, %dma_wait3A_27] : memref<2x5120x128xf32, #tpu.memory_space<hbm>> -> memref<1x320x128xf32, #tpu.memory_space<hbm>>
      %dma_wait3A_29 = tpu.memref_squeeze %dma_wait3A_28 : memref<1x320x128xf32, #tpu.memory_space<hbm>> -> memref<320x128xf32, #tpu.memory_space<hbm>>
      %dma_wait3A_30 = arith.constant 0 : i32
      %dma_wait3A_31 = tpu.memref_slice %arg16[%mul3A_19, %dma_wait3A_30] : memref<5120x128xf32, #tpu.memory_space<vmem_shared>> -> memref<320x128xf32, #tpu.memory_space<vmem_shared>>
      tpu.wait_dma2 semaphore(%run_scoped3A : memref<!tpu.dma_semaphore, #tpu.memory_space<semaphore_mem>>) src(%dma_wait3A_31 : memref<320x128xf32, #tpu.memory_space<vmem_shared>>) dst(%dma_wait3A_29 : memref<320x128xf32, #tpu.memory_space<hbm>>)
      tpu.yield
    }) : () -> ()
    return
  }
}

#map = affine_map<(d0, d1) -> (0, 0)>
#map1 = affine_map<(d0, d1) -> (0)>
#map2 = affine_map<(d0, d1) -> (0, 0, 0)>
module attributes {stable_mosaic.version = 14 : i64} {
  func.func @_stage_body(%arg0: i32, %arg1: i32, %arg2: memref<10112x128xf32, #tpu.memory_space<hbm>>, %arg3: memref<2560000xf32, #tpu.memory_space<hbm>>, %arg4: memref<1280x128xi32, #tpu.memory_space<hbm>>, %arg5: memref<2x1280x128xi32, #tpu.memory_space<hbm>>, %arg6: memref<10112x128xf32, #tpu.memory_space<hbm>>, %arg7: memref<2x5120x128xf32, #tpu.memory_space<hbm>>, %arg8: memref<128xi32, #tpu.memory_space<vmem>>, %arg9: memref<128xi32, #tpu.memory_space<vmem>>, %arg10: memref<128xi32, #tpu.memory_space<vmem>>, %arg11: memref<128xi32, #tpu.memory_space<vmem>>, %arg12: memref<2000xf32, #tpu.memory_space<vmem>>, %arg13: memref<2000xf32, #tpu.memory_space<vmem>>, %arg14: memref<128x128xf32, #tpu.memory_space<vmem>>, %arg15: memref<128x128xf32, #tpu.memory_space<vmem>>, %arg16: memref<5120x128xf32, #tpu.memory_space<vmem_shared>>, %arg17: memref<!tpu.dma_semaphore, #tpu.memory_space<semaphore_mem>>, %arg18: memref<!tpu.dma_semaphore, #tpu.memory_space<semaphore_mem>>, %arg19: memref<!tpu.dma_semaphore, #tpu.memory_space<semaphore_mem>>, %arg20: memref<!tpu.dma_semaphore, #tpu.memory_space<semaphore_mem>>) attributes {dimension_semantics = [#tpu.dimension_semantics<core_parallel>, #tpu.dimension_semantics<subcore_parallel>], iteration_bounds = array<i64: 2, 16>, scalar_prefetch = 0 : i64, scratch_operands = 13 : i64, tpu.core_type = #tpu.core_type<sc_vector_subcore>, window_params = [{transform_indices = #map}, {transform_indices = #map1}, {transform_indices = #map}, {transform_indices = #map2}, {transform_indices = #map}, {transform_indices = #map2}]} {
    %mul3A = arith.constant 320 : i32
    %mul3A_0 = arith.muli %arg1, %mul3A : i32
    %mul3A_1 = arith.constant 320 : i32
    %mul3A_2 = arith.muli %arg1, %mul3A_1 : i32
    "tpu.region"() ({
      %run_scoped3A = tpu.sem_alloc : memref<!tpu.dma_semaphore, #tpu.memory_space<semaphore_mem>>
      %dma_start3A_22 = arith.constant 0 : i32
      %dma_start3A_23 = tpu.memref_slice %arg16[%mul3A_2, %dma_start3A_22] : memref<5120x128xf32, #tpu.memory_space<vmem_shared>> -> memref<320x128xf32, #tpu.memory_space<vmem_shared>>
      %dma_start3A_24 = arith.constant 0 : i32
      %dma_start3A_25 = tpu.memref_slice %arg6[%mul3A_0, %dma_start3A_24] : memref<10112x128xf32, #tpu.memory_space<hbm>> -> memref<320x128xf32, #tpu.memory_space<hbm>>
      tpu.enqueue_dma source(%dma_start3A_25 : memref<320x128xf32, #tpu.memory_space<hbm>>) target(%dma_start3A_23 : memref<320x128xf32, #tpu.memory_space<vmem_shared>>) target_semaphore(%run_scoped3A : memref<!tpu.dma_semaphore, #tpu.memory_space<semaphore_mem>>)
      %dma_wait3A_26 = arith.constant 0 : i32
      %dma_wait3A_27 = tpu.memref_slice %arg16[%mul3A_2, %dma_wait3A_26] : memref<5120x128xf32, #tpu.memory_space<vmem_shared>> -> memref<320x128xf32, #tpu.memory_space<vmem_shared>>
      %dma_wait3A_28 = arith.constant 0 : i32
      %dma_wait3A_29 = tpu.memref_slice %arg6[%mul3A_0, %dma_wait3A_28] : memref<10112x128xf32, #tpu.memory_space<hbm>> -> memref<320x128xf32, #tpu.memory_space<hbm>>
      tpu.wait_dma2 semaphore(%run_scoped3A : memref<!tpu.dma_semaphore, #tpu.memory_space<semaphore_mem>>) src(%dma_wait3A_29 : memref<320x128xf32, #tpu.memory_space<hbm>>) dst(%dma_wait3A_27 : memref<320x128xf32, #tpu.memory_space<vmem_shared>>)
      tpu.yield
    }) : () -> ()
    %barrier3A = arith.constant 0 : index
    tpu.barrier barrier_id(%barrier3A)
    %mul3A_3 = arith.constant 80 : i32
    %mul3A_4 = arith.muli %arg1, %mul3A_3 : i32
    %add3A = arith.constant 0 : i32
    %add3A_5 = arith.addi %mul3A_4, %add3A : i32
    "tpu.region"() ({
      %run_scoped3A = tpu.sem_alloc : memref<!tpu.dma_semaphore, #tpu.memory_space<semaphore_mem>>
      %dma_start3A_22 = arith.constant 0 : i32
      %dma_start3A_23 = tpu.memref_slice %arg4[%add3A_5, %dma_start3A_22] : memref<1280x128xi32, #tpu.memory_space<hbm>> -> memref<1x128xi32, #tpu.memory_space<hbm>>
      %dma_start3A_24 = tpu.memref_squeeze %dma_start3A_23 : memref<1x128xi32, #tpu.memory_space<hbm>> -> memref<128xi32, #tpu.memory_space<hbm>>
      %dma_start3A_25 = arith.constant 0 : i32
      %dma_start3A_26 = tpu.memref_slice %arg4[%add3A_5, %dma_start3A_25] : memref<1280x128xi32, #tpu.memory_space<hbm>> -> memref<1x128xi32, #tpu.memory_space<hbm>>
      %dma_start3A_27 = tpu.memref_squeeze %dma_start3A_26 : memref<1x128xi32, #tpu.memory_space<hbm>> -> memref<128xi32, #tpu.memory_space<hbm>>
      tpu.enqueue_dma source(%dma_start3A_27 : memref<128xi32, #tpu.memory_space<hbm>>) target(%arg8 : memref<128xi32, #tpu.memory_space<vmem>>) target_semaphore(%run_scoped3A : memref<!tpu.dma_semaphore, #tpu.memory_space<semaphore_mem>>)
      %dma_wait3A_28 = arith.constant 0 : i32
      %dma_wait3A_29 = tpu.memref_slice %arg4[%add3A_5, %dma_wait3A_28] : memref<1280x128xi32, #tpu.memory_space<hbm>> -> memref<1x128xi32, #tpu.memory_space<hbm>>
      %dma_wait3A_30 = tpu.memref_squeeze %dma_wait3A_29 : memref<1x128xi32, #tpu.memory_space<hbm>> -> memref<128xi32, #tpu.memory_space<hbm>>
      %dma_wait3A_31 = arith.constant 0 : i32
      %dma_wait3A_32 = tpu.memref_slice %arg4[%add3A_5, %dma_wait3A_31] : memref<1280x128xi32, #tpu.memory_space<hbm>> -> memref<1x128xi32, #tpu.memory_space<hbm>>
      %dma_wait3A_33 = tpu.memref_squeeze %dma_wait3A_32 : memref<1x128xi32, #tpu.memory_space<hbm>> -> memref<128xi32, #tpu.memory_space<hbm>>
      tpu.wait_dma2 semaphore(%run_scoped3A : memref<!tpu.dma_semaphore, #tpu.memory_space<semaphore_mem>>) src(%dma_wait3A_33 : memref<128xi32, #tpu.memory_space<hbm>>) dst(%arg8 : memref<128xi32, #tpu.memory_space<vmem>>)
      tpu.yield
    }) : () -> ()
    "tpu.region"() ({
      %run_scoped3A = tpu.sem_alloc : memref<!tpu.dma_semaphore, #tpu.memory_space<semaphore_mem>>
      %dma_start3A_22 = arith.constant 0 : i32
      %dma_start3A_23 = tpu.memref_slice %arg5[%arg0, %add3A_5, %dma_start3A_22] : memref<2x1280x128xi32, #tpu.memory_space<hbm>> -> memref<1x1x128xi32, #tpu.memory_space<hbm>>
      %dma_start3A_24 = tpu.memref_squeeze %dma_start3A_23 : memref<1x1x128xi32, #tpu.memory_space<hbm>> -> memref<128xi32, #tpu.memory_space<hbm>>
      %dma_start3A_25 = arith.constant 0 : i32
      %dma_start3A_26 = tpu.memref_slice %arg5[%arg0, %add3A_5, %dma_start3A_25] : memref<2x1280x128xi32, #tpu.memory_space<hbm>> -> memref<1x1x128xi32, #tpu.memory_space<hbm>>
      %dma_start3A_27 = tpu.memref_squeeze %dma_start3A_26 : memref<1x1x128xi32, #tpu.memory_space<hbm>> -> memref<128xi32, #tpu.memory_space<hbm>>
      tpu.enqueue_dma source(%dma_start3A_27 : memref<128xi32, #tpu.memory_space<hbm>>) target(%arg10 : memref<128xi32, #tpu.memory_space<vmem>>) target_semaphore(%run_scoped3A : memref<!tpu.dma_semaphore, #tpu.memory_space<semaphore_mem>>)
      %dma_wait3A_28 = arith.constant 0 : i32
      %dma_wait3A_29 = tpu.memref_slice %arg5[%arg0, %add3A_5, %dma_wait3A_28] : memref<2x1280x128xi32, #tpu.memory_space<hbm>> -> memref<1x1x128xi32, #tpu.memory_space<hbm>>
      %dma_wait3A_30 = tpu.memref_squeeze %dma_wait3A_29 : memref<1x1x128xi32, #tpu.memory_space<hbm>> -> memref<128xi32, #tpu.memory_space<hbm>>
      %dma_wait3A_31 = arith.constant 0 : i32
      %dma_wait3A_32 = tpu.memref_slice %arg5[%arg0, %add3A_5, %dma_wait3A_31] : memref<2x1280x128xi32, #tpu.memory_space<hbm>> -> memref<1x1x128xi32, #tpu.memory_space<hbm>>
      %dma_wait3A_33 = tpu.memref_squeeze %dma_wait3A_32 : memref<1x1x128xi32, #tpu.memory_space<hbm>> -> memref<128xi32, #tpu.memory_space<hbm>>
      tpu.wait_dma2 semaphore(%run_scoped3A : memref<!tpu.dma_semaphore, #tpu.memory_space<semaphore_mem>>) src(%dma_wait3A_33 : memref<128xi32, #tpu.memory_space<hbm>>) dst(%arg10 : memref<128xi32, #tpu.memory_space<vmem>>)
      tpu.yield
    }) : () -> ()
    %mul3A_6 = arith.constant 2000 : i32
    %mul3A_7 = arith.muli %add3A_5, %mul3A_6 : i32
    "tpu.region"() ({
      %run_scoped3A = tpu.sem_alloc : memref<!tpu.dma_semaphore, #tpu.memory_space<semaphore_mem>>
      %dma_start3A_22 = tpu.memref_slice %arg3[%mul3A_7] : memref<2560000xf32, #tpu.memory_space<hbm>> -> memref<2000xf32, #tpu.memory_space<hbm>>
      %dma_start3A_23 = tpu.memref_slice %arg3[%mul3A_7] : memref<2560000xf32, #tpu.memory_space<hbm>> -> memref<2000xf32, #tpu.memory_space<hbm>>
      tpu.enqueue_dma source(%dma_start3A_23 : memref<2000xf32, #tpu.memory_space<hbm>>) target(%arg12 : memref<2000xf32, #tpu.memory_space<vmem>>) target_semaphore(%run_scoped3A : memref<!tpu.dma_semaphore, #tpu.memory_space<semaphore_mem>>)
      %dma_wait3A_24 = tpu.memref_slice %arg3[%mul3A_7] : memref<2560000xf32, #tpu.memory_space<hbm>> -> memref<2000xf32, #tpu.memory_space<hbm>>
      %dma_wait3A_25 = tpu.memref_slice %arg3[%mul3A_7] : memref<2560000xf32, #tpu.memory_space<hbm>> -> memref<2000xf32, #tpu.memory_space<hbm>>
      tpu.wait_dma2 semaphore(%run_scoped3A : memref<!tpu.dma_semaphore, #tpu.memory_space<semaphore_mem>>) src(%dma_wait3A_25 : memref<2000xf32, #tpu.memory_space<hbm>>) dst(%arg12 : memref<2000xf32, #tpu.memory_space<vmem>>)
      tpu.yield
    }) : () -> ()
    %dma_start3A = arith.constant 0 : i32
    %dma_start3A_8 = arith.constant 0 : i32
    %dma_start3A_9 = tpu.memref_slice %arg2[%dma_start3A, %dma_start3A_8] : memref<10112x128xf32, #tpu.memory_space<hbm>> -> memref<10112x128xf32, #tpu.memory_space<hbm>>
    tpu.enqueue_indirect_dma source(%dma_start3A_9 : memref<10112x128xf32, #tpu.memory_space<hbm>>) target(%arg14 : memref<128x128xf32, #tpu.memory_space<vmem>>) offsets(%arg8 : memref<128xi32, #tpu.memory_space<vmem>>) semaphore(%arg17 : memref<!tpu.dma_semaphore, #tpu.memory_space<semaphore_mem>>)
    %scan3A = arith.constant 0 : i32
    %scan3A_10 = arith.constant 0 : i32
    %scan3A_11 = arith.constant 40 : i32
    %scan3A_12 = arith.addi %scan3A_10, %scan3A_11 : i32
    %scan3A_13 = arith.constant 1 : i32
    scf.for %scan3A_22 = %scan3A_10 to %scan3A_12 step %scan3A_13  : i32 {
      %mul3A_23 = arith.constant 2 : i32
      %mul3A_24 = arith.muli %scan3A_22, %mul3A_23 : i32
      %add3A_25 = arith.constant 0 : i32
      %add3A_26 = arith.addi %mul3A_24, %add3A_25 : i32
      %dma_wait3A_27 = arith.constant 0 : i32
      %dma_wait3A_28 = arith.constant 0 : i32
      %dma_wait3A_29 = tpu.memref_slice %arg2[%dma_wait3A_27, %dma_wait3A_28] : memref<10112x128xf32, #tpu.memory_space<hbm>> -> memref<10112x128xf32, #tpu.memory_space<hbm>>
      tpu.wait_indirect_dma semaphore(%arg17 : memref<!tpu.dma_semaphore, #tpu.memory_space<semaphore_mem>>) src(%dma_wait3A_29 : memref<10112x128xf32, #tpu.memory_space<hbm>>) dst(%arg14 : memref<128x128xf32, #tpu.memory_space<vmem>>)
      %scan3A_30 = arith.constant 0 : i32
      %scan3A_31 = arith.constant 0 : i32
      %scan3A_32 = arith.constant 125 : i32
      %scan3A_33 = arith.addi %scan3A_31, %scan3A_32 : i32
      %scan3A_34 = arith.constant 1 : i32
      scf.for %scan3A_75 = %scan3A_31 to %scan3A_33 step %scan3A_34  : i32 {
        %mul3A_76 = arith.constant 16 : i32
        %mul3A_77 = arith.muli %scan3A_75, %mul3A_76 : i32
        %get3A = arith.index_cast %mul3A_77 : i32 to index
        %get3A_78 = tpu.vector_load %arg12[%get3A] {strides = array<i32>} : memref<2000xf32, #tpu.memory_space<vmem>>, vector<16xf32>,
        %get3A_79 = vector.shape_cast %get3A_78 : vector<16xf32> to vector<16xf32>
        %broadcast_in_dim3A = arith.constant 0 : i32
        %broadcast_in_dim3A_80 = vector.broadcast %broadcast_in_dim3A : i32 to vector<16xi32>
        %lt3A_81 = arith.constant 0 : i32
        %lt3A_82 = vector.broadcast %lt3A_81 : i32 to vector<16xi32>
        %lt3A_83 = arith.cmpi slt, %broadcast_in_dim3A_80, %lt3A_82 : vector<16xi32>
        %add3A_84 = arith.constant 16 : i32
        %add3A_85 = vector.broadcast %add3A_84 : i32 to vector<16xi32>
        %add3A_86 = arith.addi %broadcast_in_dim3A_80, %add3A_85 : vector<16xi32>
        %select_n3A = arith.select %lt3A_83, %add3A_86, %broadcast_in_dim3A_80 : vector<16xi1>, vector<16xi32>
        %broadcast_in_dim3A_87 = vector.shape_cast %select_n3A : vector<16xi32> to vector<16x1xi32>
        %gather3A = vector.shape_cast %broadcast_in_dim3A_87 : vector<16x1xi32> to vector<16xi32>
        %gather3A_88 = tpu.dynamic_gather %get3A_79[%gather3A] in [0] : vector<16xf32>, vector<16xi32> -> vector<16xf32>
        %broadcast_in_dim3A_89 = arith.constant 1 : i32
        %broadcast_in_dim3A_90 = vector.broadcast %broadcast_in_dim3A_89 : i32 to vector<16xi32>
        %lt3A_91 = arith.constant 0 : i32
        %lt3A_92 = vector.broadcast %lt3A_91 : i32 to vector<16xi32>
        %lt3A_93 = arith.cmpi slt, %broadcast_in_dim3A_90, %lt3A_92 : vector<16xi32>
        %add3A_94 = arith.constant 16 : i32
        %add3A_95 = vector.broadcast %add3A_94 : i32 to vector<16xi32>
        %add3A_96 = arith.addi %broadcast_in_dim3A_90, %add3A_95 : vector<16xi32>
        %select_n3A_97 = arith.select %lt3A_93, %add3A_96, %broadcast_in_dim3A_90 : vector<16xi1>, vector<16xi32>
        %broadcast_in_dim3A_98 = vector.shape_cast %select_n3A_97 : vector<16xi32> to vector<16x1xi32>
        %gather3A_99 = vector.shape_cast %broadcast_in_dim3A_98 : vector<16x1xi32> to vector<16xi32>
        %gather3A_100 = tpu.dynamic_gather %get3A_79[%gather3A_99] in [0] : vector<16xf32>, vector<16xi32> -> vector<16xf32>
        %broadcast_in_dim3A_101 = arith.constant 2 : i32
        %broadcast_in_dim3A_102 = vector.broadcast %broadcast_in_dim3A_101 : i32 to vector<16xi32>
        %lt3A_103 = arith.constant 0 : i32
        %lt3A_104 = vector.broadcast %lt3A_103 : i32 to vector<16xi32>
        %lt3A_105 = arith.cmpi slt, %broadcast_in_dim3A_102, %lt3A_104 : vector<16xi32>
        %add3A_106 = arith.constant 16 : i32
        %add3A_107 = vector.broadcast %add3A_106 : i32 to vector<16xi32>
        %add3A_108 = arith.addi %broadcast_in_dim3A_102, %add3A_107 : vector<16xi32>
        %select_n3A_109 = arith.select %lt3A_105, %add3A_108, %broadcast_in_dim3A_102 : vector<16xi1>, vector<16xi32>
        %broadcast_in_dim3A_110 = vector.shape_cast %select_n3A_109 : vector<16xi32> to vector<16x1xi32>
        %gather3A_111 = vector.shape_cast %broadcast_in_dim3A_110 : vector<16x1xi32> to vector<16xi32>
        %gather3A_112 = tpu.dynamic_gather %get3A_79[%gather3A_111] in [0] : vector<16xf32>, vector<16xi32> -> vector<16xf32>
        %broadcast_in_dim3A_113 = arith.constant 3 : i32
        %broadcast_in_dim3A_114 = vector.broadcast %broadcast_in_dim3A_113 : i32 to vector<16xi32>
        %lt3A_115 = arith.constant 0 : i32
        %lt3A_116 = vector.broadcast %lt3A_115 : i32 to vector<16xi32>
        %lt3A_117 = arith.cmpi slt, %broadcast_in_dim3A_114, %lt3A_116 : vector<16xi32>
        %add3A_118 = arith.constant 16 : i32
        %add3A_119 = vector.broadcast %add3A_118 : i32 to vector<16xi32>
        %add3A_120 = arith.addi %broadcast_in_dim3A_114, %add3A_119 : vector<16xi32>
        %select_n3A_121 = arith.select %lt3A_117, %add3A_120, %broadcast_in_dim3A_114 : vector<16xi1>, vector<16xi32>
        %broadcast_in_dim3A_122 = vector.shape_cast %select_n3A_121 : vector<16xi32> to vector<16x1xi32>
        %gather3A_123 = vector.shape_cast %broadcast_in_dim3A_122 : vector<16x1xi32> to vector<16xi32>
        %gather3A_124 = tpu.dynamic_gather %get3A_79[%gather3A_123] in [0] : vector<16xf32>, vector<16xi32> -> vector<16xf32>
        %get3A_125 = arith.index_cast %scan3A_75 : i32 to index
        %get3A_126 = arith.constant 0 : index
        %get3A_127 = tpu.vector_load %arg14[%get3A_125, %get3A_126] {strides = array<i32>} : memref<128x128xf32, #tpu.memory_space<vmem>>, vector<1x16xf32>,
        %get3A_128 = vector.shape_cast %get3A_127 : vector<1x16xf32> to vector<16xf32>
        %mul3A_129 = arith.mulf %get3A_128, %gather3A_88 : vector<16xf32>
        %swap3A = arith.index_cast %scan3A_75 : i32 to index
        %swap3A_130 = arith.constant 0 : index
        %swap3A_131 = tpu.vector_load %arg14[%swap3A, %swap3A_130] {strides = array<i32>} : memref<128x128xf32, #tpu.memory_space<vmem>>, vector<1x16xf32>,
        %swap3A_132 = vector.shape_cast %swap3A_131 : vector<1x16xf32> to vector<16xf32>
        %swap3A_133 = vector.shape_cast %mul3A_129 : vector<16xf32> to vector<1x16xf32>
        tpu.vector_store %arg14[%swap3A, %swap3A_130], %swap3A_133 {strides = array<i32>} : memref<128x128xf32, #tpu.memory_space<vmem>>, vector<1x16xf32>,
        %get3A_134 = arith.index_cast %scan3A_75 : i32 to index
        %get3A_135 = arith.constant 16 : index
        %get3A_136 = tpu.vector_load %arg14[%get3A_134, %get3A_135] {strides = array<i32>} : memref<128x128xf32, #tpu.memory_space<vmem>>, vector<1x16xf32>,
        %get3A_137 = vector.shape_cast %get3A_136 : vector<1x16xf32> to vector<16xf32>
        %mul3A_138 = arith.mulf %get3A_137, %gather3A_88 : vector<16xf32>
        %swap3A_139 = arith.index_cast %scan3A_75 : i32 to index
        %swap3A_140 = arith.constant 16 : index
        %swap3A_141 = tpu.vector_load %arg14[%swap3A_139, %swap3A_140] {strides = array<i32>} : memref<128x128xf32, #tpu.memory_space<vmem>>, vector<1x16xf32>,
        %swap3A_142 = vector.shape_cast %swap3A_141 : vector<1x16xf32> to vector<16xf32>
        %swap3A_143 = vector.shape_cast %mul3A_138 : vector<16xf32> to vector<1x16xf32>
        tpu.vector_store %arg14[%swap3A_139, %swap3A_140], %swap3A_143 {strides = array<i32>} : memref<128x128xf32, #tpu.memory_space<vmem>>, vector<1x16xf32>,
        %get3A_144 = arith.index_cast %scan3A_75 : i32 to index
        %get3A_145 = arith.constant 32 : index
        %get3A_146 = tpu.vector_load %arg14[%get3A_144, %get3A_145] {strides = array<i32>} : memref<128x128xf32, #tpu.memory_space<vmem>>, vector<1x16xf32>,
        %get3A_147 = vector.shape_cast %get3A_146 : vector<1x16xf32> to vector<16xf32>
        %mul3A_148 = arith.mulf %get3A_147, %gather3A_100 : vector<16xf32>
        %swap3A_149 = arith.index_cast %scan3A_75 : i32 to index
        %swap3A_150 = arith.constant 32 : index
        %swap3A_151 = tpu.vector_load %arg14[%swap3A_149, %swap3A_150] {strides = array<i32>} : memref<128x128xf32, #tpu.memory_space<vmem>>, vector<1x16xf32>,
        %swap3A_152 = vector.shape_cast %swap3A_151 : vector<1x16xf32> to vector<16xf32>
        %swap3A_153 = vector.shape_cast %mul3A_148 : vector<16xf32> to vector<1x16xf32>
        tpu.vector_store %arg14[%swap3A_149, %swap3A_150], %swap3A_153 {strides = array<i32>} : memref<128x128xf32, #tpu.memory_space<vmem>>, vector<1x16xf32>,
        %get3A_154 = arith.index_cast %scan3A_75 : i32 to index
        %get3A_155 = arith.constant 48 : index
        %get3A_156 = tpu.vector_load %arg14[%get3A_154, %get3A_155] {strides = array<i32>} : memref<128x128xf32, #tpu.memory_space<vmem>>, vector<1x16xf32>,
        %get3A_157 = vector.shape_cast %get3A_156 : vector<1x16xf32> to vector<16xf32>
        %mul3A_158 = arith.mulf %get3A_157, %gather3A_100 : vector<16xf32>
        %swap3A_159 = arith.index_cast %scan3A_75 : i32 to index
        %swap3A_160 = arith.constant 48 : index
        %swap3A_161 = tpu.vector_load %arg14[%swap3A_159, %swap3A_160] {strides = array<i32>} : memref<128x128xf32, #tpu.memory_space<vmem>>, vector<1x16xf32>,
        %swap3A_162 = vector.shape_cast %swap3A_161 : vector<1x16xf32> to vector<16xf32>
        %swap3A_163 = vector.shape_cast %mul3A_158 : vector<16xf32> to vector<1x16xf32>
        tpu.vector_store %arg14[%swap3A_159, %swap3A_160], %swap3A_163 {strides = array<i32>} : memref<128x128xf32, #tpu.memory_space<vmem>>, vector<1x16xf32>,
        %get3A_164 = arith.index_cast %scan3A_75 : i32 to index
        %get3A_165 = arith.constant 64 : index
        %get3A_166 = tpu.vector_load %arg14[%get3A_164, %get3A_165] {strides = array<i32>} : memref<128x128xf32, #tpu.memory_space<vmem>>, vector<1x16xf32>,
        %get3A_167 = vector.shape_cast %get3A_166 : vector<1x16xf32> to vector<16xf32>
        %mul3A_168 = arith.mulf %get3A_167, %gather3A_112 : vector<16xf32>
        %swap3A_169 = arith.index_cast %scan3A_75 : i32 to index
        %swap3A_170 = arith.constant 64 : index
        %swap3A_171 = tpu.vector_load %arg14[%swap3A_169, %swap3A_170] {strides = array<i32>} : memref<128x128xf32, #tpu.memory_space<vmem>>, vector<1x16xf32>,
        %swap3A_172 = vector.shape_cast %swap3A_171 : vector<1x16xf32> to vector<16xf32>
        %swap3A_173 = vector.shape_cast %mul3A_168 : vector<16xf32> to vector<1x16xf32>
        tpu.vector_store %arg14[%swap3A_169, %swap3A_170], %swap3A_173 {strides = array<i32>} : memref<128x128xf32, #tpu.memory_space<vmem>>, vector<1x16xf32>,
        %get3A_174 = arith.index_cast %scan3A_75 : i32 to index
        %get3A_175 = arith.constant 80 : index
        %get3A_176 = tpu.vector_load %arg14[%get3A_174, %get3A_175] {strides = array<i32>} : memref<128x128xf32, #tpu.memory_space<vmem>>, vector<1x16xf32>,
        %get3A_177 = vector.shape_cast %get3A_176 : vector<1x16xf32> to vector<16xf32>
        %mul3A_178 = arith.mulf %get3A_177, %gather3A_112 : vector<16xf32>
        %swap3A_179 = arith.index_cast %scan3A_75 : i32 to index
        %swap3A_180 = arith.constant 80 : index
        %swap3A_181 = tpu.vector_load %arg14[%swap3A_179, %swap3A_180] {strides = array<i32>} : memref<128x128xf32, #tpu.memory_space<vmem>>, vector<1x16xf32>,
        %swap3A_182 = vector.shape_cast %swap3A_181 : vector<1x16xf32> to vector<16xf32>
        %swap3A_183 = vector.shape_cast %mul3A_178 : vector<16xf32> to vector<1x16xf32>
        tpu.vector_store %arg14[%swap3A_179, %swap3A_180], %swap3A_183 {strides = array<i32>} : memref<128x128xf32, #tpu.memory_space<vmem>>, vector<1x16xf32>,
        %get3A_184 = arith.index_cast %scan3A_75 : i32 to index
        %get3A_185 = arith.constant 96 : index
        %get3A_186 = tpu.vector_load %arg14[%get3A_184, %get3A_185] {strides = array<i32>} : memref<128x128xf32, #tpu.memory_space<vmem>>, vector<1x16xf32>,
        %get3A_187 = vector.shape_cast %get3A_186 : vector<1x16xf32> to vector<16xf32>
        %mul3A_188 = arith.mulf %get3A_187, %gather3A_124 : vector<16xf32>
        %swap3A_189 = arith.index_cast %scan3A_75 : i32 to index
        %swap3A_190 = arith.constant 96 : index
        %swap3A_191 = tpu.vector_load %arg14[%swap3A_189, %swap3A_190] {strides = array<i32>} : memref<128x128xf32, #tpu.memory_space<vmem>>, vector<1x16xf32>,
        %swap3A_192 = vector.shape_cast %swap3A_191 : vector<1x16xf32> to vector<16xf32>
        %swap3A_193 = vector.shape_cast %mul3A_188 : vector<16xf32> to vector<1x16xf32>
        tpu.vector_store %arg14[%swap3A_189, %swap3A_190], %swap3A_193 {strides = array<i32>} : memref<128x128xf32, #tpu.memory_space<vmem>>, vector<1x16xf32>,
        %get3A_194 = arith.index_cast %scan3A_75 : i32 to index
        %get3A_195 = arith.constant 112 : index
        %get3A_196 = tpu.vector_load %arg14[%get3A_194, %get3A_195] {strides = array<i32>} : memref<128x128xf32, #tpu.memory_space<vmem>>, vector<1x16xf32>,
        %get3A_197 = vector.shape_cast %get3A_196 : vector<1x16xf32> to vector<16xf32>
        %mul3A_198 = arith.mulf %get3A_197, %gather3A_124 : vector<16xf32>
        %swap3A_199 = arith.index_cast %scan3A_75 : i32 to index
        %swap3A_200 = arith.constant 112 : index
        %swap3A_201 = tpu.vector_load %arg14[%swap3A_199, %swap3A_200] {strides = array<i32>} : memref<128x128xf32, #tpu.memory_space<vmem>>, vector<1x16xf32>,
        %swap3A_202 = vector.shape_cast %swap3A_201 : vector<1x16xf32> to vector<16xf32>
        %swap3A_203 = vector.shape_cast %mul3A_198 : vector<16xf32> to vector<1x16xf32>
        tpu.vector_store %arg14[%swap3A_199, %swap3A_200], %swap3A_203 {strides = array<i32>} : memref<128x128xf32, #tpu.memory_space<vmem>>, vector<1x16xf32>,
      }
      %scan3A_35 = arith.constant 125 : i32
      %gt3A = arith.constant 0 : i32
      %gt3A_36 = arith.cmpi sgt, %add3A_26, %gt3A : i32
      %convert_element_type3A = arith.extui %gt3A_36 : i1 to i32
      %cond3A = arith.constant 0 : i32
      %cond3A_37 = arith.cmpi ne, %convert_element_type3A, %cond3A : i32
      scf.if %cond3A_37 {
        %dma_wait3A_75 = arith.constant 0 : i32
        %dma_wait3A_76 = arith.constant 0 : i32
        %dma_wait3A_77 = tpu.memref_slice %arg16[%dma_wait3A_75, %dma_wait3A_76] : memref<5120x128xf32, #tpu.memory_space<vmem_shared>> -> memref<5120x128xf32, #tpu.memory_space<vmem_shared>>
        tpu.wait_indirect_dma semaphore(%arg20 : memref<!tpu.dma_semaphore, #tpu.memory_space<semaphore_mem>>) src(%arg15 : memref<128x128xf32, #tpu.memory_space<vmem>>) dst(%dma_wait3A_77 : memref<5120x128xf32, #tpu.memory_space<vmem_shared>>)
      } else {
      }
      %add3A_38 = arith.constant 1 : i32
      %add3A_39 = arith.addi %add3A_26, %add3A_38 : i32
      %lt3A = arith.constant 80 : i32
      %lt3A_40 = arith.cmpi slt, %add3A_39, %lt3A : i32
      %convert_element_type3A_41 = arith.extui %lt3A_40 : i1 to i32
      %cond3A_42 = arith.constant 0 : i32
      %cond3A_43 = arith.cmpi ne, %convert_element_type3A_41, %cond3A_42 : i32
      scf.if %cond3A_43 {
        %add3A_75 = arith.constant 1 : i32
        %add3A_76 = arith.addi %add3A_26, %add3A_75 : i32
        %mul3A_77 = arith.constant 80 : i32
        %mul3A_78 = arith.muli %arg1, %mul3A_77 : i32
        %add3A_79 = arith.addi %mul3A_78, %add3A_76 : i32
        "tpu.region"() ({
          %run_scoped3A = tpu.sem_alloc : memref<!tpu.dma_semaphore, #tpu.memory_space<semaphore_mem>>
          %dma_start3A_85 = arith.constant 0 : i32
          %dma_start3A_86 = tpu.memref_slice %arg4[%add3A_79, %dma_start3A_85] : memref<1280x128xi32, #tpu.memory_space<hbm>> -> memref<1x128xi32, #tpu.memory_space<hbm>>
          %dma_start3A_87 = tpu.memref_squeeze %dma_start3A_86 : memref<1x128xi32, #tpu.memory_space<hbm>> -> memref<128xi32, #tpu.memory_space<hbm>>
          %dma_start3A_88 = arith.constant 0 : i32
          %dma_start3A_89 = tpu.memref_slice %arg4[%add3A_79, %dma_start3A_88] : memref<1280x128xi32, #tpu.memory_space<hbm>> -> memref<1x128xi32, #tpu.memory_space<hbm>>
          %dma_start3A_90 = tpu.memref_squeeze %dma_start3A_89 : memref<1x128xi32, #tpu.memory_space<hbm>> -> memref<128xi32, #tpu.memory_space<hbm>>
          tpu.enqueue_dma source(%dma_start3A_90 : memref<128xi32, #tpu.memory_space<hbm>>) target(%arg9 : memref<128xi32, #tpu.memory_space<vmem>>) target_semaphore(%run_scoped3A : memref<!tpu.dma_semaphore, #tpu.memory_space<semaphore_mem>>)
          %dma_wait3A_91 = arith.constant 0 : i32
          %dma_wait3A_92 = tpu.memref_slice %arg4[%add3A_79, %dma_wait3A_91] : memref<1280x128xi32, #tpu.memory_space<hbm>> -> memref<1x128xi32, #tpu.memory_space<hbm>>
          %dma_wait3A_93 = tpu.memref_squeeze %dma_wait3A_92 : memref<1x128xi32, #tpu.memory_space<hbm>> -> memref<128xi32, #tpu.memory_space<hbm>>
          %dma_wait3A_94 = arith.constant 0 : i32
          %dma_wait3A_95 = tpu.memref_slice %arg4[%add3A_79, %dma_wait3A_94] : memref<1280x128xi32, #tpu.memory_space<hbm>> -> memref<1x128xi32, #tpu.memory_space<hbm>>
          %dma_wait3A_96 = tpu.memref_squeeze %dma_wait3A_95 : memref<1x128xi32, #tpu.memory_space<hbm>> -> memref<128xi32, #tpu.memory_space<hbm>>
          tpu.wait_dma2 semaphore(%run_scoped3A : memref<!tpu.dma_semaphore, #tpu.memory_space<semaphore_mem>>) src(%dma_wait3A_96 : memref<128xi32, #tpu.memory_space<hbm>>) dst(%arg9 : memref<128xi32, #tpu.memory_space<vmem>>)
          tpu.yield
        }) : () -> ()
        "tpu.region"() ({
          %run_scoped3A = tpu.sem_alloc : memref<!tpu.dma_semaphore, #tpu.memory_space<semaphore_mem>>
          %dma_start3A_85 = arith.constant 0 : i32
          %dma_start3A_86 = tpu.memref_slice %arg5[%arg0, %add3A_79, %dma_start3A_85] : memref<2x1280x128xi32, #tpu.memory_space<hbm>> -> memref<1x1x128xi32, #tpu.memory_space<hbm>>
          %dma_start3A_87 = tpu.memref_squeeze %dma_start3A_86 : memref<1x1x128xi32, #tpu.memory_space<hbm>> -> memref<128xi32, #tpu.memory_space<hbm>>
          %dma_start3A_88 = arith.constant 0 : i32
          %dma_start3A_89 = tpu.memref_slice %arg5[%arg0, %add3A_79, %dma_start3A_88] : memref<2x1280x128xi32, #tpu.memory_space<hbm>> -> memref<1x1x128xi32, #tpu.memory_space<hbm>>
          %dma_start3A_90 = tpu.memref_squeeze %dma_start3A_89 : memref<1x1x128xi32, #tpu.memory_space<hbm>> -> memref<128xi32, #tpu.memory_space<hbm>>
          tpu.enqueue_dma source(%dma_start3A_90 : memref<128xi32, #tpu.memory_space<hbm>>) target(%arg11 : memref<128xi32, #tpu.memory_space<vmem>>) target_semaphore(%run_scoped3A : memref<!tpu.dma_semaphore, #tpu.memory_space<semaphore_mem>>)
          %dma_wait3A_91 = arith.constant 0 : i32
          %dma_wait3A_92 = tpu.memref_slice %arg5[%arg0, %add3A_79, %dma_wait3A_91] : memref<2x1280x128xi32, #tpu.memory_space<hbm>> -> memref<1x1x128xi32, #tpu.memory_space<hbm>>
          %dma_wait3A_93 = tpu.memref_squeeze %dma_wait3A_92 : memref<1x1x128xi32, #tpu.memory_space<hbm>> -> memref<128xi32, #tpu.memory_space<hbm>>
          %dma_wait3A_94 = arith.constant 0 : i32
          %dma_wait3A_95 = tpu.memref_slice %arg5[%arg0, %add3A_79, %dma_wait3A_94] : memref<2x1280x128xi32, #tpu.memory_space<hbm>> -> memref<1x1x128xi32, #tpu.memory_space<hbm>>
          %dma_wait3A_96 = tpu.memref_squeeze %dma_wait3A_95 : memref<1x1x128xi32, #tpu.memory_space<hbm>> -> memref<128xi32, #tpu.memory_space<hbm>>
          tpu.wait_dma2 semaphore(%run_scoped3A : memref<!tpu.dma_semaphore, #tpu.memory_space<semaphore_mem>>) src(%dma_wait3A_96 : memref<128xi32, #tpu.memory_space<hbm>>) dst(%arg11 : memref<128xi32, #tpu.memory_space<vmem>>)
          tpu.yield
        }) : () -> ()
        %mul3A_80 = arith.constant 2000 : i32
        %mul3A_81 = arith.muli %add3A_79, %mul3A_80 : i32
        "tpu.region"() ({
          %run_scoped3A = tpu.sem_alloc : memref<!tpu.dma_semaphore, #tpu.memory_space<semaphore_mem>>
          %dma_start3A_85 = tpu.memref_slice %arg3[%mul3A_81] : memref<2560000xf32, #tpu.memory_space<hbm>> -> memref<2000xf32, #tpu.memory_space<hbm>>
          %dma_start3A_86 = tpu.memref_slice %arg3[%mul3A_81] : memref<2560000xf32, #tpu.memory_space<hbm>> -> memref<2000xf32, #tpu.memory_space<hbm>>
          tpu.enqueue_dma source(%dma_start3A_86 : memref<2000xf32, #tpu.memory_space<hbm>>) target(%arg13 : memref<2000xf32, #tpu.memory_space<vmem>>) target_semaphore(%run_scoped3A : memref<!tpu.dma_semaphore, #tpu.memory_space<semaphore_mem>>)
          %dma_wait3A_87 = tpu.memref_slice %arg3[%mul3A_81] : memref<2560000xf32, #tpu.memory_space<hbm>> -> memref<2000xf32, #tpu.memory_space<hbm>>
          %dma_wait3A_88 = tpu.memref_slice %arg3[%mul3A_81] : memref<2560000xf32, #tpu.memory_space<hbm>> -> memref<2000xf32, #tpu.memory_space<hbm>>
          tpu.wait_dma2 semaphore(%run_scoped3A : memref<!tpu.dma_semaphore, #tpu.memory_space<semaphore_mem>>) src(%dma_wait3A_88 : memref<2000xf32, #tpu.memory_space<hbm>>) dst(%arg13 : memref<2000xf32, #tpu.memory_space<vmem>>)
          tpu.yield
        }) : () -> ()
        %dma_start3A_82 = arith.constant 0 : i32
        %dma_start3A_83 = arith.constant 0 : i32
        %dma_start3A_84 = tpu.memref_slice %arg2[%dma_start3A_82, %dma_start3A_83] : memref<10112x128xf32, #tpu.memory_space<hbm>> -> memref<10112x128xf32, #tpu.memory_space<hbm>>
        tpu.enqueue_indirect_dma source(%dma_start3A_84 : memref<10112x128xf32, #tpu.memory_space<hbm>>) target(%arg15 : memref<128x128xf32, #tpu.memory_space<vmem>>) offsets(%arg9 : memref<128xi32, #tpu.memory_space<vmem>>) semaphore(%arg18 : memref<!tpu.dma_semaphore, #tpu.memory_space<semaphore_mem>>)
      } else {
      }
      %dma_start3A_44 = arith.constant 0 : i32
      %dma_start3A_45 = arith.constant 0 : i32
      %dma_start3A_46 = tpu.memref_slice %arg16[%dma_start3A_44, %dma_start3A_45] : memref<5120x128xf32, #tpu.memory_space<vmem_shared>> -> memref<5120x128xf32, #tpu.memory_space<vmem_shared>>
      tpu.enqueue_indirect_dma source(%arg14 : memref<128x128xf32, #tpu.memory_space<vmem>>) target(%dma_start3A_46 : memref<5120x128xf32, #tpu.memory_space<vmem_shared>>) offsets(%arg10 : memref<128xi32, #tpu.memory_space<vmem>>) semaphore(%arg19 : memref<!tpu.dma_semaphore, #tpu.memory_space<semaphore_mem>>) {add = true}
      %mul3A_47 = arith.constant 2 : i32
      %mul3A_48 = arith.muli %scan3A_22, %mul3A_47 : i32
      %add3A_49 = arith.constant 1 : i32
      %add3A_50 = arith.addi %mul3A_48, %add3A_49 : i32
      %dma_wait3A_51 = arith.constant 0 : i32
      %dma_wait3A_52 = arith.constant 0 : i32
      %dma_wait3A_53 = tpu.memref_slice %arg2[%dma_wait3A_51, %dma_wait3A_52] : memref<10112x128xf32, #tpu.memory_space<hbm>> -> memref<10112x128xf32, #tpu.memory_space<hbm>>
      tpu.wait_indirect_dma semaphore(%arg18 : memref<!tpu.dma_semaphore, #tpu.memory_space<semaphore_mem>>) src(%dma_wait3A_53 : memref<10112x128xf32, #tpu.memory_space<hbm>>) dst(%arg15 : memref<128x128xf32, #tpu.memory_space<vmem>>)
      %scan3A_54 = arith.constant 0 : i32
      %scan3A_55 = arith.constant 0 : i32
      %scan3A_56 = arith.constant 125 : i32
      %scan3A_57 = arith.addi %scan3A_55, %scan3A_56 : i32
      %scan3A_58 = arith.constant 1 : i32
      scf.for %scan3A_75 = %scan3A_55 to %scan3A_57 step %scan3A_58  : i32 {
        %mul3A_76 = arith.constant 16 : i32
        %mul3A_77 = arith.muli %scan3A_75, %mul3A_76 : i32
        %get3A = arith.index_cast %mul3A_77 : i32 to index
        %get3A_78 = tpu.vector_load %arg13[%get3A] {strides = array<i32>} : memref<2000xf32, #tpu.memory_space<vmem>>, vector<16xf32>,
        %get3A_79 = vector.shape_cast %get3A_78 : vector<16xf32> to vector<16xf32>
        %broadcast_in_dim3A = arith.constant 0 : i32
        %broadcast_in_dim3A_80 = vector.broadcast %broadcast_in_dim3A : i32 to vector<16xi32>
        %lt3A_81 = arith.constant 0 : i32
        %lt3A_82 = vector.broadcast %lt3A_81 : i32 to vector<16xi32>
        %lt3A_83 = arith.cmpi slt, %broadcast_in_dim3A_80, %lt3A_82 : vector<16xi32>
        %add3A_84 = arith.constant 16 : i32
        %add3A_85 = vector.broadcast %add3A_84 : i32 to vector<16xi32>
        %add3A_86 = arith.addi %broadcast_in_dim3A_80, %add3A_85 : vector<16xi32>
        %select_n3A = arith.select %lt3A_83, %add3A_86, %broadcast_in_dim3A_80 : vector<16xi1>, vector<16xi32>
        %broadcast_in_dim3A_87 = vector.shape_cast %select_n3A : vector<16xi32> to vector<16x1xi32>
        %gather3A = vector.shape_cast %broadcast_in_dim3A_87 : vector<16x1xi32> to vector<16xi32>
        %gather3A_88 = tpu.dynamic_gather %get3A_79[%gather3A] in [0] : vector<16xf32>, vector<16xi32> -> vector<16xf32>
        %broadcast_in_dim3A_89 = arith.constant 1 : i32
        %broadcast_in_dim3A_90 = vector.broadcast %broadcast_in_dim3A_89 : i32 to vector<16xi32>
        %lt3A_91 = arith.constant 0 : i32
        %lt3A_92 = vector.broadcast %lt3A_91 : i32 to vector<16xi32>
        %lt3A_93 = arith.cmpi slt, %broadcast_in_dim3A_90, %lt3A_92 : vector<16xi32>
        %add3A_94 = arith.constant 16 : i32
        %add3A_95 = vector.broadcast %add3A_94 : i32 to vector<16xi32>
        %add3A_96 = arith.addi %broadcast_in_dim3A_90, %add3A_95 : vector<16xi32>
        %select_n3A_97 = arith.select %lt3A_93, %add3A_96, %broadcast_in_dim3A_90 : vector<16xi1>, vector<16xi32>
        %broadcast_in_dim3A_98 = vector.shape_cast %select_n3A_97 : vector<16xi32> to vector<16x1xi32>
        %gather3A_99 = vector.shape_cast %broadcast_in_dim3A_98 : vector<16x1xi32> to vector<16xi32>
        %gather3A_100 = tpu.dynamic_gather %get3A_79[%gather3A_99] in [0] : vector<16xf32>, vector<16xi32> -> vector<16xf32>
        %broadcast_in_dim3A_101 = arith.constant 2 : i32
        %broadcast_in_dim3A_102 = vector.broadcast %broadcast_in_dim3A_101 : i32 to vector<16xi32>
        %lt3A_103 = arith.constant 0 : i32
        %lt3A_104 = vector.broadcast %lt3A_103 : i32 to vector<16xi32>
        %lt3A_105 = arith.cmpi slt, %broadcast_in_dim3A_102, %lt3A_104 : vector<16xi32>
        %add3A_106 = arith.constant 16 : i32
        %add3A_107 = vector.broadcast %add3A_106 : i32 to vector<16xi32>
        %add3A_108 = arith.addi %broadcast_in_dim3A_102, %add3A_107 : vector<16xi32>
        %select_n3A_109 = arith.select %lt3A_105, %add3A_108, %broadcast_in_dim3A_102 : vector<16xi1>, vector<16xi32>
        %broadcast_in_dim3A_110 = vector.shape_cast %select_n3A_109 : vector<16xi32> to vector<16x1xi32>
        %gather3A_111 = vector.shape_cast %broadcast_in_dim3A_110 : vector<16x1xi32> to vector<16xi32>
        %gather3A_112 = tpu.dynamic_gather %get3A_79[%gather3A_111] in [0] : vector<16xf32>, vector<16xi32> -> vector<16xf32>
        %broadcast_in_dim3A_113 = arith.constant 3 : i32
        %broadcast_in_dim3A_114 = vector.broadcast %broadcast_in_dim3A_113 : i32 to vector<16xi32>
        %lt3A_115 = arith.constant 0 : i32
        %lt3A_116 = vector.broadcast %lt3A_115 : i32 to vector<16xi32>
        %lt3A_117 = arith.cmpi slt, %broadcast_in_dim3A_114, %lt3A_116 : vector<16xi32>
        %add3A_118 = arith.constant 16 : i32
        %add3A_119 = vector.broadcast %add3A_118 : i32 to vector<16xi32>
        %add3A_120 = arith.addi %broadcast_in_dim3A_114, %add3A_119 : vector<16xi32>
        %select_n3A_121 = arith.select %lt3A_117, %add3A_120, %broadcast_in_dim3A_114 : vector<16xi1>, vector<16xi32>
        %broadcast_in_dim3A_122 = vector.shape_cast %select_n3A_121 : vector<16xi32> to vector<16x1xi32>
        %gather3A_123 = vector.shape_cast %broadcast_in_dim3A_122 : vector<16x1xi32> to vector<16xi32>
        %gather3A_124 = tpu.dynamic_gather %get3A_79[%gather3A_123] in [0] : vector<16xf32>, vector<16xi32> -> vector<16xf32>
        %get3A_125 = arith.index_cast %scan3A_75 : i32 to index
        %get3A_126 = arith.constant 0 : index
        %get3A_127 = tpu.vector_load %arg15[%get3A_125, %get3A_126] {strides = array<i32>} : memref<128x128xf32, #tpu.memory_space<vmem>>, vector<1x16xf32>,
        %get3A_128 = vector.shape_cast %get3A_127 : vector<1x16xf32> to vector<16xf32>
        %mul3A_129 = arith.mulf %get3A_128, %gather3A_88 : vector<16xf32>
        %swap3A = arith.index_cast %scan3A_75 : i32 to index
        %swap3A_130 = arith.constant 0 : index
        %swap3A_131 = tpu.vector_load %arg15[%swap3A, %swap3A_130] {strides = array<i32>} : memref<128x128xf32, #tpu.memory_space<vmem>>, vector<1x16xf32>,
        %swap3A_132 = vector.shape_cast %swap3A_131 : vector<1x16xf32> to vector<16xf32>
        %swap3A_133 = vector.shape_cast %mul3A_129 : vector<16xf32> to vector<1x16xf32>
        tpu.vector_store %arg15[%swap3A, %swap3A_130], %swap3A_133 {strides = array<i32>} : memref<128x128xf32, #tpu.memory_space<vmem>>, vector<1x16xf32>,
        %get3A_134 = arith.index_cast %scan3A_75 : i32 to index
        %get3A_135 = arith.constant 16 : index
        %get3A_136 = tpu.vector_load %arg15[%get3A_134, %get3A_135] {strides = array<i32>} : memref<128x128xf32, #tpu.memory_space<vmem>>, vector<1x16xf32>,
        %get3A_137 = vector.shape_cast %get3A_136 : vector<1x16xf32> to vector<16xf32>
        %mul3A_138 = arith.mulf %get3A_137, %gather3A_88 : vector<16xf32>
        %swap3A_139 = arith.index_cast %scan3A_75 : i32 to index
        %swap3A_140 = arith.constant 16 : index
        %swap3A_141 = tpu.vector_load %arg15[%swap3A_139, %swap3A_140] {strides = array<i32>} : memref<128x128xf32, #tpu.memory_space<vmem>>, vector<1x16xf32>,
        %swap3A_142 = vector.shape_cast %swap3A_141 : vector<1x16xf32> to vector<16xf32>
        %swap3A_143 = vector.shape_cast %mul3A_138 : vector<16xf32> to vector<1x16xf32>
        tpu.vector_store %arg15[%swap3A_139, %swap3A_140], %swap3A_143 {strides = array<i32>} : memref<128x128xf32, #tpu.memory_space<vmem>>, vector<1x16xf32>,
        %get3A_144 = arith.index_cast %scan3A_75 : i32 to index
        %get3A_145 = arith.constant 32 : index
        %get3A_146 = tpu.vector_load %arg15[%get3A_144, %get3A_145] {strides = array<i32>} : memref<128x128xf32, #tpu.memory_space<vmem>>, vector<1x16xf32>,
        %get3A_147 = vector.shape_cast %get3A_146 : vector<1x16xf32> to vector<16xf32>
        %mul3A_148 = arith.mulf %get3A_147, %gather3A_100 : vector<16xf32>
        %swap3A_149 = arith.index_cast %scan3A_75 : i32 to index
        %swap3A_150 = arith.constant 32 : index
        %swap3A_151 = tpu.vector_load %arg15[%swap3A_149, %swap3A_150] {strides = array<i32>} : memref<128x128xf32, #tpu.memory_space<vmem>>, vector<1x16xf32>,
        %swap3A_152 = vector.shape_cast %swap3A_151 : vector<1x16xf32> to vector<16xf32>
        %swap3A_153 = vector.shape_cast %mul3A_148 : vector<16xf32> to vector<1x16xf32>
        tpu.vector_store %arg15[%swap3A_149, %swap3A_150], %swap3A_153 {strides = array<i32>} : memref<128x128xf32, #tpu.memory_space<vmem>>, vector<1x16xf32>,
        %get3A_154 = arith.index_cast %scan3A_75 : i32 to index
        %get3A_155 = arith.constant 48 : index
        %get3A_156 = tpu.vector_load %arg15[%get3A_154, %get3A_155] {strides = array<i32>} : memref<128x128xf32, #tpu.memory_space<vmem>>, vector<1x16xf32>,
        %get3A_157 = vector.shape_cast %get3A_156 : vector<1x16xf32> to vector<16xf32>
        %mul3A_158 = arith.mulf %get3A_157, %gather3A_100 : vector<16xf32>
        %swap3A_159 = arith.index_cast %scan3A_75 : i32 to index
        %swap3A_160 = arith.constant 48 : index
        %swap3A_161 = tpu.vector_load %arg15[%swap3A_159, %swap3A_160] {strides = array<i32>} : memref<128x128xf32, #tpu.memory_space<vmem>>, vector<1x16xf32>,
        %swap3A_162 = vector.shape_cast %swap3A_161 : vector<1x16xf32> to vector<16xf32>
        %swap3A_163 = vector.shape_cast %mul3A_158 : vector<16xf32> to vector<1x16xf32>
        tpu.vector_store %arg15[%swap3A_159, %swap3A_160], %swap3A_163 {strides = array<i32>} : memref<128x128xf32, #tpu.memory_space<vmem>>, vector<1x16xf32>,
        %get3A_164 = arith.index_cast %scan3A_75 : i32 to index
        %get3A_165 = arith.constant 64 : index
        %get3A_166 = tpu.vector_load %arg15[%get3A_164, %get3A_165] {strides = array<i32>} : memref<128x128xf32, #tpu.memory_space<vmem>>, vector<1x16xf32>,
        %get3A_167 = vector.shape_cast %get3A_166 : vector<1x16xf32> to vector<16xf32>
        %mul3A_168 = arith.mulf %get3A_167, %gather3A_112 : vector<16xf32>
        %swap3A_169 = arith.index_cast %scan3A_75 : i32 to index
        %swap3A_170 = arith.constant 64 : index
        %swap3A_171 = tpu.vector_load %arg15[%swap3A_169, %swap3A_170] {strides = array<i32>} : memref<128x128xf32, #tpu.memory_space<vmem>>, vector<1x16xf32>,
        %swap3A_172 = vector.shape_cast %swap3A_171 : vector<1x16xf32> to vector<16xf32>
        %swap3A_173 = vector.shape_cast %mul3A_168 : vector<16xf32> to vector<1x16xf32>
        tpu.vector_store %arg15[%swap3A_169, %swap3A_170], %swap3A_173 {strides = array<i32>} : memref<128x128xf32, #tpu.memory_space<vmem>>, vector<1x16xf32>,
        %get3A_174 = arith.index_cast %scan3A_75 : i32 to index
        %get3A_175 = arith.constant 80 : index
        %get3A_176 = tpu.vector_load %arg15[%get3A_174, %get3A_175] {strides = array<i32>} : memref<128x128xf32, #tpu.memory_space<vmem>>, vector<1x16xf32>,
        %get3A_177 = vector.shape_cast %get3A_176 : vector<1x16xf32> to vector<16xf32>
        %mul3A_178 = arith.mulf %get3A_177, %gather3A_112 : vector<16xf32>
        %swap3A_179 = arith.index_cast %scan3A_75 : i32 to index
        %swap3A_180 = arith.constant 80 : index
        %swap3A_181 = tpu.vector_load %arg15[%swap3A_179, %swap3A_180] {strides = array<i32>} : memref<128x128xf32, #tpu.memory_space<vmem>>, vector<1x16xf32>,
        %swap3A_182 = vector.shape_cast %swap3A_181 : vector<1x16xf32> to vector<16xf32>
        %swap3A_183 = vector.shape_cast %mul3A_178 : vector<16xf32> to vector<1x16xf32>
        tpu.vector_store %arg15[%swap3A_179, %swap3A_180], %swap3A_183 {strides = array<i32>} : memref<128x128xf32, #tpu.memory_space<vmem>>, vector<1x16xf32>,
        %get3A_184 = arith.index_cast %scan3A_75 : i32 to index
        %get3A_185 = arith.constant 96 : index
        %get3A_186 = tpu.vector_load %arg15[%get3A_184, %get3A_185] {strides = array<i32>} : memref<128x128xf32, #tpu.memory_space<vmem>>, vector<1x16xf32>,
        %get3A_187 = vector.shape_cast %get3A_186 : vector<1x16xf32> to vector<16xf32>
        %mul3A_188 = arith.mulf %get3A_187, %gather3A_124 : vector<16xf32>
        %swap3A_189 = arith.index_cast %scan3A_75 : i32 to index
        %swap3A_190 = arith.constant 96 : index
        %swap3A_191 = tpu.vector_load %arg15[%swap3A_189, %swap3A_190] {strides = array<i32>} : memref<128x128xf32, #tpu.memory_space<vmem>>, vector<1x16xf32>,
        %swap3A_192 = vector.shape_cast %swap3A_191 : vector<1x16xf32> to vector<16xf32>
        %swap3A_193 = vector.shape_cast %mul3A_188 : vector<16xf32> to vector<1x16xf32>
        tpu.vector_store %arg15[%swap3A_189, %swap3A_190], %swap3A_193 {strides = array<i32>} : memref<128x128xf32, #tpu.memory_space<vmem>>, vector<1x16xf32>,
        %get3A_194 = arith.index_cast %scan3A_75 : i32 to index
        %get3A_195 = arith.constant 112 : index
        %get3A_196 = tpu.vector_load %arg15[%get3A_194, %get3A_195] {strides = array<i32>} : memref<128x128xf32, #tpu.memory_space<vmem>>, vector<1x16xf32>,
        %get3A_197 = vector.shape_cast %get3A_196 : vector<1x16xf32> to vector<16xf32>
        %mul3A_198 = arith.mulf %get3A_197, %gather3A_124 : vector<16xf32>
        %swap3A_199 = arith.index_cast %scan3A_75 : i32 to index
        %swap3A_200 = arith.constant 112 : index
        %swap3A_201 = tpu.vector_load %arg15[%swap3A_199, %swap3A_200] {strides = array<i32>} : memref<128x128xf32, #tpu.memory_space<vmem>>, vector<1x16xf32>,
        %swap3A_202 = vector.shape_cast %swap3A_201 : vector<1x16xf32> to vector<16xf32>
        %swap3A_203 = vector.shape_cast %mul3A_198 : vector<16xf32> to vector<1x16xf32>
        tpu.vector_store %arg15[%swap3A_199, %swap3A_200], %swap3A_203 {strides = array<i32>} : memref<128x128xf32, #tpu.memory_space<vmem>>, vector<1x16xf32>,
      }
      %scan3A_59 = arith.constant 125 : i32
      %gt3A_60 = arith.constant 0 : i32
      %gt3A_61 = arith.cmpi sgt, %add3A_50, %gt3A_60 : i32
      %convert_element_type3A_62 = arith.extui %gt3A_61 : i1 to i32
      %cond3A_63 = arith.constant 0 : i32
      %cond3A_64 = arith.cmpi ne, %convert_element_type3A_62, %cond3A_63 : i32
      scf.if %cond3A_64 {
        %dma_wait3A_75 = arith.constant 0 : i32
        %dma_wait3A_76 = arith.constant 0 : i32
        %dma_wait3A_77 = tpu.memref_slice %arg16[%dma_wait3A_75, %dma_wait3A_76] : memref<5120x128xf32, #tpu.memory_space<vmem_shared>> -> memref<5120x128xf32, #tpu.memory_space<vmem_shared>>
        tpu.wait_indirect_dma semaphore(%arg19 : memref<!tpu.dma_semaphore, #tpu.memory_space<semaphore_mem>>) src(%arg14 : memref<128x128xf32, #tpu.memory_space<vmem>>) dst(%dma_wait3A_77 : memref<5120x128xf32, #tpu.memory_space<vmem_shared>>)
      } else {
      }
      %add3A_65 = arith.constant 1 : i32
      %add3A_66 = arith.addi %add3A_50, %add3A_65 : i32
      %lt3A_67 = arith.constant 80 : i32
      %lt3A_68 = arith.cmpi slt, %add3A_66, %lt3A_67 : i32
      %convert_element_type3A_69 = arith.extui %lt3A_68 : i1 to i32
      %cond3A_70 = arith.constant 0 : i32
      %cond3A_71 = arith.cmpi ne, %convert_element_type3A_69, %cond3A_70 : i32
      scf.if %cond3A_71 {
        %add3A_75 = arith.constant 1 : i32
        %add3A_76 = arith.addi %add3A_50, %add3A_75 : i32
        %mul3A_77 = arith.constant 80 : i32
        %mul3A_78 = arith.muli %arg1, %mul3A_77 : i32
        %add3A_79 = arith.addi %mul3A_78, %add3A_76 : i32
        "tpu.region"() ({
          %run_scoped3A = tpu.sem_alloc : memref<!tpu.dma_semaphore, #tpu.memory_space<semaphore_mem>>
          %dma_start3A_85 = arith.constant 0 : i32
          %dma_start3A_86 = tpu.memref_slice %arg4[%add3A_79, %dma_start3A_85] : memref<1280x128xi32, #tpu.memory_space<hbm>> -> memref<1x128xi32, #tpu.memory_space<hbm>>
          %dma_start3A_87 = tpu.memref_squeeze %dma_start3A_86 : memref<1x128xi32, #tpu.memory_space<hbm>> -> memref<128xi32, #tpu.memory_space<hbm>>
          %dma_start3A_88 = arith.constant 0 : i32
          %dma_start3A_89 = tpu.memref_slice %arg4[%add3A_79, %dma_start3A_88] : memref<1280x128xi32, #tpu.memory_space<hbm>> -> memref<1x128xi32, #tpu.memory_space<hbm>>
          %dma_start3A_90 = tpu.memref_squeeze %dma_start3A_89 : memref<1x128xi32, #tpu.memory_space<hbm>> -> memref<128xi32, #tpu.memory_space<hbm>>
          tpu.enqueue_dma source(%dma_start3A_90 : memref<128xi32, #tpu.memory_space<hbm>>) target(%arg8 : memref<128xi32, #tpu.memory_space<vmem>>) target_semaphore(%run_scoped3A : memref<!tpu.dma_semaphore, #tpu.memory_space<semaphore_mem>>)
          %dma_wait3A_91 = arith.constant 0 : i32
          %dma_wait3A_92 = tpu.memref_slice %arg4[%add3A_79, %dma_wait3A_91] : memref<1280x128xi32, #tpu.memory_space<hbm>> -> memref<1x128xi32, #tpu.memory_space<hbm>>
          %dma_wait3A_93 = tpu.memref_squeeze %dma_wait3A_92 : memref<1x128xi32, #tpu.memory_space<hbm>> -> memref<128xi32, #tpu.memory_space<hbm>>
          %dma_wait3A_94 = arith.constant 0 : i32
          %dma_wait3A_95 = tpu.memref_slice %arg4[%add3A_79, %dma_wait3A_94] : memref<1280x128xi32, #tpu.memory_space<hbm>> -> memref<1x128xi32, #tpu.memory_space<hbm>>
          %dma_wait3A_96 = tpu.memref_squeeze %dma_wait3A_95 : memref<1x128xi32, #tpu.memory_space<hbm>> -> memref<128xi32, #tpu.memory_space<hbm>>
          tpu.wait_dma2 semaphore(%run_scoped3A : memref<!tpu.dma_semaphore, #tpu.memory_space<semaphore_mem>>) src(%dma_wait3A_96 : memref<128xi32, #tpu.memory_space<hbm>>) dst(%arg8 : memref<128xi32, #tpu.memory_space<vmem>>)
          tpu.yield
        }) : () -> ()
        "tpu.region"() ({
          %run_scoped3A = tpu.sem_alloc : memref<!tpu.dma_semaphore, #tpu.memory_space<semaphore_mem>>
          %dma_start3A_85 = arith.constant 0 : i32
          %dma_start3A_86 = tpu.memref_slice %arg5[%arg0, %add3A_79, %dma_start3A_85] : memref<2x1280x128xi32, #tpu.memory_space<hbm>> -> memref<1x1x128xi32, #tpu.memory_space<hbm>>
          %dma_start3A_87 = tpu.memref_squeeze %dma_start3A_86 : memref<1x1x128xi32, #tpu.memory_space<hbm>> -> memref<128xi32, #tpu.memory_space<hbm>>
          %dma_start3A_88 = arith.constant 0 : i32
          %dma_start3A_89 = tpu.memref_slice %arg5[%arg0, %add3A_79, %dma_start3A_88] : memref<2x1280x128xi32, #tpu.memory_space<hbm>> -> memref<1x1x128xi32, #tpu.memory_space<hbm>>
          %dma_start3A_90 = tpu.memref_squeeze %dma_start3A_89 : memref<1x1x128xi32, #tpu.memory_space<hbm>> -> memref<128xi32, #tpu.memory_space<hbm>>
          tpu.enqueue_dma source(%dma_start3A_90 : memref<128xi32, #tpu.memory_space<hbm>>) target(%arg10 : memref<128xi32, #tpu.memory_space<vmem>>) target_semaphore(%run_scoped3A : memref<!tpu.dma_semaphore, #tpu.memory_space<semaphore_mem>>)
          %dma_wait3A_91 = arith.constant 0 : i32
          %dma_wait3A_92 = tpu.memref_slice %arg5[%arg0, %add3A_79, %dma_wait3A_91] : memref<2x1280x128xi32, #tpu.memory_space<hbm>> -> memref<1x1x128xi32, #tpu.memory_space<hbm>>
          %dma_wait3A_93 = tpu.memref_squeeze %dma_wait3A_92 : memref<1x1x128xi32, #tpu.memory_space<hbm>> -> memref<128xi32, #tpu.memory_space<hbm>>
          %dma_wait3A_94 = arith.constant 0 : i32
          %dma_wait3A_95 = tpu.memref_slice %arg5[%arg0, %add3A_79, %dma_wait3A_94] : memref<2x1280x128xi32, #tpu.memory_space<hbm>> -> memref<1x1x128xi32, #tpu.memory_space<hbm>>
          %dma_wait3A_96 = tpu.memref_squeeze %dma_wait3A_95 : memref<1x1x128xi32, #tpu.memory_space<hbm>> -> memref<128xi32, #tpu.memory_space<hbm>>
          tpu.wait_dma2 semaphore(%run_scoped3A : memref<!tpu.dma_semaphore, #tpu.memory_space<semaphore_mem>>) src(%dma_wait3A_96 : memref<128xi32, #tpu.memory_space<hbm>>) dst(%arg10 : memref<128xi32, #tpu.memory_space<vmem>>)
          tpu.yield
        }) : () -> ()
        %mul3A_80 = arith.constant 2000 : i32
        %mul3A_81 = arith.muli %add3A_79, %mul3A_80 : i32
        "tpu.region"() ({
          %run_scoped3A = tpu.sem_alloc : memref<!tpu.dma_semaphore, #tpu.memory_space<semaphore_mem>>
          %dma_start3A_85 = tpu.memref_slice %arg3[%mul3A_81] : memref<2560000xf32, #tpu.memory_space<hbm>> -> memref<2000xf32, #tpu.memory_space<hbm>>
          %dma_start3A_86 = tpu.memref_slice %arg3[%mul3A_81] : memref<2560000xf32, #tpu.memory_space<hbm>> -> memref<2000xf32, #tpu.memory_space<hbm>>
          tpu.enqueue_dma source(%dma_start3A_86 : memref<2000xf32, #tpu.memory_space<hbm>>) target(%arg12 : memref<2000xf32, #tpu.memory_space<vmem>>) target_semaphore(%run_scoped3A : memref<!tpu.dma_semaphore, #tpu.memory_space<semaphore_mem>>)
          %dma_wait3A_87 = tpu.memref_slice %arg3[%mul3A_81] : memref<2560000xf32, #tpu.memory_space<hbm>> -> memref<2000xf32, #tpu.memory_space<hbm>>
          %dma_wait3A_88 = tpu.memref_slice %arg3[%mul3A_81] : memref<2560000xf32, #tpu.memory_space<hbm>> -> memref<2000xf32, #tpu.memory_space<hbm>>
          tpu.wait_dma2 semaphore(%run_scoped3A : memref<!tpu.dma_semaphore, #tpu.memory_space<semaphore_mem>>) src(%dma_wait3A_88 : memref<2000xf32, #tpu.memory_space<hbm>>) dst(%arg12 : memref<2000xf32, #tpu.memory_space<vmem>>)
          tpu.yield
        }) : () -> ()
        %dma_start3A_82 = arith.constant 0 : i32
        %dma_start3A_83 = arith.constant 0 : i32
        %dma_start3A_84 = tpu.memref_slice %arg2[%dma_start3A_82, %dma_start3A_83] : memref<10112x128xf32, #tpu.memory_space<hbm>> -> memref<10112x128xf32, #tpu.memory_space<hbm>>
        tpu.enqueue_indirect_dma source(%dma_start3A_84 : memref<10112x128xf32, #tpu.memory_space<hbm>>) target(%arg14 : memref<128x128xf32, #tpu.memory_space<vmem>>) offsets(%arg8 : memref<128xi32, #tpu.memory_space<vmem>>) semaphore(%arg17 : memref<!tpu.dma_semaphore, #tpu.memory_space<semaphore_mem>>)
      } else {
      }
      %dma_start3A_72 = arith.constant 0 : i32
      %dma_start3A_73 = arith.constant 0 : i32
      %dma_start3A_74 = tpu.memref_slice %arg16[%dma_start3A_72, %dma_start3A_73] : memref<5120x128xf32, #tpu.memory_space<vmem_shared>> -> memref<5120x128xf32, #tpu.memory_space<vmem_shared>>
      tpu.enqueue_indirect_dma source(%arg15 : memref<128x128xf32, #tpu.memory_space<vmem>>) target(%dma_start3A_74 : memref<5120x128xf32, #tpu.memory_space<vmem_shared>>) offsets(%arg11 : memref<128xi32, #tpu.memory_space<vmem>>) semaphore(%arg20 : memref<!tpu.dma_semaphore, #tpu.memory_space<semaphore_mem>>) {add = true}
    }
    %scan3A_14 = arith.constant 40 : i32
    %dma_wait3A = arith.constant 0 : i32
    %dma_wait3A_15 = arith.constant 0 : i32
    %dma_wait3A_16 = tpu.memref_slice %arg16[%dma_wait3A, %dma_wait3A_15] : memref<5120x128xf32, #tpu.memory_space<vmem_shared>> -> memref<5120x128xf32, #tpu.memory_space<vmem_shared>>
    tpu.wait_indirect_dma semaphore(%arg20 : memref<!tpu.dma_semaphore, #tpu.memory_space<semaphore_mem>>) src(%arg15 : memref<128x128xf32, #tpu.memory_space<vmem>>) dst(%dma_wait3A_16 : memref<5120x128xf32, #tpu.memory_space<vmem_shared>>)
    %barrier3A_17 = arith.constant 0 : index
    tpu.barrier barrier_id(%barrier3A_17)
    %mul3A_18 = arith.constant 320 : i32
    %mul3A_19 = arith.muli %arg1, %mul3A_18 : i32
    %mul3A_20 = arith.constant 320 : i32
    %mul3A_21 = arith.muli %arg1, %mul3A_20 : i32
    "tpu.region"() ({
      %run_scoped3A = tpu.sem_alloc : memref<!tpu.dma_semaphore, #tpu.memory_space<semaphore_mem>>
      %dma_start3A_22 = arith.constant 0 : i32
      %dma_start3A_23 = tpu.memref_slice %arg7[%arg0, %mul3A_21, %dma_start3A_22] : memref<2x5120x128xf32, #tpu.memory_space<hbm>> -> memref<1x320x128xf32, #tpu.memory_space<hbm>>
      %dma_start3A_24 = tpu.memref_squeeze %dma_start3A_23 : memref<1x320x128xf32, #tpu.memory_space<hbm>> -> memref<320x128xf32, #tpu.memory_space<hbm>>
      %dma_start3A_25 = arith.constant 0 : i32
      %dma_start3A_26 = tpu.memref_slice %arg16[%mul3A_19, %dma_start3A_25] : memref<5120x128xf32, #tpu.memory_space<vmem_shared>> -> memref<320x128xf32, #tpu.memory_space<vmem_shared>>
      tpu.enqueue_dma source(%dma_start3A_26 : memref<320x128xf32, #tpu.memory_space<vmem_shared>>) target(%dma_start3A_24 : memref<320x128xf32, #tpu.memory_space<hbm>>) target_semaphore(%run_scoped3A : memref<!tpu.dma_semaphore, #tpu.memory_space<semaphore_mem>>)
      %dma_wait3A_27 = arith.constant 0 : i32
      %dma_wait3A_28 = tpu.memref_slice %arg7[%arg0, %mul3A_21, %dma_wait3A_27] : memref<2x5120x128xf32, #tpu.memory_space<hbm>> -> memref<1x320x128xf32, #tpu.memory_space<hbm>>
      %dma_wait3A_29 = tpu.memref_squeeze %dma_wait3A_28 : memref<1x320x128xf32, #tpu.memory_space<hbm>> -> memref<320x128xf32, #tpu.memory_space<hbm>>
      %dma_wait3A_30 = arith.constant 0 : i32
      %dma_wait3A_31 = tpu.memref_slice %arg16[%mul3A_19, %dma_wait3A_30] : memref<5120x128xf32, #tpu.memory_space<vmem_shared>> -> memref<320x128xf32, #tpu.memory_space<vmem_shared>>
      tpu.wait_dma2 semaphore(%run_scoped3A : memref<!tpu.dma_semaphore, #tpu.memory_space<semaphore_mem>>) src(%dma_wait3A_31 : memref<320x128xf32, #tpu.memory_space<vmem_shared>>) dst(%dma_wait3A_29 : memref<320x128xf32, #tpu.memory_space<hbm>>)
      tpu.yield
    }) : () -> ()
    return
  }
}

module attributes {stable_mosaic.version = 14 : i64} {
  func.func @_dense_pre_body(%arg0: memref<10112x128xf32, #tpu.memory_space<vmem>>, %arg1: memref<10112x128xf32, #tpu.memory_space<vmem>>, %arg2: memref<128x128xf32, #tpu.memory_space<vmem>>, %arg3: memref<1x128xf32, #tpu.memory_space<vmem>>, %arg4: memref<128x128xf32, #tpu.memory_space<vmem>>, %arg5: memref<1x128xf32, #tpu.memory_space<vmem>>, %arg6: memref<128x128xf32, #tpu.memory_space<vmem>>, %arg7: memref<128x128xf32, #tpu.memory_space<vmem>>, %arg8: memref<1x128xf32, #tpu.memory_space<vmem>>, %arg9: memref<10112x128xf32, #tpu.memory_space<vmem>>, %arg10: memref<10112x128xf32, #tpu.memory_space<vmem>>, %arg11: memref<10112x128xf32, #tpu.memory_space<vmem>>) attributes {dimension_semantics = [], scalar_prefetch = 0 : i64, scratch_operands = 0 : i64, tpu.core_type = #tpu.core_type<tc>} {
    %get3A = arith.constant 0 : index
    %get3A_0 = arith.constant 0 : index
    %get3A_1 = vector.load %arg0[%get3A, %get3A_0] : memref<10112x128xf32, #tpu.memory_space<vmem>>, vector<10112x128xf32>
    %get3A_2 = arith.constant 0 : index
    %get3A_3 = arith.constant 0 : index
    %get3A_4 = vector.load %arg2[%get3A_2, %get3A_3] : memref<128x128xf32, #tpu.memory_space<vmem>>, vector<128x128xf32>
    %dot_general3A = arith.constant dense<0.000000e+00> : vector<10112x128xf32>
    %dot_general3A_5 = tpu.matmul %get3A_1, %get3A_4, %dot_general3A {dimension_numbers = #tpu.dot_dimension_numbers<[1], [0], [0], [1], [0, 0, 1, 1], [], []>, transpose_lhs_hint = false} : vector<10112x128xf32>, vector<128x128xf32>, vector<10112x128xf32> -> vector<10112x128xf32>
    %get3A_6 = arith.constant 0 : index
    %get3A_7 = arith.constant 0 : index
    %get3A_8 = vector.load %arg3[%get3A_6, %get3A_7] : memref<1x128xf32, #tpu.memory_space<vmem>>, vector<1x128xf32>
    %add3A = vector.broadcast %get3A_8 : vector<1x128xf32> to vector<10112x128xf32>
    %add3A_9 = arith.addf %dot_general3A_5, %add3A : vector<10112x128xf32>
    %get3A_10 = arith.constant 0 : index
    %get3A_11 = arith.constant 0 : index
    %get3A_12 = vector.load %arg4[%get3A_10, %get3A_11] : memref<128x128xf32, #tpu.memory_space<vmem>>, vector<128x128xf32>
    %dot_general3A_13 = arith.constant dense<0.000000e+00> : vector<10112x128xf32>
    %dot_general3A_14 = tpu.matmul %add3A_9, %get3A_12, %dot_general3A_13 {dimension_numbers = #tpu.dot_dimension_numbers<[1], [0], [0], [1], [0, 0, 1, 1], [], []>, transpose_lhs_hint = false} : vector<10112x128xf32>, vector<128x128xf32>, vector<10112x128xf32> -> vector<10112x128xf32>
    %get3A_15 = arith.constant 0 : index
    %get3A_16 = arith.constant 0 : index
    %get3A_17 = vector.load %arg5[%get3A_15, %get3A_16] : memref<1x128xf32, #tpu.memory_space<vmem>>, vector<1x128xf32>
    %add3A_18 = vector.broadcast %get3A_17 : vector<1x128xf32> to vector<10112x128xf32>
    %add3A_19 = arith.addf %dot_general3A_14, %add3A_18 : vector<10112x128xf32>
    %swap3A = arith.constant 0 : index
    %swap3A_20 = arith.constant 0 : index
    %swap3A_21 = vector.load %arg9[%swap3A, %swap3A_20] : memref<10112x128xf32, #tpu.memory_space<vmem>>, vector<10112x128xf32>
    tpu.vector_store %arg9[%swap3A, %swap3A_20], %add3A_19 {strides = array<i32>} : memref<10112x128xf32, #tpu.memory_space<vmem>>, vector<10112x128xf32>,
    %get3A_22 = arith.constant 0 : index
    %get3A_23 = arith.constant 0 : index
    %get3A_24 = vector.load %arg6[%get3A_22, %get3A_23] : memref<128x128xf32, #tpu.memory_space<vmem>>, vector<128x128xf32>
    %dot_general3A_25 = arith.constant dense<0.000000e+00> : vector<10112x128xf32>
    %dot_general3A_26 = tpu.matmul %add3A_9, %get3A_24, %dot_general3A_25 {dimension_numbers = #tpu.dot_dimension_numbers<[1], [0], [0], [1], [0, 0, 1, 1], [], []>, transpose_lhs_hint = false} : vector<10112x128xf32>, vector<128x128xf32>, vector<10112x128xf32> -> vector<10112x128xf32>
    %get3A_27 = arith.constant 0 : index
    %get3A_28 = arith.constant 0 : index
    %get3A_29 = vector.load %arg8[%get3A_27, %get3A_28] : memref<1x128xf32, #tpu.memory_space<vmem>>, vector<1x128xf32>
    %add3A_30 = vector.broadcast %get3A_29 : vector<1x128xf32> to vector<10112x128xf32>
    %add3A_31 = arith.addf %dot_general3A_26, %add3A_30 : vector<10112x128xf32>
    %swap3A_32 = arith.constant 0 : index
    %swap3A_33 = arith.constant 0 : index
    %swap3A_34 = vector.load %arg10[%swap3A_32, %swap3A_33] : memref<10112x128xf32, #tpu.memory_space<vmem>>, vector<10112x128xf32>
    tpu.vector_store %arg10[%swap3A_32, %swap3A_33], %add3A_31 {strides = array<i32>} : memref<10112x128xf32, #tpu.memory_space<vmem>>, vector<10112x128xf32>,
    %get3A_35 = arith.constant 0 : index
    %get3A_36 = arith.constant 0 : index
    %get3A_37 = vector.load %arg1[%get3A_35, %get3A_36] : memref<10112x128xf32, #tpu.memory_space<vmem>>, vector<10112x128xf32>
    %get3A_38 = arith.constant 0 : index
    %get3A_39 = arith.constant 0 : index
    %get3A_40 = vector.load %arg2[%get3A_38, %get3A_39] : memref<128x128xf32, #tpu.memory_space<vmem>>, vector<128x128xf32>
    %dot_general3A_41 = arith.constant dense<0.000000e+00> : vector<10112x128xf32>
    %dot_general3A_42 = tpu.matmul %get3A_37, %get3A_40, %dot_general3A_41 {dimension_numbers = #tpu.dot_dimension_numbers<[1], [0], [0], [1], [0, 0, 1, 1], [], []>, transpose_lhs_hint = false} : vector<10112x128xf32>, vector<128x128xf32>, vector<10112x128xf32> -> vector<10112x128xf32>
    %get3A_43 = arith.constant 0 : index
    %get3A_44 = arith.constant 0 : index
    %get3A_45 = vector.load %arg3[%get3A_43, %get3A_44] : memref<1x128xf32, #tpu.memory_space<vmem>>, vector<1x128xf32>
    %add3A_46 = vector.broadcast %get3A_45 : vector<1x128xf32> to vector<10112x128xf32>
    %add3A_47 = arith.addf %dot_general3A_42, %add3A_46 : vector<10112x128xf32>
    %get3A_48 = arith.constant 0 : index
    %get3A_49 = arith.constant 0 : index
    %get3A_50 = vector.load %arg7[%get3A_48, %get3A_49] : memref<128x128xf32, #tpu.memory_space<vmem>>, vector<128x128xf32>
    %dot_general3A_51 = arith.constant dense<0.000000e+00> : vector<10112x128xf32>
    %dot_general3A_52 = tpu.matmul %add3A_47, %get3A_50, %dot_general3A_51 {dimension_numbers = #tpu.dot_dimension_numbers<[1], [0], [0], [1], [0, 0, 1, 1], [], []>, transpose_lhs_hint = false} : vector<10112x128xf32>, vector<128x128xf32>, vector<10112x128xf32> -> vector<10112x128xf32>
    %swap3A_53 = arith.constant 0 : index
    %swap3A_54 = arith.constant 0 : index
    %swap3A_55 = vector.load %arg11[%swap3A_53, %swap3A_54] : memref<10112x128xf32, #tpu.memory_space<vmem>>, vector<10112x128xf32>
    tpu.vector_store %arg11[%swap3A_53, %swap3A_54], %dot_general3A_52 {strides = array<i32>} : memref<10112x128xf32, #tpu.memory_space<vmem>>, vector<10112x128xf32>,
    return
  }
}

module attributes {stable_mosaic.version = 14 : i64} {
  func.func @_inv_body(%arg0: memref<2x5120x128xf32, #tpu.memory_space<vmem>>, %arg1: memref<2x5120x128xf32, #tpu.memory_space<vmem>>, %arg2: memref<10112x128xf32, #tpu.memory_space<vmem>>, %arg3: memref<10112x128xf32, #tpu.memory_space<vmem>>) attributes {dimension_semantics = [], scalar_prefetch = 0 : i64, scratch_operands = 0 : i64, tpu.core_type = #tpu.core_type<tc>} {
    %get3A = arith.constant 0 : index
    %get3A_0 = arith.constant 0 : index
    %get3A_1 = arith.constant 0 : index
    %get3A_2 = vector.load %arg0[%get3A, %get3A_0, %get3A_1] : memref<2x5120x128xf32, #tpu.memory_space<vmem>>, vector<1x5056x128xf32>
    %get3A_3 = vector.shape_cast %get3A_2 : vector<1x5056x128xf32> to vector<5056x128xf32>
    %gt3A = arith.constant 0.000000e+00 : f32
    %gt3A_4 = vector.broadcast %gt3A : f32 to vector<5056x128xf32>
    %gt3A_5 = arith.cmpf ogt, %get3A_3, %gt3A_4 : vector<5056x128xf32>
    %div3A = arith.constant 1.000000e+00 : f32
    %div3A_6 = vector.broadcast %div3A : f32 to vector<5056x128xf32>
    %div3A_7 = arith.divf %div3A_6, %get3A_3 : vector<5056x128xf32>
    %jit3A = arith.constant 0.000000e+00 : f32
    %broadcast_in_dim3A = vector.broadcast %jit3A : f32 to vector<5056x128xf32>
    %select_n3A = arith.select %gt3A_5, %div3A_7, %broadcast_in_dim3A : vector<5056x128xi1>, vector<5056x128xf32>
    %swap3A = arith.constant 0 : index
    %swap3A_8 = arith.constant 0 : index
    %swap3A_9 = vector.load %arg2[%swap3A, %swap3A_8] : memref<10112x128xf32, #tpu.memory_space<vmem>>, vector<5056x128xf32>
    tpu.vector_store %arg2[%swap3A, %swap3A_8], %select_n3A {strides = array<i32>} : memref<10112x128xf32, #tpu.memory_space<vmem>>, vector<5056x128xf32>,
    %get3A_10 = arith.constant 0 : index
    %get3A_11 = arith.constant 0 : index
    %get3A_12 = arith.constant 0 : index
    %get3A_13 = vector.load %arg1[%get3A_10, %get3A_11, %get3A_12] : memref<2x5120x128xf32, #tpu.memory_space<vmem>>, vector<1x5056x128xf32>
    %get3A_14 = vector.shape_cast %get3A_13 : vector<1x5056x128xf32> to vector<5056x128xf32>
    %gt3A_15 = arith.constant 0.000000e+00 : f32
    %gt3A_16 = vector.broadcast %gt3A_15 : f32 to vector<5056x128xf32>
    %gt3A_17 = arith.cmpf ogt, %get3A_14, %gt3A_16 : vector<5056x128xf32>
    %div3A_18 = arith.constant 1.000000e+00 : f32
    %div3A_19 = vector.broadcast %div3A_18 : f32 to vector<5056x128xf32>
    %div3A_20 = arith.divf %div3A_19, %get3A_14 : vector<5056x128xf32>
    %jit3A_21 = arith.constant 0.000000e+00 : f32
    %broadcast_in_dim3A_22 = vector.broadcast %jit3A_21 : f32 to vector<5056x128xf32>
    %select_n3A_23 = arith.select %gt3A_17, %div3A_20, %broadcast_in_dim3A_22 : vector<5056x128xi1>, vector<5056x128xf32>
    %swap3A_24 = arith.constant 0 : index
    %swap3A_25 = arith.constant 0 : index
    %swap3A_26 = vector.load %arg3[%swap3A_24, %swap3A_25] : memref<10112x128xf32, #tpu.memory_space<vmem>>, vector<5056x128xf32>
    tpu.vector_store %arg3[%swap3A_24, %swap3A_25], %select_n3A_23 {strides = array<i32>} : memref<10112x128xf32, #tpu.memory_space<vmem>>, vector<5056x128xf32>,
    %get3A_27 = arith.constant 1 : index
    %get3A_28 = arith.constant 0 : index
    %get3A_29 = arith.constant 0 : index
    %get3A_30 = vector.load %arg0[%get3A_27, %get3A_28, %get3A_29] : memref<2x5120x128xf32, #tpu.memory_space<vmem>>, vector<1x5056x128xf32>
    %get3A_31 = vector.shape_cast %get3A_30 : vector<1x5056x128xf32> to vector<5056x128xf32>
    %gt3A_32 = arith.constant 0.000000e+00 : f32
    %gt3A_33 = vector.broadcast %gt3A_32 : f32 to vector<5056x128xf32>
    %gt3A_34 = arith.cmpf ogt, %get3A_31, %gt3A_33 : vector<5056x128xf32>
    %div3A_35 = arith.constant 1.000000e+00 : f32
    %div3A_36 = vector.broadcast %div3A_35 : f32 to vector<5056x128xf32>
    %div3A_37 = arith.divf %div3A_36, %get3A_31 : vector<5056x128xf32>
    %jit3A_38 = arith.constant 0.000000e+00 : f32
    %broadcast_in_dim3A_39 = vector.broadcast %jit3A_38 : f32 to vector<5056x128xf32>
    %select_n3A_40 = arith.select %gt3A_34, %div3A_37, %broadcast_in_dim3A_39 : vector<5056x128xi1>, vector<5056x128xf32>
    %swap3A_41 = arith.constant 5056 : index
    %swap3A_42 = arith.constant 0 : index
    %swap3A_43 = vector.load %arg2[%swap3A_41, %swap3A_42] : memref<10112x128xf32, #tpu.memory_space<vmem>>, vector<5056x128xf32>
    tpu.vector_store %arg2[%swap3A_41, %swap3A_42], %select_n3A_40 {strides = array<i32>} : memref<10112x128xf32, #tpu.memory_space<vmem>>, vector<5056x128xf32>,
    %get3A_44 = arith.constant 1 : index
    %get3A_45 = arith.constant 0 : index
    %get3A_46 = arith.constant 0 : index
    %get3A_47 = vector.load %arg1[%get3A_44, %get3A_45, %get3A_46] : memref<2x5120x128xf32, #tpu.memory_space<vmem>>, vector<1x5056x128xf32>
    %get3A_48 = vector.shape_cast %get3A_47 : vector<1x5056x128xf32> to vector<5056x128xf32>
    %gt3A_49 = arith.constant 0.000000e+00 : f32
    %gt3A_50 = vector.broadcast %gt3A_49 : f32 to vector<5056x128xf32>
    %gt3A_51 = arith.cmpf ogt, %get3A_48, %gt3A_50 : vector<5056x128xf32>
    %div3A_52 = arith.constant 1.000000e+00 : f32
    %div3A_53 = vector.broadcast %div3A_52 : f32 to vector<5056x128xf32>
    %div3A_54 = arith.divf %div3A_53, %get3A_48 : vector<5056x128xf32>
    %jit3A_55 = arith.constant 0.000000e+00 : f32
    %broadcast_in_dim3A_56 = vector.broadcast %jit3A_55 : f32 to vector<5056x128xf32>
    %select_n3A_57 = arith.select %gt3A_51, %div3A_54, %broadcast_in_dim3A_56 : vector<5056x128xi1>, vector<5056x128xf32>
    %swap3A_58 = arith.constant 5056 : index
    %swap3A_59 = arith.constant 0 : index
    %swap3A_60 = vector.load %arg3[%swap3A_58, %swap3A_59] : memref<10112x128xf32, #tpu.memory_space<vmem>>, vector<5056x128xf32>
    tpu.vector_store %arg3[%swap3A_58, %swap3A_59], %select_n3A_57 {strides = array<i32>} : memref<10112x128xf32, #tpu.memory_space<vmem>>, vector<5056x128xf32>,
    return
  }
}

module attributes {stable_mosaic.version = 14 : i64} {
  func.func @_combine_binv_body(%arg0: memref<2x5120x128xf32, #tpu.memory_space<vmem>>, %arg1: memref<10112x128xf32, #tpu.memory_space<vmem>>, %arg2: memref<10112x128xf32, #tpu.memory_space<vmem>>) attributes {dimension_semantics = [], scalar_prefetch = 0 : i64, scratch_operands = 0 : i64, tpu.core_type = #tpu.core_type<tc>} {
    %get3A = arith.constant 0 : index
    %get3A_0 = arith.constant 0 : index
    %get3A_1 = arith.constant 0 : index
    %get3A_2 = vector.load %arg0[%get3A, %get3A_0, %get3A_1] : memref<2x5120x128xf32, #tpu.memory_space<vmem>>, vector<1x5056x128xf32>
    %get3A_3 = vector.shape_cast %get3A_2 : vector<1x5056x128xf32> to vector<5056x128xf32>
    %get3A_4 = arith.constant 0 : index
    %get3A_5 = arith.constant 0 : index
    %get3A_6 = vector.load %arg1[%get3A_4, %get3A_5] : memref<10112x128xf32, #tpu.memory_space<vmem>>, vector<5056x128xf32>
    %mul3A = arith.mulf %get3A_3, %get3A_6 : vector<5056x128xf32>
    %swap3A = arith.constant 0 : index
    %swap3A_7 = arith.constant 0 : index
    %swap3A_8 = vector.load %arg2[%swap3A, %swap3A_7] : memref<10112x128xf32, #tpu.memory_space<vmem>>, vector<5056x128xf32>
    tpu.vector_store %arg2[%swap3A, %swap3A_7], %mul3A {strides = array<i32>} : memref<10112x128xf32, #tpu.memory_space<vmem>>, vector<5056x128xf32>,
    %get3A_9 = arith.constant 1 : index
    %get3A_10 = arith.constant 0 : index
    %get3A_11 = arith.constant 0 : index
    %get3A_12 = vector.load %arg0[%get3A_9, %get3A_10, %get3A_11] : memref<2x5120x128xf32, #tpu.memory_space<vmem>>, vector<1x5056x128xf32>
    %get3A_13 = vector.shape_cast %get3A_12 : vector<1x5056x128xf32> to vector<5056x128xf32>
    %get3A_14 = arith.constant 5056 : index
    %get3A_15 = arith.constant 0 : index
    %get3A_16 = vector.load %arg1[%get3A_14, %get3A_15] : memref<10112x128xf32, #tpu.memory_space<vmem>>, vector<5056x128xf32>
    %mul3A_17 = arith.mulf %get3A_13, %get3A_16 : vector<5056x128xf32>
    %swap3A_18 = arith.constant 5056 : index
    %swap3A_19 = arith.constant 0 : index
    %swap3A_20 = vector.load %arg2[%swap3A_18, %swap3A_19] : memref<10112x128xf32, #tpu.memory_space<vmem>>, vector<5056x128xf32>
    tpu.vector_store %arg2[%swap3A_18, %swap3A_19], %mul3A_17 {strides = array<i32>} : memref<10112x128xf32, #tpu.memory_space<vmem>>, vector<5056x128xf32>,
    return
  }
}

module attributes {stable_mosaic.version = 14 : i64} {
  func.func @_mid_body(%arg0: memref<2x5120x128xf32, #tpu.memory_space<vmem>>, %arg1: memref<10112x128xf32, #tpu.memory_space<vmem>>, %arg2: memref<1x128xf32, #tpu.memory_space<vmem>>, %arg3: memref<128x128xf32, #tpu.memory_space<vmem>>, %arg4: memref<1x128xf32, #tpu.memory_space<vmem>>, %arg5: memref<10112x128xf32, #tpu.memory_space<vmem>>) attributes {dimension_semantics = [], scalar_prefetch = 0 : i64, scratch_operands = 0 : i64, tpu.core_type = #tpu.core_type<tc>} {
    %get3A = arith.constant 0 : index
    %get3A_0 = arith.constant 0 : index
    %get3A_1 = arith.constant 0 : index
    %get3A_2 = vector.load %arg0[%get3A, %get3A_0, %get3A_1] : memref<2x5120x128xf32, #tpu.memory_space<vmem>>, vector<1x5056x128xf32>
    %get3A_3 = vector.shape_cast %get3A_2 : vector<1x5056x128xf32> to vector<5056x128xf32>
    %get3A_4 = arith.constant 1 : index
    %get3A_5 = arith.constant 0 : index
    %get3A_6 = arith.constant 0 : index
    %get3A_7 = vector.load %arg0[%get3A_4, %get3A_5, %get3A_6] : memref<2x5120x128xf32, #tpu.memory_space<vmem>>, vector<1x5056x128xf32>
    %get3A_8 = vector.shape_cast %get3A_7 : vector<1x5056x128xf32> to vector<5056x128xf32>
    %concatenate3A = tpu.concatenate %get3A_3, %get3A_8 in 0 : vector<5056x128xf32>, vector<5056x128xf32> -> vector<10112x128xf32>
    %get3A_9 = arith.constant 0 : index
    %get3A_10 = arith.constant 0 : index
    %get3A_11 = vector.load %arg1[%get3A_9, %get3A_10] : memref<10112x128xf32, #tpu.memory_space<vmem>>, vector<10112x128xf32>
    %mul3A = arith.mulf %concatenate3A, %get3A_11 : vector<10112x128xf32>
    %get3A_12 = arith.constant 0 : index
    %get3A_13 = arith.constant 0 : index
    %get3A_14 = vector.load %arg2[%get3A_12, %get3A_13] : memref<1x128xf32, #tpu.memory_space<vmem>>, vector<1x128xf32>
    %add3A = vector.broadcast %get3A_14 : vector<1x128xf32> to vector<10112x128xf32>
    %add3A_15 = arith.addf %mul3A, %add3A : vector<10112x128xf32>
    %gt3A = arith.constant 0.000000e+00 : f32
    %gt3A_16 = vector.broadcast %gt3A : f32 to vector<10112x128xf32>
    %gt3A_17 = arith.cmpf ogt, %add3A_15, %gt3A_16 : vector<10112x128xf32>
    %exp3A = math.exp %add3A_15 : vector<10112x128xf32>
    %sub3A = arith.constant 1.000000e+00 : f32
    %sub3A_18 = vector.broadcast %sub3A : f32 to vector<10112x128xf32>
    %sub3A_19 = arith.subf %exp3A, %sub3A_18 : vector<10112x128xf32>
    %select_n3A = arith.select %gt3A_17, %add3A_15, %sub3A_19 : vector<10112x128xi1>, vector<10112x128xf32>
    %get3A_20 = arith.constant 0 : index
    %get3A_21 = arith.constant 0 : index
    %get3A_22 = vector.load %arg3[%get3A_20, %get3A_21] : memref<128x128xf32, #tpu.memory_space<vmem>>, vector<128x128xf32>
    %dot_general3A = arith.constant dense<0.000000e+00> : vector<10112x128xf32>
    %dot_general3A_23 = tpu.matmul %select_n3A, %get3A_22, %dot_general3A {dimension_numbers = #tpu.dot_dimension_numbers<[1], [0], [0], [1], [0, 0, 1, 1], [], []>, transpose_lhs_hint = false} : vector<10112x128xf32>, vector<128x128xf32>, vector<10112x128xf32> -> vector<10112x128xf32>
    %get3A_24 = arith.constant 0 : index
    %get3A_25 = arith.constant 0 : index
    %get3A_26 = vector.load %arg4[%get3A_24, %get3A_25] : memref<1x128xf32, #tpu.memory_space<vmem>>, vector<1x128xf32>
    %add3A_27 = vector.broadcast %get3A_26 : vector<1x128xf32> to vector<10112x128xf32>
    %add3A_28 = arith.addf %dot_general3A_23, %add3A_27 : vector<10112x128xf32>
    %swap3A = arith.constant 0 : index
    %swap3A_29 = arith.constant 0 : index
    %swap3A_30 = vector.load %arg5[%swap3A, %swap3A_29] : memref<10112x128xf32, #tpu.memory_space<vmem>>, vector<10112x128xf32>
    tpu.vector_store %arg5[%swap3A, %swap3A_29], %add3A_28 {strides = array<i32>} : memref<10112x128xf32, #tpu.memory_space<vmem>>, vector<10112x128xf32>,
    return
  }
}

module attributes {stable_mosaic.version = 14 : i64} {
  func.func @_final_body(%arg0: memref<2x5120x128xf32, #tpu.memory_space<vmem>>, %arg1: memref<10112x128xf32, #tpu.memory_space<vmem>>, %arg2: memref<1x128xf32, #tpu.memory_space<vmem>>, %arg3: memref<10112x128xf32, #tpu.memory_space<vmem>>) attributes {dimension_semantics = [], scalar_prefetch = 0 : i64, scratch_operands = 0 : i64, tpu.core_type = #tpu.core_type<tc>} {
    %get3A = arith.constant 0 : index
    %get3A_0 = arith.constant 0 : index
    %get3A_1 = arith.constant 0 : index
    %get3A_2 = vector.load %arg0[%get3A, %get3A_0, %get3A_1] : memref<2x5120x128xf32, #tpu.memory_space<vmem>>, vector<1x5056x128xf32>
    %get3A_3 = vector.shape_cast %get3A_2 : vector<1x5056x128xf32> to vector<5056x128xf32>
    %get3A_4 = arith.constant 1 : index
    %get3A_5 = arith.constant 0 : index
    %get3A_6 = arith.constant 0 : index
    %get3A_7 = vector.load %arg0[%get3A_4, %get3A_5, %get3A_6] : memref<2x5120x128xf32, #tpu.memory_space<vmem>>, vector<1x5056x128xf32>
    %get3A_8 = vector.shape_cast %get3A_7 : vector<1x5056x128xf32> to vector<5056x128xf32>
    %concatenate3A = tpu.concatenate %get3A_3, %get3A_8 in 0 : vector<5056x128xf32>, vector<5056x128xf32> -> vector<10112x128xf32>
    %get3A_9 = arith.constant 0 : index
    %get3A_10 = arith.constant 0 : index
    %get3A_11 = vector.load %arg1[%get3A_9, %get3A_10] : memref<10112x128xf32, #tpu.memory_space<vmem>>, vector<10112x128xf32>
    %mul3A = arith.mulf %concatenate3A, %get3A_11 : vector<10112x128xf32>
    %get3A_12 = arith.constant 0 : index
    %get3A_13 = arith.constant 0 : index
    %get3A_14 = vector.load %arg2[%get3A_12, %get3A_13] : memref<1x128xf32, #tpu.memory_space<vmem>>, vector<1x128xf32>
    %add3A = vector.broadcast %get3A_14 : vector<1x128xf32> to vector<10112x128xf32>
    %add3A_15 = arith.addf %mul3A, %add3A : vector<10112x128xf32>
    %gt3A = arith.constant 0.000000e+00 : f32
    %gt3A_16 = vector.broadcast %gt3A : f32 to vector<10112x128xf32>
    %gt3A_17 = arith.cmpf ogt, %add3A_15, %gt3A_16 : vector<10112x128xf32>
    %exp3A = math.exp %add3A_15 : vector<10112x128xf32>
    %sub3A = arith.constant 1.000000e+00 : f32
    %sub3A_18 = vector.broadcast %sub3A : f32 to vector<10112x128xf32>
    %sub3A_19 = arith.subf %exp3A, %sub3A_18 : vector<10112x128xf32>
    %select_n3A = arith.select %gt3A_17, %add3A_15, %sub3A_19 : vector<10112x128xi1>, vector<10112x128xf32>
    %swap3A = arith.constant 0 : index
    %swap3A_20 = arith.constant 0 : index
    %swap3A_21 = vector.load %arg3[%swap3A, %swap3A_20] : memref<10112x128xf32, #tpu.memory_space<vmem>>, vector<10112x128xf32>
    tpu.vector_store %arg3[%swap3A, %swap3A_20], %select_n3A {strides = array<i32>} : memref<10112x128xf32, #tpu.memory_space<vmem>>, vector<10112x128xf32>,
    return
  }
}

</mosaic_0001>

<sc_bundles>
// kernel: kernel.15.cloned.1.call-start
scs
__scs_entry_jumppad:
0x0: {  	(pc) =	sbr.rel $0x88, $3  }
0x1: {  	(tag) =	ssettag $0x0;
	lr =	simm.s32 $0x1  }
0x2: {  	[smem:$0x3F94] =	sst lr;
	_ =	strace $0xD0000000  }
0x3: {  	_ = 	snop  }
0x4: {  	_ = 	snop  }
0x5: {  	_ = 	snop  }
0x6: {  	_ = 	snop  }
0x7: {  	_ = 	snop  }
__scs_overlays_trampoline_lowered:
0x8: {  	[smem:$0x3FA3] =	sst s0  }
0x9: {  	[smem:$0x3FA4] =	sst s1  }
0xa: {  	[smem:$0x3FA5] =	sst s2  }
0xb: {  	[smem:$0x3FA6] =	sst s3  }
0xc: {  	[smem:$0x3FA7] =	sst s4  }
0xd: {  	[smem:$0x3FA8] =	sst s5  }
0xe: {  	[smem:$0x3FA9] =	sst s6  }
0xf: {  	[smem:$0x3FAA] =	sst s7  }
0x10: {  	[smem:$0x3FAB] =	sst s8  }
0x11: {  	[smem:$0x3FAC] =	sst s9;
	s0 =	simm.s32 @!p0 $0x0  }
0x12: {  	s1 =	sld [smem:$0x3F92];
	s0 =	simm.s32 @p0 $0x1  }
0x13: {  	[smem:$0x3FAD] =	sst s0;
	s0 =	simm.s32 @!p1 $0x0  }
0x14: {  	s2 =	sld [smem:$0x3F91];
	s0 =	simm.s32 @p1 $0x1  }
0x15: {  	[smem:$0x3FAE] =	sst s0;
	s0 =	simm.s32 @!p2 $0x0  }
0x16: {  	s3 =	sld [smem:$0x3FDB];
	s0 =	simm.s32 @p2 $0x1  }
0x17: {  	s4 =	simm.s32 $0x1BF5;
	[smem:$0x3FB0] =	sst s0  }
0x18: {  	s0 =	sld [smem:$0x3F93];
	_ =	swait.ge [sflag:s4], $0x0  }
0x19: {  	s7 =	sld [smem:$0x3F94]  }
0x1a: {  	s8 =	sadd.s32 $0xFFFFE003, lr  }
0x1b: {  	s9 =	sadd.s32 $0xFFFFFEF7, lr;
	s5 =	simm.s32 $0xFFFFFFFF;
	p2 =	slt.u32 s8, $0xFFFFF086  }
0x1c: {  	p1 =	slt.u32 s9, $0xF7A;
	s5 =	simm.s32 @!p2 $0x0  }
0x1d: {  	s5 =	simm.s32 @p1 $0x1;
	p0 =	seq.s32 s7, s2  }
0x1e: {  	s7 =	smul.u32 @!p0 $0xF7A, s2;
	p2 =	seq.s32 @!p0 s5, $0x0  }
0x1f: {  	s9 =	smul.u32 $0xF7A, s1;
	s8 =	simm.s32 @!p0 $0x1BF5;
	p2 =	por !p2, p0  }
0x20: {  	[sflag:s8] =	ssyncset.s32 @!p0 $0xFFFFF086;
	s6 =	sadd.s32 @!p0 s3, s7;
	s7 =	simm.s32 @!p0 $0x108  }
0x21: {  	s3 =	sadd.s32 s3, s9;
	s6 =	sadd.s32 @!p0 $0x88, s6;
	s7 =	simm.s32 @p2 $0x1082  }
0x22: {  	[simem:s7], [sflag:s8] =	dma.local @!p0 [hbm:s6], $0xF7A  }
0x23: {  	s9 =	sor.u32 $0xD0000000, s2;
	s6 =	simm.s32 $0x108;
	_ =	swait.ge @!p0 [sflag:s8], $0x0  }
0x24: {  	s3 =	sadd.s32 $0x88, s3;
	s6 =	simm.s32 @!p1 $0x1082;
	[sflag:s4] =	ssyncset.s32 $0xFFFFF086  }
0x25: {  	[simem:s6], [sflag:s4] =	dma.local [hbm:s3], $0xF7A  }
0x26: {  	[smem:$0x3F94] =	sst s1;
	(tag) =	ssettag s2;
	_ =	strace s9  }
0x27: {  	s1 =	sld [smem:$0x3FA4]  }
0x28: {  	s2 =	sld [smem:$0x3FA5]  }
0x29: {  	s4 =	sld [smem:$0x3FA7]  }
0x2a: {  	p0 =	seq.s32 s5, $0x0;
	s5 =	sld [smem:$0x3FA8]  }
0x2b: {  	s6 =	sld [smem:$0x3FA9]  }
0x2c: {  	s7 =	sld [smem:$0x3FAA]  }
0x2d: {  	s3 =	simm.s32 $0x108;
	s8 =	sld [smem:$0x3FAB]  }
0x2e: {  	s3 =	simm.s32 @!p0 $0x1082;
	s9 =	sld [smem:$0x3FAC]  }
0x2f: {  	lr =	sadd.s32 s0, s3;
	s0 =	sld [smem:$0x3FA3]  }
0x30: {  	s3 =	sld [smem:$0x3FA6]  }
0x31: {  	[smem:$0x3FAF] =	sst s10  }
0x32: {  	s10 =	sld [smem:$0x3FAD];
	_ =	sdelay $0x3  }
0x33: {  	p0 =	seq.s32 s10, $0x1;
	s10 =	sld [smem:$0x3FAF];
	_ =	sdelay $0x3  }
0x34: {  	[smem:$0x3FAF] =	sst s10  }
0x35: {  	s10 =	sld [smem:$0x3FAE];
	_ =	sdelay $0x3  }
0x36: {  	p1 =	seq.s32 s10, $0x1;
	s10 =	sld [smem:$0x3FAF];
	_ =	sdelay $0x3  }
0x37: {  	[smem:$0x3FAF] =	sst s10  }
0x38: {  	s10 =	sld [smem:$0x3FB0]  }
0x39: {  	_ = 	snop;
	(pc) =	sbr.ind lr, $3  }
0x3a: {  	_ = 	snop  }
0x3b: {  	_ = 	snop  }
0x3c: {  	p2 =	seq.s32 s10, $0x1;
	s10 =	sld [smem:$0x3FAF]  }
0x3d: {  	_ =	shalt  }
0x3e: {  	_ =	shalt  }
0x3f: {  	_ =	shalt  }
0x40: {  	_ =	shalt  }
0x41: {  	_ =	shalt  }
0x42: {  	_ =	shalt  }
0x43: {  	_ =	shalt  }
0x44: {  	_ =	shalt  }
0x45: {  	_ =	shalt  }
0x46: {  	_ =	shalt  }
0x47: {  	_ =	shalt  }
0x48: {  	_ =	shalt  }
0x49: {  	_ =	shalt  }
0x4a: {  	_ =	shalt  }
0x4b: {  	_ =	shalt  }
0x4c: {  	_ =	shalt  }
0x4d: {  	_ =	shalt  }
0x4e: {  	_ =	shalt  }
0x4f: {  	_ =	shalt  }
0x50: {  	_ =	shalt  }
0x51: {  	_ =	shalt  }
0x52: {  	_ =	shalt  }
0x53: {  	_ =	shalt  }
0x54: {  	_ =	shalt  }
0x55: {  	_ =	shalt  }
0x56: {  	_ =	shalt  }
0x57: {  	_ =	shalt  }
0x58: {  	_ =	shalt  }
0x59: {  	_ =	shalt  }
0x5a: {  	_ =	shalt  }
0x5b: {  	_ =	shalt  }
0x5c: {  	_ =	shalt  }
0x5d: {  	_ =	shalt  }
0x5e: {  	_ =	shalt  }
0x5f: {  	_ =	shalt  }
0x60: {  	_ =	shalt  }
0x61: {  	_ =	shalt  }
0x62: {  	_ =	shalt  }
0x63: {  	_ =	shalt  }
0x64: {  	_ =	shalt  }
0x65: {  	_ =	shalt  }
0x66: {  	_ =	shalt  }
0x67: {  	_ =	shalt  }
0x68: {  	_ =	shalt  }
0x69: {  	_ =	shalt  }
0x6a: {  	_ =	shalt  }
0x6b: {  	_ =	shalt  }
0x6c: {  	_ =	shalt  }
0x6d: {  	_ =	shalt  }
0x6e: {  	_ =	shalt  }
0x6f: {  	_ =	shalt  }
0x70: {  	_ =	shalt  }
0x71: {  	_ =	shalt  }
0x72: {  	_ =	shalt  }
0x73: {  	_ =	shalt  }
0x74: {  	_ =	shalt  }
0x75: {  	_ =	shalt  }
0x76: {  	_ =	shalt  }
0x77: {  	_ =	shalt  }
0x78: {  	_ =	shalt  }
0x79: {  	_ =	shalt  }
0x7a: {  	_ =	shalt  }
0x7b: {  	_ =	shalt  }
0x7c: {  	_ =	shalt  }
0x7d: {  	_ =	shalt  }
0x7e: {  	_ =	shalt  }
0x7f: {  	_ =	shalt  }
0x80: {  	_ =	shalt  }
0x81: {  	_ =	shalt  }
0x82: {  	_ =	shalt  }
0x83: {  	_ =	shalt  }
0x84: {  	_ =	shalt  }
0x85: {  	_ =	shalt  }
0x86: {  	_ =	shalt  }
0x87: {  	_ =	shalt  }
.Lfunc_end0:
.L_simem_size_0:
called_computation_lowered:
.L_overlay_start_0:
0x88: {  	s2 =	sld [smem:$0x3FD9]  }
0x89: {  	s3 =	sld [smem:$0x3FFE];
	_ =	sdelay $0x1  }
0x8a: {  	s1 =	srdreg.scid  }
0x8b: {  	s0 =	sand.u32 $0x1, s1  }
0x8c: {  	s16 =	sshll.u32 s0, $0xA;
	s2 =	sadd.s32 s3, s2  }
0x8d: {  	s2 =	sadd.s32 s2, s16  }
0x8e: {  	[smem:$0x3FBB] =	sst s2  }
0x8f: {  	_ = 	snop  }
0x90: {  	(tm) =	ssettm $0x1  }
0x91: {  	s17 =	sld [smem:$0x3FFB];
	_ =	sdelay $0x3  }
0x92: {  	_ =	strace s17  }
0x93: {  	s2 =	sld [smem:$0x3FFC];
	_ =	sdelay $0x3  }
0x94: {  	_ =	strace s2  }
0x95: {  	s2 =	sld [smem:$0x3FFD];
	_ =	sdelay $0x3  }
0x96: {  	_ =	strace s2  }
0x97: {  	_ =	strace $0x8FFFFFFF  }
0x98: {  	s18 =	sld [smem:$0x3FDB];
	_ =	sdelay $0x1  }
0x99: {  	s19 =	simm.s32 $_scs_section_size  }
0x9a: {  	s4 =	simm.s32 $_size__tile_overlayer_lowered;
	s5 =	simm.s32 $_tile_overlayer_lowered  }
0x9b: {  	s22 =	simm.s32 $0x1BFF;
	s21 =	sshll.u32 s5, $0x1;
	s2 =	sadd.s32 s19, s18  }
0x9c: {  	s6 =	simm.s32 $0x0;
	s20 =	sshll.u32 s4, $0x1;
	s4 =	sadd.s32 s21, s2  }
0x9d: {  	[timem:s6], [sflag:s22] =	dma.local [hbm:s4], s20  }
0x9e: {  	_ =	swait.ge [sflag:s22], s20  }
0x9f: {  	s3 =	ssub.s32 $0x0, s20;
	[sflag:s22] =	ssyncset.done $0x0  }
0xa0: {  	[sflag:s22] =	ssyncadd.s32 s3;
	_ =	sdelay $0x1  }
0xa1: {  	s23 =	simm.s32 $0x1B8B  }
0xa2: {  	_ =	swait.ge [sflag:s23], $0x1  }
0xa3: {  	[sflag:s23] =	ssyncset.done $0x0  }
0xa4: {  	s25 =	simm.s32 $0x1B8E;
	s24 =	sld [smem:$0x3FFE];
	[sflag:s23] =	ssyncadd.s32 $0xFFFFFFFF  }
0xa5: {  	s26 =	simm.s32 $execute0_lowered;
	[smem:$0x3FD2] =	sst s25  }
0xa6: {  	s4 =	sshll.u32 s26, $0x1;
	_ =	strace $0x80000046;
	[dreg:$0x1] =	wrdreg $0xFFFFFFFF  }
0xa7: {  	s28 =	simm.s32 $_size_execute0_lowered;
	s2 =	sadd.s32 s2, s4;
	[dreg:$0x0] =	wrdreg $0x0  }
0xa8: {  	s4 =	sshll.u32 s28, $0x1;
	[dreg:$0x2] =	wrdreg s2  }
0xa9: {  	[dreg:$0x3] =	wrdreg s4  }
0xaa: {  	[dreg:$0x4] =	wrdreg $0xC0  }
0xab: {  	_ =	task [dreg:s6], $0x5FFFF  }
0xac: {  	[dreg:$0x1] =	wrdreg $0xFFFFFFFF  }
0xad: {  	[dreg:$0x0] =	wrdreg $0x60  }
0xae: {  	[dreg:$0x2] =	wrdreg s24  }
0xaf: {  	[dreg:$0x3] =	wrdreg $0x9  }
0xb0: {  	_ =	task.clear_ibuf [dreg:s6], $0x4FFFF;
	_ =	strace $0x90000046  }
0xb1: {  	s29 =	simm.s32 $0x9;
	_ =	strace $0x80000048  }
0xb2: {  	_ =	swait.ge [sflag:s29], $0x1  }
0xb3: {  	[sflag:s29] =	ssyncadd.s32 $0xFFFFFFFF  }
0xb4: {  	_ =	strace $0x90000048  }
0xb5: {  	_ =	sfence  }
0xb6: {  	s30 =	sld [smem:$0x0];
	_ =	sdelay $0x2  }
0xb7: {  	s31 =	sshll.u32 s1, $0xD;
	s1 =	sshrl.u32 s1, $0x2  }
0xb8: {  	s3 =	sand.u32 $0x4000, s31;
	s1 =	sadd.s32 s1, s30  }
0xb9: {  	s0 =	sor.u32 s3, s0;
	s1 =	sshll.u32 s1, $0x11  }
0xba: {  	s0 =	sor.u32 s1, s0  }
0xbb: {  	s0 =	sadd.s32 $0x8F2B, s0  }
0xbc: {  	[sflag:s0] =	ssyncadd.remote.s32 $0x1  }
0xbd: {  	_ =	sfence.sel $0xFFFF  }
0xbe: {  	[dreg:$0x0] =	wrdreg $0xFFFFFFFF;
	(pc) =	sbr.abs _section_cstart, $3  }
0xbf: {  	[dreg:$0x1] =	wrdreg $0xFFFFFFFF  }
0xc0: {  	_ =	task.clear_ibuf [dreg:s6], $0x2FFFF;
	_ =	strace $0x9FFFFFFF  }
0xc1: {  	(tm) =	ssettm $0x7FFFFFFF  }
tec
execute0_lowered:
.L_overlay_start_1:
0x0: {  	(tag) =	ssettag $0x1  }
0x1: {  	s0 =	rddreg [dreg:$0x0];
	s2 =	simm.s32 $0x0;
	s4 =	srdreg.scid  }
0x2: {  	s1 =	stileid.u32;
	s12 =	simm.s32 $0x5;
	s13 =	simm.s32 $0x100  }
0x3: {  	s14 =	simm.s32 $0x80;
	s15 =	simm.s32 $0x200;
	s16 =	simm.s32 $0x8200  }
0x4: {  	s17 =	simm.s32 $0x180;
	s18 =	simm.s32 $0x4200;
	s19 =	simm.s32 $0xC200  }
0x5: {  	s20 =	simm.s32 $0x1;
	s21 =	simm.s32 $0x3;
	s22 =	simm.s32 $0x10200  }
0x6: {  	s23 =	simm.s32 $0x2;
	s24 =	simm.s32 $0x4;
	s25 =	simm.s32 $0x0  }
0x7: {  	[smem:$0x7FF] =	sst s2;
	s3 =	sadd.s32 $0x4C00, s0;
	s5 =	sand.u32 $0x1, s4  }
0x8: {  	s6 =	sshll.u32 s1, $0x1;
	s4 =	sadd.s32 $0x36400, s0;
	s7 =	sadd.s32 $0x85400, s0  }
0x9: {  	_ =	strace $0x80000047;
	s8 =	ssub.s32 $0x2, s5;
	s9 =	sor.u32 s5, s6  }
0xa: {  	s5 =	sadd.s32 $0x2C400, s0;
	s10 =	sshrl.u32 s8, $0x1;
	s11 =	smul.u32 $0x280, s9  }
0xb: {  	s6 =	sadd.s32 $0x31400, s0;
	s31 =	ssub.s32 s8, s10;
	s8 =	smul.u32 $0x28, s9  }
0xc: {  	s9 =	sadd.s32 s5, s11;
	s10 =	sadd.s32 s6, s11;
	s11 =	smax.u32 s31, $0x1  }
.LBB2_1:
0xd: {  	[tilespmem:s2], [sflag:$0x5] =	stream.linear.gather [hbm4b:s9+s2], $0x80, $0x38;
	[tilespmem:$0x10A00] =	vst v63  }
0xe: {  	_ =	swait.ge [sflag:s12], $0x80  }
0xf: {  	[sflag:s12] =	ssyncset.done $0x0  }
0x10: {  	[sflag:s12] =	ssyncadd.s32 $0xFFFFFF80  }
0x11: {  	[tilespmem:s13], [sflag:$0x5] =	stream.linear.gather [hbm4b:s10+s2], $0x80, $0x38;
	[tilespmem:$0x10A00] =	vst v63  }
0x12: {  	_ =	swait.ge [sflag:s12], $0x80  }
0x13: {  	[sflag:s12] =	ssyncset.done $0x0  }
0x14: {  	[sflag:s12] =	ssyncadd.s32 $0xFFFFFF80  }
0x15: {  	[tilespmem:s15], [sflag:$0x1] =	stream.indirect.gather [hbm4b:s3+s14], $0x80, s2, s14, $0xb8;
	[tilespmem:$0x10A00] =	vst v63  }
0x16: {  	s26 =	simm.s32 $0x0  }
0x17: {  	[tilespmem:s16], [sflag:$0x3] =	stream.indirect.gather [hbm4b:s4+s14], $0x80, s13, s14, $0xb8;
	[tilespmem:$0x10A00] =	vst v63  }
.LBB2_2:
0x18: {  	s0 =	sshllo.u32 s26, $0x1  }
0x19: {  	s28 =	sadd.s32 s8, s0  }
0x1a: {  	s0 =	sshll.u32 s0, $0x4;
	s29 =	sshll.u32 s28, $0x4  }
0x1b: {  	s0 =	sand.u32 $0x70, s0;
	s29 =	sand.u32 $0xFFFFF80, s29  }
0x1c: {  	s0 =	sor.u32 s0, s29  }
0x1d: {  	s30 =	simm.s32 $0x0;
	s29 =	sadd.s32 s5, s0  }
0x1e: {  	[tilespmem:s14], [sflag:$0x5] =	stream.linear.gather [hbm4b:s29+s30], $0x80, $0x38;
	[tilespmem:$0x10A00] =	vst v63  }
0x1f: {  	_ =	swait.ge [sflag:s12], $0x80  }
0x20: {  	[sflag:s12] =	ssyncset.done $0x0  }
0x21: {  	s0 =	sadd.s32 s6, s0;
	[sflag:s12] =	ssyncadd.s32 $0xFFFFFF80  }
0x22: {  	[tilespmem:s17], [sflag:$0x5] =	stream.linear.gather [hbm4b:s0+s30], $0x80, $0x38;
	[tilespmem:$0x10A00] =	vst v63  }
0x23: {  	_ =	swait.ge [sflag:s12], $0x80  }
0x24: {  	[sflag:s12] =	ssyncset.done $0x0  }
0x25: {  	[sflag:s12] =	ssyncadd.s32 $0xFFFFFF80  }
0x26: {  	[tilespmem:s18], [sflag:$0x2] =	stream.indirect.gather [hbm4b:s3+s14], $0x80, s14, s14, $0xb8;
	[tilespmem:$0x10A00] =	vst v63  }
0x27: {  	_ = 	snop  }
0x28: {  	[tilespmem:s19], [sflag:$0x4] =	stream.indirect.gather [hbm4b:s4+s14], $0x80, s17, s14, $0xb8;
	[tilespmem:$0x10A00] =	vst v63  }
0x29: {  	_ =	swait.ge [sflag:s20], $0x4000  }
0x2a: {  	[sflag:s20] =	ssyncset.done $0x0  }
0x2b: {  	[sflag:s20] =	ssyncadd.s32 $0xFFFFC000  }
0x2c: {  	_ =	swait.ge [sflag:s21], $0x4000  }
0x2d: {  	[sflag:s21] =	ssyncset.done $0x0  }
0x2e: {  	s0 =	simm.s32 $0x0;
	[sflag:s21] =	ssyncadd.s32 $0xFFFFC000  }
0x2f: {  	v0 =	vld [tilespmem:s0+$0x8200]  }
0x30: {  	v1 =	vld [tilespmem:s0+$0x200];
	_ =	sdelay $0x4  }
0x31: {  	v0 =	vadd.f32 v0, v1;
	_ =	sdelay $0x1  }
0x32: {  	v0 =	vsub.f32 $0.0e+00, v0;
	_ =	sdelay $0x1  }
0x33: {  	v0 =	vmul.f32 $1.442695020e+00, v0;
	_ =	sdelay $0x1  }
0x34: {  	(erf) = vpow2.f32 v0;
	_ =	sdelay $0x8  }
0x35: {  	v0 =	vpop (erf)  }
0x36: {  	v0 =	vadd.f32 $1.000000000e+00, v0;
	_ =	sdelay $0x1  }
0x37: {  	(erf) = vrcp.f32 v0;
	_ =	sdelay $0x8  }
0x38: {  	s30 =	simm.s32 $0x10200;
	v0 =	vpop (erf)  }
0x39: {  	s0 =	simm.s32 $0x80;
	[tilespmem:s30+$0x0] =	vst v0  }
0x3a: {  	s31 =	simm.s32 $0x400;
	s29 =	sshll.u32 s26, $0x1;
	v0 =	vld [tilespmem:s0+$0x8200]  }
.LBB2_3:
0x3b: {  	p0 =	sne.s32 s31, $0xF800;
	v1 =	vld [tilespmem:s0+$0x200];
	_ =	sdelay $0x4  }
0x3c: {  	v0 =	vadd.f32 v0, v1;
	_ =	sdelay $0x1  }
0x3d: {  	v0 =	vsub.f32 $0.0e+00, v0;
	_ =	sdelay $0x1  }
0x3e: {  	v0 =	vmul.f32 $1.442695020e+00, v0;
	_ =	sdelay $0x1  }
0x3f: {  	(erf) = vpow2.f32 v0;
	_ =	sdelay $0x8  }
0x40: {  	v0 =	vpop (erf)  }
0x41: {  	v0 =	vadd.f32 $1.000000000e+00, v0;
	_ =	sdelay $0x1  }
0x42: {  	(erf) = vrcp.f32 v0;
	_ =	sdelay $0x6  }
.Ltmp0:
0x43: {  	(pc) =	sbr.rel @p0 .LBB2_3-.Ltmp0, $4  }
0x44: {  	_ = 	snop  }
0x45: {  	s30 =	sadd.s32 $0x10, s30;
	v0 =	vpop (erf)  }
0x46: {  	s0 =	sshra.s32 s31, $0x2;
	[tilespmem:s30+$0x0] =	vst v0  }
0x47: {  	s31 =	sadd.s32 $0x200, s31;
	v0 =	vld [tilespmem:s0+$0x8200]  }
0x48: {  	v1 =	vld [tilespmem:s0+$0x200];
	_ =	sdelay $0x4  }
0x49: {  	v0 =	vadd.f32 v0, v1;
	_ =	sdelay $0x1  }
0x4a: {  	v0 =	vsub.f32 $0.0e+00, v0;
	_ =	sdelay $0x1  }
0x4b: {  	v0 =	vmul.f32 $1.442695020e+00, v0;
	_ =	sdelay $0x1  }
0x4c: {  	(erf) = vpow2.f32 v0;
	_ =	sdelay $0x8  }
0x4d: {  	v0 =	vpop (erf)  }
0x4e: {  	v0 =	vadd.f32 $1.000000000e+00, v0;
	_ =	sdelay $0x1  }
0x4f: {  	(erf) = vrcp.f32 v0;
	_ =	sdelay $0x6  }
0x50: {  	s31 =	sadd.s32 s8, s29  }
0x51: {  	s0 =	smul.u32 $0xFA, s31  }
0x52: {  	s30 =	sadd.s32 $0x10, s30;
	v0 =	vpop (erf)  }
0x53: {  	p0 =	seq.s32 s26, $0x13;
	s0 =	sadd.s32 s7, s0;
	[tilespmem:s30+$0x0] =	vst v0  }
0x54: {  	[hbm4b:s0+s2] =	stream.linear.scatter [tilespmem:s22], [sflag:$0x5], $0x7D0, $0x38;
	[tilespmem:$0x10A00] =	vst v63  }
0x55: {  	s0 =	sadd.s32 @!p0 $0x2, s29  }
0x56: {  	s29 =	sadd.s32 @!p0 s8, s0  }
0x57: {  	s0 =	sshll.u32 @!p0 s0, $0x4;
	s29 =	sshll.u32 @!p0 s29, $0x4  }
0x58: {  	_ =	swait.ge [sflag:s12], $0x7D0;
	s0 =	sand.u32 @!p0 $0x60, s0;
	s29 =	sand.u32 @!p0 $0xFFFFF80, s29  }
0x59: {  	[sflag:s12] =	ssyncset.done $0x0;
	s0 =	sor.u32 @!p0 s0, s29  }
0x5a: {  	s30 =	simm.s32 @!p0 $0x0;
	[sflag:s12] =	ssyncadd.s32 $0xFFFFF830;
	s29 =	sadd.s32 @!p0 s5, s0  }
0x5b: {  	[tilespmem:s30], [sflag:$0x5] =	stream.linear.gather @!p0 [hbm4b:s29+s30], $0x80, $0x38;
	[tilespmem:$0x10A00] =	vst v63  }
0x5c: {  	s29 =	simm.s32 @!p0 $0x5  }
0x5d: {  	_ =	swait.ge @!p0 [sflag:s29], $0x80  }
0x5e: {  	[sflag:s29] =	ssyncset.done @!p0 $0x0  }
0x5f: {  	s31 =	simm.s32 @!p0 $0x100;
	s0 =	sadd.s32 @!p0 s6, s0;
	[sflag:s29] =	ssyncadd.s32 @!p0 $0xFFFFFF80  }
0x60: {  	[tilespmem:s31], [sflag:$0x5] =	stream.linear.gather @!p0 [hbm4b:s0+s30], $0x80, $0x38;
	[tilespmem:$0x10A00] =	vst v63  }
0x61: {  	_ =	swait.ge @!p0 [sflag:s29], $0x80  }
0x62: {  	[sflag:s29] =	ssyncset.done @!p0 $0x0  }
0x63: {  	s0 =	simm.s32 @!p0 $0x80;
	[sflag:s29] =	ssyncadd.s32 @!p0 $0xFFFFFF80;
	s29 =	simm.s32 @!p0 $0x200  }
0x64: {  	[tilespmem:s29], [sflag:$0x1] =	stream.indirect.gather @!p0 [hbm4b:s3+s0], $0x80, s30, s0, $0xb8;
	[tilespmem:$0x10A00] =	vst v63  }
0x65: {  	s29 =	simm.s32 @!p0 $0x8200  }
0x66: {  	[tilespmem:s29], [sflag:$0x3] =	stream.indirect.gather @!p0 [hbm4b:s4+s0], $0x80, s31, s0, $0xb8;
	[tilespmem:$0x10A00] =	vst v63  }
0x67: {  	_ =	swait.ge [sflag:s23], $0x4000  }
0x68: {  	[sflag:s23] =	ssyncset.done $0x0  }
0x69: {  	[sflag:s23] =	ssyncadd.s32 $0xFFFFC000  }
0x6a: {  	_ =	swait.ge [sflag:s24], $0x4000  }
0x6b: {  	[sflag:s24] =	ssyncset.done $0x0  }
0x6c: {  	s31 =	simm.s32 $0x0;
	[sflag:s24] =	ssyncadd.s32 $0xFFFFC000  }
0x6d: {  	v0 =	vld [tilespmem:s31+$0xC200]  }
0x6e: {  	v1 =	vld [tilespmem:s31+$0x4200];
	_ =	sdelay $0x4  }
0x6f: {  	v0 =	vadd.f32 v0, v1;
	_ =	sdelay $0x1  }
0x70: {  	v0 =	vsub.f32 $0.0e+00, v0;
	_ =	sdelay $0x1  }
0x71: {  	v0 =	vmul.f32 $1.442695020e+00, v0;
	_ =	sdelay $0x1  }
0x72: {  	(erf) = vpow2.f32 v0;
	_ =	sdelay $0x8  }
0x73: {  	v0 =	vpop (erf)  }
0x74: {  	v0 =	vadd.f32 $1.000000000e+00, v0;
	_ =	sdelay $0x1  }
0x75: {  	(erf) = vrcp.f32 v0;
	_ =	sdelay $0x8  }
0x76: {  	s29 =	simm.s32 $0x10200;
	v0 =	vpop (erf)  }
0x77: {  	s0 =	simm.s32 $0x80;
	[tilespmem:s29+$0x0] =	vst v0  }
0x78: {  	s30 =	simm.s32 $0x400;
	v0 =	vld [tilespmem:s0+$0xC200]  }
.LBB2_5:
0x79: {  	p0 =	sne.s32 s30, $0xF800;
	v1 =	vld [tilespmem:s0+$0x4200];
	_ =	sdelay $0x4  }
0x7a: {  	v0 =	vadd.f32 v0, v1;
	_ =	sdelay $0x1  }
0x7b: {  	v0 =	vsub.f32 $0.0e+00, v0;
	_ =	sdelay $0x1  }
0x7c: {  	v0 =	vmul.f32 $1.442695020e+00, v0;
	_ =	sdelay $0x1  }
0x7d: {  	(erf) = vpow2.f32 v0;
	_ =	sdelay $0x8  }
0x7e: {  	v0 =	vpop (erf)  }
0x7f: {  	v0 =	vadd.f32 $1.000000000e+00, v0;
	_ =	sdelay $0x1  }
0x80: {  	(erf) = vrcp.f32 v0;
	_ =	sdelay $0x6  }
.Ltmp1:
0x81: {  	(pc) =	sbr.rel @p0 .LBB2_5-.Ltmp1, $4  }
0x82: {  	_ = 	snop  }
0x83: {  	s29 =	sadd.s32 $0x10, s29;
	v0 =	vpop (erf)  }
0x84: {  	s0 =	sshra.s32 s30, $0x2;
	[tilespmem:s29+$0x0] =	vst v0  }
0x85: {  	s30 =	sadd.s32 $0x200, s30;
	v0 =	vld [tilespmem:s0+$0xC200]  }
0x86: {  	v1 =	vld [tilespmem:s0+$0x4200];
	_ =	sdelay $0x4  }
0x87: {  	v0 =	vadd.f32 v0, v1;
	_ =	sdelay $0x1  }
0x88: {  	v0 =	vsub.f32 $0.0e+00, v0;
	_ =	sdelay $0x1  }
0x89: {  	v0 =	vmul.f32 $1.442695020e+00, v0;
	_ =	sdelay $0x1  }
0x8a: {  	(erf) = vpow2.f32 v0;
	_ =	sdelay $0x8  }
0x8b: {  	v0 =	vpop (erf)  }
0x8c: {  	v0 =	vadd.f32 $1.000000000e+00, v0;
	_ =	sdelay $0x1  }
0x8d: {  	(erf) = vrcp.f32 v0;
	_ =	sdelay $0x7  }
0x8e: {  	s30 =	smul.u32 $0xFA, s28;
	s26 =	sadd.s32 $0x1, s26  }
0x8f: {  	s31 =	sadd.s32 $0x10, s29;
	p0 =	sne.s32 s26, $0x14;
	v0 =	vpop (erf)  }
.Ltmp2:
0x90: {  	s0 =	sadd.s32 s7, s30;
	[tilespmem:s31+$0x0] =	vst v0;
	(pc) =	sbr.rel @p0 .LBB2_2-.Ltmp2, $4  }
0x91: {  	[hbm4b:s0+s2] =	stream.linear.scatter [tilespmem:s22], [sflag:$0x5], $0x7D0, $0x38;
	[tilespmem:$0x10A00] =	vst v63  }
0x92: {  	_ =	swait.ge [sflag:s12], $0x7D0  }
0x93: {  	[sflag:s12] =	ssyncset.done $0x0  }
0x94: {  	[sflag:s12] =	ssyncadd.s32 $0xFFFFF830  }
0x95: {  	s25 =	sadd.s32 $0x1, s25  }
0x96: {  	p0 =	sne.s32 s25, s11  }
.Ltmp3:
0x97: {  	_ = 	snop;
	(pc) =	sbr.rel @p0 .LBB2_1-.Ltmp3, $1  }
0x98: {  	_ =	sdelay $0x3  }
0x99: {  	_ =	sfence.sel $0x180000  }
0x9a: {  	[bflag:$0x0] =	sbarrier.arrive $0xFFFF  }
0x9b: {  	_ =	strace $0x90000047  }
0x9c: {  	[bflag:$0x2] =	sbarrier.arrive $0xFFFF  }
0x9d: {  	p0 =	sne.s32 s1, $0x0;
	s0 =	rddreg [dreg:$0x1]  }
0x9e: {  	s0 =	sadd.s32 @!p0 $0x100000, s0  }
0x9f: {  	[sflag:s0] =	ssyncadd.tile.s32 @!p0 $0x1;
	_ =	shalt  }
.Lfunc_end2:
_tile_overlayer_lowered:
.L_overlay_start_2:
0xa0: {  	(tag) =	ssettag $0x2  }
0xa1: {  	s0 =	rddreg [dreg:$0x0];
	s2 =	stileid.u32  }
0xa2: {  	s1 =	rddreg [dreg:$0x1];
	p0 =	sne.s32 s2, $0x0  }
0xa3: {  	s3 =	rddreg [dreg:$0x2];
	[bflag:$0x3] =	sbarrier.arrive $0xFFFF;
	s2 =	simm.s32 @!p0 $0x1C05  }
0xa4: {  	[timem:s3], [sflag:s2] =	dma.local @!p0 [hbm:s0], s1  }
0xa5: {  	s0 =	simm.s32 @!p0 $0x5  }
0xa6: {  	_ =	swait.ge @!p0 [sflag:s0], s1  }
0xa7: {  	s1 =	ssub.s32 @!p0 $0x0, s1;
	[sflag:s0] =	ssyncset.done @!p0 $0x0  }
0xa8: {  	[sflag:s0] =	ssyncadd.s32 @!p0 s1  }
0xa9: {  	[bflag:$0x3] =	sbarrier.arrive $0xFFFF  }
0xaa: {  	_ =	shalt  }

// kernel: kernel.18.cloned.1.call-start
scs
__scs_entry_jumppad:
0x0: {  	(pc) =	sbr.rel $0x88, $3  }
0x1: {  	(tag) =	ssettag $0x0;
	lr =	simm.s32 $0x1  }
0x2: {  	[smem:$0x3F94] =	sst lr;
	_ =	strace $0xD0000000  }
0x3: {  	_ = 	snop  }
0x4: {  	_ = 	snop  }
0x5: {  	_ = 	snop  }
0x6: {  	_ = 	snop  }
0x7: {  	_ = 	snop  }
__scs_overlays_trampoline_lowered:
0x8: {  	[smem:$0x3FA3] =	sst s0  }
0x9: {  	[smem:$0x3FA4] =	sst s1  }
0xa: {  	[smem:$0x3FA5] =	sst s2  }
0xb: {  	[smem:$0x3FA6] =	sst s3  }
0xc: {  	[smem:$0x3FA7] =	sst s4  }
0xd: {  	[smem:$0x3FA8] =	sst s5  }
0xe: {  	[smem:$0x3FA9] =	sst s6  }
0xf: {  	[smem:$0x3FAA] =	sst s7  }
0x10: {  	[smem:$0x3FAB] =	sst s8  }
0x11: {  	[smem:$0x3FAC] =	sst s9;
	s0 =	simm.s32 @!p0 $0x0  }
0x12: {  	s1 =	sld [smem:$0x3F92];
	s0 =	simm.s32 @p0 $0x1  }
0x13: {  	[smem:$0x3FAD] =	sst s0;
	s0 =	simm.s32 @!p1 $0x0  }
0x14: {  	s2 =	sld [smem:$0x3F91];
	s0 =	simm.s32 @p1 $0x1  }
0x15: {  	[smem:$0x3FAE] =	sst s0;
	s0 =	simm.s32 @!p2 $0x0  }
0x16: {  	s3 =	sld [smem:$0x3FDB];
	s0 =	simm.s32 @p2 $0x1  }
0x17: {  	s4 =	simm.s32 $0x1BF5;
	[smem:$0x3FB0] =	sst s0  }
0x18: {  	s0 =	sld [smem:$0x3F93];
	_ =	swait.ge [sflag:s4], $0x0  }
0x19: {  	s7 =	sld [smem:$0x3F94]  }
0x1a: {  	s8 =	sadd.s32 $0xFFFFE003, lr  }
0x1b: {  	s9 =	sadd.s32 $0xFFFFFEF7, lr;
	s5 =	simm.s32 $0xFFFFFFFF;
	p2 =	slt.u32 s8, $0xFFFFF086  }
0x1c: {  	p1 =	slt.u32 s9, $0xF7A;
	s5 =	simm.s32 @!p2 $0x0  }
0x1d: {  	s5 =	simm.s32 @p1 $0x1;
	p0 =	seq.s32 s7, s2  }
0x1e: {  	s7 =	smul.u32 @!p0 $0xF7A, s2;
	p2 =	seq.s32 @!p0 s5, $0x0  }
0x1f: {  	s9 =	smul.u32 $0xF7A, s1;
	s8 =	simm.s32 @!p0 $0x1BF5;
	p2 =	por !p2, p0  }
0x20: {  	[sflag:s8] =	ssyncset.s32 @!p0 $0xFFFFF086;
	s6 =	sadd.s32 @!p0 s3, s7;
	s7 =	simm.s32 @!p0 $0x108  }
0x21: {  	s3 =	sadd.s32 s3, s9;
	s6 =	sadd.s32 @!p0 $0x88, s6;
	s7 =	simm.s32 @p2 $0x1082  }
0x22: {  	[simem:s7], [sflag:s8] =	dma.local @!p0 [hbm:s6], $0xF7A  }
0x23: {  	s9 =	sor.u32 $0xD0000000, s2;
	s6 =	simm.s32 $0x108;
	_ =	swait.ge @!p0 [sflag:s8], $0x0  }
0x24: {  	s3 =	sadd.s32 $0x88, s3;
	s6 =	simm.s32 @!p1 $0x1082;
	[sflag:s4] =	ssyncset.s32 $0xFFFFF086  }
0x25: {  	[simem:s6], [sflag:s4] =	dma.local [hbm:s3], $0xF7A  }
0x26: {  	[smem:$0x3F94] =	sst s1;
	(tag) =	ssettag s2;
	_ =	strace s9  }
0x27: {  	s1 =	sld [smem:$0x3FA4]  }
0x28: {  	s2 =	sld [smem:$0x3FA5]  }
0x29: {  	s4 =	sld [smem:$0x3FA7]  }
0x2a: {  	p0 =	seq.s32 s5, $0x0;
	s5 =	sld [smem:$0x3FA8]  }
0x2b: {  	s6 =	sld [smem:$0x3FA9]  }
0x2c: {  	s7 =	sld [smem:$0x3FAA]  }
0x2d: {  	s3 =	simm.s32 $0x108;
	s8 =	sld [smem:$0x3FAB]  }
0x2e: {  	s3 =	simm.s32 @!p0 $0x1082;
	s9 =	sld [smem:$0x3FAC]  }
0x2f: {  	lr =	sadd.s32 s0, s3;
	s0 =	sld [smem:$0x3FA3]  }
0x30: {  	s3 =	sld [smem:$0x3FA6]  }
0x31: {  	[smem:$0x3FAF] =	sst s10  }
0x32: {  	s10 =	sld [smem:$0x3FAD];
	_ =	sdelay $0x3  }
0x33: {  	p0 =	seq.s32 s10, $0x1;
	s10 =	sld [smem:$0x3FAF];
	_ =	sdelay $0x3  }
0x34: {  	[smem:$0x3FAF] =	sst s10  }
0x35: {  	s10 =	sld [smem:$0x3FAE];
	_ =	sdelay $0x3  }
0x36: {  	p1 =	seq.s32 s10, $0x1;
	s10 =	sld [smem:$0x3FAF];
	_ =	sdelay $0x3  }
0x37: {  	[smem:$0x3FAF] =	sst s10  }
0x38: {  	s10 =	sld [smem:$0x3FB0]  }
0x39: {  	_ = 	snop;
	(pc) =	sbr.ind lr, $3  }
0x3a: {  	_ = 	snop  }
0x3b: {  	_ = 	snop  }
0x3c: {  	p2 =	seq.s32 s10, $0x1;
	s10 =	sld [smem:$0x3FAF]  }
0x3d: {  	_ =	shalt  }
0x3e: {  	_ =	shalt  }
0x3f: {  	_ =	shalt  }
0x40: {  	_ =	shalt  }
0x41: {  	_ =	shalt  }
0x42: {  	_ =	shalt  }
0x43: {  	_ =	shalt  }
0x44: {  	_ =	shalt  }
0x45: {  	_ =	shalt  }
0x46: {  	_ =	shalt  }
0x47: {  	_ =	shalt  }
0x48: {  	_ =	shalt  }
0x49: {  	_ =	shalt  }
0x4a: {  	_ =	shalt  }
0x4b: {  	_ =	shalt  }
0x4c: {  	_ =	shalt  }
0x4d: {  	_ =	shalt  }
0x4e: {  	_ =	shalt  }
0x4f: {  	_ =	shalt  }
0x50: {  	_ =	shalt  }
0x51: {  	_ =	shalt  }
0x52: {  	_ =	shalt  }
0x53: {  	_ =	shalt  }
0x54: {  	_ =	shalt  }
0x55: {  	_ =	shalt  }
0x56: {  	_ =	shalt  }
0x57: {  	_ =	shalt  }
0x58: {  	_ =	shalt  }
0x59: {  	_ =	shalt  }
0x5a: {  	_ =	shalt  }
0x5b: {  	_ =	shalt  }
0x5c: {  	_ =	shalt  }
0x5d: {  	_ =	shalt  }
0x5e: {  	_ =	shalt  }
0x5f: {  	_ =	shalt  }
0x60: {  	_ =	shalt  }
0x61: {  	_ =	shalt  }
0x62: {  	_ =	shalt  }
0x63: {  	_ =	shalt  }
0x64: {  	_ =	shalt  }
0x65: {  	_ =	shalt  }
0x66: {  	_ =	shalt  }
0x67: {  	_ =	shalt  }
0x68: {  	_ =	shalt  }
0x69: {  	_ =	shalt  }
0x6a: {  	_ =	shalt  }
0x6b: {  	_ =	shalt  }
0x6c: {  	_ =	shalt  }
0x6d: {  	_ =	shalt  }
0x6e: {  	_ =	shalt  }
0x6f: {  	_ =	shalt  }
0x70: {  	_ =	shalt  }
0x71: {  	_ =	shalt  }
0x72: {  	_ =	shalt  }
0x73: {  	_ =	shalt  }
0x74: {  	_ =	shalt  }
0x75: {  	_ =	shalt  }
0x76: {  	_ =	shalt  }
0x77: {  	_ =	shalt  }
0x78: {  	_ =	shalt  }
0x79: {  	_ =	shalt  }
0x7a: {  	_ =	shalt  }
0x7b: {  	_ =	shalt  }
0x7c: {  	_ =	shalt  }
0x7d: {  	_ =	shalt  }
0x7e: {  	_ =	shalt  }
0x7f: {  	_ =	shalt  }
0x80: {  	_ =	shalt  }
0x81: {  	_ =	shalt  }
0x82: {  	_ =	shalt  }
0x83: {  	_ =	shalt  }
0x84: {  	_ =	shalt  }
0x85: {  	_ =	shalt  }
0x86: {  	_ =	shalt  }
0x87: {  	_ =	shalt  }
.Lfunc_end0:
.L_simem_size_0:
called_computation.1_lowered:
.L_overlay_start_0:
0x88: {  	s2 =	sld [smem:$0x3FD9]  }
0x89: {  	s3 =	sld [smem:$0x3FFE];
	_ =	sdelay $0x1  }
0x8a: {  	s1 =	srdreg.scid  }
0x8b: {  	s0 =	sand.u32 $0x1, s1  }
0x8c: {  	s17 =	sshll.u32 s0, $0xA;
	s2 =	sadd.s32 s3, s2  }
0x8d: {  	s2 =	sadd.s32 s2, s17  }
0x8e: {  	[smem:$0x3FBB] =	sst s2  }
0x8f: {  	_ = 	snop  }
0x90: {  	(tm) =	ssettm $0x1  }
0x91: {  	s18 =	sld [smem:$0x3FFB];
	_ =	sdelay $0x3  }
0x92: {  	_ =	strace s18  }
0x93: {  	s2 =	sld [smem:$0x3FFC];
	_ =	sdelay $0x3  }
0x94: {  	_ =	strace s2  }
0x95: {  	s2 =	sld [smem:$0x3FFD];
	_ =	sdelay $0x3  }
0x96: {  	_ =	strace s2  }
0x97: {  	_ =	strace $0x8FFFFFFF  }
0x98: {  	s19 =	sld [smem:$0x3FDB];
	_ =	sdelay $0x1  }
0x99: {  	s20 =	simm.s32 $_scs_section_size  }
0x9a: {  	s4 =	simm.s32 $_size__tile_overlayer_lowered;
	s5 =	simm.s32 $_tile_overlayer_lowered  }
0x9b: {  	s6 =	simm.s32 $0x1BFF;
	s21 =	sshll.u32 s5, $0x1;
	s3 =	sadd.s32 s20, s19  }
0x9c: {  	s22 =	simm.s32 $0x0;
	s4 =	sshll.u32 s4, $0x1;
	s5 =	sadd.s32 s21, s3  }
0x9d: {  	[timem:s22], [sflag:s6] =	dma.local [hbm:s5], s4  }
0x9e: {  	_ =	swait.ge [sflag:s6], s4  }
0x9f: {  	s4 =	ssub.s32 $0x0, s4;
	[sflag:s6] =	ssyncset.done $0x0  }
0xa0: {  	[sflag:s6] =	ssyncadd.s32 s4;
	_ =	sdelay $0x1  }
0xa1: {  	s23 =	simm.s32 $0x1B8B  }
0xa2: {  	_ =	swait.ge [sflag:s23], $0x1  }
0xa3: {  	[sflag:s23] =	ssyncset.done $0x0  }
0xa4: {  	[sflag:s23] =	ssyncadd.s32 $0xFFFFFFFF  }
0xa5: {  	s4 =	sld [smem:$0x0]  }
0xa6: {  	s5 =	sand.u32 $0xFFFFFFFE, s1  }
0xa7: {  	p0 =	sne.s32 s1, s5  }
0xa8: {  	s5 =	sshll.u32 @p0 s5, $0xE  }
0xa9: {  	s5 =	sadd.s32 @p0 $0x11B8D, s5;
	s6 =	sshll.u32 @p0 s4, $0x11  }
0xaa: {  	s5 =	sor.u32 @p0 s6, s5  }
0xab: {  	[sflag:s5] =	ssyncadd.remote.s32 @p0 $0x1;
	_ =	sdelay $0x1  }
0xac: {  	s5 =	simm.s32 @p0 $0x1B8D  }
0xad: {  	_ =	swait.eq @p0 [sflag:s5], $0x1  }
0xae: {  	[sflag:s5] =	ssyncadd.s32 @p0 $0xFFFFFFFF  }
0xaf: {  	s6 =	sshll.u32 @!p0 s1, $0xE  }
0xb0: {  	s6 =	sor.u32 @!p0 $0x4000, s6;
	s5 =	simm.s32 @!p0 $0x1B8D  }
0xb1: {  	s4 =	sshll.u32 @!p0 s4, $0x11;
	s6 =	sadd.s32 @!p0 $0x11B8D, s6;
	_ =	swait.eq @!p0 [sflag:s5], $0x1  }
0xb2: {  	s4 =	sor.u32 @!p0 s4, s6;
	[sflag:s5] =	ssyncadd.s32 @!p0 $0xFFFFFFFF  }
0xb3: {  	s25 =	simm.s32 $0x1B8E;
	s24 =	sld [smem:$0x3FFE];
	[sflag:s4] =	ssyncadd.remote.s32 @!p0 $0x1  }
0xb4: {  	s26 =	simm.s32 $execute0_lowered;
	[smem:$0x3FD2] =	sst s25  }
0xb5: {  	s5 =	sshll.u32 s26, $0x1;
	_ =	strace $0x8000004C;
	[dreg:$0x1] =	wrdreg $0xFFFFFFFF  }
0xb6: {  	s28 =	simm.s32 $_size_execute0_lowered;
	s3 =	sadd.s32 s3, s5;
	[dreg:$0x0] =	wrdreg $0x0  }
0xb7: {  	s5 =	sshll.u32 s28, $0x1;
	[dreg:$0x2] =	wrdreg s3  }
0xb8: {  	[dreg:$0x3] =	wrdreg s5  }
0xb9: {  	[dreg:$0x4] =	wrdreg $0xC0  }
0xba: {  	_ =	task [dreg:s22], $0x5FFFF  }
0xbb: {  	[dreg:$0x1] =	wrdreg $0xFFFFFFFF  }
0xbc: {  	[dreg:$0x0] =	wrdreg $0x60  }
0xbd: {  	[dreg:$0x2] =	wrdreg s24  }
0xbe: {  	[dreg:$0x3] =	wrdreg $0x48800  }
0xbf: {  	[dreg:$0x4] =	wrdreg $0x9  }
0xc0: {  	_ =	task.clear_ibuf [dreg:s22], $0x5FFFF;
	_ =	strace $0x9000004C  }
0xc1: {  	s29 =	simm.s32 $0x9;
	_ =	strace $0x8000004E  }
0xc2: {  	_ =	swait.ge [sflag:s29], $0x1  }
0xc3: {  	[sflag:s29] =	ssyncadd.s32 $0xFFFFFFFF  }
0xc4: {  	_ =	strace $0x9000004E  }
0xc5: {  	_ =	sfence  }
0xc6: {  	s30 =	sld [smem:$0x0];
	_ =	sdelay $0x2  }
0xc7: {  	s31 =	sshll.u32 s1, $0xD;
	s1 =	sshrl.u32 s1, $0x2  }
0xc8: {  	s4 =	sand.u32 $0x4000, s31;
	s1 =	sadd.s32 s1, s30  }
0xc9: {  	s0 =	sor.u32 s4, s0;
	s1 =	sshll.u32 s1, $0x11  }
0xca: {  	s0 =	sor.u32 s1, s0  }
0xcb: {  	s0 =	sadd.s32 $0x8F2B, s0  }
0xcc: {  	[sflag:s0] =	ssyncadd.remote.s32 $0x1  }
0xcd: {  	_ =	sfence.sel $0xFFFF  }
0xce: {  	[dreg:$0x0] =	wrdreg $0xFFFFFFFF;
	(pc) =	sbr.abs _section_cstart, $3  }
0xcf: {  	[dreg:$0x1] =	wrdreg $0xFFFFFFFF  }
0xd0: {  	_ =	task.clear_ibuf [dreg:s22], $0x2FFFF;
	_ =	strace $0x9FFFFFFF  }
0xd1: {  	(tm) =	ssettm $0x7FFFFFFF  }
tec
execute0_lowered:
.L_overlay_start_1:
0x0: {  	(tag) =	ssettag $0x1  }
0x1: {  	s7 =	rddreg [dreg:$0x0]  }
0x2: {  	s2 =	rddreg [dreg:$0x1]  }
0x3: {  	s0 =	rddreg [dreg:$0x2]  }
0x4: {  	s4 =	srdreg.scid;
	s1 =	stileid.u32;
	s3 =	simm.s32 $0x0  }
0x5: {  	s15 =	simm.s32 $0x880;
	s16 =	simm.s32 $0x80;
	s17 =	simm.s32 $0x0  }
0x6: {  	s8 =	sand.u32 $0x1, s4;
	s9 =	smul.u32 $0xA000, s1;
	[smem:$0x7FF] =	sst s3  }
0x7: {  	s4 =	sadd.s32 $0x85400, s7;
	s5 =	sadd.s32 $0xD3600, s7;
	s11 =	smul.u32 $0x28000, s1  }
0x8: {  	s31 =	sshll.u32 s1, $0x6;
	s6 =	smul.u32 $0xA0000, s8;
	s12 =	ssub.s32 $0x2, s8  }
0x9: {  	_ =	strace $0x8000004D;
	s8 =	smul.u32 $0x28000, s8;
	s28 =	sshrl.u32 s12, $0x1  }
0xa: {  	s29 =	sshrl.u32 s11, $0x2;
	s30 =	sshrl.u32 s9, $0x3;
	s10 =	sadd.s32 s9, s6  }
0xb: {  	s6 =	sadd.s32 $0x4C00, s7;
	s12 =	ssub.s32 s12, s28;
	s14 =	sadd.s32 s29, s2  }
0xc: {  	s9 =	sor.u32 $0x1C01, s31;
	s10 =	sshrl.u32 s10, $0x3;
	s12 =	smax.u32 s12, $0x1  }
0xd: {  	v0 =	vimm.s32 $0x0;
	s13 =	sadd.s32 s10, s7;
	s7 =	sadd.s32 s6, s30;
	s10 =	smul.u32 $0x50, s1  }
0xe: {  	v1 =	vimm.s32 $0x1;
	v2 =	vimm.s32 $0x2;
	v3 =	vimm.s32 $0x3;
	s11 =	sadd.s32 $0x105600, s13;
	s13 =	sshrl.u32 s14, $0x3;
	s14 =	simm.s32 $0x1  }
.LBB2_1:
0xf: {  	[spmem:s13], [sflag:s9] =	dma.local [hbm:s7], $0x1400  }
0x10: {  	_ =	swait.ge [sflag:s14], $0x1400  }
0x11: {  	[sflag:s14] =	ssyncset.done $0x0  }
0x12: {  	[sflag:s14] =	ssyncadd.s32 $0xFFFFEC00  }
0x13: {  	[tilespmem:s15], [sflag:$0x1] =	stream.linear.gather [hbm4b:s6+s3], $0x4000, $0x38;
	[tilespmem:$0xE880] =	vst v63  }
0x14: {  	_ =	swait.ge [sflag:s14], $0x4000  }
0x15: {  	[sflag:s14] =	ssyncset.done $0x0  }
0x16: {  	[sflag:s14] =	ssyncadd.s32 $0xFFFFC000  }
0x17: {  	s18 =	simm.s32 $0x0;
	[bflag:$0x0] =	sbarrier.arrive $0xFFFF  }
.LBB2_2:
0x18: {  	s19 =	sadd.s32 s10, s18  }
0x19: {  	s20 =	sshll.u32 s19, $0x7  }
0x1a: {  	s21 =	sshll.u32 s18, $0x7;
	s20 =	sand.u32 $0x7FC00, s20  }
0x1b: {  	s21 =	sand.u32 $0x380, s21;
	s20 =	sadd.s32 s8, s20  }
0x1c: {  	s20 =	sor.u32 s21, s20  }
0x1d: {  	s20 =	sshrl.u32 s20, $0x3  }
0x1e: {  	s30 =	simm.s32 $0x0;
	s20 =	sadd.s32 s5, s20  }
0x1f: {  	[tilespmem:s30], [sflag:$0x1] =	stream.linear.gather [hbm4b:s20+s30], $0x80, $0x38;
	[tilespmem:$0xE880] =	vst v63  }
0x20: {  	s19 =	smul.u32 $0xFA, s19;
	_ =	swait.ge [sflag:s14], $0x80  }
0x21: {  	[sflag:s14] =	ssyncset.done $0x0  }
0x22: {  	s19 =	sadd.s32 s4, s19;
	[sflag:s14] =	ssyncadd.s32 $0xFFFFFF80  }
0x23: {  	[tilespmem:s16], [sflag:$0x1] =	stream.linear.gather [hbm4b:s19+s30], $0x7D0, $0x38;
	[tilespmem:$0xE880] =	vst v63  }
0x24: {  	_ =	swait.ge [sflag:s14], $0x7D0  }
0x25: {  	[sflag:s14] =	ssyncset.done $0x0  }
0x26: {  	s19 =	simm.s32 $0x8C0;
	[sflag:s14] =	ssyncadd.s32 $0xFFFFF830  }
0x27: {  	v4 =	vld [tilespmem:s19+$0xFFFFFFC0]  }
0x28: {  	v6 =	vld [tilespmem:s19+$0x20]  }
0x29: {  	s31 =	simm.s32 $0x0;
	v7 =	vld [tilespmem:s19+$0xFFFFFFE0]  }
0x2a: {  	v8 =	vld [tilespmem:s31+$0x80]  }
0x2b: {  	v9 =	vld [tilespmem:s19+$0x0]  }
0x2c: {  	v10 =	vld [tilespmem:s19+$0x30]  }
0x2d: {  	v5 =	vld [tilespmem:s19+$0xFFFFFFD0]  }
0x2e: {  	v13 =	vmul.f32 $0.0e+00, v6;
	v12 =	vmul.f32 $0.0e+00, v4  }
0x2f: {  	v14 =	vld [tilespmem:s19+$0x10];
	v4 =	vmul.f32 $0.0e+00, v7;
	v7 =	vperm.xlane v8, v3;
	_ =	sdelay $0x1  }
0x30: {  	v6 =	vmul.f32 $0.0e+00, v9;
	v9 =	vadd.f32 v13, v7;
	v13 =	vmul.f32 $0.0e+00, v10;
	v10 =	vld [tilespmem:s19+$0xFFFFFFF0]  }
0x31: {  	v11 =	vmul.f32 $0.0e+00, v5;
	v15 =	vperm.xlane v8, v0  }
0x32: {  	v5 =	vperm.xlane v8, v2;
	v8 =	vperm.xlane v8, v1  }
0x33: {  	s21 =	simm.s32 $0x8C0;
	s20 =	simm.s32 $0x40;
	v14 =	vmul.f32 $0.0e+00, v14;
	v12 =	vadd.f32 v12, v15;
	v11 =	vadd.f32 v11, v15  }
.LBB2_3:
0x34: {  	p0 =	sne.s32 s20, $0x1F00  }
0x35: {  	[tilespmem:s19+$0xFFFFFFC0] =	vst v12;
	v10 =	vmul.f32 $0.0e+00, v10;
	v6 =	vadd.f32 v6, v5;
	v7 =	vadd.f32 v13, v7;
	s21 =	sadd.s32 $0x80, s21;
	s22 =	smov.u32 s20;
	s20 =	sadd.s32 $0x40, s20  }
0x36: {  	v4 =	vadd.f32 v4, v8;
	v5 =	vadd.f32 v14, v5;
	[tilespmem:s19+$0x20] =	vst v9  }
0x37: {  	[tilespmem:s19+$0xFFFFFFD0] =	vst v11;
	v8 =	vadd.f32 v10, v8  }
0x38: {  	v9 =	vld [tilespmem:s21+$0xFFFFFFC0];
	[tilespmem:s19+$0x30] =	vst v7  }
0x39: {  	[tilespmem:s19+$0x10] =	vst v5  }
0x3a: {  	v5 =	vld [tilespmem:s21+$0xFFFFFFD0];
	[tilespmem:s19+$0xFFFFFFE0] =	vst v4  }
0x3b: {  	v4 =	vld [tilespmem:s21+$0x20];
	[tilespmem:s19+$0xFFFFFFF0] =	vst v8  }
0x3c: {  	s22 =	sshra.s32 s22, $0x2;
	v7 =	vld [tilespmem:s21+$0xFFFFFFE0];
	[tilespmem:s19+$0x0] =	vst v6;
	s19 =	smov.u32 s21  }
0x3d: {  	v8 =	vld [tilespmem:s22+$0x80]  }
0x3e: {  	v6 =	vld [tilespmem:s21+$0x0]  }
0x3f: {  	v11 =	vld [tilespmem:s21+$0x30]  }
0x40: {  	v14 =	vmul.f32 $0.0e+00, v5;
	v15 =	vld [tilespmem:s21+$0x10];
	v13 =	vmul.f32 $0.0e+00, v4  }
.Ltmp0:
0x41: {  	v9 =	vmul.f32 $0.0e+00, v9;
	v4 =	vmul.f32 $0.0e+00, v7;
	v10 =	vld [tilespmem:s21+$0xFFFFFFF0];
	(pc) =	sbr.rel @p0 .LBB2_3-.Ltmp0, $4  }
0x42: {  	v16 =	vperm.xlane v8, v0;
	v7 =	vperm.xlane v8, v3  }
0x43: {  	v5 =	vperm.xlane v8, v2;
	v6 =	vmul.f32 $0.0e+00, v6  }
0x44: {  	v12 =	vadd.f32 v9, v16;
	v9 =	vadd.f32 v13, v7;
	v13 =	vmul.f32 $0.0e+00, v11  }
0x45: {  	v8 =	vperm.xlane v8, v1;
	v11 =	vadd.f32 v14, v16;
	v14 =	vmul.f32 $0.0e+00, v15  }
0x46: {  	[tilespmem:s19+$0xFFFFFFC0] =	vst v12  }
0x47: {  	v7 =	vadd.f32 v13, v7;
	[tilespmem:s19+$0x20] =	vst v9  }
0x48: {  	v62 =	vadd.f32 v14, v5;
	[tilespmem:s19+$0xFFFFFFD0] =	vst v11  }
0x49: {  	v61 =	vmul.f32 $0.0e+00, v10;
	v4 =	vadd.f32 v4, v8;
	[tilespmem:s19+$0x30] =	vst v7  }
0x4a: {  	v5 =	vadd.f32 v6, v5;
	[tilespmem:s19+$0x10] =	vst v62  }
0x4b: {  	s18 =	sadd.s32 $0x1, s18;
	v63 =	vadd.f32 v61, v8;
	[tilespmem:s19+$0xFFFFFFE0] =	vst v4  }
0x4c: {  	p0 =	sne.s32 s18, $0x50;
	[tilespmem:s19+$0x0] =	vst v5  }
.Ltmp1:
0x4d: {  	[tilespmem:s19+$0xFFFFFFF0] =	vst v63;
	(pc) =	sbr.rel @p0 .LBB2_2-.Ltmp1, $4  }
0x4e: {  	[spmem:s2] =	stream.indirect.scatter.add.f32 [tilespmem:s15], [sflag:$0x1], $0x80, s3, s16, $0xb8;
	[tilespmem:$0xE880] =	vst v63  }
0x4f: {  	_ =	swait.ge [sflag:s14], $0x4000  }
0x50: {  	[sflag:s14] =	ssyncset.done $0x0  }
0x51: {  	[sflag:s14] =	ssyncadd.s32 $0xFFFFC000  }
0x52: {  	s17 =	sadd.s32 $0x1, s17  }
0x53: {  	p0 =	sne.s32 s17, s12  }
.Ltmp2:
0x54: {  	[bflag:$0x0] =	sbarrier.arrive $0xFFFF;
	(pc) =	sbr.rel @p0 .LBB2_1-.Ltmp2, $4  }
0x55: {  	[hbm:s11], [sflag:s9] =	dma.local [spmem:s13], $0x1400  }
0x56: {  	_ =	swait.ge [sflag:s14], $0x1400  }
0x57: {  	[sflag:s14] =	ssyncset.done $0x0  }
0x58: {  	[sflag:s14] =	ssyncadd.s32 $0xFFFFEC00  }
0x59: {  	_ =	sfence.sel $0x180000  }
0x5a: {  	[bflag:$0x0] =	sbarrier.arrive $0xFFFF  }
0x5b: {  	p0 =	sne.s32 s1, $0x0;
	_ =	strace $0x9000004D  }
0x5c: {  	s0 =	sadd.s32 @!p0 $0x100000, s0;
	[bflag:$0x2] =	sbarrier.arrive $0xFFFF  }
0x5d: {  	[sflag:s0] =	ssyncadd.tile.s32 @!p0 $0x1;
	_ =	shalt  }
.Lfunc_end2:
_tile_overlayer_lowered:
.L_overlay_start_2:
0x5e: {  	(tag) =	ssettag $0x2  }
0x5f: {  	s0 =	rddreg [dreg:$0x0];
	s2 =	stileid.u32  }
0x60: {  	s1 =	rddreg [dreg:$0x1];
	p0 =	sne.s32 s2, $0x0  }
0x61: {  	s3 =	rddreg [dreg:$0x2];
	[bflag:$0x3] =	sbarrier.arrive $0xFFFF;
	s2 =	simm.s32 @!p0 $0x1C01  }
0x62: {  	[timem:s3], [sflag:s2] =	dma.local @!p0 [hbm:s0], s1  }
0x63: {  	s0 =	simm.s32 @!p0 $0x1  }
0x64: {  	_ =	swait.ge @!p0 [sflag:s0], s1  }
0x65: {  	s1 =	ssub.s32 @!p0 $0x0, s1;
	[sflag:s0] =	ssyncset.done @!p0 $0x0  }
0x66: {  	[sflag:s0] =	ssyncadd.s32 @!p0 s1  }
0x67: {  	[bflag:$0x3] =	sbarrier.arrive $0xFFFF  }
0x68: {  	_ =	shalt  }

// kernel: kernel.21.cloned.1.call-start
scs
__scs_entry_jumppad:
0x0: {  	(pc) =	sbr.rel $0x88, $3  }
0x1: {  	(tag) =	ssettag $0x0;
	lr =	simm.s32 $0x1  }
0x2: {  	[smem:$0x3F94] =	sst lr;
	_ =	strace $0xD0000000  }
0x3: {  	_ = 	snop  }
0x4: {  	_ = 	snop  }
0x5: {  	_ = 	snop  }
0x6: {  	_ = 	snop  }
0x7: {  	_ = 	snop  }
__scs_overlays_trampoline_lowered:
0x8: {  	[smem:$0x3FA3] =	sst s0  }
0x9: {  	[smem:$0x3FA4] =	sst s1  }
0xa: {  	[smem:$0x3FA5] =	sst s2  }
0xb: {  	[smem:$0x3FA6] =	sst s3  }
0xc: {  	[smem:$0x3FA7] =	sst s4  }
0xd: {  	[smem:$0x3FA8] =	sst s5  }
0xe: {  	[smem:$0x3FA9] =	sst s6  }
0xf: {  	[smem:$0x3FAA] =	sst s7  }
0x10: {  	[smem:$0x3FAB] =	sst s8  }
0x11: {  	[smem:$0x3FAC] =	sst s9;
	s0 =	simm.s32 @!p0 $0x0  }
0x12: {  	s1 =	sld [smem:$0x3F92];
	s0 =	simm.s32 @p0 $0x1  }
0x13: {  	[smem:$0x3FAD] =	sst s0;
	s0 =	simm.s32 @!p1 $0x0  }
0x14: {  	s2 =	sld [smem:$0x3F91];
	s0 =	simm.s32 @p1 $0x1  }
0x15: {  	[smem:$0x3FAE] =	sst s0;
	s0 =	simm.s32 @!p2 $0x0  }
0x16: {  	s3 =	sld [smem:$0x3FDB];
	s0 =	simm.s32 @p2 $0x1  }
0x17: {  	s4 =	simm.s32 $0x1BF5;
	[smem:$0x3FB0] =	sst s0  }
0x18: {  	s0 =	sld [smem:$0x3F93];
	_ =	swait.ge [sflag:s4], $0x0  }
0x19: {  	s7 =	sld [smem:$0x3F94]  }
0x1a: {  	s8 =	sadd.s32 $0xFFFFE003, lr  }
0x1b: {  	s9 =	sadd.s32 $0xFFFFFEF7, lr;
	s5 =	simm.s32 $0xFFFFFFFF;
	p2 =	slt.u32 s8, $0xFFFFF086  }
0x1c: {  	p1 =	slt.u32 s9, $0xF7A;
	s5 =	simm.s32 @!p2 $0x0  }
0x1d: {  	s5 =	simm.s32 @p1 $0x1;
	p0 =	seq.s32 s7, s2  }
0x1e: {  	s7 =	smul.u32 @!p0 $0xF7A, s2;
	p2 =	seq.s32 @!p0 s5, $0x0  }
0x1f: {  	s9 =	smul.u32 $0xF7A, s1;
	s8 =	simm.s32 @!p0 $0x1BF5;
	p2 =	por !p2, p0  }
0x20: {  	[sflag:s8] =	ssyncset.s32 @!p0 $0xFFFFF086;
	s6 =	sadd.s32 @!p0 s3, s7;
	s7 =	simm.s32 @!p0 $0x108  }
0x21: {  	s3 =	sadd.s32 s3, s9;
	s6 =	sadd.s32 @!p0 $0x88, s6;
	s7 =	simm.s32 @p2 $0x1082  }
0x22: {  	[simem:s7], [sflag:s8] =	dma.local @!p0 [hbm:s6], $0xF7A  }
0x23: {  	s9 =	sor.u32 $0xD0000000, s2;
	s6 =	simm.s32 $0x108;
	_ =	swait.ge @!p0 [sflag:s8], $0x0  }
0x24: {  	s3 =	sadd.s32 $0x88, s3;
	s6 =	simm.s32 @!p1 $0x1082;
	[sflag:s4] =	ssyncset.s32 $0xFFFFF086  }
0x25: {  	[simem:s6], [sflag:s4] =	dma.local [hbm:s3], $0xF7A  }
0x26: {  	[smem:$0x3F94] =	sst s1;
	(tag) =	ssettag s2;
	_ =	strace s9  }
0x27: {  	s1 =	sld [smem:$0x3FA4]  }
0x28: {  	s2 =	sld [smem:$0x3FA5]  }
0x29: {  	s4 =	sld [smem:$0x3FA7]  }
0x2a: {  	p0 =	seq.s32 s5, $0x0;
	s5 =	sld [smem:$0x3FA8]  }
0x2b: {  	s6 =	sld [smem:$0x3FA9]  }
0x2c: {  	s7 =	sld [smem:$0x3FAA]  }
0x2d: {  	s3 =	simm.s32 $0x108;
	s8 =	sld [smem:$0x3FAB]  }
0x2e: {  	s3 =	simm.s32 @!p0 $0x1082;
	s9 =	sld [smem:$0x3FAC]  }
0x2f: {  	lr =	sadd.s32 s0, s3;
	s0 =	sld [smem:$0x3FA3]  }
0x30: {  	s3 =	sld [smem:$0x3FA6]  }
0x31: {  	[smem:$0x3FAF] =	sst s10  }
0x32: {  	s10 =	sld [smem:$0x3FAD];
	_ =	sdelay $0x3  }
0x33: {  	p0 =	seq.s32 s10, $0x1;
	s10 =	sld [smem:$0x3FAF];
	_ =	sdelay $0x3  }
0x34: {  	[smem:$0x3FAF] =	sst s10  }
0x35: {  	s10 =	sld [smem:$0x3FAE];
	_ =	sdelay $0x3  }
0x36: {  	p1 =	seq.s32 s10, $0x1;
	s10 =	sld [smem:$0x3FAF];
	_ =	sdelay $0x3  }
0x37: {  	[smem:$0x3FAF] =	sst s10  }
0x38: {  	s10 =	sld [smem:$0x3FB0]  }
0x39: {  	_ = 	snop;
	(pc) =	sbr.ind lr, $3  }
0x3a: {  	_ = 	snop  }
0x3b: {  	_ = 	snop  }
0x3c: {  	p2 =	seq.s32 s10, $0x1;
	s10 =	sld [smem:$0x3FAF]  }
0x3d: {  	_ =	shalt  }
0x3e: {  	_ =	shalt  }
0x3f: {  	_ =	shalt  }
0x40: {  	_ =	shalt  }
0x41: {  	_ =	shalt  }
0x42: {  	_ =	shalt  }
0x43: {  	_ =	shalt  }
0x44: {  	_ =	shalt  }
0x45: {  	_ =	shalt  }
0x46: {  	_ =	shalt  }
0x47: {  	_ =	shalt  }
0x48: {  	_ =	shalt  }
0x49: {  	_ =	shalt  }
0x4a: {  	_ =	shalt  }
0x4b: {  	_ =	shalt  }
0x4c: {  	_ =	shalt  }
0x4d: {  	_ =	shalt  }
0x4e: {  	_ =	shalt  }
0x4f: {  	_ =	shalt  }
0x50: {  	_ =	shalt  }
0x51: {  	_ =	shalt  }
0x52: {  	_ =	shalt  }
0x53: {  	_ =	shalt  }
0x54: {  	_ =	shalt  }
0x55: {  	_ =	shalt  }
0x56: {  	_ =	shalt  }
0x57: {  	_ =	shalt  }
0x58: {  	_ =	shalt  }
0x59: {  	_ =	shalt  }
0x5a: {  	_ =	shalt  }
0x5b: {  	_ =	shalt  }
0x5c: {  	_ =	shalt  }
0x5d: {  	_ =	shalt  }
0x5e: {  	_ =	shalt  }
0x5f: {  	_ =	shalt  }
0x60: {  	_ =	shalt  }
0x61: {  	_ =	shalt  }
0x62: {  	_ =	shalt  }
0x63: {  	_ =	shalt  }
0x64: {  	_ =	shalt  }
0x65: {  	_ =	shalt  }
0x66: {  	_ =	shalt  }
0x67: {  	_ =	shalt  }
0x68: {  	_ =	shalt  }
0x69: {  	_ =	shalt  }
0x6a: {  	_ =	shalt  }
0x6b: {  	_ =	shalt  }
0x6c: {  	_ =	shalt  }
0x6d: {  	_ =	shalt  }
0x6e: {  	_ =	shalt  }
0x6f: {  	_ =	shalt  }
0x70: {  	_ =	shalt  }
0x71: {  	_ =	shalt  }
0x72: {  	_ =	shalt  }
0x73: {  	_ =	shalt  }
0x74: {  	_ =	shalt  }
0x75: {  	_ =	shalt  }
0x76: {  	_ =	shalt  }
0x77: {  	_ =	shalt  }
0x78: {  	_ =	shalt  }
0x79: {  	_ =	shalt  }
0x7a: {  	_ =	shalt  }
0x7b: {  	_ =	shalt  }
0x7c: {  	_ =	shalt  }
0x7d: {  	_ =	shalt  }
0x7e: {  	_ =	shalt  }
0x7f: {  	_ =	shalt  }
0x80: {  	_ =	shalt  }
0x81: {  	_ =	shalt  }
0x82: {  	_ =	shalt  }
0x83: {  	_ =	shalt  }
0x84: {  	_ =	shalt  }
0x85: {  	_ =	shalt  }
0x86: {  	_ =	shalt  }
0x87: {  	_ =	shalt  }
.Lfunc_end0:
.L_simem_size_0:
called_computation.2_lowered:
.L_overlay_start_0:
0x88: {  	s2 =	sld [smem:$0x3FD9]  }
0x89: {  	s3 =	sld [smem:$0x3FFE];
	_ =	sdelay $0x1  }
0x8a: {  	s1 =	srdreg.scid  }
0x8b: {  	s0 =	sand.u32 $0x1, s1  }
0x8c: {  	s17 =	sshll.u32 s0, $0xA;
	s2 =	sadd.s32 s3, s2  }
0x8d: {  	s2 =	sadd.s32 s2, s17  }
0x8e: {  	[smem:$0x3FBB] =	sst s2  }
0x8f: {  	_ = 	snop  }
0x90: {  	s2 =	sld [smem:$0x3FD0];
	(tm) =	ssettm $0x1  }
0x91: {  	s18 =	sld [smem:$0x3FFB];
	_ =	sdelay $0x3  }
0x92: {  	_ =	strace s18  }
0x93: {  	s3 =	sld [smem:$0x3FFC];
	_ =	sdelay $0x3  }
0x94: {  	_ =	strace s3  }
0x95: {  	s3 =	sld [smem:$0x3FFD];
	_ =	sdelay $0x3  }
0x96: {  	_ =	strace s3  }
0x97: {  	_ =	strace $0x8FFFFFFF  }
0x98: {  	s19 =	sld [smem:$0x3FDB];
	_ =	sdelay $0x1  }
0x99: {  	s4 =	simm.s32 $_scs_section_size  }
0x9a: {  	s5 =	simm.s32 $_size__tile_overlayer_lowered;
	s6 =	simm.s32 $_tile_overlayer_lowered  }
0x9b: {  	s22 =	simm.s32 $0x1BFF;
	s21 =	sshll.u32 s6, $0x1;
	s3 =	sadd.s32 s4, s19  }
0x9c: {  	s7 =	simm.s32 $0x0;
	s20 =	sshll.u32 s5, $0x1;
	s5 =	sadd.s32 s21, s3  }
0x9d: {  	[timem:s7], [sflag:s22] =	dma.local [hbm:s5], s20  }
0x9e: {  	_ =	swait.ge [sflag:s22], s20  }
0x9f: {  	s4 =	ssub.s32 $0x0, s20;
	[sflag:s22] =	ssyncset.done $0x0  }
0xa0: {  	[sflag:s22] =	ssyncadd.s32 s4;
	_ =	sdelay $0x1  }
0xa1: {  	s23 =	simm.s32 $0x1B8B  }
0xa2: {  	_ =	swait.ge [sflag:s23], $0x1  }
0xa3: {  	[sflag:s23] =	ssyncset.done $0x0  }
0xa4: {  	s25 =	simm.s32 $0x1B8E;
	s24 =	sld [smem:$0x3FFE];
	[sflag:s23] =	ssyncadd.s32 $0xFFFFFFFF  }
0xa5: {  	s26 =	simm.s32 $execute0_lowered;
	[smem:$0x3FD2] =	sst s25  }
0xa6: {  	s5 =	sshll.u32 s26, $0x1;
	_ =	strace $0x80000049;
	[dreg:$0x1] =	wrdreg $0xFFFFFFFF  }
0xa7: {  	s28 =	simm.s32 $_size_execute0_lowered;
	s3 =	sadd.s32 s3, s5;
	[dreg:$0x0] =	wrdreg $0x0  }
0xa8: {  	s5 =	sshll.u32 s28, $0x1;
	[dreg:$0x2] =	wrdreg s3  }
0xa9: {  	[dreg:$0x3] =	wrdreg s5  }
0xaa: {  	[dreg:$0x4] =	wrdreg $0xC0  }
0xab: {  	_ =	task [dreg:s7], $0x5FFFF  }
0xac: {  	[dreg:$0x1] =	wrdreg $0xFFFFFFFF  }
0xad: {  	[dreg:$0x0] =	wrdreg $0x60  }
0xae: {  	[dreg:$0x2] =	wrdreg s24  }
0xaf: {  	[dreg:$0x3] =	wrdreg s2  }
0xb0: {  	[dreg:$0x4] =	wrdreg $0x48800  }
0xb1: {  	[dreg:$0x5] =	wrdreg $0xA  }
0xb2: {  	_ =	task.clear_ibuf [dreg:s7], $0x6FFFF;
	_ =	strace $0x90000049  }
0xb3: {  	s29 =	simm.s32 $0xA;
	_ =	strace $0x8000004B  }
0xb4: {  	_ =	swait.ge [sflag:s29], $0x1  }
0xb5: {  	[sflag:s29] =	ssyncadd.s32 $0xFFFFFFFF  }
0xb6: {  	_ =	strace $0x9000004B  }
0xb7: {  	_ =	sfence  }
0xb8: {  	s30 =	sld [smem:$0x0];
	_ =	sdelay $0x2  }
0xb9: {  	s31 =	sshll.u32 s1, $0xD;
	s1 =	sshrl.u32 s1, $0x2  }
0xba: {  	s3 =	sand.u32 $0x4000, s31;
	s1 =	sadd.s32 s1, s30  }
0xbb: {  	s0 =	sor.u32 s3, s0;
	s1 =	sshll.u32 s1, $0x11  }
0xbc: {  	s0 =	sor.u32 s1, s0  }
0xbd: {  	s0 =	sadd.s32 $0x8F2B, s0  }
0xbe: {  	[sflag:s0] =	ssyncadd.remote.s32 $0x1  }
0xbf: {  	_ =	sfence.sel $0xFFFF  }
0xc0: {  	[dreg:$0x0] =	wrdreg $0xFFFFFFFF;
	(pc) =	sbr.abs _section_cstart, $3  }
0xc1: {  	[dreg:$0x1] =	wrdreg $0xFFFFFFFF  }
0xc2: {  	_ =	task.clear_ibuf [dreg:s7], $0x2FFFF;
	_ =	strace $0x9FFFFFFF  }
0xc3: {  	(tm) =	ssettm $0x7FFFFFFF  }
tec
execute0_lowered:
.L_overlay_start_1:
0x0: {  	(tag) =	ssettag $0x1  }
0x1: {  	s7 =	rddreg [dreg:$0x0]  }
0x2: {  	s2 =	rddreg [dreg:$0x1]  }
0x3: {  	s3 =	rddreg [dreg:$0x2]  }
0x4: {  	s0 =	rddreg [dreg:$0x3]  }
0x5: {  	s5 =	srdreg.scid;
	s1 =	stileid.u32  }
0x6: {  	s4 =	simm.s32 $0x0;
	s15 =	simm.s32 $0x880;
	s16 =	simm.s32 $0x80  }
0x7: {  	s17 =	simm.s32 $0x0;
	s8 =	sand.u32 $0x1, s5;
	s9 =	smul.u32 $0xA000, s1  }
0x8: {  	[smem:$0x7FF] =	sst s4;
	s5 =	sadd.s32 $0x85400, s7;
	s11 =	smul.u32 $0x28000, s1  }
0x9: {  	s31 =	sshll.u32 s1, $0x6;
	s6 =	smul.u32 $0xA0000, s8;
	s12 =	ssub.s32 $0x2, s8  }
0xa: {  	_ =	strace $0x8000004A;
	s8 =	smul.u32 $0x28000, s8;
	s28 =	sshrl.u32 s12, $0x1  }
0xb: {  	s29 =	sshrl.u32 s11, $0x2;
	s30 =	sshrl.u32 s9, $0x3;
	s10 =	sadd.s32 s9, s6  }
0xc: {  	s6 =	sadd.s32 $0x4C00, s7;
	s12 =	ssub.s32 s12, s28;
	s14 =	sadd.s32 s29, s3  }
0xd: {  	s9 =	sor.u32 $0x1C01, s31;
	s10 =	sshrl.u32 s10, $0x3;
	s12 =	smax.u32 s12, $0x1  }
0xe: {  	v0 =	vimm.s32 $0x0;
	s13 =	sadd.s32 s10, s7;
	s7 =	sadd.s32 s6, s30;
	s10 =	smul.u32 $0x50, s1  }
0xf: {  	v1 =	vimm.s32 $0x1;
	v2 =	vimm.s32 $0x2;
	v3 =	vimm.s32 $0x3;
	s11 =	sadd.s32 $0xDD600, s13;
	s13 =	sshrl.u32 s14, $0x3;
	s14 =	simm.s32 $0x1  }
.LBB2_1:
0x10: {  	[spmem:s13], [sflag:s9] =	dma.local [hbm:s7], $0x1400  }
0x11: {  	_ =	swait.ge [sflag:s14], $0x1400  }
0x12: {  	[sflag:s14] =	ssyncset.done $0x0  }
0x13: {  	[sflag:s14] =	ssyncadd.s32 $0xFFFFEC00  }
0x14: {  	[tilespmem:s15], [sflag:$0x1] =	stream.linear.gather [hbm4b:s6+s4], $0x4000, $0x38;
	[tilespmem:$0xE880] =	vst v63  }
0x15: {  	_ =	swait.ge [sflag:s14], $0x4000  }
0x16: {  	[sflag:s14] =	ssyncset.done $0x0  }
0x17: {  	[sflag:s14] =	ssyncadd.s32 $0xFFFFC000  }
0x18: {  	s18 =	simm.s32 $0x0;
	[bflag:$0x0] =	sbarrier.arrive $0xFFFF  }
.LBB2_2:
0x19: {  	s19 =	sadd.s32 s10, s18  }
0x1a: {  	s20 =	sshll.u32 s19, $0x7  }
0x1b: {  	s21 =	sshll.u32 s18, $0x7;
	s20 =	sand.u32 $0x7FC00, s20  }
0x1c: {  	s21 =	sand.u32 $0x380, s21;
	s20 =	sadd.s32 s8, s20  }
0x1d: {  	s20 =	sor.u32 s21, s20  }
0x1e: {  	s20 =	sshrl.u32 s20, $0x3  }
0x1f: {  	s30 =	simm.s32 $0x0;
	s20 =	sadd.s32 s2, s20  }
0x20: {  	[tilespmem:s30], [sflag:$0x1] =	stream.linear.gather [hbm4b:s20+s30], $0x80, $0x38;
	[tilespmem:$0xE880] =	vst v63  }
0x21: {  	s19 =	smul.u32 $0xFA, s19;
	_ =	swait.ge [sflag:s14], $0x80  }
0x22: {  	[sflag:s14] =	ssyncset.done $0x0  }
0x23: {  	s19 =	sadd.s32 s5, s19;
	[sflag:s14] =	ssyncadd.s32 $0xFFFFFF80  }
0x24: {  	[tilespmem:s16], [sflag:$0x1] =	stream.linear.gather [hbm4b:s19+s30], $0x7D0, $0x38;
	[tilespmem:$0xE880] =	vst v63  }
0x25: {  	_ =	swait.ge [sflag:s14], $0x7D0  }
0x26: {  	[sflag:s14] =	ssyncset.done $0x0  }
0x27: {  	s19 =	simm.s32 $0x8C0;
	[sflag:s14] =	ssyncadd.s32 $0xFFFFF830  }
0x28: {  	v4 =	vld [tilespmem:s19+$0xFFFFFFC0]  }
0x29: {  	v6 =	vld [tilespmem:s19+$0x20]  }
0x2a: {  	s31 =	simm.s32 $0x0;
	v7 =	vld [tilespmem:s19+$0xFFFFFFE0]  }
0x2b: {  	v8 =	vld [tilespmem:s31+$0x80]  }
0x2c: {  	v9 =	vld [tilespmem:s19+$0x0]  }
0x2d: {  	v10 =	vld [tilespmem:s19+$0x30]  }
0x2e: {  	v5 =	vld [tilespmem:s19+$0xFFFFFFD0]  }
0x2f: {  	v13 =	vmul.f32 $0.0e+00, v6;
	v12 =	vmul.f32 $0.0e+00, v4  }
0x30: {  	v14 =	vld [tilespmem:s19+$0x10];
	v4 =	vmul.f32 $0.0e+00, v7;
	v7 =	vperm.xlane v8, v3;
	_ =	sdelay $0x1  }
0x31: {  	v6 =	vmul.f32 $0.0e+00, v9;
	v9 =	vadd.f32 v13, v7;
	v13 =	vmul.f32 $0.0e+00, v10;
	v10 =	vld [tilespmem:s19+$0xFFFFFFF0]  }
0x32: {  	v11 =	vmul.f32 $0.0e+00, v5;
	v15 =	vperm.xlane v8, v0  }
0x33: {  	v5 =	vperm.xlane v8, v2;
	v8 =	vperm.xlane v8, v1  }
0x34: {  	s21 =	simm.s32 $0x8C0;
	s20 =	simm.s32 $0x40;
	v14 =	vmul.f32 $0.0e+00, v14;
	v12 =	vadd.f32 v12, v15;
	v11 =	vadd.f32 v11, v15  }
.LBB2_3:
0x35: {  	p0 =	sne.s32 s20, $0x1F00  }
0x36: {  	[tilespmem:s19+$0xFFFFFFC0] =	vst v12;
	v10 =	vmul.f32 $0.0e+00, v10;
	v6 =	vadd.f32 v6, v5;
	v7 =	vadd.f32 v13, v7;
	s21 =	sadd.s32 $0x80, s21;
	s22 =	smov.u32 s20;
	s20 =	sadd.s32 $0x40, s20  }
0x37: {  	v4 =	vadd.f32 v4, v8;
	v5 =	vadd.f32 v14, v5;
	[tilespmem:s19+$0x20] =	vst v9  }
0x38: {  	[tilespmem:s19+$0xFFFFFFD0] =	vst v11;
	v8 =	vadd.f32 v10, v8  }
0x39: {  	v9 =	vld [tilespmem:s21+$0xFFFFFFC0];
	[tilespmem:s19+$0x30] =	vst v7  }
0x3a: {  	[tilespmem:s19+$0x10] =	vst v5  }
0x3b: {  	v5 =	vld [tilespmem:s21+$0xFFFFFFD0];
	[tilespmem:s19+$0xFFFFFFE0] =	vst v4  }
0x3c: {  	v4 =	vld [tilespmem:s21+$0x20];
	[tilespmem:s19+$0xFFFFFFF0] =	vst v8  }
0x3d: {  	s22 =	sshra.s32 s22, $0x2;
	v7 =	vld [tilespmem:s21+$0xFFFFFFE0];
	[tilespmem:s19+$0x0] =	vst v6;
	s19 =	smov.u32 s21  }
0x3e: {  	v8 =	vld [tilespmem:s22+$0x80]  }
0x3f: {  	v6 =	vld [tilespmem:s21+$0x0]  }
0x40: {  	v11 =	vld [tilespmem:s21+$0x30]  }
0x41: {  	v14 =	vmul.f32 $0.0e+00, v5;
	v15 =	vld [tilespmem:s21+$0x10];
	v13 =	vmul.f32 $0.0e+00, v4  }
.Ltmp0:
0x42: {  	v9 =	vmul.f32 $0.0e+00, v9;
	v4 =	vmul.f32 $0.0e+00, v7;
	v10 =	vld [tilespmem:s21+$0xFFFFFFF0];
	(pc) =	sbr.rel @p0 .LBB2_3-.Ltmp0, $4  }
0x43: {  	v16 =	vperm.xlane v8, v0;
	v7 =	vperm.xlane v8, v3  }
0x44: {  	v5 =	vperm.xlane v8, v2;
	v6 =	vmul.f32 $0.0e+00, v6  }
0x45: {  	v12 =	vadd.f32 v9, v16;
	v9 =	vadd.f32 v13, v7;
	v13 =	vmul.f32 $0.0e+00, v11  }
0x46: {  	v8 =	vperm.xlane v8, v1;
	v11 =	vadd.f32 v14, v16;
	v14 =	vmul.f32 $0.0e+00, v15  }
0x47: {  	[tilespmem:s19+$0xFFFFFFC0] =	vst v12  }
0x48: {  	v7 =	vadd.f32 v13, v7;
	[tilespmem:s19+$0x20] =	vst v9  }
0x49: {  	v62 =	vadd.f32 v14, v5;
	[tilespmem:s19+$0xFFFFFFD0] =	vst v11  }
0x4a: {  	v61 =	vmul.f32 $0.0e+00, v10;
	v4 =	vadd.f32 v4, v8;
	[tilespmem:s19+$0x30] =	vst v7  }
0x4b: {  	v5 =	vadd.f32 v6, v5;
	[tilespmem:s19+$0x10] =	vst v62  }
0x4c: {  	s18 =	sadd.s32 $0x1, s18;
	v63 =	vadd.f32 v61, v8;
	[tilespmem:s19+$0xFFFFFFE0] =	vst v4  }
0x4d: {  	p0 =	sne.s32 s18, $0x50;
	[tilespmem:s19+$0x0] =	vst v5  }
.Ltmp1:
0x4e: {  	[tilespmem:s19+$0xFFFFFFF0] =	vst v63;
	(pc) =	sbr.rel @p0 .LBB2_2-.Ltmp1, $4  }
0x4f: {  	[spmem:s3] =	stream.indirect.scatter.add.f32 [tilespmem:s15], [sflag:$0x1], $0x80, s4, s16, $0xb8;
	[tilespmem:$0xE880] =	vst v63  }
0x50: {  	_ =	swait.ge [sflag:s14], $0x4000  }
0x51: {  	[sflag:s14] =	ssyncset.done $0x0  }
0x52: {  	[sflag:s14] =	ssyncadd.s32 $0xFFFFC000  }
0x53: {  	s17 =	sadd.s32 $0x1, s17  }
0x54: {  	p0 =	sne.s32 s17, s12  }
.Ltmp2:
0x55: {  	[bflag:$0x0] =	sbarrier.arrive $0xFFFF;
	(pc) =	sbr.rel @p0 .LBB2_1-.Ltmp2, $4  }
0x56: {  	[hbm:s11], [sflag:s9] =	dma.local [spmem:s13], $0x1400  }
0x57: {  	_ =	swait.ge [sflag:s14], $0x1400  }
0x58: {  	[sflag:s14] =	ssyncset.done $0x0  }
0x59: {  	[sflag:s14] =	ssyncadd.s32 $0xFFFFEC00  }
0x5a: {  	_ =	sfence.sel $0x180000  }
0x5b: {  	[bflag:$0x0] =	sbarrier.arrive $0xFFFF  }
0x5c: {  	p0 =	sne.s32 s1, $0x0;
	_ =	strace $0x9000004A  }
0x5d: {  	s0 =	sadd.s32 @!p0 $0x100000, s0;
	[bflag:$0x2] =	sbarrier.arrive $0xFFFF  }
0x5e: {  	[sflag:s0] =	ssyncadd.tile.s32 @!p0 $0x1;
	_ =	shalt  }
.Lfunc_end2:
_tile_overlayer_lowered:
.L_overlay_start_2:
0x5f: {  	(tag) =	ssettag $0x2  }
0x60: {  	s0 =	rddreg [dreg:$0x0];
	s2 =	stileid.u32  }
0x61: {  	s1 =	rddreg [dreg:$0x1];
	p0 =	sne.s32 s2, $0x0  }
0x62: {  	s3 =	rddreg [dreg:$0x2];
	[bflag:$0x3] =	sbarrier.arrive $0xFFFF;
	s2 =	simm.s32 @!p0 $0x1C01  }
0x63: {  	[timem:s3], [sflag:s2] =	dma.local @!p0 [hbm:s0], s1  }
0x64: {  	s0 =	simm.s32 @!p0 $0x1  }
0x65: {  	_ =	swait.ge @!p0 [sflag:s0], s1  }
0x66: {  	s1 =	ssub.s32 @!p0 $0x0, s1;
	[sflag:s0] =	ssyncset.done @!p0 $0x0  }
0x67: {  	[sflag:s0] =	ssyncadd.s32 @!p0 s1  }
0x68: {  	[bflag:$0x3] =	sbarrier.arrive $0xFFFF  }
0x69: {  	_ =	shalt  }

// kernel: kernel.24.cloned.1.call-start
scs
__scs_entry_jumppad:
0x0: {  	(pc) =	sbr.rel $0x88, $3  }
0x1: {  	(tag) =	ssettag $0x0;
	lr =	simm.s32 $0x1  }
0x2: {  	[smem:$0x3F94] =	sst lr;
	_ =	strace $0xD0000000  }
0x3: {  	_ = 	snop  }
0x4: {  	_ = 	snop  }
0x5: {  	_ = 	snop  }
0x6: {  	_ = 	snop  }
0x7: {  	_ = 	snop  }
__scs_overlays_trampoline_lowered:
0x8: {  	[smem:$0x3FA3] =	sst s0  }
0x9: {  	[smem:$0x3FA4] =	sst s1  }
0xa: {  	[smem:$0x3FA5] =	sst s2  }
0xb: {  	[smem:$0x3FA6] =	sst s3  }
0xc: {  	[smem:$0x3FA7] =	sst s4  }
0xd: {  	[smem:$0x3FA8] =	sst s5  }
0xe: {  	[smem:$0x3FA9] =	sst s6  }
0xf: {  	[smem:$0x3FAA] =	sst s7  }
0x10: {  	[smem:$0x3FAB] =	sst s8  }
0x11: {  	[smem:$0x3FAC] =	sst s9;
	s0 =	simm.s32 @!p0 $0x0  }
0x12: {  	s1 =	sld [smem:$0x3F92];
	s0 =	simm.s32 @p0 $0x1  }
0x13: {  	[smem:$0x3FAD] =	sst s0;
	s0 =	simm.s32 @!p1 $0x0  }
0x14: {  	s2 =	sld [smem:$0x3F91];
	s0 =	simm.s32 @p1 $0x1  }
0x15: {  	[smem:$0x3FAE] =	sst s0;
	s0 =	simm.s32 @!p2 $0x0  }
0x16: {  	s3 =	sld [smem:$0x3FDB];
	s0 =	simm.s32 @p2 $0x1  }
0x17: {  	s4 =	simm.s32 $0x1BF5;
	[smem:$0x3FB0] =	sst s0  }
0x18: {  	s0 =	sld [smem:$0x3F93];
	_ =	swait.ge [sflag:s4], $0x0  }
0x19: {  	s7 =	sld [smem:$0x3F94]  }
0x1a: {  	s8 =	sadd.s32 $0xFFFFE003, lr  }
0x1b: {  	s9 =	sadd.s32 $0xFFFFFEF7, lr;
	s5 =	simm.s32 $0xFFFFFFFF;
	p2 =	slt.u32 s8, $0xFFFFF086  }
0x1c: {  	p1 =	slt.u32 s9, $0xF7A;
	s5 =	simm.s32 @!p2 $0x0  }
0x1d: {  	s5 =	simm.s32 @p1 $0x1;
	p0 =	seq.s32 s7, s2  }
0x1e: {  	s7 =	smul.u32 @!p0 $0xF7A, s2;
	p2 =	seq.s32 @!p0 s5, $0x0  }
0x1f: {  	s9 =	smul.u32 $0xF7A, s1;
	s8 =	simm.s32 @!p0 $0x1BF5;
	p2 =	por !p2, p0  }
0x20: {  	[sflag:s8] =	ssyncset.s32 @!p0 $0xFFFFF086;
	s6 =	sadd.s32 @!p0 s3, s7;
	s7 =	simm.s32 @!p0 $0x108  }
0x21: {  	s3 =	sadd.s32 s3, s9;
	s6 =	sadd.s32 @!p0 $0x88, s6;
	s7 =	simm.s32 @p2 $0x1082  }
0x22: {  	[simem:s7], [sflag:s8] =	dma.local @!p0 [hbm:s6], $0xF7A  }
0x23: {  	s9 =	sor.u32 $0xD0000000, s2;
	s6 =	simm.s32 $0x108;
	_ =	swait.ge @!p0 [sflag:s8], $0x0  }
0x24: {  	s3 =	sadd.s32 $0x88, s3;
	s6 =	simm.s32 @!p1 $0x1082;
	[sflag:s4] =	ssyncset.s32 $0xFFFFF086  }
0x25: {  	[simem:s6], [sflag:s4] =	dma.local [hbm:s3], $0xF7A  }
0x26: {  	[smem:$0x3F94] =	sst s1;
	(tag) =	ssettag s2;
	_ =	strace s9  }
0x27: {  	s1 =	sld [smem:$0x3FA4]  }
0x28: {  	s2 =	sld [smem:$0x3FA5]  }
0x29: {  	s4 =	sld [smem:$0x3FA7]  }
0x2a: {  	p0 =	seq.s32 s5, $0x0;
	s5 =	sld [smem:$0x3FA8]  }
0x2b: {  	s6 =	sld [smem:$0x3FA9]  }
0x2c: {  	s7 =	sld [smem:$0x3FAA]  }
0x2d: {  	s3 =	simm.s32 $0x108;
	s8 =	sld [smem:$0x3FAB]  }
0x2e: {  	s3 =	simm.s32 @!p0 $0x1082;
	s9 =	sld [smem:$0x3FAC]  }
0x2f: {  	lr =	sadd.s32 s0, s3;
	s0 =	sld [smem:$0x3FA3]  }
0x30: {  	s3 =	sld [smem:$0x3FA6]  }
0x31: {  	[smem:$0x3FAF] =	sst s10  }
0x32: {  	s10 =	sld [smem:$0x3FAD];
	_ =	sdelay $0x3  }
0x33: {  	p0 =	seq.s32 s10, $0x1;
	s10 =	sld [smem:$0x3FAF];
	_ =	sdelay $0x3  }
0x34: {  	[smem:$0x3FAF] =	sst s10  }
0x35: {  	s10 =	sld [smem:$0x3FAE];
	_ =	sdelay $0x3  }
0x36: {  	p1 =	seq.s32 s10, $0x1;
	s10 =	sld [smem:$0x3FAF];
	_ =	sdelay $0x3  }
0x37: {  	[smem:$0x3FAF] =	sst s10  }
0x38: {  	s10 =	sld [smem:$0x3FB0]  }
0x39: {  	_ = 	snop;
	(pc) =	sbr.ind lr, $3  }
0x3a: {  	_ = 	snop  }
0x3b: {  	_ = 	snop  }
0x3c: {  	p2 =	seq.s32 s10, $0x1;
	s10 =	sld [smem:$0x3FAF]  }
0x3d: {  	_ =	shalt  }
0x3e: {  	_ =	shalt  }
0x3f: {  	_ =	shalt  }
0x40: {  	_ =	shalt  }
0x41: {  	_ =	shalt  }
0x42: {  	_ =	shalt  }
0x43: {  	_ =	shalt  }
0x44: {  	_ =	shalt  }
0x45: {  	_ =	shalt  }
0x46: {  	_ =	shalt  }
0x47: {  	_ =	shalt  }
0x48: {  	_ =	shalt  }
0x49: {  	_ =	shalt  }
0x4a: {  	_ =	shalt  }
0x4b: {  	_ =	shalt  }
0x4c: {  	_ =	shalt  }
0x4d: {  	_ =	shalt  }
0x4e: {  	_ =	shalt  }
0x4f: {  	_ =	shalt  }
0x50: {  	_ =	shalt  }
0x51: {  	_ =	shalt  }
0x52: {  	_ =	shalt  }
0x53: {  	_ =	shalt  }
0x54: {  	_ =	shalt  }
0x55: {  	_ =	shalt  }
0x56: {  	_ =	shalt  }
0x57: {  	_ =	shalt  }
0x58: {  	_ =	shalt  }
0x59: {  	_ =	shalt  }
0x5a: {  	_ =	shalt  }
0x5b: {  	_ =	shalt  }
0x5c: {  	_ =	shalt  }
0x5d: {  	_ =	shalt  }
0x5e: {  	_ =	shalt  }
0x5f: {  	_ =	shalt  }
0x60: {  	_ =	shalt  }
0x61: {  	_ =	shalt  }
0x62: {  	_ =	shalt  }
0x63: {  	_ =	shalt  }
0x64: {  	_ =	shalt  }
0x65: {  	_ =	shalt  }
0x66: {  	_ =	shalt  }
0x67: {  	_ =	shalt  }
0x68: {  	_ =	shalt  }
0x69: {  	_ =	shalt  }
0x6a: {  	_ =	shalt  }
0x6b: {  	_ =	shalt  }
0x6c: {  	_ =	shalt  }
0x6d: {  	_ =	shalt  }
0x6e: {  	_ =	shalt  }
0x6f: {  	_ =	shalt  }
0x70: {  	_ =	shalt  }
0x71: {  	_ =	shalt  }
0x72: {  	_ =	shalt  }
0x73: {  	_ =	shalt  }
0x74: {  	_ =	shalt  }
0x75: {  	_ =	shalt  }
0x76: {  	_ =	shalt  }
0x77: {  	_ =	shalt  }
0x78: {  	_ =	shalt  }
0x79: {  	_ =	shalt  }
0x7a: {  	_ =	shalt  }
0x7b: {  	_ =	shalt  }
0x7c: {  	_ =	shalt  }
0x7d: {  	_ =	shalt  }
0x7e: {  	_ =	shalt  }
0x7f: {  	_ =	shalt  }
0x80: {  	_ =	shalt  }
0x81: {  	_ =	shalt  }
0x82: {  	_ =	shalt  }
0x83: {  	_ =	shalt  }
0x84: {  	_ =	shalt  }
0x85: {  	_ =	shalt  }
0x86: {  	_ =	shalt  }
0x87: {  	_ =	shalt  }
.Lfunc_end0:
.L_simem_size_0:
called_computation.3_lowered:
.L_overlay_start_0:
0x88: {  	s2 =	sld [smem:$0x3FD9]  }
0x89: {  	s3 =	sld [smem:$0x3FFE];
	_ =	sdelay $0x1  }
0x8a: {  	s1 =	srdreg.scid  }
0x8b: {  	s0 =	sand.u32 $0x1, s1  }
0x8c: {  	s17 =	sshll.u32 s0, $0xA;
	s2 =	sadd.s32 s3, s2  }
0x8d: {  	s2 =	sadd.s32 s2, s17  }
0x8e: {  	[smem:$0x3FBB] =	sst s2  }
0x8f: {  	_ = 	snop  }
0x90: {  	s18 =	sld [smem:$0x3FD0];
	(tm) =	ssettm $0x1  }
0x91: {  	s19 =	sld [smem:$0x3FFB];
	_ =	sdelay $0x3  }
0x92: {  	_ =	strace s19  }
0x93: {  	s2 =	sld [smem:$0x3FFC];
	_ =	sdelay $0x3  }
0x94: {  	_ =	strace s2  }
0x95: {  	s2 =	sld [smem:$0x3FFD];
	_ =	sdelay $0x3  }
0x96: {  	_ =	strace s2  }
0x97: {  	_ =	strace $0x8FFFFFFF  }
0x98: {  	s20 =	sld [smem:$0x3FDB];
	_ =	sdelay $0x1  }
0x99: {  	s4 =	simm.s32 $_scs_section_size  }
0x9a: {  	s5 =	simm.s32 $_size__tile_overlayer_lowered;
	s6 =	simm.s32 $_tile_overlayer_lowered  }
0x9b: {  	s7 =	simm.s32 $0x1BFF;
	s21 =	sshll.u32 s6, $0x1;
	s4 =	sadd.s32 s4, s20  }
0x9c: {  	s22 =	simm.s32 $0x0;
	s5 =	sshll.u32 s5, $0x1;
	s6 =	sadd.s32 s21, s4  }
0x9d: {  	[timem:s22], [sflag:s7] =	dma.local [hbm:s6], s5  }
0x9e: {  	_ =	swait.ge [sflag:s7], s5  }
0x9f: {  	s5 =	ssub.s32 $0x0, s5;
	[sflag:s7] =	ssyncset.done $0x0  }
0xa0: {  	[sflag:s7] =	ssyncadd.s32 s5;
	_ =	sdelay $0x1  }
0xa1: {  	s23 =	simm.s32 $0x1B8B  }
0xa2: {  	_ =	swait.ge [sflag:s23], $0x1  }
0xa3: {  	[sflag:s23] =	ssyncset.done $0x0  }
0xa4: {  	[sflag:s23] =	ssyncadd.s32 $0xFFFFFFFF  }
0xa5: {  	s5 =	sld [smem:$0x0]  }
0xa6: {  	s6 =	sand.u32 $0xFFFFFFFE, s1  }
0xa7: {  	p0 =	sne.s32 s1, s6  }
0xa8: {  	s6 =	sshll.u32 @p0 s6, $0xE  }
0xa9: {  	s6 =	sadd.s32 @p0 $0x11B8D, s6;
	s7 =	sshll.u32 @p0 s5, $0x11  }
0xaa: {  	s6 =	sor.u32 @p0 s7, s6  }
0xab: {  	[sflag:s6] =	ssyncadd.remote.s32 @p0 $0x1;
	_ =	sdelay $0x1  }
0xac: {  	s6 =	simm.s32 @p0 $0x1B8D  }
0xad: {  	_ =	swait.eq @p0 [sflag:s6], $0x1  }
0xae: {  	[sflag:s6] =	ssyncadd.s32 @p0 $0xFFFFFFFF  }
0xaf: {  	s7 =	sshll.u32 @!p0 s1, $0xE  }
0xb0: {  	s7 =	sor.u32 @!p0 $0x4000, s7;
	s6 =	simm.s32 @!p0 $0x1B8D  }
0xb1: {  	s5 =	sshll.u32 @!p0 s5, $0x11;
	s7 =	sadd.s32 @!p0 $0x11B8D, s7;
	_ =	swait.eq @!p0 [sflag:s6], $0x1  }
0xb2: {  	s5 =	sor.u32 @!p0 s5, s7;
	[sflag:s6] =	ssyncadd.s32 @!p0 $0xFFFFFFFF  }
0xb3: {  	s25 =	simm.s32 $0x1B8E;
	s24 =	sld [smem:$0x3FFE];
	[sflag:s5] =	ssyncadd.remote.s32 @!p0 $0x1  }
0xb4: {  	s26 =	simm.s32 $execute0_lowered;
	[smem:$0x3FD2] =	sst s25  }
0xb5: {  	s6 =	sshll.u32 s26, $0x1;
	_ =	strace $0x8000004F;
	[dreg:$0x1] =	wrdreg $0xFFFFFFFF  }
0xb6: {  	s28 =	simm.s32 $_size_execute0_lowered;
	s4 =	sadd.s32 s4, s6;
	[dreg:$0x0] =	wrdreg $0x0  }
0xb7: {  	s6 =	sshll.u32 s28, $0x1;
	[dreg:$0x2] =	wrdreg s4  }
0xb8: {  	[dreg:$0x3] =	wrdreg s6  }
0xb9: {  	[dreg:$0x4] =	wrdreg $0xC0  }
0xba: {  	_ =	task [dreg:s22], $0x5FFFF  }
0xbb: {  	[dreg:$0x1] =	wrdreg $0xFFFFFFFF  }
0xbc: {  	[dreg:$0x0] =	wrdreg $0x60  }
0xbd: {  	[dreg:$0x2] =	wrdreg s24  }
0xbe: {  	[dreg:$0x3] =	wrdreg s18  }
0xbf: {  	[dreg:$0x4] =	wrdreg $0x92000  }
0xc0: {  	[dreg:$0x5] =	wrdreg $0xB  }
0xc1: {  	_ =	task.clear_ibuf [dreg:s22], $0x6FFFF;
	_ =	strace $0x9000004F  }
0xc2: {  	s29 =	simm.s32 $0xB;
	_ =	strace $0x80000051  }
0xc3: {  	_ =	swait.ge [sflag:s29], $0x1  }
0xc4: {  	[sflag:s29] =	ssyncadd.s32 $0xFFFFFFFF  }
0xc5: {  	_ =	strace $0x90000051  }
0xc6: {  	_ =	sfence  }
0xc7: {  	s30 =	sld [smem:$0x0];
	_ =	sdelay $0x2  }
0xc8: {  	s31 =	sshll.u32 s1, $0xD;
	s1 =	sshrl.u32 s1, $0x2  }
0xc9: {  	s4 =	sand.u32 $0x4000, s31;
	s1 =	sadd.s32 s1, s30  }
0xca: {  	s0 =	sor.u32 s4, s0;
	s1 =	sshll.u32 s1, $0x11  }
0xcb: {  	s0 =	sor.u32 s1, s0  }
0xcc: {  	s0 =	sadd.s32 $0x8F2B, s0  }
0xcd: {  	[sflag:s0] =	ssyncadd.remote.s32 $0x1  }
0xce: {  	_ =	sfence.sel $0xFFFF  }
0xcf: {  	[dreg:$0x0] =	wrdreg $0xFFFFFFFF;
	(pc) =	sbr.abs _section_cstart, $3  }
0xd0: {  	[dreg:$0x1] =	wrdreg $0xFFFFFFFF  }
0xd1: {  	_ =	task.clear_ibuf [dreg:s22], $0x2FFFF;
	_ =	strace $0x9FFFFFFF  }
0xd2: {  	(tm) =	ssettm $0x7FFFFFFF  }
0xd3: {  	_ =	shalt  }
tec
execute0_lowered:
.L_overlay_start_1:
0x0: {  	(tag) =	ssettag $0x1  }
0x1: {  	s0 =	rddreg [dreg:$0x0]  }
0x2: {  	s2 =	rddreg [dreg:$0x1]  }
0x3: {  	s3 =	rddreg [dreg:$0x2]  }
0x4: {  	s4 =	simm.s32 $0x0;
	s15 =	stileid.u32;
	s1 =	srdreg.scid  }
0x5: {  	s18 =	simm.s32 $0x5;
	s19 =	simm.s32 $0x100;
	s28 =	simm.s32 $0x2  }
0x6: {  	s29 =	simm.s32 $0x3;
	s30 =	simm.s32 $0x4;
	s31 =	simm.s32 $0x0  }
0x7: {  	[smem:$0x7FF] =	sst s4;
	s8 =	smul.u32 $0xA000, s15;
	s1 =	sand.u32 $0x1, s1  }
0x8: {  	s5 =	sadd.s32 $0x5DC00, s0;
	s6 =	sadd.s32 $0x85400, s0;
	s12 =	smul.u32 $0x28000, s15  }
0x9: {  	s7 =	sadd.s32 $0x2C400, s0;
	s21 =	smul.u32 $0x2800, s15;
	s13 =	sshll.u32 s15, $0x6  }
0xa: {  	s14 =	smul.u32 $0x4E20, s15;
	_ =	strace $0x80000050;
	s20 =	ssub.s32 $0x2, s1  }
0xb: {  	s9 =	smul.u32 $0xA0000, s1;
	s10 =	sshrl.u32 s8, $0x3;
	s11 =	sshrl.u32 s20, $0x1  }
0xc: {  	s12 =	sshrl.u32 s12, $0x2;
	s23 =	sshrl.u32 s21, $0x3;
	s26 =	sadd.s32 s6, s14  }
0xd: {  	s10 =	sadd.s32 s10, s0;
	s8 =	sadd.s32 s8, s9;
	s9 =	ssub.s32 s20, s11  }
0xe: {  	s22 =	sadd.s32 s12, s3;
	s11 =	smul.u32 $0x50, s15;
	s12 =	sadd.s32 s7, s23  }
0xf: {  	[dreg:$0x7] =	wrdreg s26;
	s20 =	simm.s32 $0x200;
	s23 =	simm.s32 $0x1  }
0x10: {  	s26 =	simm.s32 $0x5200;
	s8 =	sshrl.u32 s8, $0x3;
	s10 =	sadd.s32 $0x4C00, s10  }
0x11: {  	[dreg:$0x5] =	wrdreg s12;
	s0 =	sadd.s32 s8, s0;
	s8 =	smul.u32 $0x28000, s1  }
.Ltmp0:
0x12: {  	s16 =	smax.u32 s9, $0x1;
	s17 =	sshrl.u32 s22, $0x3;
	(pc) =	sbr.rel .LBB2_1-.Ltmp0, $4  }
0x13: {  	s22 =	simm.s32 $0x1200;
	[dreg:$0x4] =	wrdreg s10;
	s24 =	sadd.s32 s21, s8  }
0x14: {  	s10 =	sor.u32 $0x1C05, s13;
	s0 =	sadd.s32 $0x12D600, s0;
	s25 =	sshrl.u32 s24, $0x3  }
0x15: {  	v0 =	vimm.s32 $0x0;
	[dreg:$0x8] =	wrdreg s0;
	s21 =	simm.s32 $0x80;
	s12 =	sadd.s32 s2, s25  }
0x16: {  	v1 =	vimm.s32 $0x1;
	v2 =	vimm.s32 $0x2;
	v3 =	vimm.s32 $0x3;
	s24 =	simm.s32 $0x180;
	s25 =	simm.s32 $0xA00;
	[dreg:$0x6] =	wrdreg s12  }
.LBB2_8:
0x17: {  	[spmem:s3] =	stream.indirect.scatter.add.f32 [tilespmem:s26], [sflag:$0x4], $0x80, s24, s21, $0xb8;
	[tilespmem:$0x13200] =	vst v63  }
0x18: {  	_ =	swait.ge [sflag:s30], $0x4000  }
0x19: {  	[sflag:s30] =	ssyncset.done $0x0  }
0x1a: {  	s31 =	sadd.s32 $0x1, s31;
	[sflag:s30] =	ssyncadd.s32 $0xFFFFC000  }
0x1b: {  	p0 =	sne.s32 s31, s16;
	[bflag:$0x0] =	sbarrier.arrive $0xFFFF  }
.Ltmp1:
0x1c: {  	s0 =	rddreg [dreg:$0x8];
	(pc) =	sbr.rel @!p0 .LBB2_9-.Ltmp1, $4  }
0x1d: {  	[hbm:s0], [sflag:s10] =	dma.local [spmem:s17], $0x1400  }
0x1e: {  	_ =	swait.ge [sflag:s18], $0x1400  }
0x1f: {  	[sflag:s18] =	ssyncset.done $0x0  }
0x20: {  	[sflag:s18] =	ssyncadd.s32 $0xFFFFEC00  }
.LBB2_1:
0x21: {  	s0 =	rddreg [dreg:$0x4]  }
0x22: {  	[spmem:s17], [sflag:s10] =	dma.local [hbm:s0], $0x1400  }
0x23: {  	_ =	swait.ge [sflag:s18], $0x1400  }
0x24: {  	[sflag:s18] =	ssyncset.done $0x0  }
0x25: {  	[sflag:s18] =	ssyncadd.s32 $0xFFFFEC00  }
0x26: {  	[bflag:$0x0] =	sbarrier.arrive $0xFFFF  }
0x27: {  	s13 =	rddreg [dreg:$0x5]  }
0x28: {  	[tilespmem:s4], [sflag:$0x5] =	stream.linear.gather [hbm4b:s13+s4], $0x80, $0x38;
	[tilespmem:$0x13200] =	vst v63  }
0x29: {  	_ =	swait.ge [sflag:s18], $0x80  }
0x2a: {  	[sflag:s18] =	ssyncset.done $0x0  }
0x2b: {  	s14 =	rddreg [dreg:$0x6];
	[sflag:s18] =	ssyncadd.s32 $0xFFFFFF80  }
0x2c: {  	[tilespmem:s19], [sflag:$0x5] =	stream.linear.gather [hbm4b:s14+s4], $0x80, $0x38;
	[tilespmem:$0x13200] =	vst v63  }
0x2d: {  	_ =	swait.ge [sflag:s18], $0x80  }
0x2e: {  	[sflag:s18] =	ssyncset.done $0x0  }
0x2f: {  	s15 =	rddreg [dreg:$0x7];
	[sflag:s18] =	ssyncadd.s32 $0xFFFFFF80  }
0x30: {  	[tilespmem:s20], [sflag:$0x5] =	stream.linear.gather [hbm4b:s15+s4], $0x7D0, $0x38;
	[tilespmem:$0x13200] =	vst v63  }
0x31: {  	_ =	swait.ge [sflag:s18], $0x7D0  }
0x32: {  	[sflag:s18] =	ssyncset.done $0x0  }
0x33: {  	s0 =	simm.s32 $0x0;
	[sflag:s18] =	ssyncadd.s32 $0xFFFFF830  }
0x34: {  	[tilespmem:s22], [sflag:$0x1] =	stream.indirect.gather [hbm4b:s5+s21], $0x80, s4, s21, $0xb8;
	[tilespmem:$0x13200] =	vst v63  }
.LBB2_2:
0x35: {  	_ =	swait.ge [sflag:s23], $0x4000  }
0x36: {  	[sflag:s23] =	ssyncset.done $0x0  }
0x37: {  	s9 =	simm.s32 $0x1240;
	[sflag:s23] =	ssyncadd.s32 $0xFFFFC000  }
0x38: {  	s1 =	simm.s32 $0x0;
	v11 =	vld [tilespmem:s9+$0xFFFFFFD0]  }
0x39: {  	v6 =	vld [tilespmem:s1+$0x200]  }
0x3a: {  	v10 =	vld [tilespmem:s9+$0x20]  }
0x3b: {  	v12 =	vld [tilespmem:s9+$0xFFFFFFC0]  }
0x3c: {  	v15 =	vld [tilespmem:s9+$0xFFFFFFE0]  }
0x3d: {  	v4 =	vld [tilespmem:s9+$0xFFFFFFF0]  }
0x3e: {  	v5 =	vld [tilespmem:s9+$0x30];
	v13 =	vperm.xlane v6, v0;
	v9 =	vperm.xlane v6, v3  }
0x3f: {  	v7 =	vld [tilespmem:s9+$0x0];
	v8 =	vperm.xlane v6, v1  }
0x40: {  	v14 =	vmul.f32 v12, v13;
	v12 =	vmul.f32 v10, v9;
	v10 =	vld [tilespmem:s9+$0x10]  }
0x41: {  	v6 =	vperm.xlane v6, v2  }
0x42: {  	s12 =	simm.s32 $0x1240;
	s1 =	simm.s32 $0x40;
	v13 =	vmul.f32 v11, v13;
	v11 =	vmul.f32 v15, v8  }
.LBB2_3:
0x43: {  	p0 =	sne.s32 s1, $0x1F00  }
0x44: {  	[tilespmem:s9+$0xFFFFFFC0] =	vst v14;
	v7 =	vmul.f32 v7, v6;
	v5 =	vmul.f32 v5, v9;
	s12 =	sadd.s32 $0x80, s12;
	s13 =	smov.u32 s1;
	s1 =	sadd.s32 $0x40, s1  }
0x45: {  	v8 =	vmul.f32 v4, v8;
	v6 =	vmul.f32 v10, v6;
	[tilespmem:s9+$0x20] =	vst v12  }
0x46: {  	[tilespmem:s9+$0xFFFFFFD0] =	vst v13  }
0x47: {  	[tilespmem:s9+$0xFFFFFFE0] =	vst v11  }
0x48: {  	[tilespmem:s9+$0x30] =	vst v5  }
0x49: {  	v4 =	vld [tilespmem:s12+$0xFFFFFFF0];
	[tilespmem:s9+$0x10] =	vst v6  }
0x4a: {  	v11 =	vld [tilespmem:s12+$0xFFFFFFD0];
	[tilespmem:s9+$0xFFFFFFF0] =	vst v8  }
0x4b: {  	s13 =	sshra.s32 s13, $0x2;
	v12 =	vld [tilespmem:s12+$0x20];
	[tilespmem:s9+$0x0] =	vst v7;
	s9 =	smov.u32 s12  }
0x4c: {  	v6 =	vld [tilespmem:s13+$0x200]  }
0x4d: {  	v5 =	vld [tilespmem:s12+$0x30]  }
0x4e: {  	v13 =	vld [tilespmem:s12+$0xFFFFFFC0]  }
0x4f: {  	v15 =	vld [tilespmem:s12+$0xFFFFFFE0]  }
.Ltmp2:
0x50: {  	v7 =	vld [tilespmem:s12+$0x0];
	(pc) =	sbr.rel @p0 .LBB2_3-.Ltmp2, $4  }
0x51: {  	v16 =	vperm.xlane v6, v0;
	v9 =	vperm.xlane v6, v3;
	v10 =	vld [tilespmem:s12+$0x10]  }
0x52: {  	v8 =	vperm.xlane v6, v1;
	v6 =	vperm.xlane v6, v2  }
0x53: {  	v14 =	vmul.f32 v13, v16;
	v12 =	vmul.f32 v12, v9  }
0x54: {  	v13 =	vmul.f32 v11, v16;
	v11 =	vmul.f32 v15, v8  }
0x55: {  	[tilespmem:s9+$0xFFFFFFC0] =	vst v14  }
0x56: {  	[tilespmem:s9+$0x20] =	vst v12  }
0x57: {  	v5 =	vmul.f32 v5, v9;
	[tilespmem:s9+$0xFFFFFFD0] =	vst v13  }
0x58: {  	s1 =	sshll.u32 s0, $0x1;
	v4 =	vmul.f32 v4, v8;
	[tilespmem:s9+$0xFFFFFFE0] =	vst v11  }
0x59: {  	v9 =	vmul.f32 v10, v6;
	s12 =	sor.u32 $0x1, s1;
	[tilespmem:s9+$0x30] =	vst v5  }
0x5a: {  	v5 =	vmul.f32 v7, v6;
	s13 =	sadd.s32 s11, s12;
	[tilespmem:s9+$0xFFFFFFF0] =	vst v4  }
0x5b: {  	p0 =	seq.s32 s0, $0x0;
	s12 =	sshll.u32 s12, $0x7;
	[tilespmem:s9+$0x10] =	vst v9;
	s14 =	sshll.u32 s13, $0x7  }
0x5c: {  	s12 =	sand.u32 $0x380, s12;
	[tilespmem:s9+$0x0] =	vst v5;
	s9 =	simm.s32 @!p0 $0x4;
	s14 =	sand.u32 $0x7FC00, s14  }
0x5d: {  	_ =	swait.ge @!p0 [sflag:s9], $0x4000;
	s15 =	sor.u32 s12, s14  }
0x5e: {  	s14 =	sadd.s32 s8, s14;
	[sflag:s9] =	ssyncset.done @!p0 $0x0;
	s15 =	sshrl.u32 s15, $0x3  }
0x5f: {  	[sflag:s9] =	ssyncadd.s32 @!p0 $0xFFFFC000;
	s9 =	sadd.s32 s7, s15;
	s15 =	simm.s32 $0x0  }
0x60: {  	[tilespmem:s21], [sflag:$0x5] =	stream.linear.gather [hbm4b:s9+s15], $0x80, $0x38;
	[tilespmem:$0x13200] =	vst v63  }
0x61: {  	s9 =	sor.u32 s12, s14;
	_ =	swait.ge [sflag:s18], $0x80  }
0x62: {  	s9 =	sshrl.u32 s9, $0x3;
	[sflag:s18] =	ssyncset.done $0x0  }
0x63: {  	s9 =	sadd.s32 s2, s9;
	[sflag:s18] =	ssyncadd.s32 $0xFFFFFF80  }
0x64: {  	[tilespmem:s24], [sflag:$0x5] =	stream.linear.gather [hbm4b:s9+s15], $0x80, $0x38;
	[tilespmem:$0x13200] =	vst v63  }
0x65: {  	s14 =	smul.u32 $0xFA, s13;
	_ =	swait.ge [sflag:s18], $0x80  }
0x66: {  	[sflag:s18] =	ssyncset.done $0x0  }
0x67: {  	s9 =	sadd.s32 s6, s14;
	[sflag:s18] =	ssyncadd.s32 $0xFFFFFF80  }
0x68: {  	[tilespmem:s25], [sflag:$0x5] =	stream.linear.gather [hbm4b:s9+s15], $0x7D0, $0x38;
	[tilespmem:$0x13200] =	vst v63  }
0x69: {  	_ =	swait.ge [sflag:s18], $0x7D0  }
0x6a: {  	[sflag:s18] =	ssyncset.done $0x0  }
0x6b: {  	[sflag:s18] =	ssyncadd.s32 $0xFFFFF830  }
0x6c: {  	[tilespmem:s26], [sflag:$0x2] =	stream.indirect.gather [hbm4b:s5+s21], $0x80, s21, s21, $0xb8;
	[tilespmem:$0x13200] =	vst v63  }
0x6d: {  	_ = 	snop  }
0x6e: {  	[spmem:s3] =	stream.indirect.scatter.add.f32 [tilespmem:s22], [sflag:$0x3], $0x80, s19, s21, $0xb8;
	[tilespmem:$0x13200] =	vst v63  }
0x6f: {  	_ =	swait.ge [sflag:s28], $0x4000  }
0x70: {  	[sflag:s28] =	ssyncset.done $0x0  }
0x71: {  	s9 =	simm.s32 $0x5240;
	[sflag:s28] =	ssyncadd.s32 $0xFFFFC000  }
0x72: {  	s15 =	simm.s32 $0x0;
	v11 =	vld [tilespmem:s9+$0xFFFFFFD0]  }
0x73: {  	v6 =	vld [tilespmem:s15+$0xA00]  }
0x74: {  	v10 =	vld [tilespmem:s9+$0x20]  }
0x75: {  	v12 =	vld [tilespmem:s9+$0xFFFFFFC0]  }
0x76: {  	v15 =	vld [tilespmem:s9+$0xFFFFFFE0]  }
0x77: {  	v4 =	vld [tilespmem:s9+$0xFFFFFFF0]  }
0x78: {  	v5 =	vld [tilespmem:s9+$0x30];
	v13 =	vperm.xlane v6, v0;
	v9 =	vperm.xlane v6, v3  }
0x79: {  	v7 =	vld [tilespmem:s9+$0x0];
	v8 =	vperm.xlane v6, v1  }
0x7a: {  	v14 =	vmul.f32 v12, v13;
	v12 =	vmul.f32 v10, v9;
	v10 =	vld [tilespmem:s9+$0x10]  }
0x7b: {  	v6 =	vperm.xlane v6, v2  }
0x7c: {  	s12 =	simm.s32 $0x40;
	s13 =	simm.s32 $0x5240;
	v13 =	vmul.f32 v11, v13;
	v11 =	vmul.f32 v15, v8  }
.LBB2_5:
0x7d: {  	p0 =	sne.s32 s12, $0x1F00  }
0x7e: {  	[tilespmem:s9+$0xFFFFFFC0] =	vst v14;
	v7 =	vmul.f32 v7, v6;
	v5 =	vmul.f32 v5, v9;
	s13 =	sadd.s32 $0x80, s13;
	s14 =	smov.u32 s12;
	s12 =	sadd.s32 $0x40, s12  }
0x7f: {  	v8 =	vmul.f32 v4, v8;
	v6 =	vmul.f32 v10, v6;
	[tilespmem:s9+$0x20] =	vst v12  }
0x80: {  	[tilespmem:s9+$0xFFFFFFD0] =	vst v13  }
0x81: {  	[tilespmem:s9+$0xFFFFFFE0] =	vst v11  }
0x82: {  	[tilespmem:s9+$0x30] =	vst v5  }
0x83: {  	v4 =	vld [tilespmem:s13+$0xFFFFFFF0];
	[tilespmem:s9+$0x10] =	vst v6  }
0x84: {  	v11 =	vld [tilespmem:s13+$0xFFFFFFD0];
	[tilespmem:s9+$0xFFFFFFF0] =	vst v8  }
0x85: {  	s14 =	sshra.s32 s14, $0x2;
	v12 =	vld [tilespmem:s13+$0x20];
	[tilespmem:s9+$0x0] =	vst v7;
	s9 =	smov.u32 s13  }
0x86: {  	v6 =	vld [tilespmem:s14+$0xA00]  }
0x87: {  	v5 =	vld [tilespmem:s13+$0x30]  }
0x88: {  	v13 =	vld [tilespmem:s13+$0xFFFFFFC0]  }
0x89: {  	v15 =	vld [tilespmem:s13+$0xFFFFFFE0]  }
.Ltmp3:
0x8a: {  	v7 =	vld [tilespmem:s13+$0x0];
	(pc) =	sbr.rel @p0 .LBB2_5-.Ltmp3, $4  }
0x8b: {  	v16 =	vperm.xlane v6, v0;
	v9 =	vperm.xlane v6, v3;
	v10 =	vld [tilespmem:s13+$0x10]  }
0x8c: {  	v8 =	vperm.xlane v6, v1;
	v6 =	vperm.xlane v6, v2  }
0x8d: {  	v14 =	vmul.f32 v13, v16;
	v12 =	vmul.f32 v12, v9  }
0x8e: {  	v13 =	vmul.f32 v11, v16;
	v11 =	vmul.f32 v15, v8  }
0x8f: {  	[tilespmem:s9+$0xFFFFFFC0] =	vst v14  }
0x90: {  	[tilespmem:s9+$0x20] =	vst v12  }
0x91: {  	v5 =	vmul.f32 v5, v9;
	[tilespmem:s9+$0xFFFFFFD0] =	vst v13  }
0x92: {  	v4 =	vmul.f32 v4, v8;
	[tilespmem:s9+$0xFFFFFFE0] =	vst v11  }
0x93: {  	v63 =	vmul.f32 v10, v6;
	[tilespmem:s9+$0x30] =	vst v5  }
0x94: {  	p0 =	seq.s32 s0, $0x27;
	v5 =	vmul.f32 v7, v6;
	[tilespmem:s9+$0xFFFFFFF0] =	vst v4  }
.Ltmp4:
0x95: {  	[tilespmem:s9+$0x10] =	vst v63;
	(pc) =	sbr.rel @p0 .LBB2_8-.Ltmp4, $4  }
0x96: {  	[tilespmem:s9+$0x0] =	vst v5  }
0x97: {  	_ =	swait.ge [sflag:s29], $0x4000  }
0x98: {  	[sflag:s29] =	ssyncset.done $0x0  }
0x99: {  	[sflag:s29] =	ssyncadd.s32 $0xFFFFC000  }
0x9a: {  	s1 =	sadd.s32 $0x2, s1  }
0x9b: {  	s9 =	sadd.s32 s11, s1  }
0x9c: {  	s1 =	sshll.u32 s1, $0x7;
	s12 =	sshll.u32 s9, $0x7  }
0x9d: {  	s1 =	sand.u32 $0x300, s1;
	s12 =	sand.u32 $0x7FC00, s12  }
0x9e: {  	s13 =	sor.u32 s1, s12  }
0x9f: {  	s13 =	sshrl.u32 s13, $0x3  }
0xa0: {  	s12 =	sadd.s32 s8, s12;
	s13 =	sadd.s32 s7, s13  }
0xa1: {  	[tilespmem:s4], [sflag:$0x5] =	stream.linear.gather [hbm4b:s13+s4], $0x80, $0x38;
	[tilespmem:$0x13200] =	vst v63  }
0xa2: {  	s1 =	sor.u32 s1, s12;
	_ =	swait.ge [sflag:s18], $0x80  }
0xa3: {  	s1 =	sshrl.u32 s1, $0x3;
	[sflag:s18] =	ssyncset.done $0x0  }
0xa4: {  	s1 =	sadd.s32 s2, s1;
	[sflag:s18] =	ssyncadd.s32 $0xFFFFFF80  }
0xa5: {  	[tilespmem:s19], [sflag:$0x5] =	stream.linear.gather [hbm4b:s1+s4], $0x80, $0x38;
	[tilespmem:$0x13200] =	vst v63  }
0xa6: {  	s15 =	smul.u32 $0xFA, s9;
	_ =	swait.ge [sflag:s18], $0x80  }
0xa7: {  	[sflag:s18] =	ssyncset.done $0x0  }
0xa8: {  	s1 =	sadd.s32 s6, s15;
	[sflag:s18] =	ssyncadd.s32 $0xFFFFFF80  }
0xa9: {  	[tilespmem:s20], [sflag:$0x5] =	stream.linear.gather [hbm4b:s1+s4], $0x7D0, $0x38;
	[tilespmem:$0x13200] =	vst v63  }
0xaa: {  	_ =	swait.ge [sflag:s18], $0x7D0  }
.Ltmp5:
0xab: {  	[sflag:s18] =	ssyncset.done $0x0;
	(pc) =	sbr.rel .LBB2_2-.Ltmp5, $4  }
0xac: {  	[sflag:s18] =	ssyncadd.s32 $0xFFFFF830  }
0xad: {  	[tilespmem:s22], [sflag:$0x1] =	stream.indirect.gather [hbm4b:s5+s21], $0x80, s4, s21, $0xb8;
	[tilespmem:$0x13200] =	vst v63  }
0xae: {  	s0 =	sadd.s32 $0x1, s0  }
0xaf: {  	[spmem:s3] =	stream.indirect.scatter.add.f32 [tilespmem:s26], [sflag:$0x4], $0x80, s24, s21, $0xb8;
	[tilespmem:$0x13200] =	vst v63  }
.LBB2_9:
0xb0: {  	_ =	sfence.sel $0x180000  }
0xb1: {  	[bflag:$0x0] =	sbarrier.arrive $0xFFFF  }
0xb2: {  	_ =	strace $0x90000050  }
0xb3: {  	s0 =	stileid.u32;
	[bflag:$0x2] =	sbarrier.arrive $0xFFFF  }
0xb4: {  	p0 =	sne.s32 s0, $0x0;
	s0 =	rddreg [dreg:$0x3]  }
0xb5: {  	s0 =	sadd.s32 @!p0 $0x100000, s0  }
0xb6: {  	[sflag:s0] =	ssyncadd.tile.s32 @!p0 $0x1;
	_ =	shalt  }
.Lfunc_end2:
_tile_overlayer_lowered:
.L_overlay_start_2:
0xb7: {  	(tag) =	ssettag $0x2  }
0xb8: {  	s0 =	rddreg [dreg:$0x0];
	s2 =	stileid.u32  }
0xb9: {  	s1 =	rddreg [dreg:$0x1];
	p0 =	sne.s32 s2, $0x0  }
0xba: {  	s3 =	rddreg [dreg:$0x2];
	[bflag:$0x3] =	sbarrier.arrive $0xFFFF;
	s2 =	simm.s32 @!p0 $0x1C05  }
0xbb: {  	[timem:s3], [sflag:s2] =	dma.local @!p0 [hbm:s0], s1  }
0xbc: {  	s0 =	simm.s32 @!p0 $0x5  }
0xbd: {  	_ =	swait.ge @!p0 [sflag:s0], s1  }
0xbe: {  	s1 =	ssub.s32 @!p0 $0x0, s1;
	[sflag:s0] =	ssyncset.done @!p0 $0x0  }
0xbf: {  	[sflag:s0] =	ssyncadd.s32 @!p0 s1  }
0xc0: {  	[bflag:$0x3] =	sbarrier.arrive $0xFFFF  }
0xc1: {  	_ =	shalt  }

// kernel: kernel.27.cloned.1.call-start
scs
__scs_entry_jumppad:
0x0: {  	(pc) =	sbr.rel $0x88, $3  }
0x1: {  	(tag) =	ssettag $0x0;
	lr =	simm.s32 $0x1  }
0x2: {  	[smem:$0x3F94] =	sst lr;
	_ =	strace $0xD0000000  }
0x3: {  	_ = 	snop  }
0x4: {  	_ = 	snop  }
0x5: {  	_ = 	snop  }
0x6: {  	_ = 	snop  }
0x7: {  	_ = 	snop  }
__scs_overlays_trampoline_lowered:
0x8: {  	[smem:$0x3FA3] =	sst s0  }
0x9: {  	[smem:$0x3FA4] =	sst s1  }
0xa: {  	[smem:$0x3FA5] =	sst s2  }
0xb: {  	[smem:$0x3FA6] =	sst s3  }
0xc: {  	[smem:$0x3FA7] =	sst s4  }
0xd: {  	[smem:$0x3FA8] =	sst s5  }
0xe: {  	[smem:$0x3FA9] =	sst s6  }
0xf: {  	[smem:$0x3FAA] =	sst s7  }
0x10: {  	[smem:$0x3FAB] =	sst s8  }
0x11: {  	[smem:$0x3FAC] =	sst s9;
	s0 =	simm.s32 @!p0 $0x0  }
0x12: {  	s1 =	sld [smem:$0x3F92];
	s0 =	simm.s32 @p0 $0x1  }
0x13: {  	[smem:$0x3FAD] =	sst s0;
	s0 =	simm.s32 @!p1 $0x0  }
0x14: {  	s2 =	sld [smem:$0x3F91];
	s0 =	simm.s32 @p1 $0x1  }
0x15: {  	[smem:$0x3FAE] =	sst s0;
	s0 =	simm.s32 @!p2 $0x0  }
0x16: {  	s3 =	sld [smem:$0x3FDB];
	s0 =	simm.s32 @p2 $0x1  }
0x17: {  	s4 =	simm.s32 $0x1BF5;
	[smem:$0x3FB0] =	sst s0  }
0x18: {  	s0 =	sld [smem:$0x3F93];
	_ =	swait.ge [sflag:s4], $0x0  }
0x19: {  	s7 =	sld [smem:$0x3F94]  }
0x1a: {  	s8 =	sadd.s32 $0xFFFFE003, lr  }
0x1b: {  	s9 =	sadd.s32 $0xFFFFFEF7, lr;
	s5 =	simm.s32 $0xFFFFFFFF;
	p2 =	slt.u32 s8, $0xFFFFF086  }
0x1c: {  	p1 =	slt.u32 s9, $0xF7A;
	s5 =	simm.s32 @!p2 $0x0  }
0x1d: {  	s5 =	simm.s32 @p1 $0x1;
	p0 =	seq.s32 s7, s2  }
0x1e: {  	s7 =	smul.u32 @!p0 $0xF7A, s2;
	p2 =	seq.s32 @!p0 s5, $0x0  }
0x1f: {  	s9 =	smul.u32 $0xF7A, s1;
	s8 =	simm.s32 @!p0 $0x1BF5;
	p2 =	por !p2, p0  }
0x20: {  	[sflag:s8] =	ssyncset.s32 @!p0 $0xFFFFF086;
	s6 =	sadd.s32 @!p0 s3, s7;
	s7 =	simm.s32 @!p0 $0x108  }
0x21: {  	s3 =	sadd.s32 s3, s9;
	s6 =	sadd.s32 @!p0 $0x88, s6;
	s7 =	simm.s32 @p2 $0x1082  }
0x22: {  	[simem:s7], [sflag:s8] =	dma.local @!p0 [hbm:s6], $0xF7A  }
0x23: {  	s9 =	sor.u32 $0xD0000000, s2;
	s6 =	simm.s32 $0x108;
	_ =	swait.ge @!p0 [sflag:s8], $0x0  }
0x24: {  	s3 =	sadd.s32 $0x88, s3;
	s6 =	simm.s32 @!p1 $0x1082;
	[sflag:s4] =	ssyncset.s32 $0xFFFFF086  }
0x25: {  	[simem:s6], [sflag:s4] =	dma.local [hbm:s3], $0xF7A  }
0x26: {  	[smem:$0x3F94] =	sst s1;
	(tag) =	ssettag s2;
	_ =	strace s9  }
0x27: {  	s1 =	sld [smem:$0x3FA4]  }
0x28: {  	s2 =	sld [smem:$0x3FA5]  }
0x29: {  	s4 =	sld [smem:$0x3FA7]  }
0x2a: {  	p0 =	seq.s32 s5, $0x0;
	s5 =	sld [smem:$0x3FA8]  }
0x2b: {  	s6 =	sld [smem:$0x3FA9]  }
0x2c: {  	s7 =	sld [smem:$0x3FAA]  }
0x2d: {  	s3 =	simm.s32 $0x108;
	s8 =	sld [smem:$0x3FAB]  }
0x2e: {  	s3 =	simm.s32 @!p0 $0x1082;
	s9 =	sld [smem:$0x3FAC]  }
0x2f: {  	lr =	sadd.s32 s0, s3;
	s0 =	sld [smem:$0x3FA3]  }
0x30: {  	s3 =	sld [smem:$0x3FA6]  }
0x31: {  	[smem:$0x3FAF] =	sst s10  }
0x32: {  	s10 =	sld [smem:$0x3FAD];
	_ =	sdelay $0x3  }
0x33: {  	p0 =	seq.s32 s10, $0x1;
	s10 =	sld [smem:$0x3FAF];
	_ =	sdelay $0x3  }
0x34: {  	[smem:$0x3FAF] =	sst s10  }
0x35: {  	s10 =	sld [smem:$0x3FAE];
	_ =	sdelay $0x3  }
0x36: {  	p1 =	seq.s32 s10, $0x1;
	s10 =	sld [smem:$0x3FAF];
	_ =	sdelay $0x3  }
0x37: {  	[smem:$0x3FAF] =	sst s10  }
0x38: {  	s10 =	sld [smem:$0x3FB0]  }
0x39: {  	_ = 	snop;
	(pc) =	sbr.ind lr, $3  }
0x3a: {  	_ = 	snop  }
0x3b: {  	_ = 	snop  }
0x3c: {  	p2 =	seq.s32 s10, $0x1;
	s10 =	sld [smem:$0x3FAF]  }
0x3d: {  	_ =	shalt  }
0x3e: {  	_ =	shalt  }
0x3f: {  	_ =	shalt  }
0x40: {  	_ =	shalt  }
0x41: {  	_ =	shalt  }
0x42: {  	_ =	shalt  }
0x43: {  	_ =	shalt  }
0x44: {  	_ =	shalt  }
0x45: {  	_ =	shalt  }
0x46: {  	_ =	shalt  }
0x47: {  	_ =	shalt  }
0x48: {  	_ =	shalt  }
0x49: {  	_ =	shalt  }
0x4a: {  	_ =	shalt  }
0x4b: {  	_ =	shalt  }
0x4c: {  	_ =	shalt  }
0x4d: {  	_ =	shalt  }
0x4e: {  	_ =	shalt  }
0x4f: {  	_ =	shalt  }
0x50: {  	_ =	shalt  }
0x51: {  	_ =	shalt  }
0x52: {  	_ =	shalt  }
0x53: {  	_ =	shalt  }
0x54: {  	_ =	shalt  }
0x55: {  	_ =	shalt  }
0x56: {  	_ =	shalt  }
0x57: {  	_ =	shalt  }
0x58: {  	_ =	shalt  }
0x59: {  	_ =	shalt  }
0x5a: {  	_ =	shalt  }
0x5b: {  	_ =	shalt  }
0x5c: {  	_ =	shalt  }
0x5d: {  	_ =	shalt  }
0x5e: {  	_ =	shalt  }
0x5f: {  	_ =	shalt  }
0x60: {  	_ =	shalt  }
0x61: {  	_ =	shalt  }
0x62: {  	_ =	shalt  }
0x63: {  	_ =	shalt  }
0x64: {  	_ =	shalt  }
0x65: {  	_ =	shalt  }
0x66: {  	_ =	shalt  }
0x67: {  	_ =	shalt  }
0x68: {  	_ =	shalt  }
0x69: {  	_ =	shalt  }
0x6a: {  	_ =	shalt  }
0x6b: {  	_ =	shalt  }
0x6c: {  	_ =	shalt  }
0x6d: {  	_ =	shalt  }
0x6e: {  	_ =	shalt  }
0x6f: {  	_ =	shalt  }
0x70: {  	_ =	shalt  }
0x71: {  	_ =	shalt  }
0x72: {  	_ =	shalt  }
0x73: {  	_ =	shalt  }
0x74: {  	_ =	shalt  }
0x75: {  	_ =	shalt  }
0x76: {  	_ =	shalt  }
0x77: {  	_ =	shalt  }
0x78: {  	_ =	shalt  }
0x79: {  	_ =	shalt  }
0x7a: {  	_ =	shalt  }
0x7b: {  	_ =	shalt  }
0x7c: {  	_ =	shalt  }
0x7d: {  	_ =	shalt  }
0x7e: {  	_ =	shalt  }
0x7f: {  	_ =	shalt  }
0x80: {  	_ =	shalt  }
0x81: {  	_ =	shalt  }
0x82: {  	_ =	shalt  }
0x83: {  	_ =	shalt  }
0x84: {  	_ =	shalt  }
0x85: {  	_ =	shalt  }
0x86: {  	_ =	shalt  }
0x87: {  	_ =	shalt  }
.Lfunc_end0:
.L_simem_size_0:
called_computation.4_lowered:
.L_overlay_start_0:
0x88: {  	s2 =	sld [smem:$0x3FD9]  }
0x89: {  	s3 =	sld [smem:$0x3FFE];
	_ =	sdelay $0x1  }
0x8a: {  	s1 =	srdreg.scid  }
0x8b: {  	s0 =	sand.u32 $0x1, s1  }
0x8c: {  	s16 =	sshll.u32 s0, $0xA;
	s2 =	sadd.s32 s3, s2  }
0x8d: {  	s2 =	sadd.s32 s2, s16  }
0x8e: {  	[smem:$0x3FBB] =	sst s2  }
0x8f: {  	_ = 	snop  }
0x90: {  	(tm) =	ssettm $0x1  }
0x91: {  	s17 =	sld [smem:$0x3FFB];
	_ =	sdelay $0x3  }
0x92: {  	_ =	strace s17  }
0x93: {  	s2 =	sld [smem:$0x3FFC];
	_ =	sdelay $0x3  }
0x94: {  	_ =	strace s2  }
0x95: {  	s2 =	sld [smem:$0x3FFD];
	_ =	sdelay $0x3  }
0x96: {  	_ =	strace s2  }
0x97: {  	_ =	strace $0x8FFFFFFF  }
0x98: {  	s18 =	sld [smem:$0x3FDB];
	_ =	sdelay $0x1  }
0x99: {  	s19 =	simm.s32 $_scs_section_size  }
0x9a: {  	s4 =	simm.s32 $_size__tile_overlayer_lowered;
	s5 =	simm.s32 $_tile_overlayer_lowered  }
0x9b: {  	s22 =	simm.s32 $0x1BFF;
	s21 =	sshll.u32 s5, $0x1;
	s2 =	sadd.s32 s19, s18  }
0x9c: {  	s6 =	simm.s32 $0x0;
	s20 =	sshll.u32 s4, $0x1;
	s4 =	sadd.s32 s21, s2  }
0x9d: {  	[timem:s6], [sflag:s22] =	dma.local [hbm:s4], s20  }
0x9e: {  	_ =	swait.ge [sflag:s22], s20  }
0x9f: {  	s3 =	ssub.s32 $0x0, s20;
	[sflag:s22] =	ssyncset.done $0x0  }
0xa0: {  	[sflag:s22] =	ssyncadd.s32 s3;
	_ =	sdelay $0x1  }
0xa1: {  	s23 =	simm.s32 $0x1B8B  }
0xa2: {  	_ =	swait.ge [sflag:s23], $0x1  }
0xa3: {  	[sflag:s23] =	ssyncset.done $0x0  }
0xa4: {  	s25 =	simm.s32 $0x1B8E;
	s24 =	sld [smem:$0x3FFE];
	[sflag:s23] =	ssyncadd.s32 $0xFFFFFFFF  }
0xa5: {  	s26 =	simm.s32 $execute0_lowered;
	[smem:$0x3FD2] =	sst s25  }
0xa6: {  	s4 =	sshll.u32 s26, $0x1;
	_ =	strace $0x80000052;
	[dreg:$0x1] =	wrdreg $0xFFFFFFFF  }
0xa7: {  	s28 =	simm.s32 $_size_execute0_lowered;
	s2 =	sadd.s32 s2, s4;
	[dreg:$0x0] =	wrdreg $0x0  }
0xa8: {  	s4 =	sshll.u32 s28, $0x1;
	[dreg:$0x2] =	wrdreg s2  }
0xa9: {  	[dreg:$0x3] =	wrdreg s4  }
0xaa: {  	[dreg:$0x4] =	wrdreg $0xC0  }
0xab: {  	_ =	task [dreg:s6], $0x5FFFF  }
0xac: {  	[dreg:$0x1] =	wrdreg $0xFFFFFFFF  }
0xad: {  	[dreg:$0x0] =	wrdreg $0x60  }
0xae: {  	[dreg:$0x2] =	wrdreg s24  }
0xaf: {  	[dreg:$0x3] =	wrdreg $0x92000  }
0xb0: {  	[dreg:$0x4] =	wrdreg $0x9  }
0xb1: {  	_ =	task.clear_ibuf [dreg:s6], $0x5FFFF;
	_ =	strace $0x90000052  }
0xb2: {  	s29 =	simm.s32 $0x9;
	_ =	strace $0x80000054  }
0xb3: {  	_ =	swait.ge [sflag:s29], $0x1  }
0xb4: {  	[sflag:s29] =	ssyncadd.s32 $0xFFFFFFFF  }
0xb5: {  	_ =	strace $0x90000054  }
0xb6: {  	_ =	sfence  }
0xb7: {  	s30 =	sld [smem:$0x0];
	_ =	sdelay $0x2  }
0xb8: {  	s31 =	sshll.u32 s1, $0xD;
	s1 =	sshrl.u32 s1, $0x2  }
0xb9: {  	s3 =	sand.u32 $0x4000, s31;
	s1 =	sadd.s32 s1, s30  }
0xba: {  	s0 =	sor.u32 s3, s0;
	s1 =	sshll.u32 s1, $0x11  }
0xbb: {  	s0 =	sor.u32 s1, s0  }
0xbc: {  	s0 =	sadd.s32 $0x8F2B, s0  }
0xbd: {  	[sflag:s0] =	ssyncadd.remote.s32 $0x1  }
0xbe: {  	_ =	sfence.sel $0xFFFF  }
0xbf: {  	[dreg:$0x0] =	wrdreg $0xFFFFFFFF;
	(pc) =	sbr.abs _section_cstart, $3  }
0xc0: {  	[dreg:$0x1] =	wrdreg $0xFFFFFFFF  }
0xc1: {  	_ =	task.clear_ibuf [dreg:s6], $0x2FFFF;
	_ =	strace $0x9FFFFFFF  }
0xc2: {  	(tm) =	ssettm $0x7FFFFFFF  }
0xc3: {  	_ =	shalt  }
tec
execute0_lowered:
.L_overlay_start_1:
0x0: {  	(tag) =	ssettag $0x1  }
0x1: {  	s0 =	rddreg [dreg:$0x0]  }
0x2: {  	s2 =	rddreg [dreg:$0x1];
	s3 =	simm.s32 $0x0  }
0x3: {  	s15 =	stileid.u32;
	s1 =	srdreg.scid;
	s18 =	simm.s32 $0x5  }
0x4: {  	s19 =	simm.s32 $0x100;
	s28 =	simm.s32 $0x2;
	s29 =	simm.s32 $0x3  }
0x5: {  	s30 =	simm.s32 $0x4;
	s31 =	simm.s32 $0x0;
	[smem:$0x7FF] =	sst s3  }
0x6: {  	s8 =	smul.u32 $0xA000, s15;
	s1 =	sand.u32 $0x1, s1;
	s4 =	sadd.s32 $0x36400, s0  }
0x7: {  	s5 =	sadd.s32 $0x85400, s0;
	s6 =	sadd.s32 $0x31400, s0;
	s12 =	smul.u32 $0x28000, s15  }
0x8: {  	s7 =	sadd.s32 $0xD3600, s0;
	s21 =	smul.u32 $0x2800, s15;
	s13 =	sshll.u32 s15, $0x6  }
0x9: {  	s14 =	smul.u32 $0x4E20, s15;
	_ =	strace $0x80000053;
	s20 =	ssub.s32 $0x2, s1  }
0xa: {  	s9 =	smul.u32 $0xA0000, s1;
	s10 =	sshrl.u32 s8, $0x3;
	s11 =	sshrl.u32 s20, $0x1  }
0xb: {  	s12 =	sshrl.u32 s12, $0x2;
	s23 =	sshrl.u32 s21, $0x3;
	s26 =	sadd.s32 s5, s14  }
0xc: {  	s10 =	sadd.s32 s10, s0;
	s8 =	sadd.s32 s8, s9;
	s9 =	ssub.s32 s20, s11  }
0xd: {  	s22 =	sadd.s32 s12, s2;
	s11 =	smul.u32 $0x50, s15;
	s12 =	sadd.s32 s6, s23  }
0xe: {  	[dreg:$0x6] =	wrdreg s26;
	s20 =	simm.s32 $0x200;
	s23 =	simm.s32 $0x1  }
0xf: {  	s26 =	simm.s32 $0x5200;
	s8 =	sshrl.u32 s8, $0x3;
	s10 =	sadd.s32 $0x4C00, s10  }
0x10: {  	[dreg:$0x4] =	wrdreg s12;
	s0 =	sadd.s32 s8, s0;
	s8 =	smul.u32 $0x28000, s1  }
.Ltmp0:
0x11: {  	s16 =	smax.u32 s9, $0x1;
	s17 =	sshrl.u32 s22, $0x3;
	(pc) =	sbr.rel .LBB2_1-.Ltmp0, $4  }
0x12: {  	s22 =	simm.s32 $0x1200;
	[dreg:$0x3] =	wrdreg s10;
	s24 =	sadd.s32 s21, s8  }
0x13: {  	s10 =	sor.u32 $0x1C05, s13;
	s0 =	sadd.s32 $0xDD600, s0;
	s25 =	sshrl.u32 s24, $0x3  }
0x14: {  	v0 =	vimm.s32 $0x0;
	[dreg:$0x7] =	wrdreg s0;
	s21 =	simm.s32 $0x80;
	s12 =	sadd.s32 s7, s25  }
0x15: {  	v1 =	vimm.s32 $0x1;
	v2 =	vimm.s32 $0x2;
	v3 =	vimm.s32 $0x3;
	s24 =	simm.s32 $0x180;
	s25 =	simm.s32 $0xA00;
	[dreg:$0x5] =	wrdreg s12  }
.LBB2_8:
0x16: {  	[spmem:s2] =	stream.indirect.scatter.add.f32 [tilespmem:s26], [sflag:$0x4], $0x80, s24, s21, $0xb8;
	[tilespmem:$0x13200] =	vst v63  }
0x17: {  	_ =	swait.ge [sflag:s30], $0x4000  }
0x18: {  	[sflag:s30] =	ssyncset.done $0x0  }
0x19: {  	s31 =	sadd.s32 $0x1, s31;
	[sflag:s30] =	ssyncadd.s32 $0xFFFFC000  }
0x1a: {  	p0 =	sne.s32 s31, s16;
	[bflag:$0x0] =	sbarrier.arrive $0xFFFF  }
.Ltmp1:
0x1b: {  	s0 =	rddreg [dreg:$0x7];
	(pc) =	sbr.rel @!p0 .LBB2_9-.Ltmp1, $4  }
0x1c: {  	[hbm:s0], [sflag:s10] =	dma.local [spmem:s17], $0x1400  }
0x1d: {  	_ =	swait.ge [sflag:s18], $0x1400  }
0x1e: {  	[sflag:s18] =	ssyncset.done $0x0  }
0x1f: {  	[sflag:s18] =	ssyncadd.s32 $0xFFFFEC00  }
.LBB2_1:
0x20: {  	s0 =	rddreg [dreg:$0x3]  }
0x21: {  	[spmem:s17], [sflag:s10] =	dma.local [hbm:s0], $0x1400  }
0x22: {  	_ =	swait.ge [sflag:s18], $0x1400  }
0x23: {  	[sflag:s18] =	ssyncset.done $0x0  }
0x24: {  	[sflag:s18] =	ssyncadd.s32 $0xFFFFEC00  }
0x25: {  	[bflag:$0x0] =	sbarrier.arrive $0xFFFF  }
0x26: {  	s13 =	rddreg [dreg:$0x4]  }
0x27: {  	[tilespmem:s3], [sflag:$0x5] =	stream.linear.gather [hbm4b:s13+s3], $0x80, $0x38;
	[tilespmem:$0x13200] =	vst v63  }
0x28: {  	_ =	swait.ge [sflag:s18], $0x80  }
0x29: {  	[sflag:s18] =	ssyncset.done $0x0  }
0x2a: {  	s14 =	rddreg [dreg:$0x5];
	[sflag:s18] =	ssyncadd.s32 $0xFFFFFF80  }
0x2b: {  	[tilespmem:s19], [sflag:$0x5] =	stream.linear.gather [hbm4b:s14+s3], $0x80, $0x38;
	[tilespmem:$0x13200] =	vst v63  }
0x2c: {  	_ =	swait.ge [sflag:s18], $0x80  }
0x2d: {  	[sflag:s18] =	ssyncset.done $0x0  }
0x2e: {  	s15 =	rddreg [dreg:$0x6];
	[sflag:s18] =	ssyncadd.s32 $0xFFFFFF80  }
0x2f: {  	[tilespmem:s20], [sflag:$0x5] =	stream.linear.gather [hbm4b:s15+s3], $0x7D0, $0x38;
	[tilespmem:$0x13200] =	vst v63  }
0x30: {  	_ =	swait.ge [sflag:s18], $0x7D0  }
0x31: {  	[sflag:s18] =	ssyncset.done $0x0  }
0x32: {  	s0 =	simm.s32 $0x0;
	[sflag:s18] =	ssyncadd.s32 $0xFFFFF830  }
0x33: {  	[tilespmem:s22], [sflag:$0x1] =	stream.indirect.gather [hbm4b:s4+s21], $0x80, s3, s21, $0xb8;
	[tilespmem:$0x13200] =	vst v63  }
.LBB2_2:
0x34: {  	_ =	swait.ge [sflag:s23], $0x4000  }
0x35: {  	[sflag:s23] =	ssyncset.done $0x0  }
0x36: {  	s9 =	simm.s32 $0x1240;
	[sflag:s23] =	ssyncadd.s32 $0xFFFFC000  }
0x37: {  	s1 =	simm.s32 $0x0;
	v11 =	vld [tilespmem:s9+$0xFFFFFFD0]  }
0x38: {  	v6 =	vld [tilespmem:s1+$0x200]  }
0x39: {  	v10 =	vld [tilespmem:s9+$0x20]  }
0x3a: {  	v12 =	vld [tilespmem:s9+$0xFFFFFFC0]  }
0x3b: {  	v15 =	vld [tilespmem:s9+$0xFFFFFFE0]  }
0x3c: {  	v4 =	vld [tilespmem:s9+$0xFFFFFFF0]  }
0x3d: {  	v5 =	vld [tilespmem:s9+$0x30];
	v13 =	vperm.xlane v6, v0;
	v9 =	vperm.xlane v6, v3  }
0x3e: {  	v7 =	vld [tilespmem:s9+$0x0];
	v8 =	vperm.xlane v6, v1  }
0x3f: {  	v14 =	vmul.f32 v12, v13;
	v12 =	vmul.f32 v10, v9;
	v10 =	vld [tilespmem:s9+$0x10]  }
0x40: {  	v6 =	vperm.xlane v6, v2  }
0x41: {  	s12 =	simm.s32 $0x1240;
	s1 =	simm.s32 $0x40;
	v13 =	vmul.f32 v11, v13;
	v11 =	vmul.f32 v15, v8  }
.LBB2_3:
0x42: {  	p0 =	sne.s32 s1, $0x1F00  }
0x43: {  	[tilespmem:s9+$0xFFFFFFC0] =	vst v14;
	v7 =	vmul.f32 v7, v6;
	v5 =	vmul.f32 v5, v9;
	s12 =	sadd.s32 $0x80, s12;
	s13 =	smov.u32 s1;
	s1 =	sadd.s32 $0x40, s1  }
0x44: {  	v8 =	vmul.f32 v4, v8;
	v6 =	vmul.f32 v10, v6;
	[tilespmem:s9+$0x20] =	vst v12  }
0x45: {  	[tilespmem:s9+$0xFFFFFFD0] =	vst v13  }
0x46: {  	[tilespmem:s9+$0xFFFFFFE0] =	vst v11  }
0x47: {  	[tilespmem:s9+$0x30] =	vst v5  }
0x48: {  	v4 =	vld [tilespmem:s12+$0xFFFFFFF0];
	[tilespmem:s9+$0x10] =	vst v6  }
0x49: {  	v11 =	vld [tilespmem:s12+$0xFFFFFFD0];
	[tilespmem:s9+$0xFFFFFFF0] =	vst v8  }
0x4a: {  	s13 =	sshra.s32 s13, $0x2;
	v12 =	vld [tilespmem:s12+$0x20];
	[tilespmem:s9+$0x0] =	vst v7;
	s9 =	smov.u32 s12  }
0x4b: {  	v6 =	vld [tilespmem:s13+$0x200]  }
0x4c: {  	v5 =	vld [tilespmem:s12+$0x30]  }
0x4d: {  	v13 =	vld [tilespmem:s12+$0xFFFFFFC0]  }
0x4e: {  	v15 =	vld [tilespmem:s12+$0xFFFFFFE0]  }
.Ltmp2:
0x4f: {  	v7 =	vld [tilespmem:s12+$0x0];
	(pc) =	sbr.rel @p0 .LBB2_3-.Ltmp2, $4  }
0x50: {  	v16 =	vperm.xlane v6, v0;
	v9 =	vperm.xlane v6, v3;
	v10 =	vld [tilespmem:s12+$0x10]  }
0x51: {  	v8 =	vperm.xlane v6, v1;
	v6 =	vperm.xlane v6, v2  }
0x52: {  	v14 =	vmul.f32 v13, v16;
	v12 =	vmul.f32 v12, v9  }
0x53: {  	v13 =	vmul.f32 v11, v16;
	v11 =	vmul.f32 v15, v8  }
0x54: {  	[tilespmem:s9+$0xFFFFFFC0] =	vst v14  }
0x55: {  	[tilespmem:s9+$0x20] =	vst v12  }
0x56: {  	v5 =	vmul.f32 v5, v9;
	[tilespmem:s9+$0xFFFFFFD0] =	vst v13  }
0x57: {  	s1 =	sshll.u32 s0, $0x1;
	v4 =	vmul.f32 v4, v8;
	[tilespmem:s9+$0xFFFFFFE0] =	vst v11  }
0x58: {  	v9 =	vmul.f32 v10, v6;
	s12 =	sor.u32 $0x1, s1;
	[tilespmem:s9+$0x30] =	vst v5  }
0x59: {  	v5 =	vmul.f32 v7, v6;
	s13 =	sadd.s32 s11, s12;
	[tilespmem:s9+$0xFFFFFFF0] =	vst v4  }
0x5a: {  	p0 =	seq.s32 s0, $0x0;
	s12 =	sshll.u32 s12, $0x7;
	[tilespmem:s9+$0x10] =	vst v9;
	s14 =	sshll.u32 s13, $0x7  }
0x5b: {  	s12 =	sand.u32 $0x380, s12;
	[tilespmem:s9+$0x0] =	vst v5;
	s9 =	simm.s32 @!p0 $0x4;
	s14 =	sand.u32 $0x7FC00, s14  }
0x5c: {  	_ =	swait.ge @!p0 [sflag:s9], $0x4000;
	s15 =	sor.u32 s12, s14  }
0x5d: {  	s14 =	sadd.s32 s8, s14;
	[sflag:s9] =	ssyncset.done @!p0 $0x0;
	s15 =	sshrl.u32 s15, $0x3  }
0x5e: {  	[sflag:s9] =	ssyncadd.s32 @!p0 $0xFFFFC000;
	s9 =	sadd.s32 s6, s15;
	s15 =	simm.s32 $0x0  }
0x5f: {  	[tilespmem:s21], [sflag:$0x5] =	stream.linear.gather [hbm4b:s9+s15], $0x80, $0x38;
	[tilespmem:$0x13200] =	vst v63  }
0x60: {  	s9 =	sor.u32 s12, s14;
	_ =	swait.ge [sflag:s18], $0x80  }
0x61: {  	s9 =	sshrl.u32 s9, $0x3;
	[sflag:s18] =	ssyncset.done $0x0  }
0x62: {  	s9 =	sadd.s32 s7, s9;
	[sflag:s18] =	ssyncadd.s32 $0xFFFFFF80  }
0x63: {  	[tilespmem:s24], [sflag:$0x5] =	stream.linear.gather [hbm4b:s9+s15], $0x80, $0x38;
	[tilespmem:$0x13200] =	vst v63  }
0x64: {  	s14 =	smul.u32 $0xFA, s13;
	_ =	swait.ge [sflag:s18], $0x80  }
0x65: {  	[sflag:s18] =	ssyncset.done $0x0  }
0x66: {  	s9 =	sadd.s32 s5, s14;
	[sflag:s18] =	ssyncadd.s32 $0xFFFFFF80  }
0x67: {  	[tilespmem:s25], [sflag:$0x5] =	stream.linear.gather [hbm4b:s9+s15], $0x7D0, $0x38;
	[tilespmem:$0x13200] =	vst v63  }
0x68: {  	_ =	swait.ge [sflag:s18], $0x7D0  }
0x69: {  	[sflag:s18] =	ssyncset.done $0x0  }
0x6a: {  	[sflag:s18] =	ssyncadd.s32 $0xFFFFF830  }
0x6b: {  	[tilespmem:s26], [sflag:$0x2] =	stream.indirect.gather [hbm4b:s4+s21], $0x80, s21, s21, $0xb8;
	[tilespmem:$0x13200] =	vst v63  }
0x6c: {  	_ = 	snop  }
0x6d: {  	[spmem:s2] =	stream.indirect.scatter.add.f32 [tilespmem:s22], [sflag:$0x3], $0x80, s19, s21, $0xb8;
	[tilespmem:$0x13200] =	vst v63  }
0x6e: {  	_ =	swait.ge [sflag:s28], $0x4000  }
0x6f: {  	[sflag:s28] =	ssyncset.done $0x0  }
0x70: {  	s9 =	simm.s32 $0x5240;
	[sflag:s28] =	ssyncadd.s32 $0xFFFFC000  }
0x71: {  	s15 =	simm.s32 $0x0;
	v11 =	vld [tilespmem:s9+$0xFFFFFFD0]  }
0x72: {  	v6 =	vld [tilespmem:s15+$0xA00]  }
0x73: {  	v10 =	vld [tilespmem:s9+$0x20]  }
0x74: {  	v12 =	vld [tilespmem:s9+$0xFFFFFFC0]  }
0x75: {  	v15 =	vld [tilespmem:s9+$0xFFFFFFE0]  }
0x76: {  	v4 =	vld [tilespmem:s9+$0xFFFFFFF0]  }
0x77: {  	v5 =	vld [tilespmem:s9+$0x30];
	v13 =	vperm.xlane v6, v0;
	v9 =	vperm.xlane v6, v3  }
0x78: {  	v7 =	vld [tilespmem:s9+$0x0];
	v8 =	vperm.xlane v6, v1  }
0x79: {  	v14 =	vmul.f32 v12, v13;
	v12 =	vmul.f32 v10, v9;
	v10 =	vld [tilespmem:s9+$0x10]  }
0x7a: {  	v6 =	vperm.xlane v6, v2  }
0x7b: {  	s12 =	simm.s32 $0x40;
	s13 =	simm.s32 $0x5240;
	v13 =	vmul.f32 v11, v13;
	v11 =	vmul.f32 v15, v8  }
.LBB2_5:
0x7c: {  	p0 =	sne.s32 s12, $0x1F00  }
0x7d: {  	[tilespmem:s9+$0xFFFFFFC0] =	vst v14;
	v7 =	vmul.f32 v7, v6;
	v5 =	vmul.f32 v5, v9;
	s13 =	sadd.s32 $0x80, s13;
	s14 =	smov.u32 s12;
	s12 =	sadd.s32 $0x40, s12  }
0x7e: {  	v8 =	vmul.f32 v4, v8;
	v6 =	vmul.f32 v10, v6;
	[tilespmem:s9+$0x20] =	vst v12  }
0x7f: {  	[tilespmem:s9+$0xFFFFFFD0] =	vst v13  }
0x80: {  	[tilespmem:s9+$0xFFFFFFE0] =	vst v11  }
0x81: {  	[tilespmem:s9+$0x30] =	vst v5  }
0x82: {  	v4 =	vld [tilespmem:s13+$0xFFFFFFF0];
	[tilespmem:s9+$0x10] =	vst v6  }
0x83: {  	v11 =	vld [tilespmem:s13+$0xFFFFFFD0];
	[tilespmem:s9+$0xFFFFFFF0] =	vst v8  }
0x84: {  	s14 =	sshra.s32 s14, $0x2;
	v12 =	vld [tilespmem:s13+$0x20];
	[tilespmem:s9+$0x0] =	vst v7;
	s9 =	smov.u32 s13  }
0x85: {  	v6 =	vld [tilespmem:s14+$0xA00]  }
0x86: {  	v5 =	vld [tilespmem:s13+$0x30]  }
0x87: {  	v13 =	vld [tilespmem:s13+$0xFFFFFFC0]  }
0x88: {  	v15 =	vld [tilespmem:s13+$0xFFFFFFE0]  }
.Ltmp3:
0x89: {  	v7 =	vld [tilespmem:s13+$0x0];
	(pc) =	sbr.rel @p0 .LBB2_5-.Ltmp3, $4  }
0x8a: {  	v16 =	vperm.xlane v6, v0;
	v9 =	vperm.xlane v6, v3;
	v10 =	vld [tilespmem:s13+$0x10]  }
0x8b: {  	v8 =	vperm.xlane v6, v1;
	v6 =	vperm.xlane v6, v2  }
0x8c: {  	v14 =	vmul.f32 v13, v16;
	v12 =	vmul.f32 v12, v9  }
0x8d: {  	v13 =	vmul.f32 v11, v16;
	v11 =	vmul.f32 v15, v8  }
0x8e: {  	[tilespmem:s9+$0xFFFFFFC0] =	vst v14  }
0x8f: {  	[tilespmem:s9+$0x20] =	vst v12  }
0x90: {  	v5 =	vmul.f32 v5, v9;
	[tilespmem:s9+$0xFFFFFFD0] =	vst v13  }
0x91: {  	v4 =	vmul.f32 v4, v8;
	[tilespmem:s9+$0xFFFFFFE0] =	vst v11  }
0x92: {  	v63 =	vmul.f32 v10, v6;
	[tilespmem:s9+$0x30] =	vst v5  }
0x93: {  	p0 =	seq.s32 s0, $0x27;
	v5 =	vmul.f32 v7, v6;
	[tilespmem:s9+$0xFFFFFFF0] =	vst v4  }
.Ltmp4:
0x94: {  	[tilespmem:s9+$0x10] =	vst v63;
	(pc) =	sbr.rel @p0 .LBB2_8-.Ltmp4, $4  }
0x95: {  	[tilespmem:s9+$0x0] =	vst v5  }
0x96: {  	_ =	swait.ge [sflag:s29], $0x4000  }
0x97: {  	[sflag:s29] =	ssyncset.done $0x0  }
0x98: {  	[sflag:s29] =	ssyncadd.s32 $0xFFFFC000  }
0x99: {  	s1 =	sadd.s32 $0x2, s1  }
0x9a: {  	s9 =	sadd.s32 s11, s1  }
0x9b: {  	s1 =	sshll.u32 s1, $0x7;
	s12 =	sshll.u32 s9, $0x7  }
0x9c: {  	s1 =	sand.u32 $0x300, s1;
	s12 =	sand.u32 $0x7FC00, s12  }
0x9d: {  	s13 =	sor.u32 s1, s12  }
0x9e: {  	s13 =	sshrl.u32 s13, $0x3  }
0x9f: {  	s12 =	sadd.s32 s8, s12;
	s13 =	sadd.s32 s6, s13  }
0xa0: {  	[tilespmem:s3], [sflag:$0x5] =	stream.linear.gather [hbm4b:s13+s3], $0x80, $0x38;
	[tilespmem:$0x13200] =	vst v63  }
0xa1: {  	s1 =	sor.u32 s1, s12;
	_ =	swait.ge [sflag:s18], $0x80  }
0xa2: {  	s1 =	sshrl.u32 s1, $0x3;
	[sflag:s18] =	ssyncset.done $0x0  }
0xa3: {  	s1 =	sadd.s32 s7, s1;
	[sflag:s18] =	ssyncadd.s32 $0xFFFFFF80  }
0xa4: {  	[tilespmem:s19], [sflag:$0x5] =	stream.linear.gather [hbm4b:s1+s3], $0x80, $0x38;
	[tilespmem:$0x13200] =	vst v63  }
0xa5: {  	s15 =	smul.u32 $0xFA, s9;
	_ =	swait.ge [sflag:s18], $0x80  }
0xa6: {  	[sflag:s18] =	ssyncset.done $0x0  }
0xa7: {  	s1 =	sadd.s32 s5, s15;
	[sflag:s18] =	ssyncadd.s32 $0xFFFFFF80  }
0xa8: {  	[tilespmem:s20], [sflag:$0x5] =	stream.linear.gather [hbm4b:s1+s3], $0x7D0, $0x38;
	[tilespmem:$0x13200] =	vst v63  }
0xa9: {  	_ =	swait.ge [sflag:s18], $0x7D0  }
.Ltmp5:
0xaa: {  	[sflag:s18] =	ssyncset.done $0x0;
	(pc) =	sbr.rel .LBB2_2-.Ltmp5, $4  }
0xab: {  	[sflag:s18] =	ssyncadd.s32 $0xFFFFF830  }
0xac: {  	[tilespmem:s22], [sflag:$0x1] =	stream.indirect.gather [hbm4b:s4+s21], $0x80, s3, s21, $0xb8;
	[tilespmem:$0x13200] =	vst v63  }
0xad: {  	s0 =	sadd.s32 $0x1, s0  }
0xae: {  	[spmem:s2] =	stream.indirect.scatter.add.f32 [tilespmem:s26], [sflag:$0x4], $0x80, s24, s21, $0xb8;
	[tilespmem:$0x13200] =	vst v63  }
.LBB2_9:
0xaf: {  	_ =	sfence.sel $0x180000  }
0xb0: {  	[bflag:$0x0] =	sbarrier.arrive $0xFFFF  }
0xb1: {  	_ =	strace $0x90000053  }
0xb2: {  	s0 =	stileid.u32;
	[bflag:$0x2] =	sbarrier.arrive $0xFFFF  }
0xb3: {  	p0 =	sne.s32 s0, $0x0;
	s0 =	rddreg [dreg:$0x2]  }
0xb4: {  	s0 =	sadd.s32 @!p0 $0x100000, s0  }
0xb5: {  	[sflag:s0] =	ssyncadd.tile.s32 @!p0 $0x1;
	_ =	shalt  }
.Lfunc_end2:
_tile_overlayer_lowered:
.L_overlay_start_2:
0xb6: {  	(tag) =	ssettag $0x2  }
0xb7: {  	s0 =	rddreg [dreg:$0x0];
	s2 =	stileid.u32  }
0xb8: {  	s1 =	rddreg [dreg:$0x1];
	p0 =	sne.s32 s2, $0x0  }
0xb9: {  	s3 =	rddreg [dreg:$0x2];
	[bflag:$0x3] =	sbarrier.arrive $0xFFFF;
	s2 =	simm.s32 @!p0 $0x1C05  }
0xba: {  	[timem:s3], [sflag:s2] =	dma.local @!p0 [hbm:s0], s1  }
0xbb: {  	s0 =	simm.s32 @!p0 $0x5  }
0xbc: {  	_ =	swait.ge @!p0 [sflag:s0], s1  }
0xbd: {  	s1 =	ssub.s32 @!p0 $0x0, s1;
	[sflag:s0] =	ssyncset.done @!p0 $0x0  }
0xbe: {  	[sflag:s0] =	ssyncadd.s32 @!p0 s1  }
0xbf: {  	[bflag:$0x3] =	sbarrier.arrive $0xFFFF  }
0xc0: {  	_ =	shalt  }

// kernel: kernel.30.cloned.1.call-start
scs
__scs_entry_jumppad:
0x0: {  	(pc) =	sbr.rel $0x88, $3  }
0x1: {  	(tag) =	ssettag $0x0;
	lr =	simm.s32 $0x1  }
0x2: {  	[smem:$0x3F94] =	sst lr;
	_ =	strace $0xD0000000  }
0x3: {  	_ = 	snop  }
0x4: {  	_ = 	snop  }
0x5: {  	_ = 	snop  }
0x6: {  	_ = 	snop  }
0x7: {  	_ = 	snop  }
__scs_overlays_trampoline_lowered:
0x8: {  	[smem:$0x3FA3] =	sst s0  }
0x9: {  	[smem:$0x3FA4] =	sst s1  }
0xa: {  	[smem:$0x3FA5] =	sst s2  }
0xb: {  	[smem:$0x3FA6] =	sst s3  }
0xc: {  	[smem:$0x3FA7] =	sst s4  }
0xd: {  	[smem:$0x3FA8] =	sst s5  }
0xe: {  	[smem:$0x3FA9] =	sst s6  }
0xf: {  	[smem:$0x3FAA] =	sst s7  }
0x10: {  	[smem:$0x3FAB] =	sst s8  }
0x11: {  	[smem:$0x3FAC] =	sst s9;
	s0 =	simm.s32 @!p0 $0x0  }
0x12: {  	s1 =	sld [smem:$0x3F92];
	s0 =	simm.s32 @p0 $0x1  }
0x13: {  	[smem:$0x3FAD] =	sst s0;
	s0 =	simm.s32 @!p1 $0x0  }
0x14: {  	s2 =	sld [smem:$0x3F91];
	s0 =	simm.s32 @p1 $0x1  }
0x15: {  	[smem:$0x3FAE] =	sst s0;
	s0 =	simm.s32 @!p2 $0x0  }
0x16: {  	s3 =	sld [smem:$0x3FDB];
	s0 =	simm.s32 @p2 $0x1  }
0x17: {  	s4 =	simm.s32 $0x1BF5;
	[smem:$0x3FB0] =	sst s0  }
0x18: {  	s0 =	sld [smem:$0x3F93];
	_ =	swait.ge [sflag:s4], $0x0  }
0x19: {  	s7 =	sld [smem:$0x3F94]  }
0x1a: {  	s8 =	sadd.s32 $0xFFFFE003, lr  }
0x1b: {  	s9 =	sadd.s32 $0xFFFFFEF7, lr;
	s5 =	simm.s32 $0xFFFFFFFF;
	p2 =	slt.u32 s8, $0xFFFFF086  }
0x1c: {  	p1 =	slt.u32 s9, $0xF7A;
	s5 =	simm.s32 @!p2 $0x0  }
0x1d: {  	s5 =	simm.s32 @p1 $0x1;
	p0 =	seq.s32 s7, s2  }
0x1e: {  	s7 =	smul.u32 @!p0 $0xF7A, s2;
	p2 =	seq.s32 @!p0 s5, $0x0  }
0x1f: {  	s9 =	smul.u32 $0xF7A, s1;
	s8 =	simm.s32 @!p0 $0x1BF5;
	p2 =	por !p2, p0  }
0x20: {  	[sflag:s8] =	ssyncset.s32 @!p0 $0xFFFFF086;
	s6 =	sadd.s32 @!p0 s3, s7;
	s7 =	simm.s32 @!p0 $0x108  }
0x21: {  	s3 =	sadd.s32 s3, s9;
	s6 =	sadd.s32 @!p0 $0x88, s6;
	s7 =	simm.s32 @p2 $0x1082  }
0x22: {  	[simem:s7], [sflag:s8] =	dma.local @!p0 [hbm:s6], $0xF7A  }
0x23: {  	s9 =	sor.u32 $0xD0000000, s2;
	s6 =	simm.s32 $0x108;
	_ =	swait.ge @!p0 [sflag:s8], $0x0  }
0x24: {  	s3 =	sadd.s32 $0x88, s3;
	s6 =	simm.s32 @!p1 $0x1082;
	[sflag:s4] =	ssyncset.s32 $0xFFFFF086  }
0x25: {  	[simem:s6], [sflag:s4] =	dma.local [hbm:s3], $0xF7A  }
0x26: {  	[smem:$0x3F94] =	sst s1;
	(tag) =	ssettag s2;
	_ =	strace s9  }
0x27: {  	s1 =	sld [smem:$0x3FA4]  }
0x28: {  	s2 =	sld [smem:$0x3FA5]  }
0x29: {  	s4 =	sld [smem:$0x3FA7]  }
0x2a: {  	p0 =	seq.s32 s5, $0x0;
	s5 =	sld [smem:$0x3FA8]  }
0x2b: {  	s6 =	sld [smem:$0x3FA9]  }
0x2c: {  	s7 =	sld [smem:$0x3FAA]  }
0x2d: {  	s3 =	simm.s32 $0x108;
	s8 =	sld [smem:$0x3FAB]  }
0x2e: {  	s3 =	simm.s32 @!p0 $0x1082;
	s9 =	sld [smem:$0x3FAC]  }
0x2f: {  	lr =	sadd.s32 s0, s3;
	s0 =	sld [smem:$0x3FA3]  }
0x30: {  	s3 =	sld [smem:$0x3FA6]  }
0x31: {  	[smem:$0x3FAF] =	sst s10  }
0x32: {  	s10 =	sld [smem:$0x3FAD];
	_ =	sdelay $0x3  }
0x33: {  	p0 =	seq.s32 s10, $0x1;
	s10 =	sld [smem:$0x3FAF];
	_ =	sdelay $0x3  }
0x34: {  	[smem:$0x3FAF] =	sst s10  }
0x35: {  	s10 =	sld [smem:$0x3FAE];
	_ =	sdelay $0x3  }
0x36: {  	p1 =	seq.s32 s10, $0x1;
	s10 =	sld [smem:$0x3FAF];
	_ =	sdelay $0x3  }
0x37: {  	[smem:$0x3FAF] =	sst s10  }
0x38: {  	s10 =	sld [smem:$0x3FB0]  }
0x39: {  	_ = 	snop;
	(pc) =	sbr.ind lr, $3  }
0x3a: {  	_ = 	snop  }
0x3b: {  	_ = 	snop  }
0x3c: {  	p2 =	seq.s32 s10, $0x1;
	s10 =	sld [smem:$0x3FAF]  }
0x3d: {  	_ =	shalt  }
0x3e: {  	_ =	shalt  }
0x3f: {  	_ =	shalt  }
0x40: {  	_ =	shalt  }
0x41: {  	_ =	shalt  }
0x42: {  	_ =	shalt  }
0x43: {  	_ =	shalt  }
0x44: {  	_ =	shalt  }
0x45: {  	_ =	shalt  }
0x46: {  	_ =	shalt  }
0x47: {  	_ =	shalt  }
0x48: {  	_ =	shalt  }
0x49: {  	_ =	shalt  }
0x4a: {  	_ =	shalt  }
0x4b: {  	_ =	shalt  }
0x4c: {  	_ =	shalt  }
0x4d: {  	_ =	shalt  }
0x4e: {  	_ =	shalt  }
0x4f: {  	_ =	shalt  }
0x50: {  	_ =	shalt  }
0x51: {  	_ =	shalt  }
0x52: {  	_ =	shalt  }
0x53: {  	_ =	shalt  }
0x54: {  	_ =	shalt  }
0x55: {  	_ =	shalt  }
0x56: {  	_ =	shalt  }
0x57: {  	_ =	shalt  }
0x58: {  	_ =	shalt  }
0x59: {  	_ =	shalt  }
0x5a: {  	_ =	shalt  }
0x5b: {  	_ =	shalt  }
0x5c: {  	_ =	shalt  }
0x5d: {  	_ =	shalt  }
0x5e: {  	_ =	shalt  }
0x5f: {  	_ =	shalt  }
0x60: {  	_ =	shalt  }
0x61: {  	_ =	shalt  }
0x62: {  	_ =	shalt  }
0x63: {  	_ =	shalt  }
0x64: {  	_ =	shalt  }
0x65: {  	_ =	shalt  }
0x66: {  	_ =	shalt  }
0x67: {  	_ =	shalt  }
0x68: {  	_ =	shalt  }
0x69: {  	_ =	shalt  }
0x6a: {  	_ =	shalt  }
0x6b: {  	_ =	shalt  }
0x6c: {  	_ =	shalt  }
0x6d: {  	_ =	shalt  }
0x6e: {  	_ =	shalt  }
0x6f: {  	_ =	shalt  }
0x70: {  	_ =	shalt  }
0x71: {  	_ =	shalt  }
0x72: {  	_ =	shalt  }
0x73: {  	_ =	shalt  }
0x74: {  	_ =	shalt  }
0x75: {  	_ =	shalt  }
0x76: {  	_ =	shalt  }
0x77: {  	_ =	shalt  }
0x78: {  	_ =	shalt  }
0x79: {  	_ =	shalt  }
0x7a: {  	_ =	shalt  }
0x7b: {  	_ =	shalt  }
0x7c: {  	_ =	shalt  }
0x7d: {  	_ =	shalt  }
0x7e: {  	_ =	shalt  }
0x7f: {  	_ =	shalt  }
0x80: {  	_ =	shalt  }
0x81: {  	_ =	shalt  }
0x82: {  	_ =	shalt  }
0x83: {  	_ =	shalt  }
0x84: {  	_ =	shalt  }
0x85: {  	_ =	shalt  }
0x86: {  	_ =	shalt  }
0x87: {  	_ =	shalt  }
.Lfunc_end0:
.L_simem_size_0:
called_computation.5_lowered:
.L_overlay_start_0:
0x88: {  	s2 =	sld [smem:$0x3FD9]  }
0x89: {  	s3 =	sld [smem:$0x3FFE];
	_ =	sdelay $0x1  }
0x8a: {  	s1 =	srdreg.scid  }
0x8b: {  	s0 =	sand.u32 $0x1, s1  }
0x8c: {  	s17 =	sshll.u32 s0, $0xA;
	s2 =	sadd.s32 s3, s2  }
0x8d: {  	s2 =	sadd.s32 s2, s17  }
0x8e: {  	[smem:$0x3FBB] =	sst s2  }
0x8f: {  	_ = 	snop  }
0x90: {  	s2 =	sld [smem:$0x3FD0];
	(tm) =	ssettm $0x1  }
0x91: {  	s18 =	sld [smem:$0x3FFB];
	_ =	sdelay $0x3  }
0x92: {  	_ =	strace s18  }
0x93: {  	s3 =	sld [smem:$0x3FFC];
	_ =	sdelay $0x3  }
0x94: {  	_ =	strace s3  }
0x95: {  	s3 =	sld [smem:$0x3FFD];
	_ =	sdelay $0x3  }
0x96: {  	_ =	strace s3  }
0x97: {  	_ =	strace $0x8FFFFFFF  }
0x98: {  	s19 =	sld [smem:$0x3FDB];
	_ =	sdelay $0x1  }
0x99: {  	s4 =	simm.s32 $_scs_section_size  }
0x9a: {  	s5 =	simm.s32 $_size__tile_overlayer_lowered;
	s6 =	simm.s32 $_tile_overlayer_lowered  }
0x9b: {  	s22 =	simm.s32 $0x1BFF;
	s21 =	sshll.u32 s6, $0x1;
	s3 =	sadd.s32 s4, s19  }
0x9c: {  	s7 =	simm.s32 $0x0;
	s20 =	sshll.u32 s5, $0x1;
	s5 =	sadd.s32 s21, s3  }
0x9d: {  	[timem:s7], [sflag:s22] =	dma.local [hbm:s5], s20  }
0x9e: {  	_ =	swait.ge [sflag:s22], s20  }
0x9f: {  	s4 =	ssub.s32 $0x0, s20;
	[sflag:s22] =	ssyncset.done $0x0  }
0xa0: {  	[sflag:s22] =	ssyncadd.s32 s4;
	_ =	sdelay $0x1  }
0xa1: {  	s23 =	simm.s32 $0x1B8B  }
0xa2: {  	_ =	swait.ge [sflag:s23], $0x1  }
0xa3: {  	[sflag:s23] =	ssyncset.done $0x0  }
0xa4: {  	s25 =	simm.s32 $0x1B8E;
	s24 =	sld [smem:$0x3FFE];
	[sflag:s23] =	ssyncadd.s32 $0xFFFFFFFF  }
0xa5: {  	s26 =	simm.s32 $execute0_lowered;
	[smem:$0x3FD2] =	sst s25  }
0xa6: {  	s5 =	sshll.u32 s26, $0x1;
	_ =	strace $0x80000055;
	[dreg:$0x1] =	wrdreg $0xFFFFFFFF  }
0xa7: {  	s28 =	simm.s32 $_size_execute0_lowered;
	s3 =	sadd.s32 s3, s5;
	[dreg:$0x0] =	wrdreg $0x0  }
0xa8: {  	s5 =	sshll.u32 s28, $0x1;
	[dreg:$0x2] =	wrdreg s3  }
0xa9: {  	[dreg:$0x3] =	wrdreg s5  }
0xaa: {  	[dreg:$0x4] =	wrdreg $0xC0  }
0xab: {  	_ =	task [dreg:s7], $0x5FFFF  }
0xac: {  	[dreg:$0x1] =	wrdreg $0xFFFFFFFF  }
0xad: {  	[dreg:$0x0] =	wrdreg $0x60  }
0xae: {  	[dreg:$0x2] =	wrdreg s24  }
0xaf: {  	[dreg:$0x3] =	wrdreg s2  }
0xb0: {  	[dreg:$0x4] =	wrdreg $0x92000  }
0xb1: {  	[dreg:$0x5] =	wrdreg $0x9  }
0xb2: {  	_ =	task.clear_ibuf [dreg:s7], $0x6FFFF;
	_ =	strace $0x90000055  }
0xb3: {  	s29 =	simm.s32 $0x9;
	_ =	strace $0x80000057  }
0xb4: {  	_ =	swait.ge [sflag:s29], $0x1  }
0xb5: {  	[sflag:s29] =	ssyncadd.s32 $0xFFFFFFFF  }
0xb6: {  	_ =	strace $0x90000057  }
0xb7: {  	_ =	sfence  }
0xb8: {  	s30 =	sld [smem:$0x0];
	_ =	sdelay $0x2  }
0xb9: {  	s31 =	sshll.u32 s1, $0xD;
	s1 =	sshrl.u32 s1, $0x2  }
0xba: {  	s3 =	sand.u32 $0x4000, s31;
	s1 =	sadd.s32 s1, s30  }
0xbb: {  	s0 =	sor.u32 s3, s0;
	s1 =	sshll.u32 s1, $0x11  }
0xbc: {  	s0 =	sor.u32 s1, s0  }
0xbd: {  	s0 =	sadd.s32 $0x8F2B, s0  }
0xbe: {  	[sflag:s0] =	ssyncadd.remote.s32 $0x1  }
0xbf: {  	_ =	sfence.sel $0xFFFF  }
0xc0: {  	[dreg:$0x0] =	wrdreg $0xFFFFFFFF;
	(pc) =	sbr.abs _section_cstart, $3  }
0xc1: {  	[dreg:$0x1] =	wrdreg $0xFFFFFFFF  }
0xc2: {  	_ =	task.clear_ibuf [dreg:s7], $0x2FFFF;
	_ =	strace $0x9FFFFFFF  }
0xc3: {  	(tm) =	ssettm $0x7FFFFFFF  }
tec
execute0_lowered:
.L_overlay_start_1:
0x0: {  	(tag) =	ssettag $0x1  }
0x1: {  	s0 =	rddreg [dreg:$0x0]  }
0x2: {  	s2 =	rddreg [dreg:$0x1]  }
0x3: {  	s3 =	rddreg [dreg:$0x2]  }
0x4: {  	s4 =	simm.s32 $0x0;
	s15 =	stileid.u32;
	s1 =	srdreg.scid  }
0x5: {  	s18 =	simm.s32 $0x5;
	s19 =	simm.s32 $0x100;
	s28 =	simm.s32 $0x2  }
0x6: {  	s29 =	simm.s32 $0x3;
	s30 =	simm.s32 $0x4;
	s31 =	simm.s32 $0x0  }
0x7: {  	[smem:$0x7FF] =	sst s4;
	s8 =	smul.u32 $0xA000, s15;
	s1 =	sand.u32 $0x1, s1  }
0x8: {  	s5 =	sadd.s32 $0x36400, s0;
	s6 =	sadd.s32 $0x85400, s0;
	s12 =	smul.u32 $0x28000, s15  }
0x9: {  	s7 =	sadd.s32 $0x2C400, s0;
	s21 =	smul.u32 $0x2800, s15;
	s13 =	sshll.u32 s15, $0x6  }
0xa: {  	s14 =	smul.u32 $0x4E20, s15;
	_ =	strace $0x80000056;
	s20 =	ssub.s32 $0x2, s1  }
0xb: {  	s9 =	smul.u32 $0xA0000, s1;
	s10 =	sshrl.u32 s8, $0x3;
	s11 =	sshrl.u32 s20, $0x1  }
0xc: {  	s12 =	sshrl.u32 s12, $0x2;
	s23 =	sshrl.u32 s21, $0x3;
	s26 =	sadd.s32 s6, s14  }
0xd: {  	s10 =	sadd.s32 s10, s0;
	s8 =	sadd.s32 s8, s9;
	s9 =	ssub.s32 s20, s11  }
0xe: {  	s22 =	sadd.s32 s12, s3;
	s11 =	smul.u32 $0x50, s15;
	s12 =	sadd.s32 s7, s23  }
0xf: {  	[dreg:$0x7] =	wrdreg s26;
	s20 =	simm.s32 $0x200;
	s23 =	simm.s32 $0x1  }
0x10: {  	s26 =	simm.s32 $0x5200;
	s8 =	sshrl.u32 s8, $0x3;
	s10 =	sadd.s32 $0x4C00, s10  }
0x11: {  	[dreg:$0x5] =	wrdreg s12;
	s0 =	sadd.s32 s8, s0;
	s8 =	smul.u32 $0x28000, s1  }
.Ltmp0:
0x12: {  	s16 =	smax.u32 s9, $0x1;
	s17 =	sshrl.u32 s22, $0x3;
	(pc) =	sbr.rel .LBB2_1-.Ltmp0, $4  }
0x13: {  	s22 =	simm.s32 $0x1200;
	[dreg:$0x4] =	wrdreg s10;
	s24 =	sadd.s32 s21, s8  }
0x14: {  	s10 =	sor.u32 $0x1C05, s13;
	s0 =	sadd.s32 $0xDD600, s0;
	s25 =	sshrl.u32 s24, $0x3  }
0x15: {  	v0 =	vimm.s32 $0x0;
	[dreg:$0x8] =	wrdreg s0;
	s21 =	simm.s32 $0x80;
	s12 =	sadd.s32 s2, s25  }
0x16: {  	v1 =	vimm.s32 $0x1;
	v2 =	vimm.s32 $0x2;
	v3 =	vimm.s32 $0x3;
	s24 =	simm.s32 $0x180;
	s25 =	simm.s32 $0xA00;
	[dreg:$0x6] =	wrdreg s12  }
.LBB2_8:
0x17: {  	[spmem:s3] =	stream.indirect.scatter.add.f32 [tilespmem:s26], [sflag:$0x4], $0x80, s24, s21, $0xb8;
	[tilespmem:$0x13200] =	vst v63  }
0x18: {  	_ =	swait.ge [sflag:s30], $0x4000  }
0x19: {  	[sflag:s30] =	ssyncset.done $0x0  }
0x1a: {  	s31 =	sadd.s32 $0x1, s31;
	[sflag:s30] =	ssyncadd.s32 $0xFFFFC000  }
0x1b: {  	p0 =	sne.s32 s31, s16;
	[bflag:$0x0] =	sbarrier.arrive $0xFFFF  }
.Ltmp1:
0x1c: {  	s0 =	rddreg [dreg:$0x8];
	(pc) =	sbr.rel @!p0 .LBB2_9-.Ltmp1, $4  }
0x1d: {  	[hbm:s0], [sflag:s10] =	dma.local [spmem:s17], $0x1400  }
0x1e: {  	_ =	swait.ge [sflag:s18], $0x1400  }
0x1f: {  	[sflag:s18] =	ssyncset.done $0x0  }
0x20: {  	[sflag:s18] =	ssyncadd.s32 $0xFFFFEC00  }
.LBB2_1:
0x21: {  	s0 =	rddreg [dreg:$0x4]  }
0x22: {  	[spmem:s17], [sflag:s10] =	dma.local [hbm:s0], $0x1400  }
0x23: {  	_ =	swait.ge [sflag:s18], $0x1400  }
0x24: {  	[sflag:s18] =	ssyncset.done $0x0  }
0x25: {  	[sflag:s18] =	ssyncadd.s32 $0xFFFFEC00  }
0x26: {  	[bflag:$0x0] =	sbarrier.arrive $0xFFFF  }
0x27: {  	s13 =	rddreg [dreg:$0x5]  }
0x28: {  	[tilespmem:s4], [sflag:$0x5] =	stream.linear.gather [hbm4b:s13+s4], $0x80, $0x38;
	[tilespmem:$0x13200] =	vst v63  }
0x29: {  	_ =	swait.ge [sflag:s18], $0x80  }
0x2a: {  	[sflag:s18] =	ssyncset.done $0x0  }
0x2b: {  	s14 =	rddreg [dreg:$0x6];
	[sflag:s18] =	ssyncadd.s32 $0xFFFFFF80  }
0x2c: {  	[tilespmem:s19], [sflag:$0x5] =	stream.linear.gather [hbm4b:s14+s4], $0x80, $0x38;
	[tilespmem:$0x13200] =	vst v63  }
0x2d: {  	_ =	swait.ge [sflag:s18], $0x80  }
0x2e: {  	[sflag:s18] =	ssyncset.done $0x0  }
0x2f: {  	s15 =	rddreg [dreg:$0x7];
	[sflag:s18] =	ssyncadd.s32 $0xFFFFFF80  }
0x30: {  	[tilespmem:s20], [sflag:$0x5] =	stream.linear.gather [hbm4b:s15+s4], $0x7D0, $0x38;
	[tilespmem:$0x13200] =	vst v63  }
0x31: {  	_ =	swait.ge [sflag:s18], $0x7D0  }
0x32: {  	[sflag:s18] =	ssyncset.done $0x0  }
0x33: {  	s0 =	simm.s32 $0x0;
	[sflag:s18] =	ssyncadd.s32 $0xFFFFF830  }
0x34: {  	[tilespmem:s22], [sflag:$0x1] =	stream.indirect.gather [hbm4b:s5+s21], $0x80, s4, s21, $0xb8;
	[tilespmem:$0x13200] =	vst v63  }
.LBB2_2:
0x35: {  	_ =	swait.ge [sflag:s23], $0x4000  }
0x36: {  	[sflag:s23] =	ssyncset.done $0x0  }
0x37: {  	s9 =	simm.s32 $0x1240;
	[sflag:s23] =	ssyncadd.s32 $0xFFFFC000  }
0x38: {  	s1 =	simm.s32 $0x0;
	v11 =	vld [tilespmem:s9+$0xFFFFFFD0]  }
0x39: {  	v6 =	vld [tilespmem:s1+$0x200]  }
0x3a: {  	v10 =	vld [tilespmem:s9+$0x20]  }
0x3b: {  	v12 =	vld [tilespmem:s9+$0xFFFFFFC0]  }
0x3c: {  	v15 =	vld [tilespmem:s9+$0xFFFFFFE0]  }
0x3d: {  	v4 =	vld [tilespmem:s9+$0xFFFFFFF0]  }
0x3e: {  	v5 =	vld [tilespmem:s9+$0x30];
	v13 =	vperm.xlane v6, v0;
	v9 =	vperm.xlane v6, v3  }
0x3f: {  	v7 =	vld [tilespmem:s9+$0x0];
	v8 =	vperm.xlane v6, v1  }
0x40: {  	v14 =	vmul.f32 v12, v13;
	v12 =	vmul.f32 v10, v9;
	v10 =	vld [tilespmem:s9+$0x10]  }
0x41: {  	v6 =	vperm.xlane v6, v2  }
0x42: {  	s12 =	simm.s32 $0x1240;
	s1 =	simm.s32 $0x40;
	v13 =	vmul.f32 v11, v13;
	v11 =	vmul.f32 v15, v8  }
.LBB2_3:
0x43: {  	p0 =	sne.s32 s1, $0x1F00  }
0x44: {  	[tilespmem:s9+$0xFFFFFFC0] =	vst v14;
	v7 =	vmul.f32 v7, v6;
	v5 =	vmul.f32 v5, v9;
	s12 =	sadd.s32 $0x80, s12;
	s13 =	smov.u32 s1;
	s1 =	sadd.s32 $0x40, s1  }
0x45: {  	v8 =	vmul.f32 v4, v8;
	v6 =	vmul.f32 v10, v6;
	[tilespmem:s9+$0x20] =	vst v12  }
0x46: {  	[tilespmem:s9+$0xFFFFFFD0] =	vst v13  }
0x47: {  	[tilespmem:s9+$0xFFFFFFE0] =	vst v11  }
0x48: {  	[tilespmem:s9+$0x30] =	vst v5  }
0x49: {  	v4 =	vld [tilespmem:s12+$0xFFFFFFF0];
	[tilespmem:s9+$0x10] =	vst v6  }
0x4a: {  	v11 =	vld [tilespmem:s12+$0xFFFFFFD0];
	[tilespmem:s9+$0xFFFFFFF0] =	vst v8  }
0x4b: {  	s13 =	sshra.s32 s13, $0x2;
	v12 =	vld [tilespmem:s12+$0x20];
	[tilespmem:s9+$0x0] =	vst v7;
	s9 =	smov.u32 s12  }
0x4c: {  	v6 =	vld [tilespmem:s13+$0x200]  }
0x4d: {  	v5 =	vld [tilespmem:s12+$0x30]  }
0x4e: {  	v13 =	vld [tilespmem:s12+$0xFFFFFFC0]  }
0x4f: {  	v15 =	vld [tilespmem:s12+$0xFFFFFFE0]  }
.Ltmp2:
0x50: {  	v7 =	vld [tilespmem:s12+$0x0];
	(pc) =	sbr.rel @p0 .LBB2_3-.Ltmp2, $4  }
0x51: {  	v16 =	vperm.xlane v6, v0;
	v9 =	vperm.xlane v6, v3;
	v10 =	vld [tilespmem:s12+$0x10]  }
0x52: {  	v8 =	vperm.xlane v6, v1;
	v6 =	vperm.xlane v6, v2  }
0x53: {  	v14 =	vmul.f32 v13, v16;
	v12 =	vmul.f32 v12, v9  }
0x54: {  	v13 =	vmul.f32 v11, v16;
	v11 =	vmul.f32 v15, v8  }
0x55: {  	[tilespmem:s9+$0xFFFFFFC0] =	vst v14  }
0x56: {  	[tilespmem:s9+$0x20] =	vst v12  }
0x57: {  	v5 =	vmul.f32 v5, v9;
	[tilespmem:s9+$0xFFFFFFD0] =	vst v13  }
0x58: {  	s1 =	sshll.u32 s0, $0x1;
	v4 =	vmul.f32 v4, v8;
	[tilespmem:s9+$0xFFFFFFE0] =	vst v11  }
0x59: {  	v9 =	vmul.f32 v10, v6;
	s12 =	sor.u32 $0x1, s1;
	[tilespmem:s9+$0x30] =	vst v5  }
0x5a: {  	v5 =	vmul.f32 v7, v6;
	s13 =	sadd.s32 s11, s12;
	[tilespmem:s9+$0xFFFFFFF0] =	vst v4  }
0x5b: {  	p0 =	seq.s32 s0, $0x0;
	s12 =	sshll.u32 s12, $0x7;
	[tilespmem:s9+$0x10] =	vst v9;
	s14 =	sshll.u32 s13, $0x7  }
0x5c: {  	s12 =	sand.u32 $0x380, s12;
	[tilespmem:s9+$0x0] =	vst v5;
	s9 =	simm.s32 @!p0 $0x4;
	s14 =	sand.u32 $0x7FC00, s14  }
0x5d: {  	_ =	swait.ge @!p0 [sflag:s9], $0x4000;
	s15 =	sor.u32 s12, s14  }
0x5e: {  	s14 =	sadd.s32 s8, s14;
	[sflag:s9] =	ssyncset.done @!p0 $0x0;
	s15 =	sshrl.u32 s15, $0x3  }
0x5f: {  	[sflag:s9] =	ssyncadd.s32 @!p0 $0xFFFFC000;
	s9 =	sadd.s32 s7, s15;
	s15 =	simm.s32 $0x0  }
0x60: {  	[tilespmem:s21], [sflag:$0x5] =	stream.linear.gather [hbm4b:s9+s15], $0x80, $0x38;
	[tilespmem:$0x13200] =	vst v63  }
0x61: {  	s9 =	sor.u32 s12, s14;
	_ =	swait.ge [sflag:s18], $0x80  }
0x62: {  	s9 =	sshrl.u32 s9, $0x3;
	[sflag:s18] =	ssyncset.done $0x0  }
0x63: {  	s9 =	sadd.s32 s2, s9;
	[sflag:s18] =	ssyncadd.s32 $0xFFFFFF80  }
0x64: {  	[tilespmem:s24], [sflag:$0x5] =	stream.linear.gather [hbm4b:s9+s15], $0x80, $0x38;
	[tilespmem:$0x13200] =	vst v63  }
0x65: {  	s14 =	smul.u32 $0xFA, s13;
	_ =	swait.ge [sflag:s18], $0x80  }
0x66: {  	[sflag:s18] =	ssyncset.done $0x0  }
0x67: {  	s9 =	sadd.s32 s6, s14;
	[sflag:s18] =	ssyncadd.s32 $0xFFFFFF80  }
0x68: {  	[tilespmem:s25], [sflag:$0x5] =	stream.linear.gather [hbm4b:s9+s15], $0x7D0, $0x38;
	[tilespmem:$0x13200] =	vst v63  }
0x69: {  	_ =	swait.ge [sflag:s18], $0x7D0  }
0x6a: {  	[sflag:s18] =	ssyncset.done $0x0  }
0x6b: {  	[sflag:s18] =	ssyncadd.s32 $0xFFFFF830  }
0x6c: {  	[tilespmem:s26], [sflag:$0x2] =	stream.indirect.gather [hbm4b:s5+s21], $0x80, s21, s21, $0xb8;
	[tilespmem:$0x13200] =	vst v63  }
0x6d: {  	_ = 	snop  }
0x6e: {  	[spmem:s3] =	stream.indirect.scatter.add.f32 [tilespmem:s22], [sflag:$0x3], $0x80, s19, s21, $0xb8;
	[tilespmem:$0x13200] =	vst v63  }
0x6f: {  	_ =	swait.ge [sflag:s28], $0x4000  }
0x70: {  	[sflag:s28] =	ssyncset.done $0x0  }
0x71: {  	s9 =	simm.s32 $0x5240;
	[sflag:s28] =	ssyncadd.s32 $0xFFFFC000  }
0x72: {  	s15 =	simm.s32 $0x0;
	v11 =	vld [tilespmem:s9+$0xFFFFFFD0]  }
0x73: {  	v6 =	vld [tilespmem:s15+$0xA00]  }
0x74: {  	v10 =	vld [tilespmem:s9+$0x20]  }
0x75: {  	v12 =	vld [tilespmem:s9+$0xFFFFFFC0]  }
0x76: {  	v15 =	vld [tilespmem:s9+$0xFFFFFFE0]  }
0x77: {  	v4 =	vld [tilespmem:s9+$0xFFFFFFF0]  }
0x78: {  	v5 =	vld [tilespmem:s9+$0x30];
	v13 =	vperm.xlane v6, v0;
	v9 =	vperm.xlane v6, v3  }
0x79: {  	v7 =	vld [tilespmem:s9+$0x0];
	v8 =	vperm.xlane v6, v1  }
0x7a: {  	v14 =	vmul.f32 v12, v13;
	v12 =	vmul.f32 v10, v9;
	v10 =	vld [tilespmem:s9+$0x10]  }
0x7b: {  	v6 =	vperm.xlane v6, v2  }
0x7c: {  	s12 =	simm.s32 $0x40;
	s13 =	simm.s32 $0x5240;
	v13 =	vmul.f32 v11, v13;
	v11 =	vmul.f32 v15, v8  }
.LBB2_5:
0x7d: {  	p0 =	sne.s32 s12, $0x1F00  }
0x7e: {  	[tilespmem:s9+$0xFFFFFFC0] =	vst v14;
	v7 =	vmul.f32 v7, v6;
	v5 =	vmul.f32 v5, v9;
	s13 =	sadd.s32 $0x80, s13;
	s14 =	smov.u32 s12;
	s12 =	sadd.s32 $0x40, s12  }
0x7f: {  	v8 =	vmul.f32 v4, v8;
	v6 =	vmul.f32 v10, v6;
	[tilespmem:s9+$0x20] =	vst v12  }
0x80: {  	[tilespmem:s9+$0xFFFFFFD0] =	vst v13  }
0x81: {  	[tilespmem:s9+$0xFFFFFFE0] =	vst v11  }
0x82: {  	[tilespmem:s9+$0x30] =	vst v5  }
0x83: {  	v4 =	vld [tilespmem:s13+$0xFFFFFFF0];
	[tilespmem:s9+$0x10] =	vst v6  }
0x84: {  	v11 =	vld [tilespmem:s13+$0xFFFFFFD0];
	[tilespmem:s9+$0xFFFFFFF0] =	vst v8  }
0x85: {  	s14 =	sshra.s32 s14, $0x2;
	v12 =	vld [tilespmem:s13+$0x20];
	[tilespmem:s9+$0x0] =	vst v7;
	s9 =	smov.u32 s13  }
0x86: {  	v6 =	vld [tilespmem:s14+$0xA00]  }
0x87: {  	v5 =	vld [tilespmem:s13+$0x30]  }
0x88: {  	v13 =	vld [tilespmem:s13+$0xFFFFFFC0]  }
0x89: {  	v15 =	vld [tilespmem:s13+$0xFFFFFFE0]  }
.Ltmp3:
0x8a: {  	v7 =	vld [tilespmem:s13+$0x0];
	(pc) =	sbr.rel @p0 .LBB2_5-.Ltmp3, $4  }
0x8b: {  	v16 =	vperm.xlane v6, v0;
	v9 =	vperm.xlane v6, v3;
	v10 =	vld [tilespmem:s13+$0x10]  }
0x8c: {  	v8 =	vperm.xlane v6, v1;
	v6 =	vperm.xlane v6, v2  }
0x8d: {  	v14 =	vmul.f32 v13, v16;
	v12 =	vmul.f32 v12, v9  }
0x8e: {  	v13 =	vmul.f32 v11, v16;
	v11 =	vmul.f32 v15, v8  }
0x8f: {  	[tilespmem:s9+$0xFFFFFFC0] =	vst v14  }
0x90: {  	[tilespmem:s9+$0x20] =	vst v12  }
0x91: {  	v5 =	vmul.f32 v5, v9;
	[tilespmem:s9+$0xFFFFFFD0] =	vst v13  }
0x92: {  	v4 =	vmul.f32 v4, v8;
	[tilespmem:s9+$0xFFFFFFE0] =	vst v11  }
0x93: {  	v63 =	vmul.f32 v10, v6;
	[tilespmem:s9+$0x30] =	vst v5  }
0x94: {  	p0 =	seq.s32 s0, $0x27;
	v5 =	vmul.f32 v7, v6;
	[tilespmem:s9+$0xFFFFFFF0] =	vst v4  }
.Ltmp4:
0x95: {  	[tilespmem:s9+$0x10] =	vst v63;
	(pc) =	sbr.rel @p0 .LBB2_8-.Ltmp4, $4  }
0x96: {  	[tilespmem:s9+$0x0] =	vst v5  }
0x97: {  	_ =	swait.ge [sflag:s29], $0x4000  }
0x98: {  	[sflag:s29] =	ssyncset.done $0x0  }
0x99: {  	[sflag:s29] =	ssyncadd.s32 $0xFFFFC000  }
0x9a: {  	s1 =	sadd.s32 $0x2, s1  }
0x9b: {  	s9 =	sadd.s32 s11, s1  }
0x9c: {  	s1 =	sshll.u32 s1, $0x7;
	s12 =	sshll.u32 s9, $0x7  }
0x9d: {  	s1 =	sand.u32 $0x300, s1;
	s12 =	sand.u32 $0x7FC00, s12  }
0x9e: {  	s13 =	sor.u32 s1, s12  }
0x9f: {  	s13 =	sshrl.u32 s13, $0x3  }
0xa0: {  	s12 =	sadd.s32 s8, s12;
	s13 =	sadd.s32 s7, s13  }
0xa1: {  	[tilespmem:s4], [sflag:$0x5] =	stream.linear.gather [hbm4b:s13+s4], $0x80, $0x38;
	[tilespmem:$0x13200] =	vst v63  }
0xa2: {  	s1 =	sor.u32 s1, s12;
	_ =	swait.ge [sflag:s18], $0x80  }
0xa3: {  	s1 =	sshrl.u32 s1, $0x3;
	[sflag:s18] =	ssyncset.done $0x0  }
0xa4: {  	s1 =	sadd.s32 s2, s1;
	[sflag:s18] =	ssyncadd.s32 $0xFFFFFF80  }
0xa5: {  	[tilespmem:s19], [sflag:$0x5] =	stream.linear.gather [hbm4b:s1+s4], $0x80, $0x38;
	[tilespmem:$0x13200] =	vst v63  }
0xa6: {  	s15 =	smul.u32 $0xFA, s9;
	_ =	swait.ge [sflag:s18], $0x80  }
0xa7: {  	[sflag:s18] =	ssyncset.done $0x0  }
0xa8: {  	s1 =	sadd.s32 s6, s15;
	[sflag:s18] =	ssyncadd.s32 $0xFFFFFF80  }
0xa9: {  	[tilespmem:s20], [sflag:$0x5] =	stream.linear.gather [hbm4b:s1+s4], $0x7D0, $0x38;
	[tilespmem:$0x13200] =	vst v63  }
0xaa: {  	_ =	swait.ge [sflag:s18], $0x7D0  }
.Ltmp5:
0xab: {  	[sflag:s18] =	ssyncset.done $0x0;
	(pc) =	sbr.rel .LBB2_2-.Ltmp5, $4  }
0xac: {  	[sflag:s18] =	ssyncadd.s32 $0xFFFFF830  }
0xad: {  	[tilespmem:s22], [sflag:$0x1] =	stream.indirect.gather [hbm4b:s5+s21], $0x80, s4, s21, $0xb8;
	[tilespmem:$0x13200] =	vst v63  }
0xae: {  	s0 =	sadd.s32 $0x1, s0  }
0xaf: {  	[spmem:s3] =	stream.indirect.scatter.add.f32 [tilespmem:s26], [sflag:$0x4], $0x80, s24, s21, $0xb8;
	[tilespmem:$0x13200] =	vst v63  }
.LBB2_9:
0xb0: {  	_ =	sfence.sel $0x180000  }
0xb1: {  	[bflag:$0x0] =	sbarrier.arrive $0xFFFF  }
0xb2: {  	_ =	strace $0x90000056  }
0xb3: {  	s0 =	stileid.u32;
	[bflag:$0x2] =	sbarrier.arrive $0xFFFF  }
0xb4: {  	p0 =	sne.s32 s0, $0x0;
	s0 =	rddreg [dreg:$0x3]  }
0xb5: {  	s0 =	sadd.s32 @!p0 $0x100000, s0  }
0xb6: {  	[sflag:s0] =	ssyncadd.tile.s32 @!p0 $0x1;
	_ =	shalt  }
.Lfunc_end2:
_tile_overlayer_lowered:
.L_overlay_start_2:
0xb7: {  	(tag) =	ssettag $0x2  }
0xb8: {  	s0 =	rddreg [dreg:$0x0];
	s2 =	stileid.u32  }
0xb9: {  	s1 =	rddreg [dreg:$0x1];
	p0 =	sne.s32 s2, $0x0  }
0xba: {  	s3 =	rddreg [dreg:$0x2];
	[bflag:$0x3] =	sbarrier.arrive $0xFFFF;
	s2 =	simm.s32 @!p0 $0x1C05  }
0xbb: {  	[timem:s3], [sflag:s2] =	dma.local @!p0 [hbm:s0], s1  }
0xbc: {  	s0 =	simm.s32 @!p0 $0x5  }
0xbd: {  	_ =	swait.ge @!p0 [sflag:s0], s1  }
0xbe: {  	s1 =	ssub.s32 @!p0 $0x0, s1;
	[sflag:s0] =	ssyncset.done @!p0 $0x0  }
0xbf: {  	[sflag:s0] =	ssyncadd.s32 @!p0 s1  }
0xc0: {  	[bflag:$0x3] =	sbarrier.arrive $0xFFFF  }
0xc1: {  	_ =	shalt  }

// kernel: kernel.33.cloned.1.call-start
scs
__scs_entry_jumppad:
0x0: {  	(pc) =	sbr.rel $0x88, $3  }
0x1: {  	(tag) =	ssettag $0x0;
	lr =	simm.s32 $0x1  }
0x2: {  	[smem:$0x3F94] =	sst lr;
	_ =	strace $0xD0000000  }
0x3: {  	_ = 	snop  }
0x4: {  	_ = 	snop  }
0x5: {  	_ = 	snop  }
0x6: {  	_ = 	snop  }
0x7: {  	_ = 	snop  }
__scs_overlays_trampoline_lowered:
0x8: {  	[smem:$0x3FA3] =	sst s0  }
0x9: {  	[smem:$0x3FA4] =	sst s1  }
0xa: {  	[smem:$0x3FA5] =	sst s2  }
0xb: {  	[smem:$0x3FA6] =	sst s3  }
0xc: {  	[smem:$0x3FA7] =	sst s4  }
0xd: {  	[smem:$0x3FA8] =	sst s5  }
0xe: {  	[smem:$0x3FA9] =	sst s6  }
0xf: {  	[smem:$0x3FAA] =	sst s7  }
0x10: {  	[smem:$0x3FAB] =	sst s8  }
0x11: {  	[smem:$0x3FAC] =	sst s9;
	s0 =	simm.s32 @!p0 $0x0  }
0x12: {  	s1 =	sld [smem:$0x3F92];
	s0 =	simm.s32 @p0 $0x1  }
0x13: {  	[smem:$0x3FAD] =	sst s0;
	s0 =	simm.s32 @!p1 $0x0  }
0x14: {  	s2 =	sld [smem:$0x3F91];
	s0 =	simm.s32 @p1 $0x1  }
0x15: {  	[smem:$0x3FAE] =	sst s0;
	s0 =	simm.s32 @!p2 $0x0  }
0x16: {  	s3 =	sld [smem:$0x3FDB];
	s0 =	simm.s32 @p2 $0x1  }
0x17: {  	s4 =	simm.s32 $0x1BF5;
	[smem:$0x3FB0] =	sst s0  }
0x18: {  	s0 =	sld [smem:$0x3F93];
	_ =	swait.ge [sflag:s4], $0x0  }
0x19: {  	s7 =	sld [smem:$0x3F94]  }
0x1a: {  	s8 =	sadd.s32 $0xFFFFE003, lr  }
0x1b: {  	s9 =	sadd.s32 $0xFFFFFEF7, lr;
	s5 =	simm.s32 $0xFFFFFFFF;
	p2 =	slt.u32 s8, $0xFFFFF086  }
0x1c: {  	p1 =	slt.u32 s9, $0xF7A;
	s5 =	simm.s32 @!p2 $0x0  }
0x1d: {  	s5 =	simm.s32 @p1 $0x1;
	p0 =	seq.s32 s7, s2  }
0x1e: {  	s7 =	smul.u32 @!p0 $0xF7A, s2;
	p2 =	seq.s32 @!p0 s5, $0x0  }
0x1f: {  	s9 =	smul.u32 $0xF7A, s1;
	s8 =	simm.s32 @!p0 $0x1BF5;
	p2 =	por !p2, p0  }
0x20: {  	[sflag:s8] =	ssyncset.s32 @!p0 $0xFFFFF086;
	s6 =	sadd.s32 @!p0 s3, s7;
	s7 =	simm.s32 @!p0 $0x108  }
0x21: {  	s3 =	sadd.s32 s3, s9;
	s6 =	sadd.s32 @!p0 $0x88, s6;
	s7 =	simm.s32 @p2 $0x1082  }
0x22: {  	[simem:s7], [sflag:s8] =	dma.local @!p0 [hbm:s6], $0xF7A  }
0x23: {  	s9 =	sor.u32 $0xD0000000, s2;
	s6 =	simm.s32 $0x108;
	_ =	swait.ge @!p0 [sflag:s8], $0x0  }
0x24: {  	s3 =	sadd.s32 $0x88, s3;
	s6 =	simm.s32 @!p1 $0x1082;
	[sflag:s4] =	ssyncset.s32 $0xFFFFF086  }
0x25: {  	[simem:s6], [sflag:s4] =	dma.local [hbm:s3], $0xF7A  }
0x26: {  	[smem:$0x3F94] =	sst s1;
	(tag) =	ssettag s2;
	_ =	strace s9  }
0x27: {  	s1 =	sld [smem:$0x3FA4]  }
0x28: {  	s2 =	sld [smem:$0x3FA5]  }
0x29: {  	s4 =	sld [smem:$0x3FA7]  }
0x2a: {  	p0 =	seq.s32 s5, $0x0;
	s5 =	sld [smem:$0x3FA8]  }
0x2b: {  	s6 =	sld [smem:$0x3FA9]  }
0x2c: {  	s7 =	sld [smem:$0x3FAA]  }
0x2d: {  	s3 =	simm.s32 $0x108;
	s8 =	sld [smem:$0x3FAB]  }
0x2e: {  	s3 =	simm.s32 @!p0 $0x1082;
	s9 =	sld [smem:$0x3FAC]  }
0x2f: {  	lr =	sadd.s32 s0, s3;
	s0 =	sld [smem:$0x3FA3]  }
0x30: {  	s3 =	sld [smem:$0x3FA6]  }
0x31: {  	[smem:$0x3FAF] =	sst s10  }
0x32: {  	s10 =	sld [smem:$0x3FAD];
	_ =	sdelay $0x3  }
0x33: {  	p0 =	seq.s32 s10, $0x1;
	s10 =	sld [smem:$0x3FAF];
	_ =	sdelay $0x3  }
0x34: {  	[smem:$0x3FAF] =	sst s10  }
0x35: {  	s10 =	sld [smem:$0x3FAE];
	_ =	sdelay $0x3  }
0x36: {  	p1 =	seq.s32 s10, $0x1;
	s10 =	sld [smem:$0x3FAF];
	_ =	sdelay $0x3  }
0x37: {  	[smem:$0x3FAF] =	sst s10  }
0x38: {  	s10 =	sld [smem:$0x3FB0]  }
0x39: {  	_ = 	snop;
	(pc) =	sbr.ind lr, $3  }
0x3a: {  	_ = 	snop  }
0x3b: {  	_ = 	snop  }
0x3c: {  	p2 =	seq.s32 s10, $0x1;
	s10 =	sld [smem:$0x3FAF]  }
0x3d: {  	_ =	shalt  }
0x3e: {  	_ =	shalt  }
0x3f: {  	_ =	shalt  }
0x40: {  	_ =	shalt  }
0x41: {  	_ =	shalt  }
0x42: {  	_ =	shalt  }
0x43: {  	_ =	shalt  }
0x44: {  	_ =	shalt  }
0x45: {  	_ =	shalt  }
0x46: {  	_ =	shalt  }
0x47: {  	_ =	shalt  }
0x48: {  	_ =	shalt  }
0x49: {  	_ =	shalt  }
0x4a: {  	_ =	shalt  }
0x4b: {  	_ =	shalt  }
0x4c: {  	_ =	shalt  }
0x4d: {  	_ =	shalt  }
0x4e: {  	_ =	shalt  }
0x4f: {  	_ =	shalt  }
0x50: {  	_ =	shalt  }
0x51: {  	_ =	shalt  }
0x52: {  	_ =	shalt  }
0x53: {  	_ =	shalt  }
0x54: {  	_ =	shalt  }
0x55: {  	_ =	shalt  }
0x56: {  	_ =	shalt  }
0x57: {  	_ =	shalt  }
0x58: {  	_ =	shalt  }
0x59: {  	_ =	shalt  }
0x5a: {  	_ =	shalt  }
0x5b: {  	_ =	shalt  }
0x5c: {  	_ =	shalt  }
0x5d: {  	_ =	shalt  }
0x5e: {  	_ =	shalt  }
0x5f: {  	_ =	shalt  }
0x60: {  	_ =	shalt  }
0x61: {  	_ =	shalt  }
0x62: {  	_ =	shalt  }
0x63: {  	_ =	shalt  }
0x64: {  	_ =	shalt  }
0x65: {  	_ =	shalt  }
0x66: {  	_ =	shalt  }
0x67: {  	_ =	shalt  }
0x68: {  	_ =	shalt  }
0x69: {  	_ =	shalt  }
0x6a: {  	_ =	shalt  }
0x6b: {  	_ =	shalt  }
0x6c: {  	_ =	shalt  }
0x6d: {  	_ =	shalt  }
0x6e: {  	_ =	shalt  }
0x6f: {  	_ =	shalt  }
0x70: {  	_ =	shalt  }
0x71: {  	_ =	shalt  }
0x72: {  	_ =	shalt  }
0x73: {  	_ =	shalt  }
0x74: {  	_ =	shalt  }
0x75: {  	_ =	shalt  }
0x76: {  	_ =	shalt  }
0x77: {  	_ =	shalt  }
0x78: {  	_ =	shalt  }
0x79: {  	_ =	shalt  }
0x7a: {  	_ =	shalt  }
0x7b: {  	_ =	shalt  }
0x7c: {  	_ =	shalt  }
0x7d: {  	_ =	shalt  }
0x7e: {  	_ =	shalt  }
0x7f: {  	_ =	shalt  }
0x80: {  	_ =	shalt  }
0x81: {  	_ =	shalt  }
0x82: {  	_ =	shalt  }
0x83: {  	_ =	shalt  }
0x84: {  	_ =	shalt  }
0x85: {  	_ =	shalt  }
0x86: {  	_ =	shalt  }
0x87: {  	_ =	shalt  }
.Lfunc_end0:
.L_simem_size_0:
called_computation.6_lowered:
.L_overlay_start_0:
0x88: {  	s2 =	sld [smem:$0x3FD9]  }
0x89: {  	s3 =	sld [smem:$0x3FFE];
	_ =	sdelay $0x1  }
0x8a: {  	s1 =	srdreg.scid  }
0x8b: {  	s0 =	sand.u32 $0x1, s1  }
0x8c: {  	s16 =	sshll.u32 s0, $0xA;
	s2 =	sadd.s32 s3, s2  }
0x8d: {  	s2 =	sadd.s32 s2, s16  }
0x8e: {  	[smem:$0x3FBB] =	sst s2  }
0x8f: {  	_ = 	snop  }
0x90: {  	(tm) =	ssettm $0x1  }
0x91: {  	s17 =	sld [smem:$0x3FFB];
	_ =	sdelay $0x3  }
0x92: {  	_ =	strace s17  }
0x93: {  	s2 =	sld [smem:$0x3FFC];
	_ =	sdelay $0x3  }
0x94: {  	_ =	strace s2  }
0x95: {  	s2 =	sld [smem:$0x3FFD];
	_ =	sdelay $0x3  }
0x96: {  	_ =	strace s2  }
0x97: {  	_ =	strace $0x8FFFFFFF  }
0x98: {  	s18 =	sld [smem:$0x3FDB];
	_ =	sdelay $0x1  }
0x99: {  	s19 =	simm.s32 $_scs_section_size  }
0x9a: {  	s4 =	simm.s32 $_size__tile_overlayer_lowered;
	s5 =	simm.s32 $_tile_overlayer_lowered  }
0x9b: {  	s22 =	simm.s32 $0x1BFF;
	s21 =	sshll.u32 s5, $0x1;
	s2 =	sadd.s32 s19, s18  }
0x9c: {  	s6 =	simm.s32 $0x0;
	s20 =	sshll.u32 s4, $0x1;
	s4 =	sadd.s32 s21, s2  }
0x9d: {  	[timem:s6], [sflag:s22] =	dma.local [hbm:s4], s20  }
0x9e: {  	_ =	swait.ge [sflag:s22], s20  }
0x9f: {  	s3 =	ssub.s32 $0x0, s20;
	[sflag:s22] =	ssyncset.done $0x0  }
0xa0: {  	[sflag:s22] =	ssyncadd.s32 s3;
	_ =	sdelay $0x1  }
0xa1: {  	s23 =	simm.s32 $0x1B8B  }
0xa2: {  	_ =	swait.ge [sflag:s23], $0x1  }
0xa3: {  	[sflag:s23] =	ssyncset.done $0x0  }
0xa4: {  	s25 =	simm.s32 $0x1B8E;
	s24 =	sld [smem:$0x3FFE];
	[sflag:s23] =	ssyncadd.s32 $0xFFFFFFFF  }
0xa5: {  	s26 =	simm.s32 $execute0_lowered;
	[smem:$0x3FD2] =	sst s25  }
0xa6: {  	s4 =	sshll.u32 s26, $0x1;
	_ =	strace $0x80000058;
	[dreg:$0x1] =	wrdreg $0xFFFFFFFF  }
0xa7: {  	s28 =	simm.s32 $_size_execute0_lowered;
	s2 =	sadd.s32 s2, s4;
	[dreg:$0x0] =	wrdreg $0x0  }
0xa8: {  	s4 =	sshll.u32 s28, $0x1;
	[dreg:$0x2] =	wrdreg s2  }
0xa9: {  	[dreg:$0x3] =	wrdreg s4  }
0xaa: {  	[dreg:$0x4] =	wrdreg $0xC0  }
0xab: {  	_ =	task [dreg:s6], $0x5FFFF  }
0xac: {  	[dreg:$0x1] =	wrdreg $0xFFFFFFFF  }
0xad: {  	[dreg:$0x0] =	wrdreg $0x60  }
0xae: {  	[dreg:$0x2] =	wrdreg s24  }
0xaf: {  	[dreg:$0x3] =	wrdreg $0x92000  }
0xb0: {  	[dreg:$0x4] =	wrdreg $0x9  }
0xb1: {  	_ =	task.clear_ibuf [dreg:s6], $0x5FFFF;
	_ =	strace $0x90000058  }
0xb2: {  	s29 =	simm.s32 $0x9;
	_ =	strace $0x8000005A  }
0xb3: {  	_ =	swait.ge [sflag:s29], $0x1  }
0xb4: {  	[sflag:s29] =	ssyncadd.s32 $0xFFFFFFFF  }
0xb5: {  	_ =	strace $0x9000005A  }
0xb6: {  	_ =	sfence  }
0xb7: {  	s30 =	sld [smem:$0x0];
	_ =	sdelay $0x2  }
0xb8: {  	s31 =	sshll.u32 s1, $0xD;
	s1 =	sshrl.u32 s1, $0x2  }
0xb9: {  	s3 =	sand.u32 $0x4000, s31;
	s1 =	sadd.s32 s1, s30  }
0xba: {  	s0 =	sor.u32 s3, s0;
	s1 =	sshll.u32 s1, $0x11  }
0xbb: {  	s0 =	sor.u32 s1, s0  }
0xbc: {  	s0 =	sadd.s32 $0x8F2B, s0  }
0xbd: {  	[sflag:s0] =	ssyncadd.remote.s32 $0x1  }
0xbe: {  	_ =	sfence.sel $0xFFFF  }
0xbf: {  	[dreg:$0x0] =	wrdreg $0xFFFFFFFF;
	(pc) =	sbr.abs _section_cstart, $3  }
0xc0: {  	[dreg:$0x1] =	wrdreg $0xFFFFFFFF  }
0xc1: {  	_ =	task.clear_ibuf [dreg:s6], $0x2FFFF;
	_ =	strace $0x9FFFFFFF  }
0xc2: {  	(tm) =	ssettm $0x7FFFFFFF  }
0xc3: {  	_ =	shalt  }
tec
execute0_lowered:
.L_overlay_start_1:
0x0: {  	(tag) =	ssettag $0x1  }
0x1: {  	s0 =	rddreg [dreg:$0x0]  }
0x2: {  	s2 =	rddreg [dreg:$0x1];
	s3 =	simm.s32 $0x0  }
0x3: {  	s15 =	stileid.u32;
	s1 =	srdreg.scid;
	s18 =	simm.s32 $0x5  }
0x4: {  	s19 =	simm.s32 $0x100;
	s28 =	simm.s32 $0x2;
	s29 =	simm.s32 $0x3  }
0x5: {  	s30 =	simm.s32 $0x4;
	s31 =	simm.s32 $0x0;
	[smem:$0x7FF] =	sst s3  }
0x6: {  	s8 =	smul.u32 $0xA000, s15;
	s1 =	sand.u32 $0x1, s1;
	s4 =	sadd.s32 $0x36400, s0  }
0x7: {  	s5 =	sadd.s32 $0x85400, s0;
	s6 =	sadd.s32 $0x31400, s0;
	s12 =	smul.u32 $0x28000, s15  }
0x8: {  	s7 =	sadd.s32 $0xD3600, s0;
	s21 =	smul.u32 $0x2800, s15;
	s13 =	sshll.u32 s15, $0x6  }
0x9: {  	s14 =	smul.u32 $0x4E20, s15;
	_ =	strace $0x80000059;
	s20 =	ssub.s32 $0x2, s1  }
0xa: {  	s9 =	smul.u32 $0xA0000, s1;
	s10 =	sshrl.u32 s8, $0x3;
	s11 =	sshrl.u32 s20, $0x1  }
0xb: {  	s12 =	sshrl.u32 s12, $0x2;
	s23 =	sshrl.u32 s21, $0x3;
	s26 =	sadd.s32 s5, s14  }
0xc: {  	s10 =	sadd.s32 s10, s0;
	s8 =	sadd.s32 s8, s9;
	s9 =	ssub.s32 s20, s11  }
0xd: {  	s22 =	sadd.s32 s12, s2;
	s11 =	smul.u32 $0x50, s15;
	s12 =	sadd.s32 s6, s23  }
0xe: {  	[dreg:$0x6] =	wrdreg s26;
	s20 =	simm.s32 $0x200;
	s23 =	simm.s32 $0x1  }
0xf: {  	s26 =	simm.s32 $0x5200;
	s8 =	sshrl.u32 s8, $0x3;
	s10 =	sadd.s32 $0x4C00, s10  }
0x10: {  	[dreg:$0x4] =	wrdreg s12;
	s0 =	sadd.s32 s8, s0;
	s8 =	smul.u32 $0x28000, s1  }
.Ltmp0:
0x11: {  	s16 =	smax.u32 s9, $0x1;
	s17 =	sshrl.u32 s22, $0x3;
	(pc) =	sbr.rel .LBB2_1-.Ltmp0, $4  }
0x12: {  	s22 =	simm.s32 $0x1200;
	[dreg:$0x3] =	wrdreg s10;
	s24 =	sadd.s32 s21, s8  }
0x13: {  	s10 =	sor.u32 $0x1C05, s13;
	s0 =	sadd.s32 $0xDD600, s0;
	s25 =	sshrl.u32 s24, $0x3  }
0x14: {  	v0 =	vimm.s32 $0x0;
	[dreg:$0x7] =	wrdreg s0;
	s21 =	simm.s32 $0x80;
	s12 =	sadd.s32 s7, s25  }
0x15: {  	v1 =	vimm.s32 $0x1;
	v2 =	vimm.s32 $0x2;
	v3 =	vimm.s32 $0x3;
	s24 =	simm.s32 $0x180;
	s25 =	simm.s32 $0xA00;
	[dreg:$0x5] =	wrdreg s12  }
.LBB2_8:
0x16: {  	[spmem:s2] =	stream.indirect.scatter.add.f32 [tilespmem:s26], [sflag:$0x4], $0x80, s24, s21, $0xb8;
	[tilespmem:$0x13200] =	vst v63  }
0x17: {  	_ =	swait.ge [sflag:s30], $0x4000  }
0x18: {  	[sflag:s30] =	ssyncset.done $0x0  }
0x19: {  	s31 =	sadd.s32 $0x1, s31;
	[sflag:s30] =	ssyncadd.s32 $0xFFFFC000  }
0x1a: {  	p0 =	sne.s32 s31, s16;
	[bflag:$0x0] =	sbarrier.arrive $0xFFFF  }
.Ltmp1:
0x1b: {  	s0 =	rddreg [dreg:$0x7];
	(pc) =	sbr.rel @!p0 .LBB2_9-.Ltmp1, $4  }
0x1c: {  	[hbm:s0], [sflag:s10] =	dma.local [spmem:s17], $0x1400  }
0x1d: {  	_ =	swait.ge [sflag:s18], $0x1400  }
0x1e: {  	[sflag:s18] =	ssyncset.done $0x0  }
0x1f: {  	[sflag:s18] =	ssyncadd.s32 $0xFFFFEC00  }
.LBB2_1:
0x20: {  	s0 =	rddreg [dreg:$0x3]  }
0x21: {  	[spmem:s17], [sflag:s10] =	dma.local [hbm:s0], $0x1400  }
0x22: {  	_ =	swait.ge [sflag:s18], $0x1400  }
0x23: {  	[sflag:s18] =	ssyncset.done $0x0  }
0x24: {  	[sflag:s18] =	ssyncadd.s32 $0xFFFFEC00  }
0x25: {  	[bflag:$0x0] =	sbarrier.arrive $0xFFFF  }
0x26: {  	s13 =	rddreg [dreg:$0x4]  }
0x27: {  	[tilespmem:s3], [sflag:$0x5] =	stream.linear.gather [hbm4b:s13+s3], $0x80, $0x38;
	[tilespmem:$0x13200] =	vst v63  }
0x28: {  	_ =	swait.ge [sflag:s18], $0x80  }
0x29: {  	[sflag:s18] =	ssyncset.done $0x0  }
0x2a: {  	s14 =	rddreg [dreg:$0x5];
	[sflag:s18] =	ssyncadd.s32 $0xFFFFFF80  }
0x2b: {  	[tilespmem:s19], [sflag:$0x5] =	stream.linear.gather [hbm4b:s14+s3], $0x80, $0x38;
	[tilespmem:$0x13200] =	vst v63  }
0x2c: {  	_ =	swait.ge [sflag:s18], $0x80  }
0x2d: {  	[sflag:s18] =	ssyncset.done $0x0  }
0x2e: {  	s15 =	rddreg [dreg:$0x6];
	[sflag:s18] =	ssyncadd.s32 $0xFFFFFF80  }
0x2f: {  	[tilespmem:s20], [sflag:$0x5] =	stream.linear.gather [hbm4b:s15+s3], $0x7D0, $0x38;
	[tilespmem:$0x13200] =	vst v63  }
0x30: {  	_ =	swait.ge [sflag:s18], $0x7D0  }
0x31: {  	[sflag:s18] =	ssyncset.done $0x0  }
0x32: {  	s0 =	simm.s32 $0x0;
	[sflag:s18] =	ssyncadd.s32 $0xFFFFF830  }
0x33: {  	[tilespmem:s22], [sflag:$0x1] =	stream.indirect.gather [hbm4b:s4+s21], $0x80, s3, s21, $0xb8;
	[tilespmem:$0x13200] =	vst v63  }
.LBB2_2:
0x34: {  	_ =	swait.ge [sflag:s23], $0x4000  }
0x35: {  	[sflag:s23] =	ssyncset.done $0x0  }
0x36: {  	s9 =	simm.s32 $0x1240;
	[sflag:s23] =	ssyncadd.s32 $0xFFFFC000  }
0x37: {  	s1 =	simm.s32 $0x0;
	v11 =	vld [tilespmem:s9+$0xFFFFFFD0]  }
0x38: {  	v6 =	vld [tilespmem:s1+$0x200]  }
0x39: {  	v10 =	vld [tilespmem:s9+$0x20]  }
0x3a: {  	v12 =	vld [tilespmem:s9+$0xFFFFFFC0]  }
0x3b: {  	v15 =	vld [tilespmem:s9+$0xFFFFFFE0]  }
0x3c: {  	v4 =	vld [tilespmem:s9+$0xFFFFFFF0]  }
0x3d: {  	v5 =	vld [tilespmem:s9+$0x30];
	v13 =	vperm.xlane v6, v0;
	v9 =	vperm.xlane v6, v3  }
0x3e: {  	v7 =	vld [tilespmem:s9+$0x0];
	v8 =	vperm.xlane v6, v1  }
0x3f: {  	v14 =	vmul.f32 v12, v13;
	v12 =	vmul.f32 v10, v9;
	v10 =	vld [tilespmem:s9+$0x10]  }
0x40: {  	v6 =	vperm.xlane v6, v2  }
0x41: {  	s12 =	simm.s32 $0x1240;
	s1 =	simm.s32 $0x40;
	v13 =	vmul.f32 v11, v13;
	v11 =	vmul.f32 v15, v8  }
.LBB2_3:
0x42: {  	p0 =	sne.s32 s1, $0x1F00  }
0x43: {  	[tilespmem:s9+$0xFFFFFFC0] =	vst v14;
	v7 =	vmul.f32 v7, v6;
	v5 =	vmul.f32 v5, v9;
	s12 =	sadd.s32 $0x80, s12;
	s13 =	smov.u32 s1;
	s1 =	sadd.s32 $0x40, s1  }
0x44: {  	v8 =	vmul.f32 v4, v8;
	v6 =	vmul.f32 v10, v6;
	[tilespmem:s9+$0x20] =	vst v12  }
0x45: {  	[tilespmem:s9+$0xFFFFFFD0] =	vst v13  }
0x46: {  	[tilespmem:s9+$0xFFFFFFE0] =	vst v11  }
0x47: {  	[tilespmem:s9+$0x30] =	vst v5  }
0x48: {  	v4 =	vld [tilespmem:s12+$0xFFFFFFF0];
	[tilespmem:s9+$0x10] =	vst v6  }
0x49: {  	v11 =	vld [tilespmem:s12+$0xFFFFFFD0];
	[tilespmem:s9+$0xFFFFFFF0] =	vst v8  }
0x4a: {  	s13 =	sshra.s32 s13, $0x2;
	v12 =	vld [tilespmem:s12+$0x20];
	[tilespmem:s9+$0x0] =	vst v7;
	s9 =	smov.u32 s12  }
0x4b: {  	v6 =	vld [tilespmem:s13+$0x200]  }
0x4c: {  	v5 =	vld [tilespmem:s12+$0x30]  }
0x4d: {  	v13 =	vld [tilespmem:s12+$0xFFFFFFC0]  }
0x4e: {  	v15 =	vld [tilespmem:s12+$0xFFFFFFE0]  }
.Ltmp2:
0x4f: {  	v7 =	vld [tilespmem:s12+$0x0];
	(pc) =	sbr.rel @p0 .LBB2_3-.Ltmp2, $4  }
0x50: {  	v16 =	vperm.xlane v6, v0;
	v9 =	vperm.xlane v6, v3;
	v10 =	vld [tilespmem:s12+$0x10]  }
0x51: {  	v8 =	vperm.xlane v6, v1;
	v6 =	vperm.xlane v6, v2  }
0x52: {  	v14 =	vmul.f32 v13, v16;
	v12 =	vmul.f32 v12, v9  }
0x53: {  	v13 =	vmul.f32 v11, v16;
	v11 =	vmul.f32 v15, v8  }
0x54: {  	[tilespmem:s9+$0xFFFFFFC0] =	vst v14  }
0x55: {  	[tilespmem:s9+$0x20] =	vst v12  }
0x56: {  	v5 =	vmul.f32 v5, v9;
	[tilespmem:s9+$0xFFFFFFD0] =	vst v13  }
0x57: {  	s1 =	sshll.u32 s0, $0x1;
	v4 =	vmul.f32 v4, v8;
	[tilespmem:s9+$0xFFFFFFE0] =	vst v11  }
0x58: {  	v9 =	vmul.f32 v10, v6;
	s12 =	sor.u32 $0x1, s1;
	[tilespmem:s9+$0x30] =	vst v5  }
0x59: {  	v5 =	vmul.f32 v7, v6;
	s13 =	sadd.s32 s11, s12;
	[tilespmem:s9+$0xFFFFFFF0] =	vst v4  }
0x5a: {  	p0 =	seq.s32 s0, $0x0;
	s12 =	sshll.u32 s12, $0x7;
	[tilespmem:s9+$0x10] =	vst v9;
	s14 =	sshll.u32 s13, $0x7  }
0x5b: {  	s12 =	sand.u32 $0x380, s12;
	[tilespmem:s9+$0x0] =	vst v5;
	s9 =	simm.s32 @!p0 $0x4;
	s14 =	sand.u32 $0x7FC00, s14  }
0x5c: {  	_ =	swait.ge @!p0 [sflag:s9], $0x4000;
	s15 =	sor.u32 s12, s14  }
0x5d: {  	s14 =	sadd.s32 s8, s14;
	[sflag:s9] =	ssyncset.done @!p0 $0x0;
	s15 =	sshrl.u32 s15, $0x3  }
0x5e: {  	[sflag:s9] =	ssyncadd.s32 @!p0 $0xFFFFC000;
	s9 =	sadd.s32 s6, s15;
	s15 =	simm.s32 $0x0  }
0x5f: {  	[tilespmem:s21], [sflag:$0x5] =	stream.linear.gather [hbm4b:s9+s15], $0x80, $0x38;
	[tilespmem:$0x13200] =	vst v63  }
0x60: {  	s9 =	sor.u32 s12, s14;
	_ =	swait.ge [sflag:s18], $0x80  }
0x61: {  	s9 =	sshrl.u32 s9, $0x3;
	[sflag:s18] =	ssyncset.done $0x0  }
0x62: {  	s9 =	sadd.s32 s7, s9;
	[sflag:s18] =	ssyncadd.s32 $0xFFFFFF80  }
0x63: {  	[tilespmem:s24], [sflag:$0x5] =	stream.linear.gather [hbm4b:s9+s15], $0x80, $0x38;
	[tilespmem:$0x13200] =	vst v63  }
0x64: {  	s14 =	smul.u32 $0xFA, s13;
	_ =	swait.ge [sflag:s18], $0x80  }
0x65: {  	[sflag:s18] =	ssyncset.done $0x0  }
0x66: {  	s9 =	sadd.s32 s5, s14;
	[sflag:s18] =	ssyncadd.s32 $0xFFFFFF80  }
0x67: {  	[tilespmem:s25], [sflag:$0x5] =	stream.linear.gather [hbm4b:s9+s15], $0x7D0, $0x38;
	[tilespmem:$0x13200] =	vst v63  }
0x68: {  	_ =	swait.ge [sflag:s18], $0x7D0  }
0x69: {  	[sflag:s18] =	ssyncset.done $0x0  }
0x6a: {  	[sflag:s18] =	ssyncadd.s32 $0xFFFFF830  }
0x6b: {  	[tilespmem:s26], [sflag:$0x2] =	stream.indirect.gather [hbm4b:s4+s21], $0x80, s21, s21, $0xb8;
	[tilespmem:$0x13200] =	vst v63  }
0x6c: {  	_ = 	snop  }
0x6d: {  	[spmem:s2] =	stream.indirect.scatter.add.f32 [tilespmem:s22], [sflag:$0x3], $0x80, s19, s21, $0xb8;
	[tilespmem:$0x13200] =	vst v63  }
0x6e: {  	_ =	swait.ge [sflag:s28], $0x4000  }
0x6f: {  	[sflag:s28] =	ssyncset.done $0x0  }
0x70: {  	s9 =	simm.s32 $0x5240;
	[sflag:s28] =	ssyncadd.s32 $0xFFFFC000  }
0x71: {  	s15 =	simm.s32 $0x0;
	v11 =	vld [tilespmem:s9+$0xFFFFFFD0]  }
0x72: {  	v6 =	vld [tilespmem:s15+$0xA00]  }
0x73: {  	v10 =	vld [tilespmem:s9+$0x20]  }
0x74: {  	v12 =	vld [tilespmem:s9+$0xFFFFFFC0]  }
0x75: {  	v15 =	vld [tilespmem:s9+$0xFFFFFFE0]  }
0x76: {  	v4 =	vld [tilespmem:s9+$0xFFFFFFF0]  }
0x77: {  	v5 =	vld [tilespmem:s9+$0x30];
	v13 =	vperm.xlane v6, v0;
	v9 =	vperm.xlane v6, v3  }
0x78: {  	v7 =	vld [tilespmem:s9+$0x0];
	v8 =	vperm.xlane v6, v1  }
0x79: {  	v14 =	vmul.f32 v12, v13;
	v12 =	vmul.f32 v10, v9;
	v10 =	vld [tilespmem:s9+$0x10]  }
0x7a: {  	v6 =	vperm.xlane v6, v2  }
0x7b: {  	s12 =	simm.s32 $0x40;
	s13 =	simm.s32 $0x5240;
	v13 =	vmul.f32 v11, v13;
	v11 =	vmul.f32 v15, v8  }
.LBB2_5:
0x7c: {  	p0 =	sne.s32 s12, $0x1F00  }
0x7d: {  	[tilespmem:s9+$0xFFFFFFC0] =	vst v14;
	v7 =	vmul.f32 v7, v6;
	v5 =	vmul.f32 v5, v9;
	s13 =	sadd.s32 $0x80, s13;
	s14 =	smov.u32 s12;
	s12 =	sadd.s32 $0x40, s12  }
0x7e: {  	v8 =	vmul.f32 v4, v8;
	v6 =	vmul.f32 v10, v6;
	[tilespmem:s9+$0x20] =	vst v12  }
0x7f: {  	[tilespmem:s9+$0xFFFFFFD0] =	vst v13  }
0x80: {  	[tilespmem:s9+$0xFFFFFFE0] =	vst v11  }
0x81: {  	[tilespmem:s9+$0x30] =	vst v5  }
0x82: {  	v4 =	vld [tilespmem:s13+$0xFFFFFFF0];
	[tilespmem:s9+$0x10] =	vst v6  }
0x83: {  	v11 =	vld [tilespmem:s13+$0xFFFFFFD0];
	[tilespmem:s9+$0xFFFFFFF0] =	vst v8  }
0x84: {  	s14 =	sshra.s32 s14, $0x2;
	v12 =	vld [tilespmem:s13+$0x20];
	[tilespmem:s9+$0x0] =	vst v7;
	s9 =	smov.u32 s13  }
0x85: {  	v6 =	vld [tilespmem:s14+$0xA00]  }
0x86: {  	v5 =	vld [tilespmem:s13+$0x30]  }
0x87: {  	v13 =	vld [tilespmem:s13+$0xFFFFFFC0]  }
0x88: {  	v15 =	vld [tilespmem:s13+$0xFFFFFFE0]  }
.Ltmp3:
0x89: {  	v7 =	vld [tilespmem:s13+$0x0];
	(pc) =	sbr.rel @p0 .LBB2_5-.Ltmp3, $4  }
0x8a: {  	v16 =	vperm.xlane v6, v0;
	v9 =	vperm.xlane v6, v3;
	v10 =	vld [tilespmem:s13+$0x10]  }
0x8b: {  	v8 =	vperm.xlane v6, v1;
	v6 =	vperm.xlane v6, v2  }
0x8c: {  	v14 =	vmul.f32 v13, v16;
	v12 =	vmul.f32 v12, v9  }
0x8d: {  	v13 =	vmul.f32 v11, v16;
	v11 =	vmul.f32 v15, v8  }
0x8e: {  	[tilespmem:s9+$0xFFFFFFC0] =	vst v14  }
0x8f: {  	[tilespmem:s9+$0x20] =	vst v12  }
0x90: {  	v5 =	vmul.f32 v5, v9;
	[tilespmem:s9+$0xFFFFFFD0] =	vst v13  }
0x91: {  	v4 =	vmul.f32 v4, v8;
	[tilespmem:s9+$0xFFFFFFE0] =	vst v11  }
0x92: {  	v63 =	vmul.f32 v10, v6;
	[tilespmem:s9+$0x30] =	vst v5  }
0x93: {  	p0 =	seq.s32 s0, $0x27;
	v5 =	vmul.f32 v7, v6;
	[tilespmem:s9+$0xFFFFFFF0] =	vst v4  }
.Ltmp4:
0x94: {  	[tilespmem:s9+$0x10] =	vst v63;
	(pc) =	sbr.rel @p0 .LBB2_8-.Ltmp4, $4  }
0x95: {  	[tilespmem:s9+$0x0] =	vst v5  }
0x96: {  	_ =	swait.ge [sflag:s29], $0x4000  }
0x97: {  	[sflag:s29] =	ssyncset.done $0x0  }
0x98: {  	[sflag:s29] =	ssyncadd.s32 $0xFFFFC000  }
0x99: {  	s1 =	sadd.s32 $0x2, s1  }
0x9a: {  	s9 =	sadd.s32 s11, s1  }
0x9b: {  	s1 =	sshll.u32 s1, $0x7;
	s12 =	sshll.u32 s9, $0x7  }
0x9c: {  	s1 =	sand.u32 $0x300, s1;
	s12 =	sand.u32 $0x7FC00, s12  }
0x9d: {  	s13 =	sor.u32 s1, s12  }
0x9e: {  	s13 =	sshrl.u32 s13, $0x3  }
0x9f: {  	s12 =	sadd.s32 s8, s12;
	s13 =	sadd.s32 s6, s13  }
0xa0: {  	[tilespmem:s3], [sflag:$0x5] =	stream.linear.gather [hbm4b:s13+s3], $0x80, $0x38;
	[tilespmem:$0x13200] =	vst v63  }
0xa1: {  	s1 =	sor.u32 s1, s12;
	_ =	swait.ge [sflag:s18], $0x80  }
0xa2: {  	s1 =	sshrl.u32 s1, $0x3;
	[sflag:s18] =	ssyncset.done $0x0  }
0xa3: {  	s1 =	sadd.s32 s7, s1;
	[sflag:s18] =	ssyncadd.s32 $0xFFFFFF80  }
0xa4: {  	[tilespmem:s19], [sflag:$0x5] =	stream.linear.gather [hbm4b:s1+s3], $0x80, $0x38;
	[tilespmem:$0x13200] =	vst v63  }
0xa5: {  	s15 =	smul.u32 $0xFA, s9;
	_ =	swait.ge [sflag:s18], $0x80  }
0xa6: {  	[sflag:s18] =	ssyncset.done $0x0  }
0xa7: {  	s1 =	sadd.s32 s5, s15;
	[sflag:s18] =	ssyncadd.s32 $0xFFFFFF80  }
0xa8: {  	[tilespmem:s20], [sflag:$0x5] =	stream.linear.gather [hbm4b:s1+s3], $0x7D0, $0x38;
	[tilespmem:$0x13200] =	vst v63  }
0xa9: {  	_ =	swait.ge [sflag:s18], $0x7D0  }
.Ltmp5:
0xaa: {  	[sflag:s18] =	ssyncset.done $0x0;
	(pc) =	sbr.rel .LBB2_2-.Ltmp5, $4  }
0xab: {  	[sflag:s18] =	ssyncadd.s32 $0xFFFFF830  }
0xac: {  	[tilespmem:s22], [sflag:$0x1] =	stream.indirect.gather [hbm4b:s4+s21], $0x80, s3, s21, $0xb8;
	[tilespmem:$0x13200] =	vst v63  }
0xad: {  	s0 =	sadd.s32 $0x1, s0  }
0xae: {  	[spmem:s2] =	stream.indirect.scatter.add.f32 [tilespmem:s26], [sflag:$0x4], $0x80, s24, s21, $0xb8;
	[tilespmem:$0x13200] =	vst v63  }
.LBB2_9:
0xaf: {  	_ =	sfence.sel $0x180000  }
0xb0: {  	[bflag:$0x0] =	sbarrier.arrive $0xFFFF  }
0xb1: {  	_ =	strace $0x90000059  }
0xb2: {  	s0 =	stileid.u32;
	[bflag:$0x2] =	sbarrier.arrive $0xFFFF  }
0xb3: {  	p0 =	sne.s32 s0, $0x0;
	s0 =	rddreg [dreg:$0x2]  }
0xb4: {  	s0 =	sadd.s32 @!p0 $0x100000, s0  }
0xb5: {  	[sflag:s0] =	ssyncadd.tile.s32 @!p0 $0x1;
	_ =	shalt  }
.Lfunc_end2:
_tile_overlayer_lowered:
.L_overlay_start_2:
0xb6: {  	(tag) =	ssettag $0x2  }
0xb7: {  	s0 =	rddreg [dreg:$0x0];
	s2 =	stileid.u32  }
0xb8: {  	s1 =	rddreg [dreg:$0x1];
	p0 =	sne.s32 s2, $0x0  }
0xb9: {  	s3 =	rddreg [dreg:$0x2];
	[bflag:$0x3] =	sbarrier.arrive $0xFFFF;
	s2 =	simm.s32 @!p0 $0x1C05  }
0xba: {  	[timem:s3], [sflag:s2] =	dma.local @!p0 [hbm:s0], s1  }
0xbb: {  	s0 =	simm.s32 @!p0 $0x5  }
0xbc: {  	_ =	swait.ge @!p0 [sflag:s0], s1  }
0xbd: {  	s1 =	ssub.s32 @!p0 $0x0, s1;
	[sflag:s0] =	ssyncset.done @!p0 $0x0  }
0xbe: {  	[sflag:s0] =	ssyncadd.s32 @!p0 s1  }
0xbf: {  	[bflag:$0x3] =	sbarrier.arrive $0xFFFF  }
0xc0: {  	_ =	shalt  }

</sc_bundles>
